<compile_context>
chip_gen: v7x
topology: tpu7x:2x2x1
jax: 0.10.2.dev20260603
libtpu: 0.0.44.dev20260713+nightly
codegen_flags: <defaults>
</compile_context>

<pallas_src>
import functools

import jax
import jax.numpy as jnp
from jax import lax
from jax.experimental import pallas as pl
from jax.experimental.pallas import tpu as pltpu
from jax.experimental.pallas import tpu_sc as plsc

VOCAB = 1000000
DIM = 64
B = 16384
WIN = 20
NNEG = 20

NC = 2
NS = 16
LANES = 16
NW = NC * NS
CPW = B // NW
S = 16
NCHUNK = CPW // S
S20 = S * WIN
GI = 64
NGATH = S20 // GI
SROW = 2 * DIM
NJ = DIM // LANES

_mesh = plsc.VectorSubcoreMesh(core_axis_name="c", subcore_axis_name="s")


def _tree_sum(gs):
    while len(gs) > 1:
        nxt = [gs[i] + gs[i + 1] for i in range(0, len(gs) - 1, 2)]
        if len(gs) % 2:
            nxt.append(gs[-1])
        gs = nxt
    return gs[0]


@functools.partial(
    pl.kernel,
    out_type=[
        jax.ShapeDtypeStruct((B,), jnp.float32),
        jax.ShapeDtypeStruct((B * NNEG,), jnp.float32),
    ],
    name="cbow_scores",
    mesh=_mesh,
    compiler_params=pltpu.CompilerParams(
        needs_layout_passes=False, use_tc_tiling_on_sc=True),
    scratch_types=[
        pltpu.VMEM((CPW,), jnp.int32),
        pltpu.VMEM((WIN, CPW), jnp.int32),
        pltpu.VMEM((NNEG, CPW), jnp.int32),
        pltpu.VMEM((S,), jnp.int32),
        pltpu.VMEM((NGATH, GI), jnp.int32),
        pltpu.VMEM((NGATH, GI), jnp.int32),
        pltpu.VMEM((S20, SROW), jnp.float32),
        pltpu.VMEM((S20, SROW), jnp.float32),
        pltpu.VMEM((S, SROW), jnp.float32),
        pltpu.VMEM((CPW,), jnp.float32),
        pltpu.VMEM((CPW * NNEG,), jnp.float32),
        pltpu.SemaphoreType.DMA,
    ],
)
def _sc_scores(ctx_hbm, tgt_hbm, neg_hbm, wt_hbm, wc_hbm,
               pos_hbm, nout_hbm,
               cidx_v, tidx_v, nidx_v, cg_v, tg_v, ng_v,
               trows_v, nrows_v, crows_v, pos_v, nsc_v, sem):
    wid = lax.axis_index("s") * NC + lax.axis_index("c")

    pltpu.sync_copy(ctx_hbm.at[pl.ds(wid * CPW, CPW)], cidx_v)
    pltpu.sync_copy(tgt_hbm.at[pl.ds(0, WIN), pl.ds(wid * CPW, CPW)], tidx_v)
    pltpu.sync_copy(neg_hbm.at[pl.ds(0, NNEG), pl.ds(wid * CPW, CPW)], nidx_v)

    lane_iota = lax.iota(jnp.int32, LANES)

    def chunk_body(c, carry):
        for w in range(WIN):
            p = w * S
            tg_v[p // GI, pl.ds(p % GI, LANES)] = lax.shift_right_logical(
                tidx_v[w, pl.ds(c * S, LANES)], 1)
            ng_v[p // GI, pl.ds(p % GI, LANES)] = lax.shift_right_logical(
                nidx_v[w, pl.ds(c * S, LANES)], 1)
        cg_v[...] = lax.shift_right_logical(cidx_v[pl.ds(c * S, S)], 1)

        copies = []
        for j in range(NGATH):
            copies.append(pltpu.async_copy(
                wt_hbm.at[tg_v.at[j]], trows_v.at[pl.ds(j * GI, GI)], sem))
            copies.append(pltpu.async_copy(
                wc_hbm.at[ng_v.at[j]], nrows_v.at[pl.ds(j * GI, GI)], sem))
        copies.append(pltpu.async_copy(wc_hbm.at[cg_v], crows_v, sem))
        for cp in copies:
            cp.wait()

        zero = jnp.zeros((LANES,), jnp.float32)

        def ebody(il, scores):
            m = lane_iota == il
            zi = jnp.zeros((LANES,), jnp.int32)

            def par(vec):
                return (jnp.sum(jnp.where(m, vec, zi)) & 1) * DIM

            toff = [par(tidx_v[w, pl.ds(c * S, LANES)]) for w in range(WIN)]
            t = [trows_v[il, pl.ds(toff[0] + LANES * j, LANES)]
                 for j in range(NJ)]
            for w in range(1, WIN):
                rw = [trows_v[w * S + il, pl.ds(toff[w] + LANES * j, LANES)]
                      for j in range(NJ)]
                t = [t[j] + rw[j] for j in range(NJ)]
            coff = par(cidx_v[pl.ds(c * S, LANES)])
            pv = _tree_sum([t[j] * crows_v[il, pl.ds(coff + LANES * j, LANES)]
                            for j in range(NJ)])
            out = [jnp.where(m, jnp.full((LANES,), jnp.sum(pv)), scores[0])]
            for n in range(NNEG):
                noff = par(nidx_v[n, pl.ds(c * S, LANES)])
                nv = _tree_sum([
                    t[j] * nrows_v[n * S + il, pl.ds(noff + LANES * j, LANES)]
                    for j in range(NJ)])
                out.append(jnp.where(
                    m, jnp.full((LANES,), jnp.sum(nv)), scores[1 + n]))
            return tuple(out)

        res = lax.fori_loop(0, LANES, ebody, (zero,) * (1 + NNEG))
        pos_v[pl.ds(c * S, S)] = res[0]
        for n in range(NNEG):
            nsc_v[pl.ds(c * S20 + n * S, S)] = res[1 + n]
        return carry

    lax.fori_loop(0, NCHUNK, chunk_body, 0)

    pltpu.sync_copy(pos_v, pos_hbm.at[pl.ds(wid * CPW, CPW)])
    pltpu.sync_copy(nsc_v, nout_hbm.at[pl.ds(wid * CPW * NNEG, CPW * NNEG)])


def _loss_body(pos_ref, neg_ref, out_ref):
    p = jnp.clip(pos_ref[...] * (1.0 / WIN), -10.0, 10.0)
    n = jnp.clip(neg_ref[...] * (1.0 / WIN), -10.0, 10.0)
    lp = jnp.sum(jnp.log1p(jnp.exp(-p)))
    ln = jnp.sum(jnp.log1p(jnp.exp(n)))
    out_ref[...] = ((lp + ln) * (1.0 / B)).reshape(1, 1)


_loss_tc = pl.pallas_call(
    _loss_body,
    out_shape=jax.ShapeDtypeStruct((1, 1), jnp.float32),
)


@jax.jit
def kernel(context, target, negatives, W_target, W_context):
    wt2 = W_target.reshape(VOCAB // 2, 2 * DIM)
    wc2 = W_context.reshape(VOCAB // 2, 2 * DIM)
    pos_raw, neg_raw = _sc_scores(context, target.T, negatives.T, wt2, wc2)
    out = _loss_tc(pos_raw.reshape(128, 128), neg_raw.reshape(-1, 128))
    return out[0, 0]

# --- scband reference (transcript-rebuilt; emitter-appended) ---
"""Pipeline reference for scband-cbowmodule-15281493639247 (READ-ONLY COPY).

The authoritative reference and input builder live on the scoring server;
editing this copy changes nothing except your own understanding.
"""

import jax, jax.numpy as jnp
import numpy as np

VOCAB = 1000000
DIM = 64
B = 16384
WIN = 20
NNEG = 20


def setup_inputs(seed: int = 0) -> dict:
    key = jax.random.key(seed)
    k1, k2, k3, k4 = jax.random.split(key, 4)
    context = jax.random.randint(k1, (B,), 0, VOCAB, dtype=jnp.int64 if jax.config.jax_enable_x64 else jnp.int32).astype(jnp.int32)
    target = jax.random.randint(k2, (B, WIN), 0, VOCAB).astype(jnp.int32)
    negatives = jax.random.randint(k3, (B, NNEG), 0, VOCAB).astype(jnp.int32)
    initrange = 1.0 / DIM
    W_target = jax.random.uniform(k4, (VOCAB, DIM), dtype=jnp.float32, minval=-initrange, maxval=initrange)
    W_context = jnp.zeros((VOCAB, DIM), dtype=jnp.float32)
    return {"context": context, "target": target, "negatives": negatives,
            "W_target": W_target, "W_context": W_context}


def reference(context, target, negatives, W_target, W_context):
    # target embedding: gather [B, WIN, D] then mean over window -> [B, D]
    trg_embedding = jnp.take(W_target, target, axis=0)
    trg_embedding = jnp.mean(trg_embedding, axis=1)
    # context embedding: gather [B, D]
    context_embedding = jnp.take(W_context, context, axis=0)
    # negative embeddings: gather [B, NNEG, D]
    neg_embedding = jnp.take(W_context, negatives, axis=0)
    # positive score
    positive_score = jnp.sum(trg_embedding * context_embedding, axis=1)
    positive_score = jnp.clip(positive_score, -10.0, 10.0)
    positive_score = -jax.nn.log_sigmoid(positive_score)
    # negative score: bmm([B, NNEG, D], [B, D, 1]) -> [B, NNEG]
    neg_score = jnp.einsum('bnd,bd->bn', neg_embedding, trg_embedding)
    neg_score = jnp.clip(neg_score, -10.0, 10.0)
    neg_score = -jnp.sum(jax.nn.log_sigmoid(-neg_score), axis=1)
    return jnp.mean(positive_score + neg_score)

if __name__ == "__main__":
    import jax
    _d = setup_inputs()
    print(jax.jit(kernel)(*tuple(_d.values())))

</pallas_src>

<mosaic_0001>
#map = affine_map<(d0, d1) -> (0)>
#map1 = affine_map<(d0, d1) -> (0, 0)>
module attributes {stable_mosaic.version = 14 : i64} {
  func.func @cbow_scores(%arg0: i32, %arg1: i32, %arg2: memref<16384xi32, #tpu.memory_space<hbm>>, %arg3: memref<20x16384xi32, #tpu.memory_space<hbm>>, %arg4: memref<20x16384xi32, #tpu.memory_space<hbm>>, %arg5: memref<500000x128xf32, #tpu.memory_space<hbm>>, %arg6: memref<500000x128xf32, #tpu.memory_space<hbm>>, %arg7: memref<16384xf32, #tpu.memory_space<hbm>>, %arg8: memref<327680xf32, #tpu.memory_space<hbm>>, %arg9: memref<512xi32, #tpu.memory_space<vmem>>, %arg10: memref<20x512xi32, #tpu.memory_space<vmem>>, %arg11: memref<20x512xi32, #tpu.memory_space<vmem>>, %arg12: memref<16xi32, #tpu.memory_space<vmem>>, %arg13: memref<5x64xi32, #tpu.memory_space<vmem>>, %arg14: memref<5x64xi32, #tpu.memory_space<vmem>>, %arg15: memref<320x128xf32, #tpu.memory_space<vmem>>, %arg16: memref<320x128xf32, #tpu.memory_space<vmem>>, %arg17: memref<16x128xf32, #tpu.memory_space<vmem>>, %arg18: memref<512xf32, #tpu.memory_space<vmem>>, %arg19: memref<10240xf32, #tpu.memory_space<vmem>>, %arg20: memref<!tpu.dma_semaphore, #tpu.memory_space<semaphore_mem>>) attributes {dimension_semantics = [#tpu.dimension_semantics<core_parallel>, #tpu.dimension_semantics<subcore_parallel>], iteration_bounds = array<i64: 2, 16>, scalar_prefetch = 0 : i64, scratch_operands = 12 : i64, tpu.core_type = #tpu.core_type<sc_vector_subcore>, window_params = [{transform_indices = #map}, {transform_indices = #map1}, {transform_indices = #map1}, {transform_indices = #map1}, {transform_indices = #map1}, {transform_indices = #map}, {transform_indices = #map}]} {
    %mul3A = arith.constant 2 : i32
    %mul3A_0 = arith.muli %arg1, %mul3A : i32
    %add3A = arith.addi %mul3A_0, %arg0 : i32
    %mul3A_1 = arith.constant 512 : i32
    %mul3A_2 = arith.muli %add3A, %mul3A_1 : i32
    "tpu.region"() ({
      %run_scoped3A = tpu.sem_alloc : memref<!tpu.dma_semaphore, #tpu.memory_space<semaphore_mem>>
      %dma_start3A = tpu.memref_slice %arg2[%mul3A_2] : memref<16384xi32, #tpu.memory_space<hbm>> -> memref<512xi32, #tpu.memory_space<hbm>>
      %dma_start3A_18 = tpu.memref_slice %arg2[%mul3A_2] : memref<16384xi32, #tpu.memory_space<hbm>> -> memref<512xi32, #tpu.memory_space<hbm>>
      tpu.enqueue_dma source(%dma_start3A_18 : memref<512xi32, #tpu.memory_space<hbm>>) target(%arg9 : memref<512xi32, #tpu.memory_space<vmem>>) target_semaphore(%run_scoped3A : memref<!tpu.dma_semaphore, #tpu.memory_space<semaphore_mem>>)
      %dma_wait3A = tpu.memref_slice %arg2[%mul3A_2] : memref<16384xi32, #tpu.memory_space<hbm>> -> memref<512xi32, #tpu.memory_space<hbm>>
      %dma_wait3A_19 = tpu.memref_slice %arg2[%mul3A_2] : memref<16384xi32, #tpu.memory_space<hbm>> -> memref<512xi32, #tpu.memory_space<hbm>>
      tpu.wait_dma2 semaphore(%run_scoped3A : memref<!tpu.dma_semaphore, #tpu.memory_space<semaphore_mem>>) src(%dma_wait3A_19 : memref<512xi32, #tpu.memory_space<hbm>>) dst(%arg9 : memref<512xi32, #tpu.memory_space<vmem>>)
      tpu.yield
    }) : () -> ()
    %mul3A_3 = arith.constant 512 : i32
    %mul3A_4 = arith.muli %add3A, %mul3A_3 : i32
    "tpu.region"() ({
      %run_scoped3A = tpu.sem_alloc : memref<!tpu.dma_semaphore, #tpu.memory_space<semaphore_mem>>
      %dma_start3A = arith.constant 0 : i32
      %dma_start3A_18 = tpu.memref_slice %arg3[%dma_start3A, %mul3A_4] : memref<20x16384xi32, #tpu.memory_space<hbm>> -> memref<20x512xi32, #tpu.memory_space<hbm>>
      %dma_start3A_19 = arith.constant 0 : i32
      %dma_start3A_20 = tpu.memref_slice %arg3[%dma_start3A_19, %mul3A_4] : memref<20x16384xi32, #tpu.memory_space<hbm>> -> memref<20x512xi32, #tpu.memory_space<hbm>>
      tpu.enqueue_dma source(%dma_start3A_20 : memref<20x512xi32, #tpu.memory_space<hbm>>) target(%arg10 : memref<20x512xi32, #tpu.memory_space<vmem>>) target_semaphore(%run_scoped3A : memref<!tpu.dma_semaphore, #tpu.memory_space<semaphore_mem>>)
      %dma_wait3A = arith.constant 0 : i32
      %dma_wait3A_21 = tpu.memref_slice %arg3[%dma_wait3A, %mul3A_4] : memref<20x16384xi32, #tpu.memory_space<hbm>> -> memref<20x512xi32, #tpu.memory_space<hbm>>
      %dma_wait3A_22 = arith.constant 0 : i32
      %dma_wait3A_23 = tpu.memref_slice %arg3[%dma_wait3A_22, %mul3A_4] : memref<20x16384xi32, #tpu.memory_space<hbm>> -> memref<20x512xi32, #tpu.memory_space<hbm>>
      tpu.wait_dma2 semaphore(%run_scoped3A : memref<!tpu.dma_semaphore, #tpu.memory_space<semaphore_mem>>) src(%dma_wait3A_23 : memref<20x512xi32, #tpu.memory_space<hbm>>) dst(%arg10 : memref<20x512xi32, #tpu.memory_space<vmem>>)
      tpu.yield
    }) : () -> ()
    %mul3A_5 = arith.constant 512 : i32
    %mul3A_6 = arith.muli %add3A, %mul3A_5 : i32
    "tpu.region"() ({
      %run_scoped3A = tpu.sem_alloc : memref<!tpu.dma_semaphore, #tpu.memory_space<semaphore_mem>>
      %dma_start3A = arith.constant 0 : i32
      %dma_start3A_18 = tpu.memref_slice %arg4[%dma_start3A, %mul3A_6] : memref<20x16384xi32, #tpu.memory_space<hbm>> -> memref<20x512xi32, #tpu.memory_space<hbm>>
      %dma_start3A_19 = arith.constant 0 : i32
      %dma_start3A_20 = tpu.memref_slice %arg4[%dma_start3A_19, %mul3A_6] : memref<20x16384xi32, #tpu.memory_space<hbm>> -> memref<20x512xi32, #tpu.memory_space<hbm>>
      tpu.enqueue_dma source(%dma_start3A_20 : memref<20x512xi32, #tpu.memory_space<hbm>>) target(%arg11 : memref<20x512xi32, #tpu.memory_space<vmem>>) target_semaphore(%run_scoped3A : memref<!tpu.dma_semaphore, #tpu.memory_space<semaphore_mem>>)
      %dma_wait3A = arith.constant 0 : i32
      %dma_wait3A_21 = tpu.memref_slice %arg4[%dma_wait3A, %mul3A_6] : memref<20x16384xi32, #tpu.memory_space<hbm>> -> memref<20x512xi32, #tpu.memory_space<hbm>>
      %dma_wait3A_22 = arith.constant 0 : i32
      %dma_wait3A_23 = tpu.memref_slice %arg4[%dma_wait3A_22, %mul3A_6] : memref<20x16384xi32, #tpu.memory_space<hbm>> -> memref<20x512xi32, #tpu.memory_space<hbm>>
      tpu.wait_dma2 semaphore(%run_scoped3A : memref<!tpu.dma_semaphore, #tpu.memory_space<semaphore_mem>>) src(%dma_wait3A_23 : memref<20x512xi32, #tpu.memory_space<hbm>>) dst(%arg11 : memref<20x512xi32, #tpu.memory_space<vmem>>)
      tpu.yield
    }) : () -> ()
    %iota3A = tpu.iota {dimensions = array<i32: 0>} : vector<16xi32>
    %scan3A = arith.constant 0 : i32
    %scan3A_7 = arith.constant 0 : i32
    %scan3A_8 = arith.constant 32 : i32
    %scan3A_9 = arith.addi %scan3A_7, %scan3A_8 : i32
    %scan3A_10 = arith.constant 1 : i32
    scf.for %scan3A_18 = %scan3A_7 to %scan3A_9 step %scan3A_10  : i32 {
      %mul3A_19 = arith.constant 16 : i32
      %mul3A_20 = arith.muli %scan3A_18, %mul3A_19 : i32
      %get3A = arith.constant 0 : i32
      %get3A_21 = arith.index_cast %get3A : i32 to index
      %get3A_22 = arith.index_cast %mul3A_20 : i32 to index
      %get3A_23 = tpu.vector_load %arg10[%get3A_21, %get3A_22] {strides = array<i32>} : memref<20x512xi32, #tpu.memory_space<vmem>>, vector<16xi32>,
      %shift_right_logical3A = arith.constant 1 : i32
      %shift_right_logical3A_24 = vector.broadcast %shift_right_logical3A : i32 to vector<16xi32>
      %shift_right_logical3A_25 = arith.shrui %get3A_23, %shift_right_logical3A_24 : vector<16xi32>
      %swap3A = arith.constant 0 : i32
      %swap3A_26 = arith.index_cast %swap3A : i32 to index
      %swap3A_27 = arith.constant 0 : index
      %swap3A_28 = tpu.vector_load %arg13[%swap3A_26, %swap3A_27] {strides = array<i32>} : memref<5x64xi32, #tpu.memory_space<vmem>>, vector<16xi32>,
      tpu.vector_store %arg13[%swap3A_26, %swap3A_27], %shift_right_logical3A_25 {strides = array<i32>} : memref<5x64xi32, #tpu.memory_space<vmem>>, vector<16xi32>,
      %mul3A_29 = arith.constant 16 : i32
      %mul3A_30 = arith.muli %scan3A_18, %mul3A_29 : i32
      %get3A_31 = arith.constant 0 : i32
      %get3A_32 = arith.index_cast %get3A_31 : i32 to index
      %get3A_33 = arith.index_cast %mul3A_30 : i32 to index
      %get3A_34 = tpu.vector_load %arg11[%get3A_32, %get3A_33] {strides = array<i32>} : memref<20x512xi32, #tpu.memory_space<vmem>>, vector<16xi32>,
      %shift_right_logical3A_35 = arith.constant 1 : i32
      %shift_right_logical3A_36 = vector.broadcast %shift_right_logical3A_35 : i32 to vector<16xi32>
      %shift_right_logical3A_37 = arith.shrui %get3A_34, %shift_right_logical3A_36 : vector<16xi32>
      %swap3A_38 = arith.constant 0 : i32
      %swap3A_39 = arith.index_cast %swap3A_38 : i32 to index
      %swap3A_40 = arith.constant 0 : index
      %swap3A_41 = tpu.vector_load %arg14[%swap3A_39, %swap3A_40] {strides = array<i32>} : memref<5x64xi32, #tpu.memory_space<vmem>>, vector<16xi32>,
      tpu.vector_store %arg14[%swap3A_39, %swap3A_40], %shift_right_logical3A_37 {strides = array<i32>} : memref<5x64xi32, #tpu.memory_space<vmem>>, vector<16xi32>,
      %mul3A_42 = arith.constant 16 : i32
      %mul3A_43 = arith.muli %scan3A_18, %mul3A_42 : i32
      %get3A_44 = arith.constant 1 : i32
      %get3A_45 = arith.index_cast %get3A_44 : i32 to index
      %get3A_46 = arith.index_cast %mul3A_43 : i32 to index
      %get3A_47 = tpu.vector_load %arg10[%get3A_45, %get3A_46] {strides = array<i32>} : memref<20x512xi32, #tpu.memory_space<vmem>>, vector<16xi32>,
      %shift_right_logical3A_48 = arith.constant 1 : i32
      %shift_right_logical3A_49 = vector.broadcast %shift_right_logical3A_48 : i32 to vector<16xi32>
      %shift_right_logical3A_50 = arith.shrui %get3A_47, %shift_right_logical3A_49 : vector<16xi32>
      %swap3A_51 = arith.constant 0 : i32
      %swap3A_52 = arith.index_cast %swap3A_51 : i32 to index
      %swap3A_53 = arith.constant 16 : index
      %swap3A_54 = tpu.vector_load %arg13[%swap3A_52, %swap3A_53] {strides = array<i32>} : memref<5x64xi32, #tpu.memory_space<vmem>>, vector<16xi32>,
      tpu.vector_store %arg13[%swap3A_52, %swap3A_53], %shift_right_logical3A_50 {strides = array<i32>} : memref<5x64xi32, #tpu.memory_space<vmem>>, vector<16xi32>,
      %mul3A_55 = arith.constant 16 : i32
      %mul3A_56 = arith.muli %scan3A_18, %mul3A_55 : i32
      %get3A_57 = arith.constant 1 : i32
      %get3A_58 = arith.index_cast %get3A_57 : i32 to index
      %get3A_59 = arith.index_cast %mul3A_56 : i32 to index
      %get3A_60 = tpu.vector_load %arg11[%get3A_58, %get3A_59] {strides = array<i32>} : memref<20x512xi32, #tpu.memory_space<vmem>>, vector<16xi32>,
      %shift_right_logical3A_61 = arith.constant 1 : i32
      %shift_right_logical3A_62 = vector.broadcast %shift_right_logical3A_61 : i32 to vector<16xi32>
      %shift_right_logical3A_63 = arith.shrui %get3A_60, %shift_right_logical3A_62 : vector<16xi32>
      %swap3A_64 = arith.constant 0 : i32
      %swap3A_65 = arith.index_cast %swap3A_64 : i32 to index
      %swap3A_66 = arith.constant 16 : index
      %swap3A_67 = tpu.vector_load %arg14[%swap3A_65, %swap3A_66] {strides = array<i32>} : memref<5x64xi32, #tpu.memory_space<vmem>>, vector<16xi32>,
      tpu.vector_store %arg14[%swap3A_65, %swap3A_66], %shift_right_logical3A_63 {strides = array<i32>} : memref<5x64xi32, #tpu.memory_space<vmem>>, vector<16xi32>,
      %mul3A_68 = arith.constant 16 : i32
      %mul3A_69 = arith.muli %scan3A_18, %mul3A_68 : i32
      %get3A_70 = arith.constant 2 : i32
      %get3A_71 = arith.index_cast %get3A_70 : i32 to index
      %get3A_72 = arith.index_cast %mul3A_69 : i32 to index
      %get3A_73 = tpu.vector_load %arg10[%get3A_71, %get3A_72] {strides = array<i32>} : memref<20x512xi32, #tpu.memory_space<vmem>>, vector<16xi32>,
      %shift_right_logical3A_74 = arith.constant 1 : i32
      %shift_right_logical3A_75 = vector.broadcast %shift_right_logical3A_74 : i32 to vector<16xi32>
      %shift_right_logical3A_76 = arith.shrui %get3A_73, %shift_right_logical3A_75 : vector<16xi32>
      %swap3A_77 = arith.constant 0 : i32
      %swap3A_78 = arith.index_cast %swap3A_77 : i32 to index
      %swap3A_79 = arith.constant 32 : index
      %swap3A_80 = tpu.vector_load %arg13[%swap3A_78, %swap3A_79] {strides = array<i32>} : memref<5x64xi32, #tpu.memory_space<vmem>>, vector<16xi32>,
      tpu.vector_store %arg13[%swap3A_78, %swap3A_79], %shift_right_logical3A_76 {strides = array<i32>} : memref<5x64xi32, #tpu.memory_space<vmem>>, vector<16xi32>,
      %mul3A_81 = arith.constant 16 : i32
      %mul3A_82 = arith.muli %scan3A_18, %mul3A_81 : i32
      %get3A_83 = arith.constant 2 : i32
      %get3A_84 = arith.index_cast %get3A_83 : i32 to index
      %get3A_85 = arith.index_cast %mul3A_82 : i32 to index
      %get3A_86 = tpu.vector_load %arg11[%get3A_84, %get3A_85] {strides = array<i32>} : memref<20x512xi32, #tpu.memory_space<vmem>>, vector<16xi32>,
      %shift_right_logical3A_87 = arith.constant 1 : i32
      %shift_right_logical3A_88 = vector.broadcast %shift_right_logical3A_87 : i32 to vector<16xi32>
      %shift_right_logical3A_89 = arith.shrui %get3A_86, %shift_right_logical3A_88 : vector<16xi32>
      %swap3A_90 = arith.constant 0 : i32
      %swap3A_91 = arith.index_cast %swap3A_90 : i32 to index
      %swap3A_92 = arith.constant 32 : index
      %swap3A_93 = tpu.vector_load %arg14[%swap3A_91, %swap3A_92] {strides = array<i32>} : memref<5x64xi32, #tpu.memory_space<vmem>>, vector<16xi32>,
      tpu.vector_store %arg14[%swap3A_91, %swap3A_92], %shift_right_logical3A_89 {strides = array<i32>} : memref<5x64xi32, #tpu.memory_space<vmem>>, vector<16xi32>,
      %mul3A_94 = arith.constant 16 : i32
      %mul3A_95 = arith.muli %scan3A_18, %mul3A_94 : i32
      %get3A_96 = arith.constant 3 : i32
      %get3A_97 = arith.index_cast %get3A_96 : i32 to index
      %get3A_98 = arith.index_cast %mul3A_95 : i32 to index
      %get3A_99 = tpu.vector_load %arg10[%get3A_97, %get3A_98] {strides = array<i32>} : memref<20x512xi32, #tpu.memory_space<vmem>>, vector<16xi32>,
      %shift_right_logical3A_100 = arith.constant 1 : i32
      %shift_right_logical3A_101 = vector.broadcast %shift_right_logical3A_100 : i32 to vector<16xi32>
      %shift_right_logical3A_102 = arith.shrui %get3A_99, %shift_right_logical3A_101 : vector<16xi32>
      %swap3A_103 = arith.constant 0 : i32
      %swap3A_104 = arith.index_cast %swap3A_103 : i32 to index
      %swap3A_105 = arith.constant 48 : index
      %swap3A_106 = tpu.vector_load %arg13[%swap3A_104, %swap3A_105] {strides = array<i32>} : memref<5x64xi32, #tpu.memory_space<vmem>>, vector<16xi32>,
      tpu.vector_store %arg13[%swap3A_104, %swap3A_105], %shift_right_logical3A_102 {strides = array<i32>} : memref<5x64xi32, #tpu.memory_space<vmem>>, vector<16xi32>,
      %mul3A_107 = arith.constant 16 : i32
      %mul3A_108 = arith.muli %scan3A_18, %mul3A_107 : i32
      %get3A_109 = arith.constant 3 : i32
      %get3A_110 = arith.index_cast %get3A_109 : i32 to index
      %get3A_111 = arith.index_cast %mul3A_108 : i32 to index
      %get3A_112 = tpu.vector_load %arg11[%get3A_110, %get3A_111] {strides = array<i32>} : memref<20x512xi32, #tpu.memory_space<vmem>>, vector<16xi32>,
      %shift_right_logical3A_113 = arith.constant 1 : i32
      %shift_right_logical3A_114 = vector.broadcast %shift_right_logical3A_113 : i32 to vector<16xi32>
      %shift_right_logical3A_115 = arith.shrui %get3A_112, %shift_right_logical3A_114 : vector<16xi32>
      %swap3A_116 = arith.constant 0 : i32
      %swap3A_117 = arith.index_cast %swap3A_116 : i32 to index
      %swap3A_118 = arith.constant 48 : index
      %swap3A_119 = tpu.vector_load %arg14[%swap3A_117, %swap3A_118] {strides = array<i32>} : memref<5x64xi32, #tpu.memory_space<vmem>>, vector<16xi32>,
      tpu.vector_store %arg14[%swap3A_117, %swap3A_118], %shift_right_logical3A_115 {strides = array<i32>} : memref<5x64xi32, #tpu.memory_space<vmem>>, vector<16xi32>,
      %mul3A_120 = arith.constant 16 : i32
      %mul3A_121 = arith.muli %scan3A_18, %mul3A_120 : i32
      %get3A_122 = arith.constant 4 : i32
      %get3A_123 = arith.index_cast %get3A_122 : i32 to index
      %get3A_124 = arith.index_cast %mul3A_121 : i32 to index
      %get3A_125 = tpu.vector_load %arg10[%get3A_123, %get3A_124] {strides = array<i32>} : memref<20x512xi32, #tpu.memory_space<vmem>>, vector<16xi32>,
      %shift_right_logical3A_126 = arith.constant 1 : i32
      %shift_right_logical3A_127 = vector.broadcast %shift_right_logical3A_126 : i32 to vector<16xi32>
      %shift_right_logical3A_128 = arith.shrui %get3A_125, %shift_right_logical3A_127 : vector<16xi32>
      %swap3A_129 = arith.constant 1 : i32
      %swap3A_130 = arith.index_cast %swap3A_129 : i32 to index
      %swap3A_131 = arith.constant 0 : index
      %swap3A_132 = tpu.vector_load %arg13[%swap3A_130, %swap3A_131] {strides = array<i32>} : memref<5x64xi32, #tpu.memory_space<vmem>>, vector<16xi32>,
      tpu.vector_store %arg13[%swap3A_130, %swap3A_131], %shift_right_logical3A_128 {strides = array<i32>} : memref<5x64xi32, #tpu.memory_space<vmem>>, vector<16xi32>,
      %mul3A_133 = arith.constant 16 : i32
      %mul3A_134 = arith.muli %scan3A_18, %mul3A_133 : i32
      %get3A_135 = arith.constant 4 : i32
      %get3A_136 = arith.index_cast %get3A_135 : i32 to index
      %get3A_137 = arith.index_cast %mul3A_134 : i32 to index
      %get3A_138 = tpu.vector_load %arg11[%get3A_136, %get3A_137] {strides = array<i32>} : memref<20x512xi32, #tpu.memory_space<vmem>>, vector<16xi32>,
      %shift_right_logical3A_139 = arith.constant 1 : i32
      %shift_right_logical3A_140 = vector.broadcast %shift_right_logical3A_139 : i32 to vector<16xi32>
      %shift_right_logical3A_141 = arith.shrui %get3A_138, %shift_right_logical3A_140 : vector<16xi32>
      %swap3A_142 = arith.constant 1 : i32
      %swap3A_143 = arith.index_cast %swap3A_142 : i32 to index
      %swap3A_144 = arith.constant 0 : index
      %swap3A_145 = tpu.vector_load %arg14[%swap3A_143, %swap3A_144] {strides = array<i32>} : memref<5x64xi32, #tpu.memory_space<vmem>>, vector<16xi32>,
      tpu.vector_store %arg14[%swap3A_143, %swap3A_144], %shift_right_logical3A_141 {strides = array<i32>} : memref<5x64xi32, #tpu.memory_space<vmem>>, vector<16xi32>,
      %mul3A_146 = arith.constant 16 : i32
      %mul3A_147 = arith.muli %scan3A_18, %mul3A_146 : i32
      %get3A_148 = arith.constant 5 : i32
      %get3A_149 = arith.index_cast %get3A_148 : i32 to index
      %get3A_150 = arith.index_cast %mul3A_147 : i32 to index
      %get3A_151 = tpu.vector_load %arg10[%get3A_149, %get3A_150] {strides = array<i32>} : memref<20x512xi32, #tpu.memory_space<vmem>>, vector<16xi32>,
      %shift_right_logical3A_152 = arith.constant 1 : i32
      %shift_right_logical3A_153 = vector.broadcast %shift_right_logical3A_152 : i32 to vector<16xi32>
      %shift_right_logical3A_154 = arith.shrui %get3A_151, %shift_right_logical3A_153 : vector<16xi32>
      %swap3A_155 = arith.constant 1 : i32
      %swap3A_156 = arith.index_cast %swap3A_155 : i32 to index
      %swap3A_157 = arith.constant 16 : index
      %swap3A_158 = tpu.vector_load %arg13[%swap3A_156, %swap3A_157] {strides = array<i32>} : memref<5x64xi32, #tpu.memory_space<vmem>>, vector<16xi32>,
      tpu.vector_store %arg13[%swap3A_156, %swap3A_157], %shift_right_logical3A_154 {strides = array<i32>} : memref<5x64xi32, #tpu.memory_space<vmem>>, vector<16xi32>,
      %mul3A_159 = arith.constant 16 : i32
      %mul3A_160 = arith.muli %scan3A_18, %mul3A_159 : i32
      %get3A_161 = arith.constant 5 : i32
      %get3A_162 = arith.index_cast %get3A_161 : i32 to index
      %get3A_163 = arith.index_cast %mul3A_160 : i32 to index
      %get3A_164 = tpu.vector_load %arg11[%get3A_162, %get3A_163] {strides = array<i32>} : memref<20x512xi32, #tpu.memory_space<vmem>>, vector<16xi32>,
      %shift_right_logical3A_165 = arith.constant 1 : i32
      %shift_right_logical3A_166 = vector.broadcast %shift_right_logical3A_165 : i32 to vector<16xi32>
      %shift_right_logical3A_167 = arith.shrui %get3A_164, %shift_right_logical3A_166 : vector<16xi32>
      %swap3A_168 = arith.constant 1 : i32
      %swap3A_169 = arith.index_cast %swap3A_168 : i32 to index
      %swap3A_170 = arith.constant 16 : index
      %swap3A_171 = tpu.vector_load %arg14[%swap3A_169, %swap3A_170] {strides = array<i32>} : memref<5x64xi32, #tpu.memory_space<vmem>>, vector<16xi32>,
      tpu.vector_store %arg14[%swap3A_169, %swap3A_170], %shift_right_logical3A_167 {strides = array<i32>} : memref<5x64xi32, #tpu.memory_space<vmem>>, vector<16xi32>,
      %mul3A_172 = arith.constant 16 : i32
      %mul3A_173 = arith.muli %scan3A_18, %mul3A_172 : i32
      %get3A_174 = arith.constant 6 : i32
      %get3A_175 = arith.index_cast %get3A_174 : i32 to index
      %get3A_176 = arith.index_cast %mul3A_173 : i32 to index
      %get3A_177 = tpu.vector_load %arg10[%get3A_175, %get3A_176] {strides = array<i32>} : memref<20x512xi32, #tpu.memory_space<vmem>>, vector<16xi32>,
      %shift_right_logical3A_178 = arith.constant 1 : i32
      %shift_right_logical3A_179 = vector.broadcast %shift_right_logical3A_178 : i32 to vector<16xi32>
      %shift_right_logical3A_180 = arith.shrui %get3A_177, %shift_right_logical3A_179 : vector<16xi32>
      %swap3A_181 = arith.constant 1 : i32
      %swap3A_182 = arith.index_cast %swap3A_181 : i32 to index
      %swap3A_183 = arith.constant 32 : index
      %swap3A_184 = tpu.vector_load %arg13[%swap3A_182, %swap3A_183] {strides = array<i32>} : memref<5x64xi32, #tpu.memory_space<vmem>>, vector<16xi32>,
      tpu.vector_store %arg13[%swap3A_182, %swap3A_183], %shift_right_logical3A_180 {strides = array<i32>} : memref<5x64xi32, #tpu.memory_space<vmem>>, vector<16xi32>,
      %mul3A_185 = arith.constant 16 : i32
      %mul3A_186 = arith.muli %scan3A_18, %mul3A_185 : i32
      %get3A_187 = arith.constant 6 : i32
      %get3A_188 = arith.index_cast %get3A_187 : i32 to index
      %get3A_189 = arith.index_cast %mul3A_186 : i32 to index
      %get3A_190 = tpu.vector_load %arg11[%get3A_188, %get3A_189] {strides = array<i32>} : memref<20x512xi32, #tpu.memory_space<vmem>>, vector<16xi32>,
      %shift_right_logical3A_191 = arith.constant 1 : i32
      %shift_right_logical3A_192 = vector.broadcast %shift_right_logical3A_191 : i32 to vector<16xi32>
      %shift_right_logical3A_193 = arith.shrui %get3A_190, %shift_right_logical3A_192 : vector<16xi32>
      %swap3A_194 = arith.constant 1 : i32
      %swap3A_195 = arith.index_cast %swap3A_194 : i32 to index
      %swap3A_196 = arith.constant 32 : index
      %swap3A_197 = tpu.vector_load %arg14[%swap3A_195, %swap3A_196] {strides = array<i32>} : memref<5x64xi32, #tpu.memory_space<vmem>>, vector<16xi32>,
      tpu.vector_store %arg14[%swap3A_195, %swap3A_196], %shift_right_logical3A_193 {strides = array<i32>} : memref<5x64xi32, #tpu.memory_space<vmem>>, vector<16xi32>,
      %mul3A_198 = arith.constant 16 : i32
      %mul3A_199 = arith.muli %scan3A_18, %mul3A_198 : i32
      %get3A_200 = arith.constant 7 : i32
      %get3A_201 = arith.index_cast %get3A_200 : i32 to index
      %get3A_202 = arith.index_cast %mul3A_199 : i32 to index
      %get3A_203 = tpu.vector_load %arg10[%get3A_201, %get3A_202] {strides = array<i32>} : memref<20x512xi32, #tpu.memory_space<vmem>>, vector<16xi32>,
      %shift_right_logical3A_204 = arith.constant 1 : i32
      %shift_right_logical3A_205 = vector.broadcast %shift_right_logical3A_204 : i32 to vector<16xi32>
      %shift_right_logical3A_206 = arith.shrui %get3A_203, %shift_right_logical3A_205 : vector<16xi32>
      %swap3A_207 = arith.constant 1 : i32
      %swap3A_208 = arith.index_cast %swap3A_207 : i32 to index
      %swap3A_209 = arith.constant 48 : index
      %swap3A_210 = tpu.vector_load %arg13[%swap3A_208, %swap3A_209] {strides = array<i32>} : memref<5x64xi32, #tpu.memory_space<vmem>>, vector<16xi32>,
      tpu.vector_store %arg13[%swap3A_208, %swap3A_209], %shift_right_logical3A_206 {strides = array<i32>} : memref<5x64xi32, #tpu.memory_space<vmem>>, vector<16xi32>,
      %mul3A_211 = arith.constant 16 : i32
      %mul3A_212 = arith.muli %scan3A_18, %mul3A_211 : i32
      %get3A_213 = arith.constant 7 : i32
      %get3A_214 = arith.index_cast %get3A_213 : i32 to index
      %get3A_215 = arith.index_cast %mul3A_212 : i32 to index
      %get3A_216 = tpu.vector_load %arg11[%get3A_214, %get3A_215] {strides = array<i32>} : memref<20x512xi32, #tpu.memory_space<vmem>>, vector<16xi32>,
      %shift_right_logical3A_217 = arith.constant 1 : i32
      %shift_right_logical3A_218 = vector.broadcast %shift_right_logical3A_217 : i32 to vector<16xi32>
      %shift_right_logical3A_219 = arith.shrui %get3A_216, %shift_right_logical3A_218 : vector<16xi32>
      %swap3A_220 = arith.constant 1 : i32
      %swap3A_221 = arith.index_cast %swap3A_220 : i32 to index
      %swap3A_222 = arith.constant 48 : index
      %swap3A_223 = tpu.vector_load %arg14[%swap3A_221, %swap3A_222] {strides = array<i32>} : memref<5x64xi32, #tpu.memory_space<vmem>>, vector<16xi32>,
      tpu.vector_store %arg14[%swap3A_221, %swap3A_222], %shift_right_logical3A_219 {strides = array<i32>} : memref<5x64xi32, #tpu.memory_space<vmem>>, vector<16xi32>,
      %mul3A_224 = arith.constant 16 : i32
      %mul3A_225 = arith.muli %scan3A_18, %mul3A_224 : i32
      %get3A_226 = arith.constant 8 : i32
      %get3A_227 = arith.index_cast %get3A_226 : i32 to index
      %get3A_228 = arith.index_cast %mul3A_225 : i32 to index
      %get3A_229 = tpu.vector_load %arg10[%get3A_227, %get3A_228] {strides = array<i32>} : memref<20x512xi32, #tpu.memory_space<vmem>>, vector<16xi32>,
      %shift_right_logical3A_230 = arith.constant 1 : i32
      %shift_right_logical3A_231 = vector.broadcast %shift_right_logical3A_230 : i32 to vector<16xi32>
      %shift_right_logical3A_232 = arith.shrui %get3A_229, %shift_right_logical3A_231 : vector<16xi32>
      %swap3A_233 = arith.constant 2 : i32
      %swap3A_234 = arith.index_cast %swap3A_233 : i32 to index
      %swap3A_235 = arith.constant 0 : index
      %swap3A_236 = tpu.vector_load %arg13[%swap3A_234, %swap3A_235] {strides = array<i32>} : memref<5x64xi32, #tpu.memory_space<vmem>>, vector<16xi32>,
      tpu.vector_store %arg13[%swap3A_234, %swap3A_235], %shift_right_logical3A_232 {strides = array<i32>} : memref<5x64xi32, #tpu.memory_space<vmem>>, vector<16xi32>,
      %mul3A_237 = arith.constant 16 : i32
      %mul3A_238 = arith.muli %scan3A_18, %mul3A_237 : i32
      %get3A_239 = arith.constant 8 : i32
      %get3A_240 = arith.index_cast %get3A_239 : i32 to index
      %get3A_241 = arith.index_cast %mul3A_238 : i32 to index
      %get3A_242 = tpu.vector_load %arg11[%get3A_240, %get3A_241] {strides = array<i32>} : memref<20x512xi32, #tpu.memory_space<vmem>>, vector<16xi32>,
      %shift_right_logical3A_243 = arith.constant 1 : i32
      %shift_right_logical3A_244 = vector.broadcast %shift_right_logical3A_243 : i32 to vector<16xi32>
      %shift_right_logical3A_245 = arith.shrui %get3A_242, %shift_right_logical3A_244 : vector<16xi32>
      %swap3A_246 = arith.constant 2 : i32
      %swap3A_247 = arith.index_cast %swap3A_246 : i32 to index
      %swap3A_248 = arith.constant 0 : index
      %swap3A_249 = tpu.vector_load %arg14[%swap3A_247, %swap3A_248] {strides = array<i32>} : memref<5x64xi32, #tpu.memory_space<vmem>>, vector<16xi32>,
      tpu.vector_store %arg14[%swap3A_247, %swap3A_248], %shift_right_logical3A_245 {strides = array<i32>} : memref<5x64xi32, #tpu.memory_space<vmem>>, vector<16xi32>,
      %mul3A_250 = arith.constant 16 : i32
      %mul3A_251 = arith.muli %scan3A_18, %mul3A_250 : i32
      %get3A_252 = arith.constant 9 : i32
      %get3A_253 = arith.index_cast %get3A_252 : i32 to index
      %get3A_254 = arith.index_cast %mul3A_251 : i32 to index
      %get3A_255 = tpu.vector_load %arg10[%get3A_253, %get3A_254] {strides = array<i32>} : memref<20x512xi32, #tpu.memory_space<vmem>>, vector<16xi32>,
      %shift_right_logical3A_256 = arith.constant 1 : i32
      %shift_right_logical3A_257 = vector.broadcast %shift_right_logical3A_256 : i32 to vector<16xi32>
      %shift_right_logical3A_258 = arith.shrui %get3A_255, %shift_right_logical3A_257 : vector<16xi32>
      %swap3A_259 = arith.constant 2 : i32
      %swap3A_260 = arith.index_cast %swap3A_259 : i32 to index
      %swap3A_261 = arith.constant 16 : index
      %swap3A_262 = tpu.vector_load %arg13[%swap3A_260, %swap3A_261] {strides = array<i32>} : memref<5x64xi32, #tpu.memory_space<vmem>>, vector<16xi32>,
      tpu.vector_store %arg13[%swap3A_260, %swap3A_261], %shift_right_logical3A_258 {strides = array<i32>} : memref<5x64xi32, #tpu.memory_space<vmem>>, vector<16xi32>,
      %mul3A_263 = arith.constant 16 : i32
      %mul3A_264 = arith.muli %scan3A_18, %mul3A_263 : i32
      %get3A_265 = arith.constant 9 : i32
      %get3A_266 = arith.index_cast %get3A_265 : i32 to index
      %get3A_267 = arith.index_cast %mul3A_264 : i32 to index
      %get3A_268 = tpu.vector_load %arg11[%get3A_266, %get3A_267] {strides = array<i32>} : memref<20x512xi32, #tpu.memory_space<vmem>>, vector<16xi32>,
      %shift_right_logical3A_269 = arith.constant 1 : i32
      %shift_right_logical3A_270 = vector.broadcast %shift_right_logical3A_269 : i32 to vector<16xi32>
      %shift_right_logical3A_271 = arith.shrui %get3A_268, %shift_right_logical3A_270 : vector<16xi32>
      %swap3A_272 = arith.constant 2 : i32
      %swap3A_273 = arith.index_cast %swap3A_272 : i32 to index
      %swap3A_274 = arith.constant 16 : index
      %swap3A_275 = tpu.vector_load %arg14[%swap3A_273, %swap3A_274] {strides = array<i32>} : memref<5x64xi32, #tpu.memory_space<vmem>>, vector<16xi32>,
      tpu.vector_store %arg14[%swap3A_273, %swap3A_274], %shift_right_logical3A_271 {strides = array<i32>} : memref<5x64xi32, #tpu.memory_space<vmem>>, vector<16xi32>,
      %mul3A_276 = arith.constant 16 : i32
      %mul3A_277 = arith.muli %scan3A_18, %mul3A_276 : i32
      %get3A_278 = arith.constant 10 : i32
      %get3A_279 = arith.index_cast %get3A_278 : i32 to index
      %get3A_280 = arith.index_cast %mul3A_277 : i32 to index
      %get3A_281 = tpu.vector_load %arg10[%get3A_279, %get3A_280] {strides = array<i32>} : memref<20x512xi32, #tpu.memory_space<vmem>>, vector<16xi32>,
      %shift_right_logical3A_282 = arith.constant 1 : i32
      %shift_right_logical3A_283 = vector.broadcast %shift_right_logical3A_282 : i32 to vector<16xi32>
      %shift_right_logical3A_284 = arith.shrui %get3A_281, %shift_right_logical3A_283 : vector<16xi32>
      %swap3A_285 = arith.constant 2 : i32
      %swap3A_286 = arith.index_cast %swap3A_285 : i32 to index
      %swap3A_287 = arith.constant 32 : index
      %swap3A_288 = tpu.vector_load %arg13[%swap3A_286, %swap3A_287] {strides = array<i32>} : memref<5x64xi32, #tpu.memory_space<vmem>>, vector<16xi32>,
      tpu.vector_store %arg13[%swap3A_286, %swap3A_287], %shift_right_logical3A_284 {strides = array<i32>} : memref<5x64xi32, #tpu.memory_space<vmem>>, vector<16xi32>,
      %mul3A_289 = arith.constant 16 : i32
      %mul3A_290 = arith.muli %scan3A_18, %mul3A_289 : i32
      %get3A_291 = arith.constant 10 : i32
      %get3A_292 = arith.index_cast %get3A_291 : i32 to index
      %get3A_293 = arith.index_cast %mul3A_290 : i32 to index
      %get3A_294 = tpu.vector_load %arg11[%get3A_292, %get3A_293] {strides = array<i32>} : memref<20x512xi32, #tpu.memory_space<vmem>>, vector<16xi32>,
      %shift_right_logical3A_295 = arith.constant 1 : i32
      %shift_right_logical3A_296 = vector.broadcast %shift_right_logical3A_295 : i32 to vector<16xi32>
      %shift_right_logical3A_297 = arith.shrui %get3A_294, %shift_right_logical3A_296 : vector<16xi32>
      %swap3A_298 = arith.constant 2 : i32
      %swap3A_299 = arith.index_cast %swap3A_298 : i32 to index
      %swap3A_300 = arith.constant 32 : index
      %swap3A_301 = tpu.vector_load %arg14[%swap3A_299, %swap3A_300] {strides = array<i32>} : memref<5x64xi32, #tpu.memory_space<vmem>>, vector<16xi32>,
      tpu.vector_store %arg14[%swap3A_299, %swap3A_300], %shift_right_logical3A_297 {strides = array<i32>} : memref<5x64xi32, #tpu.memory_space<vmem>>, vector<16xi32>,
      %mul3A_302 = arith.constant 16 : i32
      %mul3A_303 = arith.muli %scan3A_18, %mul3A_302 : i32
      %get3A_304 = arith.constant 11 : i32
      %get3A_305 = arith.index_cast %get3A_304 : i32 to index
      %get3A_306 = arith.index_cast %mul3A_303 : i32 to index
      %get3A_307 = tpu.vector_load %arg10[%get3A_305, %get3A_306] {strides = array<i32>} : memref<20x512xi32, #tpu.memory_space<vmem>>, vector<16xi32>,
      %shift_right_logical3A_308 = arith.constant 1 : i32
      %shift_right_logical3A_309 = vector.broadcast %shift_right_logical3A_308 : i32 to vector<16xi32>
      %shift_right_logical3A_310 = arith.shrui %get3A_307, %shift_right_logical3A_309 : vector<16xi32>
      %swap3A_311 = arith.constant 2 : i32
      %swap3A_312 = arith.index_cast %swap3A_311 : i32 to index
      %swap3A_313 = arith.constant 48 : index
      %swap3A_314 = tpu.vector_load %arg13[%swap3A_312, %swap3A_313] {strides = array<i32>} : memref<5x64xi32, #tpu.memory_space<vmem>>, vector<16xi32>,
      tpu.vector_store %arg13[%swap3A_312, %swap3A_313], %shift_right_logical3A_310 {strides = array<i32>} : memref<5x64xi32, #tpu.memory_space<vmem>>, vector<16xi32>,
      %mul3A_315 = arith.constant 16 : i32
      %mul3A_316 = arith.muli %scan3A_18, %mul3A_315 : i32
      %get3A_317 = arith.constant 11 : i32
      %get3A_318 = arith.index_cast %get3A_317 : i32 to index
      %get3A_319 = arith.index_cast %mul3A_316 : i32 to index
      %get3A_320 = tpu.vector_load %arg11[%get3A_318, %get3A_319] {strides = array<i32>} : memref<20x512xi32, #tpu.memory_space<vmem>>, vector<16xi32>,
      %shift_right_logical3A_321 = arith.constant 1 : i32
      %shift_right_logical3A_322 = vector.broadcast %shift_right_logical3A_321 : i32 to vector<16xi32>
      %shift_right_logical3A_323 = arith.shrui %get3A_320, %shift_right_logical3A_322 : vector<16xi32>
      %swap3A_324 = arith.constant 2 : i32
      %swap3A_325 = arith.index_cast %swap3A_324 : i32 to index
      %swap3A_326 = arith.constant 48 : index
      %swap3A_327 = tpu.vector_load %arg14[%swap3A_325, %swap3A_326] {strides = array<i32>} : memref<5x64xi32, #tpu.memory_space<vmem>>, vector<16xi32>,
      tpu.vector_store %arg14[%swap3A_325, %swap3A_326], %shift_right_logical3A_323 {strides = array<i32>} : memref<5x64xi32, #tpu.memory_space<vmem>>, vector<16xi32>,
      %mul3A_328 = arith.constant 16 : i32
      %mul3A_329 = arith.muli %scan3A_18, %mul3A_328 : i32
      %get3A_330 = arith.constant 12 : i32
      %get3A_331 = arith.index_cast %get3A_330 : i32 to index
      %get3A_332 = arith.index_cast %mul3A_329 : i32 to index
      %get3A_333 = tpu.vector_load %arg10[%get3A_331, %get3A_332] {strides = array<i32>} : memref<20x512xi32, #tpu.memory_space<vmem>>, vector<16xi32>,
      %shift_right_logical3A_334 = arith.constant 1 : i32
      %shift_right_logical3A_335 = vector.broadcast %shift_right_logical3A_334 : i32 to vector<16xi32>
      %shift_right_logical3A_336 = arith.shrui %get3A_333, %shift_right_logical3A_335 : vector<16xi32>
      %swap3A_337 = arith.constant 3 : i32
      %swap3A_338 = arith.index_cast %swap3A_337 : i32 to index
      %swap3A_339 = arith.constant 0 : index
      %swap3A_340 = tpu.vector_load %arg13[%swap3A_338, %swap3A_339] {strides = array<i32>} : memref<5x64xi32, #tpu.memory_space<vmem>>, vector<16xi32>,
      tpu.vector_store %arg13[%swap3A_338, %swap3A_339], %shift_right_logical3A_336 {strides = array<i32>} : memref<5x64xi32, #tpu.memory_space<vmem>>, vector<16xi32>,
      %mul3A_341 = arith.constant 16 : i32
      %mul3A_342 = arith.muli %scan3A_18, %mul3A_341 : i32
      %get3A_343 = arith.constant 12 : i32
      %get3A_344 = arith.index_cast %get3A_343 : i32 to index
      %get3A_345 = arith.index_cast %mul3A_342 : i32 to index
      %get3A_346 = tpu.vector_load %arg11[%get3A_344, %get3A_345] {strides = array<i32>} : memref<20x512xi32, #tpu.memory_space<vmem>>, vector<16xi32>,
      %shift_right_logical3A_347 = arith.constant 1 : i32
      %shift_right_logical3A_348 = vector.broadcast %shift_right_logical3A_347 : i32 to vector<16xi32>
      %shift_right_logical3A_349 = arith.shrui %get3A_346, %shift_right_logical3A_348 : vector<16xi32>
      %swap3A_350 = arith.constant 3 : i32
      %swap3A_351 = arith.index_cast %swap3A_350 : i32 to index
      %swap3A_352 = arith.constant 0 : index
      %swap3A_353 = tpu.vector_load %arg14[%swap3A_351, %swap3A_352] {strides = array<i32>} : memref<5x64xi32, #tpu.memory_space<vmem>>, vector<16xi32>,
      tpu.vector_store %arg14[%swap3A_351, %swap3A_352], %shift_right_logical3A_349 {strides = array<i32>} : memref<5x64xi32, #tpu.memory_space<vmem>>, vector<16xi32>,
      %mul3A_354 = arith.constant 16 : i32
      %mul3A_355 = arith.muli %scan3A_18, %mul3A_354 : i32
      %get3A_356 = arith.constant 13 : i32
      %get3A_357 = arith.index_cast %get3A_356 : i32 to index
      %get3A_358 = arith.index_cast %mul3A_355 : i32 to index
      %get3A_359 = tpu.vector_load %arg10[%get3A_357, %get3A_358] {strides = array<i32>} : memref<20x512xi32, #tpu.memory_space<vmem>>, vector<16xi32>,
      %shift_right_logical3A_360 = arith.constant 1 : i32
      %shift_right_logical3A_361 = vector.broadcast %shift_right_logical3A_360 : i32 to vector<16xi32>
      %shift_right_logical3A_362 = arith.shrui %get3A_359, %shift_right_logical3A_361 : vector<16xi32>
      %swap3A_363 = arith.constant 3 : i32
      %swap3A_364 = arith.index_cast %swap3A_363 : i32 to index
      %swap3A_365 = arith.constant 16 : index
      %swap3A_366 = tpu.vector_load %arg13[%swap3A_364, %swap3A_365] {strides = array<i32>} : memref<5x64xi32, #tpu.memory_space<vmem>>, vector<16xi32>,
      tpu.vector_store %arg13[%swap3A_364, %swap3A_365], %shift_right_logical3A_362 {strides = array<i32>} : memref<5x64xi32, #tpu.memory_space<vmem>>, vector<16xi32>,
      %mul3A_367 = arith.constant 16 : i32
      %mul3A_368 = arith.muli %scan3A_18, %mul3A_367 : i32
      %get3A_369 = arith.constant 13 : i32
      %get3A_370 = arith.index_cast %get3A_369 : i32 to index
      %get3A_371 = arith.index_cast %mul3A_368 : i32 to index
      %get3A_372 = tpu.vector_load %arg11[%get3A_370, %get3A_371] {strides = array<i32>} : memref<20x512xi32, #tpu.memory_space<vmem>>, vector<16xi32>,
      %shift_right_logical3A_373 = arith.constant 1 : i32
      %shift_right_logical3A_374 = vector.broadcast %shift_right_logical3A_373 : i32 to vector<16xi32>
      %shift_right_logical3A_375 = arith.shrui %get3A_372, %shift_right_logical3A_374 : vector<16xi32>
      %swap3A_376 = arith.constant 3 : i32
      %swap3A_377 = arith.index_cast %swap3A_376 : i32 to index
      %swap3A_378 = arith.constant 16 : index
      %swap3A_379 = tpu.vector_load %arg14[%swap3A_377, %swap3A_378] {strides = array<i32>} : memref<5x64xi32, #tpu.memory_space<vmem>>, vector<16xi32>,
      tpu.vector_store %arg14[%swap3A_377, %swap3A_378], %shift_right_logical3A_375 {strides = array<i32>} : memref<5x64xi32, #tpu.memory_space<vmem>>, vector<16xi32>,
      %mul3A_380 = arith.constant 16 : i32
      %mul3A_381 = arith.muli %scan3A_18, %mul3A_380 : i32
      %get3A_382 = arith.constant 14 : i32
      %get3A_383 = arith.index_cast %get3A_382 : i32 to index
      %get3A_384 = arith.index_cast %mul3A_381 : i32 to index
      %get3A_385 = tpu.vector_load %arg10[%get3A_383, %get3A_384] {strides = array<i32>} : memref<20x512xi32, #tpu.memory_space<vmem>>, vector<16xi32>,
      %shift_right_logical3A_386 = arith.constant 1 : i32
      %shift_right_logical3A_387 = vector.broadcast %shift_right_logical3A_386 : i32 to vector<16xi32>
      %shift_right_logical3A_388 = arith.shrui %get3A_385, %shift_right_logical3A_387 : vector<16xi32>
      %swap3A_389 = arith.constant 3 : i32
      %swap3A_390 = arith.index_cast %swap3A_389 : i32 to index
      %swap3A_391 = arith.constant 32 : index
      %swap3A_392 = tpu.vector_load %arg13[%swap3A_390, %swap3A_391] {strides = array<i32>} : memref<5x64xi32, #tpu.memory_space<vmem>>, vector<16xi32>,
      tpu.vector_store %arg13[%swap3A_390, %swap3A_391], %shift_right_logical3A_388 {strides = array<i32>} : memref<5x64xi32, #tpu.memory_space<vmem>>, vector<16xi32>,
      %mul3A_393 = arith.constant 16 : i32
      %mul3A_394 = arith.muli %scan3A_18, %mul3A_393 : i32
      %get3A_395 = arith.constant 14 : i32
      %get3A_396 = arith.index_cast %get3A_395 : i32 to index
      %get3A_397 = arith.index_cast %mul3A_394 : i32 to index
      %get3A_398 = tpu.vector_load %arg11[%get3A_396, %get3A_397] {strides = array<i32>} : memref<20x512xi32, #tpu.memory_space<vmem>>, vector<16xi32>,
      %shift_right_logical3A_399 = arith.constant 1 : i32
      %shift_right_logical3A_400 = vector.broadcast %shift_right_logical3A_399 : i32 to vector<16xi32>
      %shift_right_logical3A_401 = arith.shrui %get3A_398, %shift_right_logical3A_400 : vector<16xi32>
      %swap3A_402 = arith.constant 3 : i32
      %swap3A_403 = arith.index_cast %swap3A_402 : i32 to index
      %swap3A_404 = arith.constant 32 : index
      %swap3A_405 = tpu.vector_load %arg14[%swap3A_403, %swap3A_404] {strides = array<i32>} : memref<5x64xi32, #tpu.memory_space<vmem>>, vector<16xi32>,
      tpu.vector_store %arg14[%swap3A_403, %swap3A_404], %shift_right_logical3A_401 {strides = array<i32>} : memref<5x64xi32, #tpu.memory_space<vmem>>, vector<16xi32>,
      %mul3A_406 = arith.constant 16 : i32
      %mul3A_407 = arith.muli %scan3A_18, %mul3A_406 : i32
      %get3A_408 = arith.constant 15 : i32
      %get3A_409 = arith.index_cast %get3A_408 : i32 to index
      %get3A_410 = arith.index_cast %mul3A_407 : i32 to index
      %get3A_411 = tpu.vector_load %arg10[%get3A_409, %get3A_410] {strides = array<i32>} : memref<20x512xi32, #tpu.memory_space<vmem>>, vector<16xi32>,
      %shift_right_logical3A_412 = arith.constant 1 : i32
      %shift_right_logical3A_413 = vector.broadcast %shift_right_logical3A_412 : i32 to vector<16xi32>
      %shift_right_logical3A_414 = arith.shrui %get3A_411, %shift_right_logical3A_413 : vector<16xi32>
      %swap3A_415 = arith.constant 3 : i32
      %swap3A_416 = arith.index_cast %swap3A_415 : i32 to index
      %swap3A_417 = arith.constant 48 : index
      %swap3A_418 = tpu.vector_load %arg13[%swap3A_416, %swap3A_417] {strides = array<i32>} : memref<5x64xi32, #tpu.memory_space<vmem>>, vector<16xi32>,
      tpu.vector_store %arg13[%swap3A_416, %swap3A_417], %shift_right_logical3A_414 {strides = array<i32>} : memref<5x64xi32, #tpu.memory_space<vmem>>, vector<16xi32>,
      %mul3A_419 = arith.constant 16 : i32
      %mul3A_420 = arith.muli %scan3A_18, %mul3A_419 : i32
      %get3A_421 = arith.constant 15 : i32
      %get3A_422 = arith.index_cast %get3A_421 : i32 to index
      %get3A_423 = arith.index_cast %mul3A_420 : i32 to index
      %get3A_424 = tpu.vector_load %arg11[%get3A_422, %get3A_423] {strides = array<i32>} : memref<20x512xi32, #tpu.memory_space<vmem>>, vector<16xi32>,
      %shift_right_logical3A_425 = arith.constant 1 : i32
      %shift_right_logical3A_426 = vector.broadcast %shift_right_logical3A_425 : i32 to vector<16xi32>
      %shift_right_logical3A_427 = arith.shrui %get3A_424, %shift_right_logical3A_426 : vector<16xi32>
      %swap3A_428 = arith.constant 3 : i32
      %swap3A_429 = arith.index_cast %swap3A_428 : i32 to index
      %swap3A_430 = arith.constant 48 : index
      %swap3A_431 = tpu.vector_load %arg14[%swap3A_429, %swap3A_430] {strides = array<i32>} : memref<5x64xi32, #tpu.memory_space<vmem>>, vector<16xi32>,
      tpu.vector_store %arg14[%swap3A_429, %swap3A_430], %shift_right_logical3A_427 {strides = array<i32>} : memref<5x64xi32, #tpu.memory_space<vmem>>, vector<16xi32>,
      %mul3A_432 = arith.constant 16 : i32
      %mul3A_433 = arith.muli %scan3A_18, %mul3A_432 : i32
      %get3A_434 = arith.constant 16 : i32
      %get3A_435 = arith.index_cast %get3A_434 : i32 to index
      %get3A_436 = arith.index_cast %mul3A_433 : i32 to index
      %get3A_437 = tpu.vector_load %arg10[%get3A_435, %get3A_436] {strides = array<i32>} : memref<20x512xi32, #tpu.memory_space<vmem>>, vector<16xi32>,
      %shift_right_logical3A_438 = arith.constant 1 : i32
      %shift_right_logical3A_439 = vector.broadcast %shift_right_logical3A_438 : i32 to vector<16xi32>
      %shift_right_logical3A_440 = arith.shrui %get3A_437, %shift_right_logical3A_439 : vector<16xi32>
      %swap3A_441 = arith.constant 4 : i32
      %swap3A_442 = arith.index_cast %swap3A_441 : i32 to index
      %swap3A_443 = arith.constant 0 : index
      %swap3A_444 = tpu.vector_load %arg13[%swap3A_442, %swap3A_443] {strides = array<i32>} : memref<5x64xi32, #tpu.memory_space<vmem>>, vector<16xi32>,
      tpu.vector_store %arg13[%swap3A_442, %swap3A_443], %shift_right_logical3A_440 {strides = array<i32>} : memref<5x64xi32, #tpu.memory_space<vmem>>, vector<16xi32>,
      %mul3A_445 = arith.constant 16 : i32
      %mul3A_446 = arith.muli %scan3A_18, %mul3A_445 : i32
      %get3A_447 = arith.constant 16 : i32
      %get3A_448 = arith.index_cast %get3A_447 : i32 to index
      %get3A_449 = arith.index_cast %mul3A_446 : i32 to index
      %get3A_450 = tpu.vector_load %arg11[%get3A_448, %get3A_449] {strides = array<i32>} : memref<20x512xi32, #tpu.memory_space<vmem>>, vector<16xi32>,
      %shift_right_logical3A_451 = arith.constant 1 : i32
      %shift_right_logical3A_452 = vector.broadcast %shift_right_logical3A_451 : i32 to vector<16xi32>
      %shift_right_logical3A_453 = arith.shrui %get3A_450, %shift_right_logical3A_452 : vector<16xi32>
      %swap3A_454 = arith.constant 4 : i32
      %swap3A_455 = arith.index_cast %swap3A_454 : i32 to index
      %swap3A_456 = arith.constant 0 : index
      %swap3A_457 = tpu.vector_load %arg14[%swap3A_455, %swap3A_456] {strides = array<i32>} : memref<5x64xi32, #tpu.memory_space<vmem>>, vector<16xi32>,
      tpu.vector_store %arg14[%swap3A_455, %swap3A_456], %shift_right_logical3A_453 {strides = array<i32>} : memref<5x64xi32, #tpu.memory_space<vmem>>, vector<16xi32>,
      %mul3A_458 = arith.constant 16 : i32
      %mul3A_459 = arith.muli %scan3A_18, %mul3A_458 : i32
      %get3A_460 = arith.constant 17 : i32
      %get3A_461 = arith.index_cast %get3A_460 : i32 to index
      %get3A_462 = arith.index_cast %mul3A_459 : i32 to index
      %get3A_463 = tpu.vector_load %arg10[%get3A_461, %get3A_462] {strides = array<i32>} : memref<20x512xi32, #tpu.memory_space<vmem>>, vector<16xi32>,
      %shift_right_logical3A_464 = arith.constant 1 : i32
      %shift_right_logical3A_465 = vector.broadcast %shift_right_logical3A_464 : i32 to vector<16xi32>
      %shift_right_logical3A_466 = arith.shrui %get3A_463, %shift_right_logical3A_465 : vector<16xi32>
      %swap3A_467 = arith.constant 4 : i32
      %swap3A_468 = arith.index_cast %swap3A_467 : i32 to index
      %swap3A_469 = arith.constant 16 : index
      %swap3A_470 = tpu.vector_load %arg13[%swap3A_468, %swap3A_469] {strides = array<i32>} : memref<5x64xi32, #tpu.memory_space<vmem>>, vector<16xi32>,
      tpu.vector_store %arg13[%swap3A_468, %swap3A_469], %shift_right_logical3A_466 {strides = array<i32>} : memref<5x64xi32, #tpu.memory_space<vmem>>, vector<16xi32>,
      %mul3A_471 = arith.constant 16 : i32
      %mul3A_472 = arith.muli %scan3A_18, %mul3A_471 : i32
      %get3A_473 = arith.constant 17 : i32
      %get3A_474 = arith.index_cast %get3A_473 : i32 to index
      %get3A_475 = arith.index_cast %mul3A_472 : i32 to index
      %get3A_476 = tpu.vector_load %arg11[%get3A_474, %get3A_475] {strides = array<i32>} : memref<20x512xi32, #tpu.memory_space<vmem>>, vector<16xi32>,
      %shift_right_logical3A_477 = arith.constant 1 : i32
      %shift_right_logical3A_478 = vector.broadcast %shift_right_logical3A_477 : i32 to vector<16xi32>
      %shift_right_logical3A_479 = arith.shrui %get3A_476, %shift_right_logical3A_478 : vector<16xi32>
      %swap3A_480 = arith.constant 4 : i32
      %swap3A_481 = arith.index_cast %swap3A_480 : i32 to index
      %swap3A_482 = arith.constant 16 : index
      %swap3A_483 = tpu.vector_load %arg14[%swap3A_481, %swap3A_482] {strides = array<i32>} : memref<5x64xi32, #tpu.memory_space<vmem>>, vector<16xi32>,
      tpu.vector_store %arg14[%swap3A_481, %swap3A_482], %shift_right_logical3A_479 {strides = array<i32>} : memref<5x64xi32, #tpu.memory_space<vmem>>, vector<16xi32>,
      %mul3A_484 = arith.constant 16 : i32
      %mul3A_485 = arith.muli %scan3A_18, %mul3A_484 : i32
      %get3A_486 = arith.constant 18 : i32
      %get3A_487 = arith.index_cast %get3A_486 : i32 to index
      %get3A_488 = arith.index_cast %mul3A_485 : i32 to index
      %get3A_489 = tpu.vector_load %arg10[%get3A_487, %get3A_488] {strides = array<i32>} : memref<20x512xi32, #tpu.memory_space<vmem>>, vector<16xi32>,
      %shift_right_logical3A_490 = arith.constant 1 : i32
      %shift_right_logical3A_491 = vector.broadcast %shift_right_logical3A_490 : i32 to vector<16xi32>
      %shift_right_logical3A_492 = arith.shrui %get3A_489, %shift_right_logical3A_491 : vector<16xi32>
      %swap3A_493 = arith.constant 4 : i32
      %swap3A_494 = arith.index_cast %swap3A_493 : i32 to index
      %swap3A_495 = arith.constant 32 : index
      %swap3A_496 = tpu.vector_load %arg13[%swap3A_494, %swap3A_495] {strides = array<i32>} : memref<5x64xi32, #tpu.memory_space<vmem>>, vector<16xi32>,
      tpu.vector_store %arg13[%swap3A_494, %swap3A_495], %shift_right_logical3A_492 {strides = array<i32>} : memref<5x64xi32, #tpu.memory_space<vmem>>, vector<16xi32>,
      %mul3A_497 = arith.constant 16 : i32
      %mul3A_498 = arith.muli %scan3A_18, %mul3A_497 : i32
      %get3A_499 = arith.constant 18 : i32
      %get3A_500 = arith.index_cast %get3A_499 : i32 to index
      %get3A_501 = arith.index_cast %mul3A_498 : i32 to index
      %get3A_502 = tpu.vector_load %arg11[%get3A_500, %get3A_501] {strides = array<i32>} : memref<20x512xi32, #tpu.memory_space<vmem>>, vector<16xi32>,
      %shift_right_logical3A_503 = arith.constant 1 : i32
      %shift_right_logical3A_504 = vector.broadcast %shift_right_logical3A_503 : i32 to vector<16xi32>
      %shift_right_logical3A_505 = arith.shrui %get3A_502, %shift_right_logical3A_504 : vector<16xi32>
      %swap3A_506 = arith.constant 4 : i32
      %swap3A_507 = arith.index_cast %swap3A_506 : i32 to index
      %swap3A_508 = arith.constant 32 : index
      %swap3A_509 = tpu.vector_load %arg14[%swap3A_507, %swap3A_508] {strides = array<i32>} : memref<5x64xi32, #tpu.memory_space<vmem>>, vector<16xi32>,
      tpu.vector_store %arg14[%swap3A_507, %swap3A_508], %shift_right_logical3A_505 {strides = array<i32>} : memref<5x64xi32, #tpu.memory_space<vmem>>, vector<16xi32>,
      %mul3A_510 = arith.constant 16 : i32
      %mul3A_511 = arith.muli %scan3A_18, %mul3A_510 : i32
      %get3A_512 = arith.constant 19 : i32
      %get3A_513 = arith.index_cast %get3A_512 : i32 to index
      %get3A_514 = arith.index_cast %mul3A_511 : i32 to index
      %get3A_515 = tpu.vector_load %arg10[%get3A_513, %get3A_514] {strides = array<i32>} : memref<20x512xi32, #tpu.memory_space<vmem>>, vector<16xi32>,
      %shift_right_logical3A_516 = arith.constant 1 : i32
      %shift_right_logical3A_517 = vector.broadcast %shift_right_logical3A_516 : i32 to vector<16xi32>
      %shift_right_logical3A_518 = arith.shrui %get3A_515, %shift_right_logical3A_517 : vector<16xi32>
      %swap3A_519 = arith.constant 4 : i32
      %swap3A_520 = arith.index_cast %swap3A_519 : i32 to index
      %swap3A_521 = arith.constant 48 : index
      %swap3A_522 = tpu.vector_load %arg13[%swap3A_520, %swap3A_521] {strides = array<i32>} : memref<5x64xi32, #tpu.memory_space<vmem>>, vector<16xi32>,
      tpu.vector_store %arg13[%swap3A_520, %swap3A_521], %shift_right_logical3A_518 {strides = array<i32>} : memref<5x64xi32, #tpu.memory_space<vmem>>, vector<16xi32>,
      %mul3A_523 = arith.constant 16 : i32
      %mul3A_524 = arith.muli %scan3A_18, %mul3A_523 : i32
      %get3A_525 = arith.constant 19 : i32
      %get3A_526 = arith.index_cast %get3A_525 : i32 to index
      %get3A_527 = arith.index_cast %mul3A_524 : i32 to index
      %get3A_528 = tpu.vector_load %arg11[%get3A_526, %get3A_527] {strides = array<i32>} : memref<20x512xi32, #tpu.memory_space<vmem>>, vector<16xi32>,
      %shift_right_logical3A_529 = arith.constant 1 : i32
      %shift_right_logical3A_530 = vector.broadcast %shift_right_logical3A_529 : i32 to vector<16xi32>
      %shift_right_logical3A_531 = arith.shrui %get3A_528, %shift_right_logical3A_530 : vector<16xi32>
      %swap3A_532 = arith.constant 4 : i32
      %swap3A_533 = arith.index_cast %swap3A_532 : i32 to index
      %swap3A_534 = arith.constant 48 : index
      %swap3A_535 = tpu.vector_load %arg14[%swap3A_533, %swap3A_534] {strides = array<i32>} : memref<5x64xi32, #tpu.memory_space<vmem>>, vector<16xi32>,
      tpu.vector_store %arg14[%swap3A_533, %swap3A_534], %shift_right_logical3A_531 {strides = array<i32>} : memref<5x64xi32, #tpu.memory_space<vmem>>, vector<16xi32>,
      %mul3A_536 = arith.constant 16 : i32
      %mul3A_537 = arith.muli %scan3A_18, %mul3A_536 : i32
      %get3A_538 = arith.index_cast %mul3A_537 : i32 to index
      %get3A_539 = tpu.vector_load %arg9[%get3A_538] {strides = array<i32>} : memref<512xi32, #tpu.memory_space<vmem>>, vector<16xi32>,
      %shift_right_logical3A_540 = arith.constant 1 : i32
      %shift_right_logical3A_541 = vector.broadcast %shift_right_logical3A_540 : i32 to vector<16xi32>
      %shift_right_logical3A_542 = arith.shrui %get3A_539, %shift_right_logical3A_541 : vector<16xi32>
      %swap3A_543 = arith.constant 0 : index
      %swap3A_544 = tpu.vector_load %arg12[%swap3A_543] {strides = array<i32>} : memref<16xi32, #tpu.memory_space<vmem>>, vector<16xi32>,
      tpu.vector_store %arg12[%swap3A_543], %shift_right_logical3A_542 {strides = array<i32>} : memref<16xi32, #tpu.memory_space<vmem>>, vector<16xi32>,
      %dma_start3A = arith.constant 0 : i32
      %dma_start3A_545 = arith.constant 0 : i32
      %dma_start3A_546 = arith.constant 0 : i32
      %dma_start3A_547 = tpu.memref_slice %arg15[%dma_start3A_545, %dma_start3A_546] : memref<320x128xf32, #tpu.memory_space<vmem>> -> memref<64x128xf32, #tpu.memory_space<vmem>>
      %dma_start3A_548 = arith.constant 0 : i32
      %dma_start3A_549 = tpu.memref_slice %arg13[%dma_start3A, %dma_start3A_548] : memref<5x64xi32, #tpu.memory_space<vmem>> -> memref<1x64xi32, #tpu.memory_space<vmem>>
      %dma_start3A_550 = tpu.memref_squeeze %dma_start3A_549 : memref<1x64xi32, #tpu.memory_space<vmem>> -> memref<64xi32, #tpu.memory_space<vmem>>
      %dma_start3A_551 = arith.constant 0 : i32
      %dma_start3A_552 = arith.constant 0 : i32
      %dma_start3A_553 = tpu.memref_slice %arg5[%dma_start3A_551, %dma_start3A_552] : memref<500000x128xf32, #tpu.memory_space<hbm>> -> memref<500000x128xf32, #tpu.memory_space<hbm>>
      tpu.enqueue_indirect_dma source(%dma_start3A_553 : memref<500000x128xf32, #tpu.memory_space<hbm>>) target(%dma_start3A_547 : memref<64x128xf32, #tpu.memory_space<vmem>>) offsets(%dma_start3A_550 : memref<64xi32, #tpu.memory_space<vmem>>) semaphore(%arg20 : memref<!tpu.dma_semaphore, #tpu.memory_space<semaphore_mem>>)
      %dma_start3A_554 = arith.constant 0 : i32
      %dma_start3A_555 = arith.constant 0 : i32
      %dma_start3A_556 = arith.constant 0 : i32
      %dma_start3A_557 = tpu.memref_slice %arg16[%dma_start3A_555, %dma_start3A_556] : memref<320x128xf32, #tpu.memory_space<vmem>> -> memref<64x128xf32, #tpu.memory_space<vmem>>
      %dma_start3A_558 = arith.constant 0 : i32
      %dma_start3A_559 = tpu.memref_slice %arg14[%dma_start3A_554, %dma_start3A_558] : memref<5x64xi32, #tpu.memory_space<vmem>> -> memref<1x64xi32, #tpu.memory_space<vmem>>
      %dma_start3A_560 = tpu.memref_squeeze %dma_start3A_559 : memref<1x64xi32, #tpu.memory_space<vmem>> -> memref<64xi32, #tpu.memory_space<vmem>>
      %dma_start3A_561 = arith.constant 0 : i32
      %dma_start3A_562 = arith.constant 0 : i32
      %dma_start3A_563 = tpu.memref_slice %arg6[%dma_start3A_561, %dma_start3A_562] : memref<500000x128xf32, #tpu.memory_space<hbm>> -> memref<500000x128xf32, #tpu.memory_space<hbm>>
      tpu.enqueue_indirect_dma source(%dma_start3A_563 : memref<500000x128xf32, #tpu.memory_space<hbm>>) target(%dma_start3A_557 : memref<64x128xf32, #tpu.memory_space<vmem>>) offsets(%dma_start3A_560 : memref<64xi32, #tpu.memory_space<vmem>>) semaphore(%arg20 : memref<!tpu.dma_semaphore, #tpu.memory_space<semaphore_mem>>)
      %dma_start3A_564 = arith.constant 1 : i32
      %dma_start3A_565 = arith.constant 64 : i32
      %dma_start3A_566 = arith.constant 0 : i32
      %dma_start3A_567 = tpu.memref_slice %arg15[%dma_start3A_565, %dma_start3A_566] : memref<320x128xf32, #tpu.memory_space<vmem>> -> memref<64x128xf32, #tpu.memory_space<vmem>>
      %dma_start3A_568 = arith.constant 0 : i32
      %dma_start3A_569 = tpu.memref_slice %arg13[%dma_start3A_564, %dma_start3A_568] : memref<5x64xi32, #tpu.memory_space<vmem>> -> memref<1x64xi32, #tpu.memory_space<vmem>>
      %dma_start3A_570 = tpu.memref_squeeze %dma_start3A_569 : memref<1x64xi32, #tpu.memory_space<vmem>> -> memref<64xi32, #tpu.memory_space<vmem>>
      %dma_start3A_571 = arith.constant 0 : i32
      %dma_start3A_572 = arith.constant 0 : i32
      %dma_start3A_573 = tpu.memref_slice %arg5[%dma_start3A_571, %dma_start3A_572] : memref<500000x128xf32, #tpu.memory_space<hbm>> -> memref<500000x128xf32, #tpu.memory_space<hbm>>
      tpu.enqueue_indirect_dma source(%dma_start3A_573 : memref<500000x128xf32, #tpu.memory_space<hbm>>) target(%dma_start3A_567 : memref<64x128xf32, #tpu.memory_space<vmem>>) offsets(%dma_start3A_570 : memref<64xi32, #tpu.memory_space<vmem>>) semaphore(%arg20 : memref<!tpu.dma_semaphore, #tpu.memory_space<semaphore_mem>>)
      %dma_start3A_574 = arith.constant 1 : i32
      %dma_start3A_575 = arith.constant 64 : i32
      %dma_start3A_576 = arith.constant 0 : i32
      %dma_start3A_577 = tpu.memref_slice %arg16[%dma_start3A_575, %dma_start3A_576] : memref<320x128xf32, #tpu.memory_space<vmem>> -> memref<64x128xf32, #tpu.memory_space<vmem>>
      %dma_start3A_578 = arith.constant 0 : i32
      %dma_start3A_579 = tpu.memref_slice %arg14[%dma_start3A_574, %dma_start3A_578] : memref<5x64xi32, #tpu.memory_space<vmem>> -> memref<1x64xi32, #tpu.memory_space<vmem>>
      %dma_start3A_580 = tpu.memref_squeeze %dma_start3A_579 : memref<1x64xi32, #tpu.memory_space<vmem>> -> memref<64xi32, #tpu.memory_space<vmem>>
      %dma_start3A_581 = arith.constant 0 : i32
      %dma_start3A_582 = arith.constant 0 : i32
      %dma_start3A_583 = tpu.memref_slice %arg6[%dma_start3A_581, %dma_start3A_582] : memref<500000x128xf32, #tpu.memory_space<hbm>> -> memref<500000x128xf32, #tpu.memory_space<hbm>>
      tpu.enqueue_indirect_dma source(%dma_start3A_583 : memref<500000x128xf32, #tpu.memory_space<hbm>>) target(%dma_start3A_577 : memref<64x128xf32, #tpu.memory_space<vmem>>) offsets(%dma_start3A_580 : memref<64xi32, #tpu.memory_space<vmem>>) semaphore(%arg20 : memref<!tpu.dma_semaphore, #tpu.memory_space<semaphore_mem>>)
      %dma_start3A_584 = arith.constant 2 : i32
      %dma_start3A_585 = arith.constant 128 : i32
      %dma_start3A_586 = arith.constant 0 : i32
      %dma_start3A_587 = tpu.memref_slice %arg15[%dma_start3A_585, %dma_start3A_586] : memref<320x128xf32, #tpu.memory_space<vmem>> -> memref<64x128xf32, #tpu.memory_space<vmem>>
      %dma_start3A_588 = arith.constant 0 : i32
      %dma_start3A_589 = tpu.memref_slice %arg13[%dma_start3A_584, %dma_start3A_588] : memref<5x64xi32, #tpu.memory_space<vmem>> -> memref<1x64xi32, #tpu.memory_space<vmem>>
      %dma_start3A_590 = tpu.memref_squeeze %dma_start3A_589 : memref<1x64xi32, #tpu.memory_space<vmem>> -> memref<64xi32, #tpu.memory_space<vmem>>
      %dma_start3A_591 = arith.constant 0 : i32
      %dma_start3A_592 = arith.constant 0 : i32
      %dma_start3A_593 = tpu.memref_slice %arg5[%dma_start3A_591, %dma_start3A_592] : memref<500000x128xf32, #tpu.memory_space<hbm>> -> memref<500000x128xf32, #tpu.memory_space<hbm>>
      tpu.enqueue_indirect_dma source(%dma_start3A_593 : memref<500000x128xf32, #tpu.memory_space<hbm>>) target(%dma_start3A_587 : memref<64x128xf32, #tpu.memory_space<vmem>>) offsets(%dma_start3A_590 : memref<64xi32, #tpu.memory_space<vmem>>) semaphore(%arg20 : memref<!tpu.dma_semaphore, #tpu.memory_space<semaphore_mem>>)
      %dma_start3A_594 = arith.constant 2 : i32
      %dma_start3A_595 = arith.constant 128 : i32
      %dma_start3A_596 = arith.constant 0 : i32
      %dma_start3A_597 = tpu.memref_slice %arg16[%dma_start3A_595, %dma_start3A_596] : memref<320x128xf32, #tpu.memory_space<vmem>> -> memref<64x128xf32, #tpu.memory_space<vmem>>
      %dma_start3A_598 = arith.constant 0 : i32
      %dma_start3A_599 = tpu.memref_slice %arg14[%dma_start3A_594, %dma_start3A_598] : memref<5x64xi32, #tpu.memory_space<vmem>> -> memref<1x64xi32, #tpu.memory_space<vmem>>
      %dma_start3A_600 = tpu.memref_squeeze %dma_start3A_599 : memref<1x64xi32, #tpu.memory_space<vmem>> -> memref<64xi32, #tpu.memory_space<vmem>>
      %dma_start3A_601 = arith.constant 0 : i32
      %dma_start3A_602 = arith.constant 0 : i32
      %dma_start3A_603 = tpu.memref_slice %arg6[%dma_start3A_601, %dma_start3A_602] : memref<500000x128xf32, #tpu.memory_space<hbm>> -> memref<500000x128xf32, #tpu.memory_space<hbm>>
      tpu.enqueue_indirect_dma source(%dma_start3A_603 : memref<500000x128xf32, #tpu.memory_space<hbm>>) target(%dma_start3A_597 : memref<64x128xf32, #tpu.memory_space<vmem>>) offsets(%dma_start3A_600 : memref<64xi32, #tpu.memory_space<vmem>>) semaphore(%arg20 : memref<!tpu.dma_semaphore, #tpu.memory_space<semaphore_mem>>)
      %dma_start3A_604 = arith.constant 3 : i32
      %dma_start3A_605 = arith.constant 192 : i32
      %dma_start3A_606 = arith.constant 0 : i32
      %dma_start3A_607 = tpu.memref_slice %arg15[%dma_start3A_605, %dma_start3A_606] : memref<320x128xf32, #tpu.memory_space<vmem>> -> memref<64x128xf32, #tpu.memory_space<vmem>>
      %dma_start3A_608 = arith.constant 0 : i32
      %dma_start3A_609 = tpu.memref_slice %arg13[%dma_start3A_604, %dma_start3A_608] : memref<5x64xi32, #tpu.memory_space<vmem>> -> memref<1x64xi32, #tpu.memory_space<vmem>>
      %dma_start3A_610 = tpu.memref_squeeze %dma_start3A_609 : memref<1x64xi32, #tpu.memory_space<vmem>> -> memref<64xi32, #tpu.memory_space<vmem>>
      %dma_start3A_611 = arith.constant 0 : i32
      %dma_start3A_612 = arith.constant 0 : i32
      %dma_start3A_613 = tpu.memref_slice %arg5[%dma_start3A_611, %dma_start3A_612] : memref<500000x128xf32, #tpu.memory_space<hbm>> -> memref<500000x128xf32, #tpu.memory_space<hbm>>
      tpu.enqueue_indirect_dma source(%dma_start3A_613 : memref<500000x128xf32, #tpu.memory_space<hbm>>) target(%dma_start3A_607 : memref<64x128xf32, #tpu.memory_space<vmem>>) offsets(%dma_start3A_610 : memref<64xi32, #tpu.memory_space<vmem>>) semaphore(%arg20 : memref<!tpu.dma_semaphore, #tpu.memory_space<semaphore_mem>>)
      %dma_start3A_614 = arith.constant 3 : i32
      %dma_start3A_615 = arith.constant 192 : i32
      %dma_start3A_616 = arith.constant 0 : i32
      %dma_start3A_617 = tpu.memref_slice %arg16[%dma_start3A_615, %dma_start3A_616] : memref<320x128xf32, #tpu.memory_space<vmem>> -> memref<64x128xf32, #tpu.memory_space<vmem>>
      %dma_start3A_618 = arith.constant 0 : i32
      %dma_start3A_619 = tpu.memref_slice %arg14[%dma_start3A_614, %dma_start3A_618] : memref<5x64xi32, #tpu.memory_space<vmem>> -> memref<1x64xi32, #tpu.memory_space<vmem>>
      %dma_start3A_620 = tpu.memref_squeeze %dma_start3A_619 : memref<1x64xi32, #tpu.memory_space<vmem>> -> memref<64xi32, #tpu.memory_space<vmem>>
      %dma_start3A_621 = arith.constant 0 : i32
      %dma_start3A_622 = arith.constant 0 : i32
      %dma_start3A_623 = tpu.memref_slice %arg6[%dma_start3A_621, %dma_start3A_622] : memref<500000x128xf32, #tpu.memory_space<hbm>> -> memref<500000x128xf32, #tpu.memory_space<hbm>>
      tpu.enqueue_indirect_dma source(%dma_start3A_623 : memref<500000x128xf32, #tpu.memory_space<hbm>>) target(%dma_start3A_617 : memref<64x128xf32, #tpu.memory_space<vmem>>) offsets(%dma_start3A_620 : memref<64xi32, #tpu.memory_space<vmem>>) semaphore(%arg20 : memref<!tpu.dma_semaphore, #tpu.memory_space<semaphore_mem>>)
      %dma_start3A_624 = arith.constant 4 : i32
      %dma_start3A_625 = arith.constant 256 : i32
      %dma_start3A_626 = arith.constant 0 : i32
      %dma_start3A_627 = tpu.memref_slice %arg15[%dma_start3A_625, %dma_start3A_626] : memref<320x128xf32, #tpu.memory_space<vmem>> -> memref<64x128xf32, #tpu.memory_space<vmem>>
      %dma_start3A_628 = arith.constant 0 : i32
      %dma_start3A_629 = tpu.memref_slice %arg13[%dma_start3A_624, %dma_start3A_628] : memref<5x64xi32, #tpu.memory_space<vmem>> -> memref<1x64xi32, #tpu.memory_space<vmem>>
      %dma_start3A_630 = tpu.memref_squeeze %dma_start3A_629 : memref<1x64xi32, #tpu.memory_space<vmem>> -> memref<64xi32, #tpu.memory_space<vmem>>
      %dma_start3A_631 = arith.constant 0 : i32
      %dma_start3A_632 = arith.constant 0 : i32
      %dma_start3A_633 = tpu.memref_slice %arg5[%dma_start3A_631, %dma_start3A_632] : memref<500000x128xf32, #tpu.memory_space<hbm>> -> memref<500000x128xf32, #tpu.memory_space<hbm>>
      tpu.enqueue_indirect_dma source(%dma_start3A_633 : memref<500000x128xf32, #tpu.memory_space<hbm>>) target(%dma_start3A_627 : memref<64x128xf32, #tpu.memory_space<vmem>>) offsets(%dma_start3A_630 : memref<64xi32, #tpu.memory_space<vmem>>) semaphore(%arg20 : memref<!tpu.dma_semaphore, #tpu.memory_space<semaphore_mem>>)
      %dma_start3A_634 = arith.constant 4 : i32
      %dma_start3A_635 = arith.constant 256 : i32
      %dma_start3A_636 = arith.constant 0 : i32
      %dma_start3A_637 = tpu.memref_slice %arg16[%dma_start3A_635, %dma_start3A_636] : memref<320x128xf32, #tpu.memory_space<vmem>> -> memref<64x128xf32, #tpu.memory_space<vmem>>
      %dma_start3A_638 = arith.constant 0 : i32
      %dma_start3A_639 = tpu.memref_slice %arg14[%dma_start3A_634, %dma_start3A_638] : memref<5x64xi32, #tpu.memory_space<vmem>> -> memref<1x64xi32, #tpu.memory_space<vmem>>
      %dma_start3A_640 = tpu.memref_squeeze %dma_start3A_639 : memref<1x64xi32, #tpu.memory_space<vmem>> -> memref<64xi32, #tpu.memory_space<vmem>>
      %dma_start3A_641 = arith.constant 0 : i32
      %dma_start3A_642 = arith.constant 0 : i32
      %dma_start3A_643 = tpu.memref_slice %arg6[%dma_start3A_641, %dma_start3A_642] : memref<500000x128xf32, #tpu.memory_space<hbm>> -> memref<500000x128xf32, #tpu.memory_space<hbm>>
      tpu.enqueue_indirect_dma source(%dma_start3A_643 : memref<500000x128xf32, #tpu.memory_space<hbm>>) target(%dma_start3A_637 : memref<64x128xf32, #tpu.memory_space<vmem>>) offsets(%dma_start3A_640 : memref<64xi32, #tpu.memory_space<vmem>>) semaphore(%arg20 : memref<!tpu.dma_semaphore, #tpu.memory_space<semaphore_mem>>)
      %dma_start3A_644 = arith.constant 0 : i32
      %dma_start3A_645 = arith.constant 0 : i32
      %dma_start3A_646 = tpu.memref_slice %arg6[%dma_start3A_644, %dma_start3A_645] : memref<500000x128xf32, #tpu.memory_space<hbm>> -> memref<500000x128xf32, #tpu.memory_space<hbm>>
      tpu.enqueue_indirect_dma source(%dma_start3A_646 : memref<500000x128xf32, #tpu.memory_space<hbm>>) target(%arg17 : memref<16x128xf32, #tpu.memory_space<vmem>>) offsets(%arg12 : memref<16xi32, #tpu.memory_space<vmem>>) semaphore(%arg20 : memref<!tpu.dma_semaphore, #tpu.memory_space<semaphore_mem>>)
      %dma_wait3A = arith.constant 0 : i32
      %dma_wait3A_647 = arith.constant 0 : i32
      %dma_wait3A_648 = arith.constant 0 : i32
      %dma_wait3A_649 = tpu.memref_slice %arg15[%dma_wait3A_647, %dma_wait3A_648] : memref<320x128xf32, #tpu.memory_space<vmem>> -> memref<64x128xf32, #tpu.memory_space<vmem>>
      %dma_wait3A_650 = arith.constant 0 : i32
      %dma_wait3A_651 = tpu.memref_slice %arg13[%dma_wait3A, %dma_wait3A_650] : memref<5x64xi32, #tpu.memory_space<vmem>> -> memref<1x64xi32, #tpu.memory_space<vmem>>
      %dma_wait3A_652 = tpu.memref_squeeze %dma_wait3A_651 : memref<1x64xi32, #tpu.memory_space<vmem>> -> memref<64xi32, #tpu.memory_space<vmem>>
      %dma_wait3A_653 = arith.constant 0 : i32
      %dma_wait3A_654 = arith.constant 0 : i32
      %dma_wait3A_655 = tpu.memref_slice %arg5[%dma_wait3A_653, %dma_wait3A_654] : memref<500000x128xf32, #tpu.memory_space<hbm>> -> memref<500000x128xf32, #tpu.memory_space<hbm>>
      tpu.wait_indirect_dma semaphore(%arg20 : memref<!tpu.dma_semaphore, #tpu.memory_space<semaphore_mem>>) src(%dma_wait3A_655 : memref<500000x128xf32, #tpu.memory_space<hbm>>) dst(%dma_wait3A_649 : memref<64x128xf32, #tpu.memory_space<vmem>>)
      %dma_wait3A_656 = arith.constant 0 : i32
      %dma_wait3A_657 = arith.constant 0 : i32
      %dma_wait3A_658 = arith.constant 0 : i32
      %dma_wait3A_659 = tpu.memref_slice %arg16[%dma_wait3A_657, %dma_wait3A_658] : memref<320x128xf32, #tpu.memory_space<vmem>> -> memref<64x128xf32, #tpu.memory_space<vmem>>
      %dma_wait3A_660 = arith.constant 0 : i32
      %dma_wait3A_661 = tpu.memref_slice %arg14[%dma_wait3A_656, %dma_wait3A_660] : memref<5x64xi32, #tpu.memory_space<vmem>> -> memref<1x64xi32, #tpu.memory_space<vmem>>
      %dma_wait3A_662 = tpu.memref_squeeze %dma_wait3A_661 : memref<1x64xi32, #tpu.memory_space<vmem>> -> memref<64xi32, #tpu.memory_space<vmem>>
      %dma_wait3A_663 = arith.constant 0 : i32
      %dma_wait3A_664 = arith.constant 0 : i32
      %dma_wait3A_665 = tpu.memref_slice %arg6[%dma_wait3A_663, %dma_wait3A_664] : memref<500000x128xf32, #tpu.memory_space<hbm>> -> memref<500000x128xf32, #tpu.memory_space<hbm>>
      tpu.wait_indirect_dma semaphore(%arg20 : memref<!tpu.dma_semaphore, #tpu.memory_space<semaphore_mem>>) src(%dma_wait3A_665 : memref<500000x128xf32, #tpu.memory_space<hbm>>) dst(%dma_wait3A_659 : memref<64x128xf32, #tpu.memory_space<vmem>>)
      %dma_wait3A_666 = arith.constant 1 : i32
      %dma_wait3A_667 = arith.constant 64 : i32
      %dma_wait3A_668 = arith.constant 0 : i32
      %dma_wait3A_669 = tpu.memref_slice %arg15[%dma_wait3A_667, %dma_wait3A_668] : memref<320x128xf32, #tpu.memory_space<vmem>> -> memref<64x128xf32, #tpu.memory_space<vmem>>
      %dma_wait3A_670 = arith.constant 0 : i32
      %dma_wait3A_671 = tpu.memref_slice %arg13[%dma_wait3A_666, %dma_wait3A_670] : memref<5x64xi32, #tpu.memory_space<vmem>> -> memref<1x64xi32, #tpu.memory_space<vmem>>
      %dma_wait3A_672 = tpu.memref_squeeze %dma_wait3A_671 : memref<1x64xi32, #tpu.memory_space<vmem>> -> memref<64xi32, #tpu.memory_space<vmem>>
      %dma_wait3A_673 = arith.constant 0 : i32
      %dma_wait3A_674 = arith.constant 0 : i32
      %dma_wait3A_675 = tpu.memref_slice %arg5[%dma_wait3A_673, %dma_wait3A_674] : memref<500000x128xf32, #tpu.memory_space<hbm>> -> memref<500000x128xf32, #tpu.memory_space<hbm>>
      tpu.wait_indirect_dma semaphore(%arg20 : memref<!tpu.dma_semaphore, #tpu.memory_space<semaphore_mem>>) src(%dma_wait3A_675 : memref<500000x128xf32, #tpu.memory_space<hbm>>) dst(%dma_wait3A_669 : memref<64x128xf32, #tpu.memory_space<vmem>>)
      %dma_wait3A_676 = arith.constant 1 : i32
      %dma_wait3A_677 = arith.constant 64 : i32
      %dma_wait3A_678 = arith.constant 0 : i32
      %dma_wait3A_679 = tpu.memref_slice %arg16[%dma_wait3A_677, %dma_wait3A_678] : memref<320x128xf32, #tpu.memory_space<vmem>> -> memref<64x128xf32, #tpu.memory_space<vmem>>
      %dma_wait3A_680 = arith.constant 0 : i32
      %dma_wait3A_681 = tpu.memref_slice %arg14[%dma_wait3A_676, %dma_wait3A_680] : memref<5x64xi32, #tpu.memory_space<vmem>> -> memref<1x64xi32, #tpu.memory_space<vmem>>
      %dma_wait3A_682 = tpu.memref_squeeze %dma_wait3A_681 : memref<1x64xi32, #tpu.memory_space<vmem>> -> memref<64xi32, #tpu.memory_space<vmem>>
      %dma_wait3A_683 = arith.constant 0 : i32
      %dma_wait3A_684 = arith.constant 0 : i32
      %dma_wait3A_685 = tpu.memref_slice %arg6[%dma_wait3A_683, %dma_wait3A_684] : memref<500000x128xf32, #tpu.memory_space<hbm>> -> memref<500000x128xf32, #tpu.memory_space<hbm>>
      tpu.wait_indirect_dma semaphore(%arg20 : memref<!tpu.dma_semaphore, #tpu.memory_space<semaphore_mem>>) src(%dma_wait3A_685 : memref<500000x128xf32, #tpu.memory_space<hbm>>) dst(%dma_wait3A_679 : memref<64x128xf32, #tpu.memory_space<vmem>>)
      %dma_wait3A_686 = arith.constant 2 : i32
      %dma_wait3A_687 = arith.constant 128 : i32
      %dma_wait3A_688 = arith.constant 0 : i32
      %dma_wait3A_689 = tpu.memref_slice %arg15[%dma_wait3A_687, %dma_wait3A_688] : memref<320x128xf32, #tpu.memory_space<vmem>> -> memref<64x128xf32, #tpu.memory_space<vmem>>
      %dma_wait3A_690 = arith.constant 0 : i32
      %dma_wait3A_691 = tpu.memref_slice %arg13[%dma_wait3A_686, %dma_wait3A_690] : memref<5x64xi32, #tpu.memory_space<vmem>> -> memref<1x64xi32, #tpu.memory_space<vmem>>
      %dma_wait3A_692 = tpu.memref_squeeze %dma_wait3A_691 : memref<1x64xi32, #tpu.memory_space<vmem>> -> memref<64xi32, #tpu.memory_space<vmem>>
      %dma_wait3A_693 = arith.constant 0 : i32
      %dma_wait3A_694 = arith.constant 0 : i32
      %dma_wait3A_695 = tpu.memref_slice %arg5[%dma_wait3A_693, %dma_wait3A_694] : memref<500000x128xf32, #tpu.memory_space<hbm>> -> memref<500000x128xf32, #tpu.memory_space<hbm>>
      tpu.wait_indirect_dma semaphore(%arg20 : memref<!tpu.dma_semaphore, #tpu.memory_space<semaphore_mem>>) src(%dma_wait3A_695 : memref<500000x128xf32, #tpu.memory_space<hbm>>) dst(%dma_wait3A_689 : memref<64x128xf32, #tpu.memory_space<vmem>>)
      %dma_wait3A_696 = arith.constant 2 : i32
      %dma_wait3A_697 = arith.constant 128 : i32
      %dma_wait3A_698 = arith.constant 0 : i32
      %dma_wait3A_699 = tpu.memref_slice %arg16[%dma_wait3A_697, %dma_wait3A_698] : memref<320x128xf32, #tpu.memory_space<vmem>> -> memref<64x128xf32, #tpu.memory_space<vmem>>
      %dma_wait3A_700 = arith.constant 0 : i32
      %dma_wait3A_701 = tpu.memref_slice %arg14[%dma_wait3A_696, %dma_wait3A_700] : memref<5x64xi32, #tpu.memory_space<vmem>> -> memref<1x64xi32, #tpu.memory_space<vmem>>
      %dma_wait3A_702 = tpu.memref_squeeze %dma_wait3A_701 : memref<1x64xi32, #tpu.memory_space<vmem>> -> memref<64xi32, #tpu.memory_space<vmem>>
      %dma_wait3A_703 = arith.constant 0 : i32
      %dma_wait3A_704 = arith.constant 0 : i32
      %dma_wait3A_705 = tpu.memref_slice %arg6[%dma_wait3A_703, %dma_wait3A_704] : memref<500000x128xf32, #tpu.memory_space<hbm>> -> memref<500000x128xf32, #tpu.memory_space<hbm>>
      tpu.wait_indirect_dma semaphore(%arg20 : memref<!tpu.dma_semaphore, #tpu.memory_space<semaphore_mem>>) src(%dma_wait3A_705 : memref<500000x128xf32, #tpu.memory_space<hbm>>) dst(%dma_wait3A_699 : memref<64x128xf32, #tpu.memory_space<vmem>>)
      %dma_wait3A_706 = arith.constant 3 : i32
      %dma_wait3A_707 = arith.constant 192 : i32
      %dma_wait3A_708 = arith.constant 0 : i32
      %dma_wait3A_709 = tpu.memref_slice %arg15[%dma_wait3A_707, %dma_wait3A_708] : memref<320x128xf32, #tpu.memory_space<vmem>> -> memref<64x128xf32, #tpu.memory_space<vmem>>
      %dma_wait3A_710 = arith.constant 0 : i32
      %dma_wait3A_711 = tpu.memref_slice %arg13[%dma_wait3A_706, %dma_wait3A_710] : memref<5x64xi32, #tpu.memory_space<vmem>> -> memref<1x64xi32, #tpu.memory_space<vmem>>
      %dma_wait3A_712 = tpu.memref_squeeze %dma_wait3A_711 : memref<1x64xi32, #tpu.memory_space<vmem>> -> memref<64xi32, #tpu.memory_space<vmem>>
      %dma_wait3A_713 = arith.constant 0 : i32
      %dma_wait3A_714 = arith.constant 0 : i32
      %dma_wait3A_715 = tpu.memref_slice %arg5[%dma_wait3A_713, %dma_wait3A_714] : memref<500000x128xf32, #tpu.memory_space<hbm>> -> memref<500000x128xf32, #tpu.memory_space<hbm>>
      tpu.wait_indirect_dma semaphore(%arg20 : memref<!tpu.dma_semaphore, #tpu.memory_space<semaphore_mem>>) src(%dma_wait3A_715 : memref<500000x128xf32, #tpu.memory_space<hbm>>) dst(%dma_wait3A_709 : memref<64x128xf32, #tpu.memory_space<vmem>>)
      %dma_wait3A_716 = arith.constant 3 : i32
      %dma_wait3A_717 = arith.constant 192 : i32
      %dma_wait3A_718 = arith.constant 0 : i32
      %dma_wait3A_719 = tpu.memref_slice %arg16[%dma_wait3A_717, %dma_wait3A_718] : memref<320x128xf32, #tpu.memory_space<vmem>> -> memref<64x128xf32, #tpu.memory_space<vmem>>
      %dma_wait3A_720 = arith.constant 0 : i32
      %dma_wait3A_721 = tpu.memref_slice %arg14[%dma_wait3A_716, %dma_wait3A_720] : memref<5x64xi32, #tpu.memory_space<vmem>> -> memref<1x64xi32, #tpu.memory_space<vmem>>
      %dma_wait3A_722 = tpu.memref_squeeze %dma_wait3A_721 : memref<1x64xi32, #tpu.memory_space<vmem>> -> memref<64xi32, #tpu.memory_space<vmem>>
      %dma_wait3A_723 = arith.constant 0 : i32
      %dma_wait3A_724 = arith.constant 0 : i32
      %dma_wait3A_725 = tpu.memref_slice %arg6[%dma_wait3A_723, %dma_wait3A_724] : memref<500000x128xf32, #tpu.memory_space<hbm>> -> memref<500000x128xf32, #tpu.memory_space<hbm>>
      tpu.wait_indirect_dma semaphore(%arg20 : memref<!tpu.dma_semaphore, #tpu.memory_space<semaphore_mem>>) src(%dma_wait3A_725 : memref<500000x128xf32, #tpu.memory_space<hbm>>) dst(%dma_wait3A_719 : memref<64x128xf32, #tpu.memory_space<vmem>>)
      %dma_wait3A_726 = arith.constant 4 : i32
      %dma_wait3A_727 = arith.constant 256 : i32
      %dma_wait3A_728 = arith.constant 0 : i32
      %dma_wait3A_729 = tpu.memref_slice %arg15[%dma_wait3A_727, %dma_wait3A_728] : memref<320x128xf32, #tpu.memory_space<vmem>> -> memref<64x128xf32, #tpu.memory_space<vmem>>
      %dma_wait3A_730 = arith.constant 0 : i32
      %dma_wait3A_731 = tpu.memref_slice %arg13[%dma_wait3A_726, %dma_wait3A_730] : memref<5x64xi32, #tpu.memory_space<vmem>> -> memref<1x64xi32, #tpu.memory_space<vmem>>
      %dma_wait3A_732 = tpu.memref_squeeze %dma_wait3A_731 : memref<1x64xi32, #tpu.memory_space<vmem>> -> memref<64xi32, #tpu.memory_space<vmem>>
      %dma_wait3A_733 = arith.constant 0 : i32
      %dma_wait3A_734 = arith.constant 0 : i32
      %dma_wait3A_735 = tpu.memref_slice %arg5[%dma_wait3A_733, %dma_wait3A_734] : memref<500000x128xf32, #tpu.memory_space<hbm>> -> memref<500000x128xf32, #tpu.memory_space<hbm>>
      tpu.wait_indirect_dma semaphore(%arg20 : memref<!tpu.dma_semaphore, #tpu.memory_space<semaphore_mem>>) src(%dma_wait3A_735 : memref<500000x128xf32, #tpu.memory_space<hbm>>) dst(%dma_wait3A_729 : memref<64x128xf32, #tpu.memory_space<vmem>>)
      %dma_wait3A_736 = arith.constant 4 : i32
      %dma_wait3A_737 = arith.constant 256 : i32
      %dma_wait3A_738 = arith.constant 0 : i32
      %dma_wait3A_739 = tpu.memref_slice %arg16[%dma_wait3A_737, %dma_wait3A_738] : memref<320x128xf32, #tpu.memory_space<vmem>> -> memref<64x128xf32, #tpu.memory_space<vmem>>
      %dma_wait3A_740 = arith.constant 0 : i32
      %dma_wait3A_741 = tpu.memref_slice %arg14[%dma_wait3A_736, %dma_wait3A_740] : memref<5x64xi32, #tpu.memory_space<vmem>> -> memref<1x64xi32, #tpu.memory_space<vmem>>
      %dma_wait3A_742 = tpu.memref_squeeze %dma_wait3A_741 : memref<1x64xi32, #tpu.memory_space<vmem>> -> memref<64xi32, #tpu.memory_space<vmem>>
      %dma_wait3A_743 = arith.constant 0 : i32
      %dma_wait3A_744 = arith.constant 0 : i32
      %dma_wait3A_745 = tpu.memref_slice %arg6[%dma_wait3A_743, %dma_wait3A_744] : memref<500000x128xf32, #tpu.memory_space<hbm>> -> memref<500000x128xf32, #tpu.memory_space<hbm>>
      tpu.wait_indirect_dma semaphore(%arg20 : memref<!tpu.dma_semaphore, #tpu.memory_space<semaphore_mem>>) src(%dma_wait3A_745 : memref<500000x128xf32, #tpu.memory_space<hbm>>) dst(%dma_wait3A_739 : memref<64x128xf32, #tpu.memory_space<vmem>>)
      %dma_wait3A_746 = arith.constant 0 : i32
      %dma_wait3A_747 = arith.constant 0 : i32
      %dma_wait3A_748 = tpu.memref_slice %arg6[%dma_wait3A_746, %dma_wait3A_747] : memref<500000x128xf32, #tpu.memory_space<hbm>> -> memref<500000x128xf32, #tpu.memory_space<hbm>>
      tpu.wait_indirect_dma semaphore(%arg20 : memref<!tpu.dma_semaphore, #tpu.memory_space<semaphore_mem>>) src(%dma_wait3A_748 : memref<500000x128xf32, #tpu.memory_space<hbm>>) dst(%arg17 : memref<16x128xf32, #tpu.memory_space<vmem>>)
      %broadcast_in_dim3A = arith.constant 0.000000e+00 : f32
      %broadcast_in_dim3A_749 = vector.broadcast %broadcast_in_dim3A : f32 to vector<16xf32>
      %scan3A_750 = arith.constant 0 : i32
      %scan3A_751 = arith.constant 16 : i32
      %scan3A_752 = arith.addi %scan3A_750, %scan3A_751 : i32
      %scan3A_753 = arith.constant 1 : i32
      %scan3A_754:21 = scf.for %scan3A_880 = %scan3A_750 to %scan3A_752 step %scan3A_753 iter_args(%scan3A_881 = %broadcast_in_dim3A_749, %scan3A_882 = %broadcast_in_dim3A_749, %scan3A_883 = %broadcast_in_dim3A_749, %scan3A_884 = %broadcast_in_dim3A_749, %scan3A_885 = %broadcast_in_dim3A_749, %scan3A_886 = %broadcast_in_dim3A_749, %scan3A_887 = %broadcast_in_dim3A_749, %scan3A_888 = %broadcast_in_dim3A_749, %scan3A_889 = %broadcast_in_dim3A_749, %scan3A_890 = %broadcast_in_dim3A_749, %scan3A_891 = %broadcast_in_dim3A_749, %scan3A_892 = %broadcast_in_dim3A_749, %scan3A_893 = %broadcast_in_dim3A_749, %scan3A_894 = %broadcast_in_dim3A_749, %scan3A_895 = %broadcast_in_dim3A_749, %scan3A_896 = %broadcast_in_dim3A_749, %scan3A_897 = %broadcast_in_dim3A_749, %scan3A_898 = %broadcast_in_dim3A_749, %scan3A_899 = %broadcast_in_dim3A_749, %scan3A_900 = %broadcast_in_dim3A_749, %scan3A_901 = %broadcast_in_dim3A_749) -> (vector<16xf32>, vector<16xf32>, vector<16xf32>, vector<16xf32>, vector<16xf32>, vector<16xf32>, vector<16xf32>, vector<16xf32>, vector<16xf32>, vector<16xf32>, vector<16xf32>, vector<16xf32>, vector<16xf32>, vector<16xf32>, vector<16xf32>, vector<16xf32>, vector<16xf32>, vector<16xf32>, vector<16xf32>, vector<16xf32>, vector<16xf32>)  : i32 {
        %eq3A = vector.broadcast %scan3A_880 : i32 to vector<16xi32>
        %eq3A_902 = arith.cmpi eq, %iota3A, %eq3A : vector<16xi32>
        %broadcast_in_dim3A_903 = arith.constant 0 : i32
        %broadcast_in_dim3A_904 = vector.broadcast %broadcast_in_dim3A_903 : i32 to vector<16xi32>
        %mul3A_905 = arith.constant 16 : i32
        %mul3A_906 = arith.muli %scan3A_18, %mul3A_905 : i32
        %get3A_907 = arith.constant 0 : i32
        %get3A_908 = arith.index_cast %get3A_907 : i32 to index
        %get3A_909 = arith.index_cast %mul3A_906 : i32 to index
        %get3A_910 = tpu.vector_load %arg10[%get3A_908, %get3A_909] {strides = array<i32>} : memref<20x512xi32, #tpu.memory_space<vmem>>, vector<16xi32>,
        %select_n3A = arith.select %eq3A_902, %get3A_910, %broadcast_in_dim3A_904 : vector<16xi1>, vector<16xi32>
        %reduce_sum3A = arith.constant true
        %reduce_sum3A_911 = vector.broadcast %reduce_sum3A : i1 to vector<16xi1>
        %reduce_sum3A_912 = tpu.scan <sum>, %select_n3A masked %reduce_sum3A_911 : vector<16xi32>, vector<16xi1> -> vector<16xi32>
        %reduce_sum3A_913 = vector.extract %reduce_sum3A_912[15] : i32 from vector<16xi32>
        %and3A = arith.constant 1 : i32
        %and3A_914 = arith.andi %reduce_sum3A_913, %and3A : i32
        %mul3A_915 = arith.constant 64 : i32
        %mul3A_916 = arith.muli %and3A_914, %mul3A_915 : i32
        %mul3A_917 = arith.constant 16 : i32
        %mul3A_918 = arith.muli %scan3A_18, %mul3A_917 : i32
        %get3A_919 = arith.constant 1 : i32
        %get3A_920 = arith.index_cast %get3A_919 : i32 to index
        %get3A_921 = arith.index_cast %mul3A_918 : i32 to index
        %get3A_922 = tpu.vector_load %arg10[%get3A_920, %get3A_921] {strides = array<i32>} : memref<20x512xi32, #tpu.memory_space<vmem>>, vector<16xi32>,
        %select_n3A_923 = arith.select %eq3A_902, %get3A_922, %broadcast_in_dim3A_904 : vector<16xi1>, vector<16xi32>
        %reduce_sum3A_924 = arith.constant true
        %reduce_sum3A_925 = vector.broadcast %reduce_sum3A_924 : i1 to vector<16xi1>
        %reduce_sum3A_926 = tpu.scan <sum>, %select_n3A_923 masked %reduce_sum3A_925 : vector<16xi32>, vector<16xi1> -> vector<16xi32>
        %reduce_sum3A_927 = vector.extract %reduce_sum3A_926[15] : i32 from vector<16xi32>
        %and3A_928 = arith.constant 1 : i32
        %and3A_929 = arith.andi %reduce_sum3A_927, %and3A_928 : i32
        %mul3A_930 = arith.constant 64 : i32
        %mul3A_931 = arith.muli %and3A_929, %mul3A_930 : i32
        %mul3A_932 = arith.constant 16 : i32
        %mul3A_933 = arith.muli %scan3A_18, %mul3A_932 : i32
        %get3A_934 = arith.constant 2 : i32
        %get3A_935 = arith.index_cast %get3A_934 : i32 to index
        %get3A_936 = arith.index_cast %mul3A_933 : i32 to index
        %get3A_937 = tpu.vector_load %arg10[%get3A_935, %get3A_936] {strides = array<i32>} : memref<20x512xi32, #tpu.memory_space<vmem>>, vector<16xi32>,
        %select_n3A_938 = arith.select %eq3A_902, %get3A_937, %broadcast_in_dim3A_904 : vector<16xi1>, vector<16xi32>
        %reduce_sum3A_939 = arith.constant true
        %reduce_sum3A_940 = vector.broadcast %reduce_sum3A_939 : i1 to vector<16xi1>
        %reduce_sum3A_941 = tpu.scan <sum>, %select_n3A_938 masked %reduce_sum3A_940 : vector<16xi32>, vector<16xi1> -> vector<16xi32>
        %reduce_sum3A_942 = vector.extract %reduce_sum3A_941[15] : i32 from vector<16xi32>
        %and3A_943 = arith.constant 1 : i32
        %and3A_944 = arith.andi %reduce_sum3A_942, %and3A_943 : i32
        %mul3A_945 = arith.constant 64 : i32
        %mul3A_946 = arith.muli %and3A_944, %mul3A_945 : i32
        %mul3A_947 = arith.constant 16 : i32
        %mul3A_948 = arith.muli %scan3A_18, %mul3A_947 : i32
        %get3A_949 = arith.constant 3 : i32
        %get3A_950 = arith.index_cast %get3A_949 : i32 to index
        %get3A_951 = arith.index_cast %mul3A_948 : i32 to index
        %get3A_952 = tpu.vector_load %arg10[%get3A_950, %get3A_951] {strides = array<i32>} : memref<20x512xi32, #tpu.memory_space<vmem>>, vector<16xi32>,
        %select_n3A_953 = arith.select %eq3A_902, %get3A_952, %broadcast_in_dim3A_904 : vector<16xi1>, vector<16xi32>
        %reduce_sum3A_954 = arith.constant true
        %reduce_sum3A_955 = vector.broadcast %reduce_sum3A_954 : i1 to vector<16xi1>
        %reduce_sum3A_956 = tpu.scan <sum>, %select_n3A_953 masked %reduce_sum3A_955 : vector<16xi32>, vector<16xi1> -> vector<16xi32>
        %reduce_sum3A_957 = vector.extract %reduce_sum3A_956[15] : i32 from vector<16xi32>
        %and3A_958 = arith.constant 1 : i32
        %and3A_959 = arith.andi %reduce_sum3A_957, %and3A_958 : i32
        %mul3A_960 = arith.constant 64 : i32
        %mul3A_961 = arith.muli %and3A_959, %mul3A_960 : i32
        %mul3A_962 = arith.constant 16 : i32
        %mul3A_963 = arith.muli %scan3A_18, %mul3A_962 : i32
        %get3A_964 = arith.constant 4 : i32
        %get3A_965 = arith.index_cast %get3A_964 : i32 to index
        %get3A_966 = arith.index_cast %mul3A_963 : i32 to index
        %get3A_967 = tpu.vector_load %arg10[%get3A_965, %get3A_966] {strides = array<i32>} : memref<20x512xi32, #tpu.memory_space<vmem>>, vector<16xi32>,
        %select_n3A_968 = arith.select %eq3A_902, %get3A_967, %broadcast_in_dim3A_904 : vector<16xi1>, vector<16xi32>
        %reduce_sum3A_969 = arith.constant true
        %reduce_sum3A_970 = vector.broadcast %reduce_sum3A_969 : i1 to vector<16xi1>
        %reduce_sum3A_971 = tpu.scan <sum>, %select_n3A_968 masked %reduce_sum3A_970 : vector<16xi32>, vector<16xi1> -> vector<16xi32>
        %reduce_sum3A_972 = vector.extract %reduce_sum3A_971[15] : i32 from vector<16xi32>
        %and3A_973 = arith.constant 1 : i32
        %and3A_974 = arith.andi %reduce_sum3A_972, %and3A_973 : i32
        %mul3A_975 = arith.constant 64 : i32
        %mul3A_976 = arith.muli %and3A_974, %mul3A_975 : i32
        %mul3A_977 = arith.constant 16 : i32
        %mul3A_978 = arith.muli %scan3A_18, %mul3A_977 : i32
        %get3A_979 = arith.constant 5 : i32
        %get3A_980 = arith.index_cast %get3A_979 : i32 to index
        %get3A_981 = arith.index_cast %mul3A_978 : i32 to index
        %get3A_982 = tpu.vector_load %arg10[%get3A_980, %get3A_981] {strides = array<i32>} : memref<20x512xi32, #tpu.memory_space<vmem>>, vector<16xi32>,
        %select_n3A_983 = arith.select %eq3A_902, %get3A_982, %broadcast_in_dim3A_904 : vector<16xi1>, vector<16xi32>
        %reduce_sum3A_984 = arith.constant true
        %reduce_sum3A_985 = vector.broadcast %reduce_sum3A_984 : i1 to vector<16xi1>
        %reduce_sum3A_986 = tpu.scan <sum>, %select_n3A_983 masked %reduce_sum3A_985 : vector<16xi32>, vector<16xi1> -> vector<16xi32>
        %reduce_sum3A_987 = vector.extract %reduce_sum3A_986[15] : i32 from vector<16xi32>
        %and3A_988 = arith.constant 1 : i32
        %and3A_989 = arith.andi %reduce_sum3A_987, %and3A_988 : i32
        %mul3A_990 = arith.constant 64 : i32
        %mul3A_991 = arith.muli %and3A_989, %mul3A_990 : i32
        %mul3A_992 = arith.constant 16 : i32
        %mul3A_993 = arith.muli %scan3A_18, %mul3A_992 : i32
        %get3A_994 = arith.constant 6 : i32
        %get3A_995 = arith.index_cast %get3A_994 : i32 to index
        %get3A_996 = arith.index_cast %mul3A_993 : i32 to index
        %get3A_997 = tpu.vector_load %arg10[%get3A_995, %get3A_996] {strides = array<i32>} : memref<20x512xi32, #tpu.memory_space<vmem>>, vector<16xi32>,
        %select_n3A_998 = arith.select %eq3A_902, %get3A_997, %broadcast_in_dim3A_904 : vector<16xi1>, vector<16xi32>
        %reduce_sum3A_999 = arith.constant true
        %reduce_sum3A_1000 = vector.broadcast %reduce_sum3A_999 : i1 to vector<16xi1>
        %reduce_sum3A_1001 = tpu.scan <sum>, %select_n3A_998 masked %reduce_sum3A_1000 : vector<16xi32>, vector<16xi1> -> vector<16xi32>
        %reduce_sum3A_1002 = vector.extract %reduce_sum3A_1001[15] : i32 from vector<16xi32>
        %and3A_1003 = arith.constant 1 : i32
        %and3A_1004 = arith.andi %reduce_sum3A_1002, %and3A_1003 : i32
        %mul3A_1005 = arith.constant 64 : i32
        %mul3A_1006 = arith.muli %and3A_1004, %mul3A_1005 : i32
        %mul3A_1007 = arith.constant 16 : i32
        %mul3A_1008 = arith.muli %scan3A_18, %mul3A_1007 : i32
        %get3A_1009 = arith.constant 7 : i32
        %get3A_1010 = arith.index_cast %get3A_1009 : i32 to index
        %get3A_1011 = arith.index_cast %mul3A_1008 : i32 to index
        %get3A_1012 = tpu.vector_load %arg10[%get3A_1010, %get3A_1011] {strides = array<i32>} : memref<20x512xi32, #tpu.memory_space<vmem>>, vector<16xi32>,
        %select_n3A_1013 = arith.select %eq3A_902, %get3A_1012, %broadcast_in_dim3A_904 : vector<16xi1>, vector<16xi32>
        %reduce_sum3A_1014 = arith.constant true
        %reduce_sum3A_1015 = vector.broadcast %reduce_sum3A_1014 : i1 to vector<16xi1>
        %reduce_sum3A_1016 = tpu.scan <sum>, %select_n3A_1013 masked %reduce_sum3A_1015 : vector<16xi32>, vector<16xi1> -> vector<16xi32>
        %reduce_sum3A_1017 = vector.extract %reduce_sum3A_1016[15] : i32 from vector<16xi32>
        %and3A_1018 = arith.constant 1 : i32
        %and3A_1019 = arith.andi %reduce_sum3A_1017, %and3A_1018 : i32
        %mul3A_1020 = arith.constant 64 : i32
        %mul3A_1021 = arith.muli %and3A_1019, %mul3A_1020 : i32
        %mul3A_1022 = arith.constant 16 : i32
        %mul3A_1023 = arith.muli %scan3A_18, %mul3A_1022 : i32
        %get3A_1024 = arith.constant 8 : i32
        %get3A_1025 = arith.index_cast %get3A_1024 : i32 to index
        %get3A_1026 = arith.index_cast %mul3A_1023 : i32 to index
        %get3A_1027 = tpu.vector_load %arg10[%get3A_1025, %get3A_1026] {strides = array<i32>} : memref<20x512xi32, #tpu.memory_space<vmem>>, vector<16xi32>,
        %select_n3A_1028 = arith.select %eq3A_902, %get3A_1027, %broadcast_in_dim3A_904 : vector<16xi1>, vector<16xi32>
        %reduce_sum3A_1029 = arith.constant true
        %reduce_sum3A_1030 = vector.broadcast %reduce_sum3A_1029 : i1 to vector<16xi1>
        %reduce_sum3A_1031 = tpu.scan <sum>, %select_n3A_1028 masked %reduce_sum3A_1030 : vector<16xi32>, vector<16xi1> -> vector<16xi32>
        %reduce_sum3A_1032 = vector.extract %reduce_sum3A_1031[15] : i32 from vector<16xi32>
        %and3A_1033 = arith.constant 1 : i32
        %and3A_1034 = arith.andi %reduce_sum3A_1032, %and3A_1033 : i32
        %mul3A_1035 = arith.constant 64 : i32
        %mul3A_1036 = arith.muli %and3A_1034, %mul3A_1035 : i32
        %mul3A_1037 = arith.constant 16 : i32
        %mul3A_1038 = arith.muli %scan3A_18, %mul3A_1037 : i32
        %get3A_1039 = arith.constant 9 : i32
        %get3A_1040 = arith.index_cast %get3A_1039 : i32 to index
        %get3A_1041 = arith.index_cast %mul3A_1038 : i32 to index
        %get3A_1042 = tpu.vector_load %arg10[%get3A_1040, %get3A_1041] {strides = array<i32>} : memref<20x512xi32, #tpu.memory_space<vmem>>, vector<16xi32>,
        %select_n3A_1043 = arith.select %eq3A_902, %get3A_1042, %broadcast_in_dim3A_904 : vector<16xi1>, vector<16xi32>
        %reduce_sum3A_1044 = arith.constant true
        %reduce_sum3A_1045 = vector.broadcast %reduce_sum3A_1044 : i1 to vector<16xi1>
        %reduce_sum3A_1046 = tpu.scan <sum>, %select_n3A_1043 masked %reduce_sum3A_1045 : vector<16xi32>, vector<16xi1> -> vector<16xi32>
        %reduce_sum3A_1047 = vector.extract %reduce_sum3A_1046[15] : i32 from vector<16xi32>
        %and3A_1048 = arith.constant 1 : i32
        %and3A_1049 = arith.andi %reduce_sum3A_1047, %and3A_1048 : i32
        %mul3A_1050 = arith.constant 64 : i32
        %mul3A_1051 = arith.muli %and3A_1049, %mul3A_1050 : i32
        %mul3A_1052 = arith.constant 16 : i32
        %mul3A_1053 = arith.muli %scan3A_18, %mul3A_1052 : i32
        %get3A_1054 = arith.constant 10 : i32
        %get3A_1055 = arith.index_cast %get3A_1054 : i32 to index
        %get3A_1056 = arith.index_cast %mul3A_1053 : i32 to index
        %get3A_1057 = tpu.vector_load %arg10[%get3A_1055, %get3A_1056] {strides = array<i32>} : memref<20x512xi32, #tpu.memory_space<vmem>>, vector<16xi32>,
        %select_n3A_1058 = arith.select %eq3A_902, %get3A_1057, %broadcast_in_dim3A_904 : vector<16xi1>, vector<16xi32>
        %reduce_sum3A_1059 = arith.constant true
        %reduce_sum3A_1060 = vector.broadcast %reduce_sum3A_1059 : i1 to vector<16xi1>
        %reduce_sum3A_1061 = tpu.scan <sum>, %select_n3A_1058 masked %reduce_sum3A_1060 : vector<16xi32>, vector<16xi1> -> vector<16xi32>
        %reduce_sum3A_1062 = vector.extract %reduce_sum3A_1061[15] : i32 from vector<16xi32>
        %and3A_1063 = arith.constant 1 : i32
        %and3A_1064 = arith.andi %reduce_sum3A_1062, %and3A_1063 : i32
        %mul3A_1065 = arith.constant 64 : i32
        %mul3A_1066 = arith.muli %and3A_1064, %mul3A_1065 : i32
        %mul3A_1067 = arith.constant 16 : i32
        %mul3A_1068 = arith.muli %scan3A_18, %mul3A_1067 : i32
        %get3A_1069 = arith.constant 11 : i32
        %get3A_1070 = arith.index_cast %get3A_1069 : i32 to index
        %get3A_1071 = arith.index_cast %mul3A_1068 : i32 to index
        %get3A_1072 = tpu.vector_load %arg10[%get3A_1070, %get3A_1071] {strides = array<i32>} : memref<20x512xi32, #tpu.memory_space<vmem>>, vector<16xi32>,
        %select_n3A_1073 = arith.select %eq3A_902, %get3A_1072, %broadcast_in_dim3A_904 : vector<16xi1>, vector<16xi32>
        %reduce_sum3A_1074 = arith.constant true
        %reduce_sum3A_1075 = vector.broadcast %reduce_sum3A_1074 : i1 to vector<16xi1>
        %reduce_sum3A_1076 = tpu.scan <sum>, %select_n3A_1073 masked %reduce_sum3A_1075 : vector<16xi32>, vector<16xi1> -> vector<16xi32>
        %reduce_sum3A_1077 = vector.extract %reduce_sum3A_1076[15] : i32 from vector<16xi32>
        %and3A_1078 = arith.constant 1 : i32
        %and3A_1079 = arith.andi %reduce_sum3A_1077, %and3A_1078 : i32
        %mul3A_1080 = arith.constant 64 : i32
        %mul3A_1081 = arith.muli %and3A_1079, %mul3A_1080 : i32
        %mul3A_1082 = arith.constant 16 : i32
        %mul3A_1083 = arith.muli %scan3A_18, %mul3A_1082 : i32
        %get3A_1084 = arith.constant 12 : i32
        %get3A_1085 = arith.index_cast %get3A_1084 : i32 to index
        %get3A_1086 = arith.index_cast %mul3A_1083 : i32 to index
        %get3A_1087 = tpu.vector_load %arg10[%get3A_1085, %get3A_1086] {strides = array<i32>} : memref<20x512xi32, #tpu.memory_space<vmem>>, vector<16xi32>,
        %select_n3A_1088 = arith.select %eq3A_902, %get3A_1087, %broadcast_in_dim3A_904 : vector<16xi1>, vector<16xi32>
        %reduce_sum3A_1089 = arith.constant true
        %reduce_sum3A_1090 = vector.broadcast %reduce_sum3A_1089 : i1 to vector<16xi1>
        %reduce_sum3A_1091 = tpu.scan <sum>, %select_n3A_1088 masked %reduce_sum3A_1090 : vector<16xi32>, vector<16xi1> -> vector<16xi32>
        %reduce_sum3A_1092 = vector.extract %reduce_sum3A_1091[15] : i32 from vector<16xi32>
        %and3A_1093 = arith.constant 1 : i32
        %and3A_1094 = arith.andi %reduce_sum3A_1092, %and3A_1093 : i32
        %mul3A_1095 = arith.constant 64 : i32
        %mul3A_1096 = arith.muli %and3A_1094, %mul3A_1095 : i32
        %mul3A_1097 = arith.constant 16 : i32
        %mul3A_1098 = arith.muli %scan3A_18, %mul3A_1097 : i32
        %get3A_1099 = arith.constant 13 : i32
        %get3A_1100 = arith.index_cast %get3A_1099 : i32 to index
        %get3A_1101 = arith.index_cast %mul3A_1098 : i32 to index
        %get3A_1102 = tpu.vector_load %arg10[%get3A_1100, %get3A_1101] {strides = array<i32>} : memref<20x512xi32, #tpu.memory_space<vmem>>, vector<16xi32>,
        %select_n3A_1103 = arith.select %eq3A_902, %get3A_1102, %broadcast_in_dim3A_904 : vector<16xi1>, vector<16xi32>
        %reduce_sum3A_1104 = arith.constant true
        %reduce_sum3A_1105 = vector.broadcast %reduce_sum3A_1104 : i1 to vector<16xi1>
        %reduce_sum3A_1106 = tpu.scan <sum>, %select_n3A_1103 masked %reduce_sum3A_1105 : vector<16xi32>, vector<16xi1> -> vector<16xi32>
        %reduce_sum3A_1107 = vector.extract %reduce_sum3A_1106[15] : i32 from vector<16xi32>
        %and3A_1108 = arith.constant 1 : i32
        %and3A_1109 = arith.andi %reduce_sum3A_1107, %and3A_1108 : i32
        %mul3A_1110 = arith.constant 64 : i32
        %mul3A_1111 = arith.muli %and3A_1109, %mul3A_1110 : i32
        %mul3A_1112 = arith.constant 16 : i32
        %mul3A_1113 = arith.muli %scan3A_18, %mul3A_1112 : i32
        %get3A_1114 = arith.constant 14 : i32
        %get3A_1115 = arith.index_cast %get3A_1114 : i32 to index
        %get3A_1116 = arith.index_cast %mul3A_1113 : i32 to index
        %get3A_1117 = tpu.vector_load %arg10[%get3A_1115, %get3A_1116] {strides = array<i32>} : memref<20x512xi32, #tpu.memory_space<vmem>>, vector<16xi32>,
        %select_n3A_1118 = arith.select %eq3A_902, %get3A_1117, %broadcast_in_dim3A_904 : vector<16xi1>, vector<16xi32>
        %reduce_sum3A_1119 = arith.constant true
        %reduce_sum3A_1120 = vector.broadcast %reduce_sum3A_1119 : i1 to vector<16xi1>
        %reduce_sum3A_1121 = tpu.scan <sum>, %select_n3A_1118 masked %reduce_sum3A_1120 : vector<16xi32>, vector<16xi1> -> vector<16xi32>
        %reduce_sum3A_1122 = vector.extract %reduce_sum3A_1121[15] : i32 from vector<16xi32>
        %and3A_1123 = arith.constant 1 : i32
        %and3A_1124 = arith.andi %reduce_sum3A_1122, %and3A_1123 : i32
        %mul3A_1125 = arith.constant 64 : i32
        %mul3A_1126 = arith.muli %and3A_1124, %mul3A_1125 : i32
        %mul3A_1127 = arith.constant 16 : i32
        %mul3A_1128 = arith.muli %scan3A_18, %mul3A_1127 : i32
        %get3A_1129 = arith.constant 15 : i32
        %get3A_1130 = arith.index_cast %get3A_1129 : i32 to index
        %get3A_1131 = arith.index_cast %mul3A_1128 : i32 to index
        %get3A_1132 = tpu.vector_load %arg10[%get3A_1130, %get3A_1131] {strides = array<i32>} : memref<20x512xi32, #tpu.memory_space<vmem>>, vector<16xi32>,
        %select_n3A_1133 = arith.select %eq3A_902, %get3A_1132, %broadcast_in_dim3A_904 : vector<16xi1>, vector<16xi32>
        %reduce_sum3A_1134 = arith.constant true
        %reduce_sum3A_1135 = vector.broadcast %reduce_sum3A_1134 : i1 to vector<16xi1>
        %reduce_sum3A_1136 = tpu.scan <sum>, %select_n3A_1133 masked %reduce_sum3A_1135 : vector<16xi32>, vector<16xi1> -> vector<16xi32>
        %reduce_sum3A_1137 = vector.extract %reduce_sum3A_1136[15] : i32 from vector<16xi32>
        %and3A_1138 = arith.constant 1 : i32
        %and3A_1139 = arith.andi %reduce_sum3A_1137, %and3A_1138 : i32
        %mul3A_1140 = arith.constant 64 : i32
        %mul3A_1141 = arith.muli %and3A_1139, %mul3A_1140 : i32
        %mul3A_1142 = arith.constant 16 : i32
        %mul3A_1143 = arith.muli %scan3A_18, %mul3A_1142 : i32
        %get3A_1144 = arith.constant 16 : i32
        %get3A_1145 = arith.index_cast %get3A_1144 : i32 to index
        %get3A_1146 = arith.index_cast %mul3A_1143 : i32 to index
        %get3A_1147 = tpu.vector_load %arg10[%get3A_1145, %get3A_1146] {strides = array<i32>} : memref<20x512xi32, #tpu.memory_space<vmem>>, vector<16xi32>,
        %select_n3A_1148 = arith.select %eq3A_902, %get3A_1147, %broadcast_in_dim3A_904 : vector<16xi1>, vector<16xi32>
        %reduce_sum3A_1149 = arith.constant true
        %reduce_sum3A_1150 = vector.broadcast %reduce_sum3A_1149 : i1 to vector<16xi1>
        %reduce_sum3A_1151 = tpu.scan <sum>, %select_n3A_1148 masked %reduce_sum3A_1150 : vector<16xi32>, vector<16xi1> -> vector<16xi32>
        %reduce_sum3A_1152 = vector.extract %reduce_sum3A_1151[15] : i32 from vector<16xi32>
        %and3A_1153 = arith.constant 1 : i32
        %and3A_1154 = arith.andi %reduce_sum3A_1152, %and3A_1153 : i32
        %mul3A_1155 = arith.constant 64 : i32
        %mul3A_1156 = arith.muli %and3A_1154, %mul3A_1155 : i32
        %mul3A_1157 = arith.constant 16 : i32
        %mul3A_1158 = arith.muli %scan3A_18, %mul3A_1157 : i32
        %get3A_1159 = arith.constant 17 : i32
        %get3A_1160 = arith.index_cast %get3A_1159 : i32 to index
        %get3A_1161 = arith.index_cast %mul3A_1158 : i32 to index
        %get3A_1162 = tpu.vector_load %arg10[%get3A_1160, %get3A_1161] {strides = array<i32>} : memref<20x512xi32, #tpu.memory_space<vmem>>, vector<16xi32>,
        %select_n3A_1163 = arith.select %eq3A_902, %get3A_1162, %broadcast_in_dim3A_904 : vector<16xi1>, vector<16xi32>
        %reduce_sum3A_1164 = arith.constant true
        %reduce_sum3A_1165 = vector.broadcast %reduce_sum3A_1164 : i1 to vector<16xi1>
        %reduce_sum3A_1166 = tpu.scan <sum>, %select_n3A_1163 masked %reduce_sum3A_1165 : vector<16xi32>, vector<16xi1> -> vector<16xi32>
        %reduce_sum3A_1167 = vector.extract %reduce_sum3A_1166[15] : i32 from vector<16xi32>
        %and3A_1168 = arith.constant 1 : i32
        %and3A_1169 = arith.andi %reduce_sum3A_1167, %and3A_1168 : i32
        %mul3A_1170 = arith.constant 64 : i32
        %mul3A_1171 = arith.muli %and3A_1169, %mul3A_1170 : i32
        %mul3A_1172 = arith.constant 16 : i32
        %mul3A_1173 = arith.muli %scan3A_18, %mul3A_1172 : i32
        %get3A_1174 = arith.constant 18 : i32
        %get3A_1175 = arith.index_cast %get3A_1174 : i32 to index
        %get3A_1176 = arith.index_cast %mul3A_1173 : i32 to index
        %get3A_1177 = tpu.vector_load %arg10[%get3A_1175, %get3A_1176] {strides = array<i32>} : memref<20x512xi32, #tpu.memory_space<vmem>>, vector<16xi32>,
        %select_n3A_1178 = arith.select %eq3A_902, %get3A_1177, %broadcast_in_dim3A_904 : vector<16xi1>, vector<16xi32>
        %reduce_sum3A_1179 = arith.constant true
        %reduce_sum3A_1180 = vector.broadcast %reduce_sum3A_1179 : i1 to vector<16xi1>
        %reduce_sum3A_1181 = tpu.scan <sum>, %select_n3A_1178 masked %reduce_sum3A_1180 : vector<16xi32>, vector<16xi1> -> vector<16xi32>
        %reduce_sum3A_1182 = vector.extract %reduce_sum3A_1181[15] : i32 from vector<16xi32>
        %and3A_1183 = arith.constant 1 : i32
        %and3A_1184 = arith.andi %reduce_sum3A_1182, %and3A_1183 : i32
        %mul3A_1185 = arith.constant 64 : i32
        %mul3A_1186 = arith.muli %and3A_1184, %mul3A_1185 : i32
        %mul3A_1187 = arith.constant 16 : i32
        %mul3A_1188 = arith.muli %scan3A_18, %mul3A_1187 : i32
        %get3A_1189 = arith.constant 19 : i32
        %get3A_1190 = arith.index_cast %get3A_1189 : i32 to index
        %get3A_1191 = arith.index_cast %mul3A_1188 : i32 to index
        %get3A_1192 = tpu.vector_load %arg10[%get3A_1190, %get3A_1191] {strides = array<i32>} : memref<20x512xi32, #tpu.memory_space<vmem>>, vector<16xi32>,
        %select_n3A_1193 = arith.select %eq3A_902, %get3A_1192, %broadcast_in_dim3A_904 : vector<16xi1>, vector<16xi32>
        %reduce_sum3A_1194 = arith.constant true
        %reduce_sum3A_1195 = vector.broadcast %reduce_sum3A_1194 : i1 to vector<16xi1>
        %reduce_sum3A_1196 = tpu.scan <sum>, %select_n3A_1193 masked %reduce_sum3A_1195 : vector<16xi32>, vector<16xi1> -> vector<16xi32>
        %reduce_sum3A_1197 = vector.extract %reduce_sum3A_1196[15] : i32 from vector<16xi32>
        %and3A_1198 = arith.constant 1 : i32
        %and3A_1199 = arith.andi %reduce_sum3A_1197, %and3A_1198 : i32
        %mul3A_1200 = arith.constant 64 : i32
        %mul3A_1201 = arith.muli %and3A_1199, %mul3A_1200 : i32
        %add3A_1202 = arith.constant 0 : i32
        %add3A_1203 = arith.addi %mul3A_916, %add3A_1202 : i32
        %get3A_1204 = arith.index_cast %scan3A_880 : i32 to index
        %get3A_1205 = arith.index_cast %add3A_1203 : i32 to index
        %get3A_1206 = tpu.vector_load %arg15[%get3A_1204, %get3A_1205] {strides = array<i32>} : memref<320x128xf32, #tpu.memory_space<vmem>>, vector<16xf32>,
        %add3A_1207 = arith.constant 16 : i32
        %add3A_1208 = arith.addi %mul3A_916, %add3A_1207 : i32
        %get3A_1209 = arith.index_cast %scan3A_880 : i32 to index
        %get3A_1210 = arith.index_cast %add3A_1208 : i32 to index
        %get3A_1211 = tpu.vector_load %arg15[%get3A_1209, %get3A_1210] {strides = array<i32>} : memref<320x128xf32, #tpu.memory_space<vmem>>, vector<16xf32>,
        %add3A_1212 = arith.constant 32 : i32
        %add3A_1213 = arith.addi %mul3A_916, %add3A_1212 : i32
        %get3A_1214 = arith.index_cast %scan3A_880 : i32 to index
        %get3A_1215 = arith.index_cast %add3A_1213 : i32 to index
        %get3A_1216 = tpu.vector_load %arg15[%get3A_1214, %get3A_1215] {strides = array<i32>} : memref<320x128xf32, #tpu.memory_space<vmem>>, vector<16xf32>,
        %add3A_1217 = arith.constant 48 : i32
        %add3A_1218 = arith.addi %mul3A_916, %add3A_1217 : i32
        %get3A_1219 = arith.index_cast %scan3A_880 : i32 to index
        %get3A_1220 = arith.index_cast %add3A_1218 : i32 to index
        %get3A_1221 = tpu.vector_load %arg15[%get3A_1219, %get3A_1220] {strides = array<i32>} : memref<320x128xf32, #tpu.memory_space<vmem>>, vector<16xf32>,
        %add3A_1222 = arith.constant 16 : i32
        %add3A_1223 = arith.addi %add3A_1222, %scan3A_880 : i32
        %add3A_1224 = arith.constant 0 : i32
        %add3A_1225 = arith.addi %mul3A_931, %add3A_1224 : i32
        %get3A_1226 = arith.index_cast %add3A_1223 : i32 to index
        %get3A_1227 = arith.index_cast %add3A_1225 : i32 to index
        %get3A_1228 = tpu.vector_load %arg15[%get3A_1226, %get3A_1227] {strides = array<i32>} : memref<320x128xf32, #tpu.memory_space<vmem>>, vector<16xf32>,
        %add3A_1229 = arith.constant 16 : i32
        %add3A_1230 = arith.addi %add3A_1229, %scan3A_880 : i32
        %add3A_1231 = arith.constant 16 : i32
        %add3A_1232 = arith.addi %mul3A_931, %add3A_1231 : i32
        %get3A_1233 = arith.index_cast %add3A_1230 : i32 to index
        %get3A_1234 = arith.index_cast %add3A_1232 : i32 to index
        %get3A_1235 = tpu.vector_load %arg15[%get3A_1233, %get3A_1234] {strides = array<i32>} : memref<320x128xf32, #tpu.memory_space<vmem>>, vector<16xf32>,
        %add3A_1236 = arith.constant 16 : i32
        %add3A_1237 = arith.addi %add3A_1236, %scan3A_880 : i32
        %add3A_1238 = arith.constant 32 : i32
        %add3A_1239 = arith.addi %mul3A_931, %add3A_1238 : i32
        %get3A_1240 = arith.index_cast %add3A_1237 : i32 to index
        %get3A_1241 = arith.index_cast %add3A_1239 : i32 to index
        %get3A_1242 = tpu.vector_load %arg15[%get3A_1240, %get3A_1241] {strides = array<i32>} : memref<320x128xf32, #tpu.memory_space<vmem>>, vector<16xf32>,
        %add3A_1243 = arith.constant 16 : i32
        %add3A_1244 = arith.addi %add3A_1243, %scan3A_880 : i32
        %add3A_1245 = arith.constant 48 : i32
        %add3A_1246 = arith.addi %mul3A_931, %add3A_1245 : i32
        %get3A_1247 = arith.index_cast %add3A_1244 : i32 to index
        %get3A_1248 = arith.index_cast %add3A_1246 : i32 to index
        %get3A_1249 = tpu.vector_load %arg15[%get3A_1247, %get3A_1248] {strides = array<i32>} : memref<320x128xf32, #tpu.memory_space<vmem>>, vector<16xf32>,
        %add3A_1250 = arith.addf %get3A_1206, %get3A_1228 : vector<16xf32>
        %add3A_1251 = arith.addf %get3A_1211, %get3A_1235 : vector<16xf32>
        %add3A_1252 = arith.addf %get3A_1216, %get3A_1242 : vector<16xf32>
        %add3A_1253 = arith.addf %get3A_1221, %get3A_1249 : vector<16xf32>
        %add3A_1254 = arith.constant 32 : i32
        %add3A_1255 = arith.addi %add3A_1254, %scan3A_880 : i32
        %add3A_1256 = arith.constant 0 : i32
        %add3A_1257 = arith.addi %mul3A_946, %add3A_1256 : i32
        %get3A_1258 = arith.index_cast %add3A_1255 : i32 to index
        %get3A_1259 = arith.index_cast %add3A_1257 : i32 to index
        %get3A_1260 = tpu.vector_load %arg15[%get3A_1258, %get3A_1259] {strides = array<i32>} : memref<320x128xf32, #tpu.memory_space<vmem>>, vector<16xf32>,
        %add3A_1261 = arith.constant 32 : i32
        %add3A_1262 = arith.addi %add3A_1261, %scan3A_880 : i32
        %add3A_1263 = arith.constant 16 : i32
        %add3A_1264 = arith.addi %mul3A_946, %add3A_1263 : i32
        %get3A_1265 = arith.index_cast %add3A_1262 : i32 to index
        %get3A_1266 = arith.index_cast %add3A_1264 : i32 to index
        %get3A_1267 = tpu.vector_load %arg15[%get3A_1265, %get3A_1266] {strides = array<i32>} : memref<320x128xf32, #tpu.memory_space<vmem>>, vector<16xf32>,
        %add3A_1268 = arith.constant 32 : i32
        %add3A_1269 = arith.addi %add3A_1268, %scan3A_880 : i32
        %add3A_1270 = arith.constant 32 : i32
        %add3A_1271 = arith.addi %mul3A_946, %add3A_1270 : i32
        %get3A_1272 = arith.index_cast %add3A_1269 : i32 to index
        %get3A_1273 = arith.index_cast %add3A_1271 : i32 to index
        %get3A_1274 = tpu.vector_load %arg15[%get3A_1272, %get3A_1273] {strides = array<i32>} : memref<320x128xf32, #tpu.memory_space<vmem>>, vector<16xf32>,
        %add3A_1275 = arith.constant 32 : i32
        %add3A_1276 = arith.addi %add3A_1275, %scan3A_880 : i32
        %add3A_1277 = arith.constant 48 : i32
        %add3A_1278 = arith.addi %mul3A_946, %add3A_1277 : i32
        %get3A_1279 = arith.index_cast %add3A_1276 : i32 to index
        %get3A_1280 = arith.index_cast %add3A_1278 : i32 to index
        %get3A_1281 = tpu.vector_load %arg15[%get3A_1279, %get3A_1280] {strides = array<i32>} : memref<320x128xf32, #tpu.memory_space<vmem>>, vector<16xf32>,
        %add3A_1282 = arith.addf %add3A_1250, %get3A_1260 : vector<16xf32>
        %add3A_1283 = arith.addf %add3A_1251, %get3A_1267 : vector<16xf32>
        %add3A_1284 = arith.addf %add3A_1252, %get3A_1274 : vector<16xf32>
        %add3A_1285 = arith.addf %add3A_1253, %get3A_1281 : vector<16xf32>
        %add3A_1286 = arith.constant 48 : i32
        %add3A_1287 = arith.addi %add3A_1286, %scan3A_880 : i32
        %add3A_1288 = arith.constant 0 : i32
        %add3A_1289 = arith.addi %mul3A_961, %add3A_1288 : i32
        %get3A_1290 = arith.index_cast %add3A_1287 : i32 to index
        %get3A_1291 = arith.index_cast %add3A_1289 : i32 to index
        %get3A_1292 = tpu.vector_load %arg15[%get3A_1290, %get3A_1291] {strides = array<i32>} : memref<320x128xf32, #tpu.memory_space<vmem>>, vector<16xf32>,
        %add3A_1293 = arith.constant 48 : i32
        %add3A_1294 = arith.addi %add3A_1293, %scan3A_880 : i32
        %add3A_1295 = arith.constant 16 : i32
        %add3A_1296 = arith.addi %mul3A_961, %add3A_1295 : i32
        %get3A_1297 = arith.index_cast %add3A_1294 : i32 to index
        %get3A_1298 = arith.index_cast %add3A_1296 : i32 to index
        %get3A_1299 = tpu.vector_load %arg15[%get3A_1297, %get3A_1298] {strides = array<i32>} : memref<320x128xf32, #tpu.memory_space<vmem>>, vector<16xf32>,
        %add3A_1300 = arith.constant 48 : i32
        %add3A_1301 = arith.addi %add3A_1300, %scan3A_880 : i32
        %add3A_1302 = arith.constant 32 : i32
        %add3A_1303 = arith.addi %mul3A_961, %add3A_1302 : i32
        %get3A_1304 = arith.index_cast %add3A_1301 : i32 to index
        %get3A_1305 = arith.index_cast %add3A_1303 : i32 to index
        %get3A_1306 = tpu.vector_load %arg15[%get3A_1304, %get3A_1305] {strides = array<i32>} : memref<320x128xf32, #tpu.memory_space<vmem>>, vector<16xf32>,
        %add3A_1307 = arith.constant 48 : i32
        %add3A_1308 = arith.addi %add3A_1307, %scan3A_880 : i32
        %add3A_1309 = arith.constant 48 : i32
        %add3A_1310 = arith.addi %mul3A_961, %add3A_1309 : i32
        %get3A_1311 = arith.index_cast %add3A_1308 : i32 to index
        %get3A_1312 = arith.index_cast %add3A_1310 : i32 to index
        %get3A_1313 = tpu.vector_load %arg15[%get3A_1311, %get3A_1312] {strides = array<i32>} : memref<320x128xf32, #tpu.memory_space<vmem>>, vector<16xf32>,
        %add3A_1314 = arith.addf %add3A_1282, %get3A_1292 : vector<16xf32>
        %add3A_1315 = arith.addf %add3A_1283, %get3A_1299 : vector<16xf32>
        %add3A_1316 = arith.addf %add3A_1284, %get3A_1306 : vector<16xf32>
        %add3A_1317 = arith.addf %add3A_1285, %get3A_1313 : vector<16xf32>
        %add3A_1318 = arith.constant 64 : i32
        %add3A_1319 = arith.addi %add3A_1318, %scan3A_880 : i32
        %add3A_1320 = arith.constant 0 : i32
        %add3A_1321 = arith.addi %mul3A_976, %add3A_1320 : i32
        %get3A_1322 = arith.index_cast %add3A_1319 : i32 to index
        %get3A_1323 = arith.index_cast %add3A_1321 : i32 to index
        %get3A_1324 = tpu.vector_load %arg15[%get3A_1322, %get3A_1323] {strides = array<i32>} : memref<320x128xf32, #tpu.memory_space<vmem>>, vector<16xf32>,
        %add3A_1325 = arith.constant 64 : i32
        %add3A_1326 = arith.addi %add3A_1325, %scan3A_880 : i32
        %add3A_1327 = arith.constant 16 : i32
        %add3A_1328 = arith.addi %mul3A_976, %add3A_1327 : i32
        %get3A_1329 = arith.index_cast %add3A_1326 : i32 to index
        %get3A_1330 = arith.index_cast %add3A_1328 : i32 to index
        %get3A_1331 = tpu.vector_load %arg15[%get3A_1329, %get3A_1330] {strides = array<i32>} : memref<320x128xf32, #tpu.memory_space<vmem>>, vector<16xf32>,
        %add3A_1332 = arith.constant 64 : i32
        %add3A_1333 = arith.addi %add3A_1332, %scan3A_880 : i32
        %add3A_1334 = arith.constant 32 : i32
        %add3A_1335 = arith.addi %mul3A_976, %add3A_1334 : i32
        %get3A_1336 = arith.index_cast %add3A_1333 : i32 to index
        %get3A_1337 = arith.index_cast %add3A_1335 : i32 to index
        %get3A_1338 = tpu.vector_load %arg15[%get3A_1336, %get3A_1337] {strides = array<i32>} : memref<320x128xf32, #tpu.memory_space<vmem>>, vector<16xf32>,
        %add3A_1339 = arith.constant 64 : i32
        %add3A_1340 = arith.addi %add3A_1339, %scan3A_880 : i32
        %add3A_1341 = arith.constant 48 : i32
        %add3A_1342 = arith.addi %mul3A_976, %add3A_1341 : i32
        %get3A_1343 = arith.index_cast %add3A_1340 : i32 to index
        %get3A_1344 = arith.index_cast %add3A_1342 : i32 to index
        %get3A_1345 = tpu.vector_load %arg15[%get3A_1343, %get3A_1344] {strides = array<i32>} : memref<320x128xf32, #tpu.memory_space<vmem>>, vector<16xf32>,
        %add3A_1346 = arith.addf %add3A_1314, %get3A_1324 : vector<16xf32>
        %add3A_1347 = arith.addf %add3A_1315, %get3A_1331 : vector<16xf32>
        %add3A_1348 = arith.addf %add3A_1316, %get3A_1338 : vector<16xf32>
        %add3A_1349 = arith.addf %add3A_1317, %get3A_1345 : vector<16xf32>
        %add3A_1350 = arith.constant 80 : i32
        %add3A_1351 = arith.addi %add3A_1350, %scan3A_880 : i32
        %add3A_1352 = arith.constant 0 : i32
        %add3A_1353 = arith.addi %mul3A_991, %add3A_1352 : i32
        %get3A_1354 = arith.index_cast %add3A_1351 : i32 to index
        %get3A_1355 = arith.index_cast %add3A_1353 : i32 to index
        %get3A_1356 = tpu.vector_load %arg15[%get3A_1354, %get3A_1355] {strides = array<i32>} : memref<320x128xf32, #tpu.memory_space<vmem>>, vector<16xf32>,
        %add3A_1357 = arith.constant 80 : i32
        %add3A_1358 = arith.addi %add3A_1357, %scan3A_880 : i32
        %add3A_1359 = arith.constant 16 : i32
        %add3A_1360 = arith.addi %mul3A_991, %add3A_1359 : i32
        %get3A_1361 = arith.index_cast %add3A_1358 : i32 to index
        %get3A_1362 = arith.index_cast %add3A_1360 : i32 to index
        %get3A_1363 = tpu.vector_load %arg15[%get3A_1361, %get3A_1362] {strides = array<i32>} : memref<320x128xf32, #tpu.memory_space<vmem>>, vector<16xf32>,
        %add3A_1364 = arith.constant 80 : i32
        %add3A_1365 = arith.addi %add3A_1364, %scan3A_880 : i32
        %add3A_1366 = arith.constant 32 : i32
        %add3A_1367 = arith.addi %mul3A_991, %add3A_1366 : i32
        %get3A_1368 = arith.index_cast %add3A_1365 : i32 to index
        %get3A_1369 = arith.index_cast %add3A_1367 : i32 to index
        %get3A_1370 = tpu.vector_load %arg15[%get3A_1368, %get3A_1369] {strides = array<i32>} : memref<320x128xf32, #tpu.memory_space<vmem>>, vector<16xf32>,
        %add3A_1371 = arith.constant 80 : i32
        %add3A_1372 = arith.addi %add3A_1371, %scan3A_880 : i32
        %add3A_1373 = arith.constant 48 : i32
        %add3A_1374 = arith.addi %mul3A_991, %add3A_1373 : i32
        %get3A_1375 = arith.index_cast %add3A_1372 : i32 to index
        %get3A_1376 = arith.index_cast %add3A_1374 : i32 to index
        %get3A_1377 = tpu.vector_load %arg15[%get3A_1375, %get3A_1376] {strides = array<i32>} : memref<320x128xf32, #tpu.memory_space<vmem>>, vector<16xf32>,
        %add3A_1378 = arith.addf %add3A_1346, %get3A_1356 : vector<16xf32>
        %add3A_1379 = arith.addf %add3A_1347, %get3A_1363 : vector<16xf32>
        %add3A_1380 = arith.addf %add3A_1348, %get3A_1370 : vector<16xf32>
        %add3A_1381 = arith.addf %add3A_1349, %get3A_1377 : vector<16xf32>
        %add3A_1382 = arith.constant 96 : i32
        %add3A_1383 = arith.addi %add3A_1382, %scan3A_880 : i32
        %add3A_1384 = arith.constant 0 : i32
        %add3A_1385 = arith.addi %mul3A_1006, %add3A_1384 : i32
        %get3A_1386 = arith.index_cast %add3A_1383 : i32 to index
        %get3A_1387 = arith.index_cast %add3A_1385 : i32 to index
        %get3A_1388 = tpu.vector_load %arg15[%get3A_1386, %get3A_1387] {strides = array<i32>} : memref<320x128xf32, #tpu.memory_space<vmem>>, vector<16xf32>,
        %add3A_1389 = arith.constant 96 : i32
        %add3A_1390 = arith.addi %add3A_1389, %scan3A_880 : i32
        %add3A_1391 = arith.constant 16 : i32
        %add3A_1392 = arith.addi %mul3A_1006, %add3A_1391 : i32
        %get3A_1393 = arith.index_cast %add3A_1390 : i32 to index
        %get3A_1394 = arith.index_cast %add3A_1392 : i32 to index
        %get3A_1395 = tpu.vector_load %arg15[%get3A_1393, %get3A_1394] {strides = array<i32>} : memref<320x128xf32, #tpu.memory_space<vmem>>, vector<16xf32>,
        %add3A_1396 = arith.constant 96 : i32
        %add3A_1397 = arith.addi %add3A_1396, %scan3A_880 : i32
        %add3A_1398 = arith.constant 32 : i32
        %add3A_1399 = arith.addi %mul3A_1006, %add3A_1398 : i32
        %get3A_1400 = arith.index_cast %add3A_1397 : i32 to index
        %get3A_1401 = arith.index_cast %add3A_1399 : i32 to index
        %get3A_1402 = tpu.vector_load %arg15[%get3A_1400, %get3A_1401] {strides = array<i32>} : memref<320x128xf32, #tpu.memory_space<vmem>>, vector<16xf32>,
        %add3A_1403 = arith.constant 96 : i32
        %add3A_1404 = arith.addi %add3A_1403, %scan3A_880 : i32
        %add3A_1405 = arith.constant 48 : i32
        %add3A_1406 = arith.addi %mul3A_1006, %add3A_1405 : i32
        %get3A_1407 = arith.index_cast %add3A_1404 : i32 to index
        %get3A_1408 = arith.index_cast %add3A_1406 : i32 to index
        %get3A_1409 = tpu.vector_load %arg15[%get3A_1407, %get3A_1408] {strides = array<i32>} : memref<320x128xf32, #tpu.memory_space<vmem>>, vector<16xf32>,
        %add3A_1410 = arith.addf %add3A_1378, %get3A_1388 : vector<16xf32>
        %add3A_1411 = arith.addf %add3A_1379, %get3A_1395 : vector<16xf32>
        %add3A_1412 = arith.addf %add3A_1380, %get3A_1402 : vector<16xf32>
        %add3A_1413 = arith.addf %add3A_1381, %get3A_1409 : vector<16xf32>
        %add3A_1414 = arith.constant 112 : i32
        %add3A_1415 = arith.addi %add3A_1414, %scan3A_880 : i32
        %add3A_1416 = arith.constant 0 : i32
        %add3A_1417 = arith.addi %mul3A_1021, %add3A_1416 : i32
        %get3A_1418 = arith.index_cast %add3A_1415 : i32 to index
        %get3A_1419 = arith.index_cast %add3A_1417 : i32 to index
        %get3A_1420 = tpu.vector_load %arg15[%get3A_1418, %get3A_1419] {strides = array<i32>} : memref<320x128xf32, #tpu.memory_space<vmem>>, vector<16xf32>,
        %add3A_1421 = arith.constant 112 : i32
        %add3A_1422 = arith.addi %add3A_1421, %scan3A_880 : i32
        %add3A_1423 = arith.constant 16 : i32
        %add3A_1424 = arith.addi %mul3A_1021, %add3A_1423 : i32
        %get3A_1425 = arith.index_cast %add3A_1422 : i32 to index
        %get3A_1426 = arith.index_cast %add3A_1424 : i32 to index
        %get3A_1427 = tpu.vector_load %arg15[%get3A_1425, %get3A_1426] {strides = array<i32>} : memref<320x128xf32, #tpu.memory_space<vmem>>, vector<16xf32>,
        %add3A_1428 = arith.constant 112 : i32
        %add3A_1429 = arith.addi %add3A_1428, %scan3A_880 : i32
        %add3A_1430 = arith.constant 32 : i32
        %add3A_1431 = arith.addi %mul3A_1021, %add3A_1430 : i32
        %get3A_1432 = arith.index_cast %add3A_1429 : i32 to index
        %get3A_1433 = arith.index_cast %add3A_1431 : i32 to index
        %get3A_1434 = tpu.vector_load %arg15[%get3A_1432, %get3A_1433] {strides = array<i32>} : memref<320x128xf32, #tpu.memory_space<vmem>>, vector<16xf32>,
        %add3A_1435 = arith.constant 112 : i32
        %add3A_1436 = arith.addi %add3A_1435, %scan3A_880 : i32
        %add3A_1437 = arith.constant 48 : i32
        %add3A_1438 = arith.addi %mul3A_1021, %add3A_1437 : i32
        %get3A_1439 = arith.index_cast %add3A_1436 : i32 to index
        %get3A_1440 = arith.index_cast %add3A_1438 : i32 to index
        %get3A_1441 = tpu.vector_load %arg15[%get3A_1439, %get3A_1440] {strides = array<i32>} : memref<320x128xf32, #tpu.memory_space<vmem>>, vector<16xf32>,
        %add3A_1442 = arith.addf %add3A_1410, %get3A_1420 : vector<16xf32>
        %add3A_1443 = arith.addf %add3A_1411, %get3A_1427 : vector<16xf32>
        %add3A_1444 = arith.addf %add3A_1412, %get3A_1434 : vector<16xf32>
        %add3A_1445 = arith.addf %add3A_1413, %get3A_1441 : vector<16xf32>
        %add3A_1446 = arith.constant 128 : i32
        %add3A_1447 = arith.addi %add3A_1446, %scan3A_880 : i32
        %add3A_1448 = arith.constant 0 : i32
        %add3A_1449 = arith.addi %mul3A_1036, %add3A_1448 : i32
        %get3A_1450 = arith.index_cast %add3A_1447 : i32 to index
        %get3A_1451 = arith.index_cast %add3A_1449 : i32 to index
        %get3A_1452 = tpu.vector_load %arg15[%get3A_1450, %get3A_1451] {strides = array<i32>} : memref<320x128xf32, #tpu.memory_space<vmem>>, vector<16xf32>,
        %add3A_1453 = arith.constant 128 : i32
        %add3A_1454 = arith.addi %add3A_1453, %scan3A_880 : i32
        %add3A_1455 = arith.constant 16 : i32
        %add3A_1456 = arith.addi %mul3A_1036, %add3A_1455 : i32
        %get3A_1457 = arith.index_cast %add3A_1454 : i32 to index
        %get3A_1458 = arith.index_cast %add3A_1456 : i32 to index
        %get3A_1459 = tpu.vector_load %arg15[%get3A_1457, %get3A_1458] {strides = array<i32>} : memref<320x128xf32, #tpu.memory_space<vmem>>, vector<16xf32>,
        %add3A_1460 = arith.constant 128 : i32
        %add3A_1461 = arith.addi %add3A_1460, %scan3A_880 : i32
        %add3A_1462 = arith.constant 32 : i32
        %add3A_1463 = arith.addi %mul3A_1036, %add3A_1462 : i32
        %get3A_1464 = arith.index_cast %add3A_1461 : i32 to index
        %get3A_1465 = arith.index_cast %add3A_1463 : i32 to index
        %get3A_1466 = tpu.vector_load %arg15[%get3A_1464, %get3A_1465] {strides = array<i32>} : memref<320x128xf32, #tpu.memory_space<vmem>>, vector<16xf32>,
        %add3A_1467 = arith.constant 128 : i32
        %add3A_1468 = arith.addi %add3A_1467, %scan3A_880 : i32
        %add3A_1469 = arith.constant 48 : i32
        %add3A_1470 = arith.addi %mul3A_1036, %add3A_1469 : i32
        %get3A_1471 = arith.index_cast %add3A_1468 : i32 to index
        %get3A_1472 = arith.index_cast %add3A_1470 : i32 to index
        %get3A_1473 = tpu.vector_load %arg15[%get3A_1471, %get3A_1472] {strides = array<i32>} : memref<320x128xf32, #tpu.memory_space<vmem>>, vector<16xf32>,
        %add3A_1474 = arith.addf %add3A_1442, %get3A_1452 : vector<16xf32>
        %add3A_1475 = arith.addf %add3A_1443, %get3A_1459 : vector<16xf32>
        %add3A_1476 = arith.addf %add3A_1444, %get3A_1466 : vector<16xf32>
        %add3A_1477 = arith.addf %add3A_1445, %get3A_1473 : vector<16xf32>
        %add3A_1478 = arith.constant 144 : i32
        %add3A_1479 = arith.addi %add3A_1478, %scan3A_880 : i32
        %add3A_1480 = arith.constant 0 : i32
        %add3A_1481 = arith.addi %mul3A_1051, %add3A_1480 : i32
        %get3A_1482 = arith.index_cast %add3A_1479 : i32 to index
        %get3A_1483 = arith.index_cast %add3A_1481 : i32 to index
        %get3A_1484 = tpu.vector_load %arg15[%get3A_1482, %get3A_1483] {strides = array<i32>} : memref<320x128xf32, #tpu.memory_space<vmem>>, vector<16xf32>,
        %add3A_1485 = arith.constant 144 : i32
        %add3A_1486 = arith.addi %add3A_1485, %scan3A_880 : i32
        %add3A_1487 = arith.constant 16 : i32
        %add3A_1488 = arith.addi %mul3A_1051, %add3A_1487 : i32
        %get3A_1489 = arith.index_cast %add3A_1486 : i32 to index
        %get3A_1490 = arith.index_cast %add3A_1488 : i32 to index
        %get3A_1491 = tpu.vector_load %arg15[%get3A_1489, %get3A_1490] {strides = array<i32>} : memref<320x128xf32, #tpu.memory_space<vmem>>, vector<16xf32>,
        %add3A_1492 = arith.constant 144 : i32
        %add3A_1493 = arith.addi %add3A_1492, %scan3A_880 : i32
        %add3A_1494 = arith.constant 32 : i32
        %add3A_1495 = arith.addi %mul3A_1051, %add3A_1494 : i32
        %get3A_1496 = arith.index_cast %add3A_1493 : i32 to index
        %get3A_1497 = arith.index_cast %add3A_1495 : i32 to index
        %get3A_1498 = tpu.vector_load %arg15[%get3A_1496, %get3A_1497] {strides = array<i32>} : memref<320x128xf32, #tpu.memory_space<vmem>>, vector<16xf32>,
        %add3A_1499 = arith.constant 144 : i32
        %add3A_1500 = arith.addi %add3A_1499, %scan3A_880 : i32
        %add3A_1501 = arith.constant 48 : i32
        %add3A_1502 = arith.addi %mul3A_1051, %add3A_1501 : i32
        %get3A_1503 = arith.index_cast %add3A_1500 : i32 to index
        %get3A_1504 = arith.index_cast %add3A_1502 : i32 to index
        %get3A_1505 = tpu.vector_load %arg15[%get3A_1503, %get3A_1504] {strides = array<i32>} : memref<320x128xf32, #tpu.memory_space<vmem>>, vector<16xf32>,
        %add3A_1506 = arith.addf %add3A_1474, %get3A_1484 : vector<16xf32>
        %add3A_1507 = arith.addf %add3A_1475, %get3A_1491 : vector<16xf32>
        %add3A_1508 = arith.addf %add3A_1476, %get3A_1498 : vector<16xf32>
        %add3A_1509 = arith.addf %add3A_1477, %get3A_1505 : vector<16xf32>
        %add3A_1510 = arith.constant 160 : i32
        %add3A_1511 = arith.addi %add3A_1510, %scan3A_880 : i32
        %add3A_1512 = arith.constant 0 : i32
        %add3A_1513 = arith.addi %mul3A_1066, %add3A_1512 : i32
        %get3A_1514 = arith.index_cast %add3A_1511 : i32 to index
        %get3A_1515 = arith.index_cast %add3A_1513 : i32 to index
        %get3A_1516 = tpu.vector_load %arg15[%get3A_1514, %get3A_1515] {strides = array<i32>} : memref<320x128xf32, #tpu.memory_space<vmem>>, vector<16xf32>,
        %add3A_1517 = arith.constant 160 : i32
        %add3A_1518 = arith.addi %add3A_1517, %scan3A_880 : i32
        %add3A_1519 = arith.constant 16 : i32
        %add3A_1520 = arith.addi %mul3A_1066, %add3A_1519 : i32
        %get3A_1521 = arith.index_cast %add3A_1518 : i32 to index
        %get3A_1522 = arith.index_cast %add3A_1520 : i32 to index
        %get3A_1523 = tpu.vector_load %arg15[%get3A_1521, %get3A_1522] {strides = array<i32>} : memref<320x128xf32, #tpu.memory_space<vmem>>, vector<16xf32>,
        %add3A_1524 = arith.constant 160 : i32
        %add3A_1525 = arith.addi %add3A_1524, %scan3A_880 : i32
        %add3A_1526 = arith.constant 32 : i32
        %add3A_1527 = arith.addi %mul3A_1066, %add3A_1526 : i32
        %get3A_1528 = arith.index_cast %add3A_1525 : i32 to index
        %get3A_1529 = arith.index_cast %add3A_1527 : i32 to index
        %get3A_1530 = tpu.vector_load %arg15[%get3A_1528, %get3A_1529] {strides = array<i32>} : memref<320x128xf32, #tpu.memory_space<vmem>>, vector<16xf32>,
        %add3A_1531 = arith.constant 160 : i32
        %add3A_1532 = arith.addi %add3A_1531, %scan3A_880 : i32
        %add3A_1533 = arith.constant 48 : i32
        %add3A_1534 = arith.addi %mul3A_1066, %add3A_1533 : i32
        %get3A_1535 = arith.index_cast %add3A_1532 : i32 to index
        %get3A_1536 = arith.index_cast %add3A_1534 : i32 to index
        %get3A_1537 = tpu.vector_load %arg15[%get3A_1535, %get3A_1536] {strides = array<i32>} : memref<320x128xf32, #tpu.memory_space<vmem>>, vector<16xf32>,
        %add3A_1538 = arith.addf %add3A_1506, %get3A_1516 : vector<16xf32>
        %add3A_1539 = arith.addf %add3A_1507, %get3A_1523 : vector<16xf32>
        %add3A_1540 = arith.addf %add3A_1508, %get3A_1530 : vector<16xf32>
        %add3A_1541 = arith.addf %add3A_1509, %get3A_1537 : vector<16xf32>
        %add3A_1542 = arith.constant 176 : i32
        %add3A_1543 = arith.addi %add3A_1542, %scan3A_880 : i32
        %add3A_1544 = arith.constant 0 : i32
        %add3A_1545 = arith.addi %mul3A_1081, %add3A_1544 : i32
        %get3A_1546 = arith.index_cast %add3A_1543 : i32 to index
        %get3A_1547 = arith.index_cast %add3A_1545 : i32 to index
        %get3A_1548 = tpu.vector_load %arg15[%get3A_1546, %get3A_1547] {strides = array<i32>} : memref<320x128xf32, #tpu.memory_space<vmem>>, vector<16xf32>,
        %add3A_1549 = arith.constant 176 : i32
        %add3A_1550 = arith.addi %add3A_1549, %scan3A_880 : i32
        %add3A_1551 = arith.constant 16 : i32
        %add3A_1552 = arith.addi %mul3A_1081, %add3A_1551 : i32
        %get3A_1553 = arith.index_cast %add3A_1550 : i32 to index
        %get3A_1554 = arith.index_cast %add3A_1552 : i32 to index
        %get3A_1555 = tpu.vector_load %arg15[%get3A_1553, %get3A_1554] {strides = array<i32>} : memref<320x128xf32, #tpu.memory_space<vmem>>, vector<16xf32>,
        %add3A_1556 = arith.constant 176 : i32
        %add3A_1557 = arith.addi %add3A_1556, %scan3A_880 : i32
        %add3A_1558 = arith.constant 32 : i32
        %add3A_1559 = arith.addi %mul3A_1081, %add3A_1558 : i32
        %get3A_1560 = arith.index_cast %add3A_1557 : i32 to index
        %get3A_1561 = arith.index_cast %add3A_1559 : i32 to index
        %get3A_1562 = tpu.vector_load %arg15[%get3A_1560, %get3A_1561] {strides = array<i32>} : memref<320x128xf32, #tpu.memory_space<vmem>>, vector<16xf32>,
        %add3A_1563 = arith.constant 176 : i32
        %add3A_1564 = arith.addi %add3A_1563, %scan3A_880 : i32
        %add3A_1565 = arith.constant 48 : i32
        %add3A_1566 = arith.addi %mul3A_1081, %add3A_1565 : i32
        %get3A_1567 = arith.index_cast %add3A_1564 : i32 to index
        %get3A_1568 = arith.index_cast %add3A_1566 : i32 to index
        %get3A_1569 = tpu.vector_load %arg15[%get3A_1567, %get3A_1568] {strides = array<i32>} : memref<320x128xf32, #tpu.memory_space<vmem>>, vector<16xf32>,
        %add3A_1570 = arith.addf %add3A_1538, %get3A_1548 : vector<16xf32>
        %add3A_1571 = arith.addf %add3A_1539, %get3A_1555 : vector<16xf32>
        %add3A_1572 = arith.addf %add3A_1540, %get3A_1562 : vector<16xf32>
        %add3A_1573 = arith.addf %add3A_1541, %get3A_1569 : vector<16xf32>
        %add3A_1574 = arith.constant 192 : i32
        %add3A_1575 = arith.addi %add3A_1574, %scan3A_880 : i32
        %add3A_1576 = arith.constant 0 : i32
        %add3A_1577 = arith.addi %mul3A_1096, %add3A_1576 : i32
        %get3A_1578 = arith.index_cast %add3A_1575 : i32 to index
        %get3A_1579 = arith.index_cast %add3A_1577 : i32 to index
        %get3A_1580 = tpu.vector_load %arg15[%get3A_1578, %get3A_1579] {strides = array<i32>} : memref<320x128xf32, #tpu.memory_space<vmem>>, vector<16xf32>,
        %add3A_1581 = arith.constant 192 : i32
        %add3A_1582 = arith.addi %add3A_1581, %scan3A_880 : i32
        %add3A_1583 = arith.constant 16 : i32
        %add3A_1584 = arith.addi %mul3A_1096, %add3A_1583 : i32
        %get3A_1585 = arith.index_cast %add3A_1582 : i32 to index
        %get3A_1586 = arith.index_cast %add3A_1584 : i32 to index
        %get3A_1587 = tpu.vector_load %arg15[%get3A_1585, %get3A_1586] {strides = array<i32>} : memref<320x128xf32, #tpu.memory_space<vmem>>, vector<16xf32>,
        %add3A_1588 = arith.constant 192 : i32
        %add3A_1589 = arith.addi %add3A_1588, %scan3A_880 : i32
        %add3A_1590 = arith.constant 32 : i32
        %add3A_1591 = arith.addi %mul3A_1096, %add3A_1590 : i32
        %get3A_1592 = arith.index_cast %add3A_1589 : i32 to index
        %get3A_1593 = arith.index_cast %add3A_1591 : i32 to index
        %get3A_1594 = tpu.vector_load %arg15[%get3A_1592, %get3A_1593] {strides = array<i32>} : memref<320x128xf32, #tpu.memory_space<vmem>>, vector<16xf32>,
        %add3A_1595 = arith.constant 192 : i32
        %add3A_1596 = arith.addi %add3A_1595, %scan3A_880 : i32
        %add3A_1597 = arith.constant 48 : i32
        %add3A_1598 = arith.addi %mul3A_1096, %add3A_1597 : i32
        %get3A_1599 = arith.index_cast %add3A_1596 : i32 to index
        %get3A_1600 = arith.index_cast %add3A_1598 : i32 to index
        %get3A_1601 = tpu.vector_load %arg15[%get3A_1599, %get3A_1600] {strides = array<i32>} : memref<320x128xf32, #tpu.memory_space<vmem>>, vector<16xf32>,
        %add3A_1602 = arith.addf %add3A_1570, %get3A_1580 : vector<16xf32>
        %add3A_1603 = arith.addf %add3A_1571, %get3A_1587 : vector<16xf32>
        %add3A_1604 = arith.addf %add3A_1572, %get3A_1594 : vector<16xf32>
        %add3A_1605 = arith.addf %add3A_1573, %get3A_1601 : vector<16xf32>
        %add3A_1606 = arith.constant 208 : i32
        %add3A_1607 = arith.addi %add3A_1606, %scan3A_880 : i32
        %add3A_1608 = arith.constant 0 : i32
        %add3A_1609 = arith.addi %mul3A_1111, %add3A_1608 : i32
        %get3A_1610 = arith.index_cast %add3A_1607 : i32 to index
        %get3A_1611 = arith.index_cast %add3A_1609 : i32 to index
        %get3A_1612 = tpu.vector_load %arg15[%get3A_1610, %get3A_1611] {strides = array<i32>} : memref<320x128xf32, #tpu.memory_space<vmem>>, vector<16xf32>,
        %add3A_1613 = arith.constant 208 : i32
        %add3A_1614 = arith.addi %add3A_1613, %scan3A_880 : i32
        %add3A_1615 = arith.constant 16 : i32
        %add3A_1616 = arith.addi %mul3A_1111, %add3A_1615 : i32
        %get3A_1617 = arith.index_cast %add3A_1614 : i32 to index
        %get3A_1618 = arith.index_cast %add3A_1616 : i32 to index
        %get3A_1619 = tpu.vector_load %arg15[%get3A_1617, %get3A_1618] {strides = array<i32>} : memref<320x128xf32, #tpu.memory_space<vmem>>, vector<16xf32>,
        %add3A_1620 = arith.constant 208 : i32
        %add3A_1621 = arith.addi %add3A_1620, %scan3A_880 : i32
        %add3A_1622 = arith.constant 32 : i32
        %add3A_1623 = arith.addi %mul3A_1111, %add3A_1622 : i32
        %get3A_1624 = arith.index_cast %add3A_1621 : i32 to index
        %get3A_1625 = arith.index_cast %add3A_1623 : i32 to index
        %get3A_1626 = tpu.vector_load %arg15[%get3A_1624, %get3A_1625] {strides = array<i32>} : memref<320x128xf32, #tpu.memory_space<vmem>>, vector<16xf32>,
        %add3A_1627 = arith.constant 208 : i32
        %add3A_1628 = arith.addi %add3A_1627, %scan3A_880 : i32
        %add3A_1629 = arith.constant 48 : i32
        %add3A_1630 = arith.addi %mul3A_1111, %add3A_1629 : i32
        %get3A_1631 = arith.index_cast %add3A_1628 : i32 to index
        %get3A_1632 = arith.index_cast %add3A_1630 : i32 to index
        %get3A_1633 = tpu.vector_load %arg15[%get3A_1631, %get3A_1632] {strides = array<i32>} : memref<320x128xf32, #tpu.memory_space<vmem>>, vector<16xf32>,
        %add3A_1634 = arith.addf %add3A_1602, %get3A_1612 : vector<16xf32>
        %add3A_1635 = arith.addf %add3A_1603, %get3A_1619 : vector<16xf32>
        %add3A_1636 = arith.addf %add3A_1604, %get3A_1626 : vector<16xf32>
        %add3A_1637 = arith.addf %add3A_1605, %get3A_1633 : vector<16xf32>
        %add3A_1638 = arith.constant 224 : i32
        %add3A_1639 = arith.addi %add3A_1638, %scan3A_880 : i32
        %add3A_1640 = arith.constant 0 : i32
        %add3A_1641 = arith.addi %mul3A_1126, %add3A_1640 : i32
        %get3A_1642 = arith.index_cast %add3A_1639 : i32 to index
        %get3A_1643 = arith.index_cast %add3A_1641 : i32 to index
        %get3A_1644 = tpu.vector_load %arg15[%get3A_1642, %get3A_1643] {strides = array<i32>} : memref<320x128xf32, #tpu.memory_space<vmem>>, vector<16xf32>,
        %add3A_1645 = arith.constant 224 : i32
        %add3A_1646 = arith.addi %add3A_1645, %scan3A_880 : i32
        %add3A_1647 = arith.constant 16 : i32
        %add3A_1648 = arith.addi %mul3A_1126, %add3A_1647 : i32
        %get3A_1649 = arith.index_cast %add3A_1646 : i32 to index
        %get3A_1650 = arith.index_cast %add3A_1648 : i32 to index
        %get3A_1651 = tpu.vector_load %arg15[%get3A_1649, %get3A_1650] {strides = array<i32>} : memref<320x128xf32, #tpu.memory_space<vmem>>, vector<16xf32>,
        %add3A_1652 = arith.constant 224 : i32
        %add3A_1653 = arith.addi %add3A_1652, %scan3A_880 : i32
        %add3A_1654 = arith.constant 32 : i32
        %add3A_1655 = arith.addi %mul3A_1126, %add3A_1654 : i32
        %get3A_1656 = arith.index_cast %add3A_1653 : i32 to index
        %get3A_1657 = arith.index_cast %add3A_1655 : i32 to index
        %get3A_1658 = tpu.vector_load %arg15[%get3A_1656, %get3A_1657] {strides = array<i32>} : memref<320x128xf32, #tpu.memory_space<vmem>>, vector<16xf32>,
        %add3A_1659 = arith.constant 224 : i32
        %add3A_1660 = arith.addi %add3A_1659, %scan3A_880 : i32
        %add3A_1661 = arith.constant 48 : i32
        %add3A_1662 = arith.addi %mul3A_1126, %add3A_1661 : i32
        %get3A_1663 = arith.index_cast %add3A_1660 : i32 to index
        %get3A_1664 = arith.index_cast %add3A_1662 : i32 to index
        %get3A_1665 = tpu.vector_load %arg15[%get3A_1663, %get3A_1664] {strides = array<i32>} : memref<320x128xf32, #tpu.memory_space<vmem>>, vector<16xf32>,
        %add3A_1666 = arith.addf %add3A_1634, %get3A_1644 : vector<16xf32>
        %add3A_1667 = arith.addf %add3A_1635, %get3A_1651 : vector<16xf32>
        %add3A_1668 = arith.addf %add3A_1636, %get3A_1658 : vector<16xf32>
        %add3A_1669 = arith.addf %add3A_1637, %get3A_1665 : vector<16xf32>
        %add3A_1670 = arith.constant 240 : i32
        %add3A_1671 = arith.addi %add3A_1670, %scan3A_880 : i32
        %add3A_1672 = arith.constant 0 : i32
        %add3A_1673 = arith.addi %mul3A_1141, %add3A_1672 : i32
        %get3A_1674 = arith.index_cast %add3A_1671 : i32 to index
        %get3A_1675 = arith.index_cast %add3A_1673 : i32 to index
        %get3A_1676 = tpu.vector_load %arg15[%get3A_1674, %get3A_1675] {strides = array<i32>} : memref<320x128xf32, #tpu.memory_space<vmem>>, vector<16xf32>,
        %add3A_1677 = arith.constant 240 : i32
        %add3A_1678 = arith.addi %add3A_1677, %scan3A_880 : i32
        %add3A_1679 = arith.constant 16 : i32
        %add3A_1680 = arith.addi %mul3A_1141, %add3A_1679 : i32
        %get3A_1681 = arith.index_cast %add3A_1678 : i32 to index
        %get3A_1682 = arith.index_cast %add3A_1680 : i32 to index
        %get3A_1683 = tpu.vector_load %arg15[%get3A_1681, %get3A_1682] {strides = array<i32>} : memref<320x128xf32, #tpu.memory_space<vmem>>, vector<16xf32>,
        %add3A_1684 = arith.constant 240 : i32
        %add3A_1685 = arith.addi %add3A_1684, %scan3A_880 : i32
        %add3A_1686 = arith.constant 32 : i32
        %add3A_1687 = arith.addi %mul3A_1141, %add3A_1686 : i32
        %get3A_1688 = arith.index_cast %add3A_1685 : i32 to index
        %get3A_1689 = arith.index_cast %add3A_1687 : i32 to index
        %get3A_1690 = tpu.vector_load %arg15[%get3A_1688, %get3A_1689] {strides = array<i32>} : memref<320x128xf32, #tpu.memory_space<vmem>>, vector<16xf32>,
        %add3A_1691 = arith.constant 240 : i32
        %add3A_1692 = arith.addi %add3A_1691, %scan3A_880 : i32
        %add3A_1693 = arith.constant 48 : i32
        %add3A_1694 = arith.addi %mul3A_1141, %add3A_1693 : i32
        %get3A_1695 = arith.index_cast %add3A_1692 : i32 to index
        %get3A_1696 = arith.index_cast %add3A_1694 : i32 to index
        %get3A_1697 = tpu.vector_load %arg15[%get3A_1695, %get3A_1696] {strides = array<i32>} : memref<320x128xf32, #tpu.memory_space<vmem>>, vector<16xf32>,
        %add3A_1698 = arith.addf %add3A_1666, %get3A_1676 : vector<16xf32>
        %add3A_1699 = arith.addf %add3A_1667, %get3A_1683 : vector<16xf32>
        %add3A_1700 = arith.addf %add3A_1668, %get3A_1690 : vector<16xf32>
        %add3A_1701 = arith.addf %add3A_1669, %get3A_1697 : vector<16xf32>
        %add3A_1702 = arith.constant 256 : i32
        %add3A_1703 = arith.addi %add3A_1702, %scan3A_880 : i32
        %add3A_1704 = arith.constant 0 : i32
        %add3A_1705 = arith.addi %mul3A_1156, %add3A_1704 : i32
        %get3A_1706 = arith.index_cast %add3A_1703 : i32 to index
        %get3A_1707 = arith.index_cast %add3A_1705 : i32 to index
        %get3A_1708 = tpu.vector_load %arg15[%get3A_1706, %get3A_1707] {strides = array<i32>} : memref<320x128xf32, #tpu.memory_space<vmem>>, vector<16xf32>,
        %add3A_1709 = arith.constant 256 : i32
        %add3A_1710 = arith.addi %add3A_1709, %scan3A_880 : i32
        %add3A_1711 = arith.constant 16 : i32
        %add3A_1712 = arith.addi %mul3A_1156, %add3A_1711 : i32
        %get3A_1713 = arith.index_cast %add3A_1710 : i32 to index
        %get3A_1714 = arith.index_cast %add3A_1712 : i32 to index
        %get3A_1715 = tpu.vector_load %arg15[%get3A_1713, %get3A_1714] {strides = array<i32>} : memref<320x128xf32, #tpu.memory_space<vmem>>, vector<16xf32>,
        %add3A_1716 = arith.constant 256 : i32
        %add3A_1717 = arith.addi %add3A_1716, %scan3A_880 : i32
        %add3A_1718 = arith.constant 32 : i32
        %add3A_1719 = arith.addi %mul3A_1156, %add3A_1718 : i32
        %get3A_1720 = arith.index_cast %add3A_1717 : i32 to index
        %get3A_1721 = arith.index_cast %add3A_1719 : i32 to index
        %get3A_1722 = tpu.vector_load %arg15[%get3A_1720, %get3A_1721] {strides = array<i32>} : memref<320x128xf32, #tpu.memory_space<vmem>>, vector<16xf32>,
        %add3A_1723 = arith.constant 256 : i32
        %add3A_1724 = arith.addi %add3A_1723, %scan3A_880 : i32
        %add3A_1725 = arith.constant 48 : i32
        %add3A_1726 = arith.addi %mul3A_1156, %add3A_1725 : i32
        %get3A_1727 = arith.index_cast %add3A_1724 : i32 to index
        %get3A_1728 = arith.index_cast %add3A_1726 : i32 to index
        %get3A_1729 = tpu.vector_load %arg15[%get3A_1727, %get3A_1728] {strides = array<i32>} : memref<320x128xf32, #tpu.memory_space<vmem>>, vector<16xf32>,
        %add3A_1730 = arith.addf %add3A_1698, %get3A_1708 : vector<16xf32>
        %add3A_1731 = arith.addf %add3A_1699, %get3A_1715 : vector<16xf32>
        %add3A_1732 = arith.addf %add3A_1700, %get3A_1722 : vector<16xf32>
        %add3A_1733 = arith.addf %add3A_1701, %get3A_1729 : vector<16xf32>
        %add3A_1734 = arith.constant 272 : i32
        %add3A_1735 = arith.addi %add3A_1734, %scan3A_880 : i32
        %add3A_1736 = arith.constant 0 : i32
        %add3A_1737 = arith.addi %mul3A_1171, %add3A_1736 : i32
        %get3A_1738 = arith.index_cast %add3A_1735 : i32 to index
        %get3A_1739 = arith.index_cast %add3A_1737 : i32 to index
        %get3A_1740 = tpu.vector_load %arg15[%get3A_1738, %get3A_1739] {strides = array<i32>} : memref<320x128xf32, #tpu.memory_space<vmem>>, vector<16xf32>,
        %add3A_1741 = arith.constant 272 : i32
        %add3A_1742 = arith.addi %add3A_1741, %scan3A_880 : i32
        %add3A_1743 = arith.constant 16 : i32
        %add3A_1744 = arith.addi %mul3A_1171, %add3A_1743 : i32
        %get3A_1745 = arith.index_cast %add3A_1742 : i32 to index
        %get3A_1746 = arith.index_cast %add3A_1744 : i32 to index
        %get3A_1747 = tpu.vector_load %arg15[%get3A_1745, %get3A_1746] {strides = array<i32>} : memref<320x128xf32, #tpu.memory_space<vmem>>, vector<16xf32>,
        %add3A_1748 = arith.constant 272 : i32
        %add3A_1749 = arith.addi %add3A_1748, %scan3A_880 : i32
        %add3A_1750 = arith.constant 32 : i32
        %add3A_1751 = arith.addi %mul3A_1171, %add3A_1750 : i32
        %get3A_1752 = arith.index_cast %add3A_1749 : i32 to index
        %get3A_1753 = arith.index_cast %add3A_1751 : i32 to index
        %get3A_1754 = tpu.vector_load %arg15[%get3A_1752, %get3A_1753] {strides = array<i32>} : memref<320x128xf32, #tpu.memory_space<vmem>>, vector<16xf32>,
        %add3A_1755 = arith.constant 272 : i32
        %add3A_1756 = arith.addi %add3A_1755, %scan3A_880 : i32
        %add3A_1757 = arith.constant 48 : i32
        %add3A_1758 = arith.addi %mul3A_1171, %add3A_1757 : i32
        %get3A_1759 = arith.index_cast %add3A_1756 : i32 to index
        %get3A_1760 = arith.index_cast %add3A_1758 : i32 to index
        %get3A_1761 = tpu.vector_load %arg15[%get3A_1759, %get3A_1760] {strides = array<i32>} : memref<320x128xf32, #tpu.memory_space<vmem>>, vector<16xf32>,
        %add3A_1762 = arith.addf %add3A_1730, %get3A_1740 : vector<16xf32>
        %add3A_1763 = arith.addf %add3A_1731, %get3A_1747 : vector<16xf32>
        %add3A_1764 = arith.addf %add3A_1732, %get3A_1754 : vector<16xf32>
        %add3A_1765 = arith.addf %add3A_1733, %get3A_1761 : vector<16xf32>
        %add3A_1766 = arith.constant 288 : i32
        %add3A_1767 = arith.addi %add3A_1766, %scan3A_880 : i32
        %add3A_1768 = arith.constant 0 : i32
        %add3A_1769 = arith.addi %mul3A_1186, %add3A_1768 : i32
        %get3A_1770 = arith.index_cast %add3A_1767 : i32 to index
        %get3A_1771 = arith.index_cast %add3A_1769 : i32 to index
        %get3A_1772 = tpu.vector_load %arg15[%get3A_1770, %get3A_1771] {strides = array<i32>} : memref<320x128xf32, #tpu.memory_space<vmem>>, vector<16xf32>,
        %add3A_1773 = arith.constant 288 : i32
        %add3A_1774 = arith.addi %add3A_1773, %scan3A_880 : i32
        %add3A_1775 = arith.constant 16 : i32
        %add3A_1776 = arith.addi %mul3A_1186, %add3A_1775 : i32
        %get3A_1777 = arith.index_cast %add3A_1774 : i32 to index
        %get3A_1778 = arith.index_cast %add3A_1776 : i32 to index
        %get3A_1779 = tpu.vector_load %arg15[%get3A_1777, %get3A_1778] {strides = array<i32>} : memref<320x128xf32, #tpu.memory_space<vmem>>, vector<16xf32>,
        %add3A_1780 = arith.constant 288 : i32
        %add3A_1781 = arith.addi %add3A_1780, %scan3A_880 : i32
        %add3A_1782 = arith.constant 32 : i32
        %add3A_1783 = arith.addi %mul3A_1186, %add3A_1782 : i32
        %get3A_1784 = arith.index_cast %add3A_1781 : i32 to index
        %get3A_1785 = arith.index_cast %add3A_1783 : i32 to index
        %get3A_1786 = tpu.vector_load %arg15[%get3A_1784, %get3A_1785] {strides = array<i32>} : memref<320x128xf32, #tpu.memory_space<vmem>>, vector<16xf32>,
        %add3A_1787 = arith.constant 288 : i32
        %add3A_1788 = arith.addi %add3A_1787, %scan3A_880 : i32
        %add3A_1789 = arith.constant 48 : i32
        %add3A_1790 = arith.addi %mul3A_1186, %add3A_1789 : i32
        %get3A_1791 = arith.index_cast %add3A_1788 : i32 to index
        %get3A_1792 = arith.index_cast %add3A_1790 : i32 to index
        %get3A_1793 = tpu.vector_load %arg15[%get3A_1791, %get3A_1792] {strides = array<i32>} : memref<320x128xf32, #tpu.memory_space<vmem>>, vector<16xf32>,
        %add3A_1794 = arith.addf %add3A_1762, %get3A_1772 : vector<16xf32>
        %add3A_1795 = arith.addf %add3A_1763, %get3A_1779 : vector<16xf32>
        %add3A_1796 = arith.addf %add3A_1764, %get3A_1786 : vector<16xf32>
        %add3A_1797 = arith.addf %add3A_1765, %get3A_1793 : vector<16xf32>
        %add3A_1798 = arith.constant 304 : i32
        %add3A_1799 = arith.addi %add3A_1798, %scan3A_880 : i32
        %add3A_1800 = arith.constant 0 : i32
        %add3A_1801 = arith.addi %mul3A_1201, %add3A_1800 : i32
        %get3A_1802 = arith.index_cast %add3A_1799 : i32 to index
        %get3A_1803 = arith.index_cast %add3A_1801 : i32 to index
        %get3A_1804 = tpu.vector_load %arg15[%get3A_1802, %get3A_1803] {strides = array<i32>} : memref<320x128xf32, #tpu.memory_space<vmem>>, vector<16xf32>,
        %add3A_1805 = arith.constant 304 : i32
        %add3A_1806 = arith.addi %add3A_1805, %scan3A_880 : i32
        %add3A_1807 = arith.constant 16 : i32
        %add3A_1808 = arith.addi %mul3A_1201, %add3A_1807 : i32
        %get3A_1809 = arith.index_cast %add3A_1806 : i32 to index
        %get3A_1810 = arith.index_cast %add3A_1808 : i32 to index
        %get3A_1811 = tpu.vector_load %arg15[%get3A_1809, %get3A_1810] {strides = array<i32>} : memref<320x128xf32, #tpu.memory_space<vmem>>, vector<16xf32>,
        %add3A_1812 = arith.constant 304 : i32
        %add3A_1813 = arith.addi %add3A_1812, %scan3A_880 : i32
        %add3A_1814 = arith.constant 32 : i32
        %add3A_1815 = arith.addi %mul3A_1201, %add3A_1814 : i32
        %get3A_1816 = arith.index_cast %add3A_1813 : i32 to index
        %get3A_1817 = arith.index_cast %add3A_1815 : i32 to index
        %get3A_1818 = tpu.vector_load %arg15[%get3A_1816, %get3A_1817] {strides = array<i32>} : memref<320x128xf32, #tpu.memory_space<vmem>>, vector<16xf32>,
        %add3A_1819 = arith.constant 304 : i32
        %add3A_1820 = arith.addi %add3A_1819, %scan3A_880 : i32
        %add3A_1821 = arith.constant 48 : i32
        %add3A_1822 = arith.addi %mul3A_1201, %add3A_1821 : i32
        %get3A_1823 = arith.index_cast %add3A_1820 : i32 to index
        %get3A_1824 = arith.index_cast %add3A_1822 : i32 to index
        %get3A_1825 = tpu.vector_load %arg15[%get3A_1823, %get3A_1824] {strides = array<i32>} : memref<320x128xf32, #tpu.memory_space<vmem>>, vector<16xf32>,
        %add3A_1826 = arith.addf %add3A_1794, %get3A_1804 : vector<16xf32>
        %add3A_1827 = arith.addf %add3A_1795, %get3A_1811 : vector<16xf32>
        %add3A_1828 = arith.addf %add3A_1796, %get3A_1818 : vector<16xf32>
        %add3A_1829 = arith.addf %add3A_1797, %get3A_1825 : vector<16xf32>
        %mul3A_1830 = arith.constant 16 : i32
        %mul3A_1831 = arith.muli %scan3A_18, %mul3A_1830 : i32
        %get3A_1832 = arith.index_cast %mul3A_1831 : i32 to index
        %get3A_1833 = tpu.vector_load %arg9[%get3A_1832] {strides = array<i32>} : memref<512xi32, #tpu.memory_space<vmem>>, vector<16xi32>,
        %select_n3A_1834 = arith.select %eq3A_902, %get3A_1833, %broadcast_in_dim3A_904 : vector<16xi1>, vector<16xi32>
        %reduce_sum3A_1835 = arith.constant true
        %reduce_sum3A_1836 = vector.broadcast %reduce_sum3A_1835 : i1 to vector<16xi1>
        %reduce_sum3A_1837 = tpu.scan <sum>, %select_n3A_1834 masked %reduce_sum3A_1836 : vector<16xi32>, vector<16xi1> -> vector<16xi32>
        %reduce_sum3A_1838 = vector.extract %reduce_sum3A_1837[15] : i32 from vector<16xi32>
        %and3A_1839 = arith.constant 1 : i32
        %and3A_1840 = arith.andi %reduce_sum3A_1838, %and3A_1839 : i32
        %mul3A_1841 = arith.constant 64 : i32
        %mul3A_1842 = arith.muli %and3A_1840, %mul3A_1841 : i32
        %add3A_1843 = arith.constant 0 : i32
        %add3A_1844 = arith.addi %mul3A_1842, %add3A_1843 : i32
        %get3A_1845 = arith.index_cast %scan3A_880 : i32 to index
        %get3A_1846 = arith.index_cast %add3A_1844 : i32 to index
        %get3A_1847 = tpu.vector_load %arg17[%get3A_1845, %get3A_1846] {strides = array<i32>} : memref<16x128xf32, #tpu.memory_space<vmem>>, vector<16xf32>,
        %mul3A_1848 = arith.mulf %add3A_1826, %get3A_1847 : vector<16xf32>
        %add3A_1849 = arith.constant 16 : i32
        %add3A_1850 = arith.addi %mul3A_1842, %add3A_1849 : i32
        %get3A_1851 = arith.index_cast %scan3A_880 : i32 to index
        %get3A_1852 = arith.index_cast %add3A_1850 : i32 to index
        %get3A_1853 = tpu.vector_load %arg17[%get3A_1851, %get3A_1852] {strides = array<i32>} : memref<16x128xf32, #tpu.memory_space<vmem>>, vector<16xf32>,
        %mul3A_1854 = arith.mulf %add3A_1827, %get3A_1853 : vector<16xf32>
        %add3A_1855 = arith.constant 32 : i32
        %add3A_1856 = arith.addi %mul3A_1842, %add3A_1855 : i32
        %get3A_1857 = arith.index_cast %scan3A_880 : i32 to index
        %get3A_1858 = arith.index_cast %add3A_1856 : i32 to index
        %get3A_1859 = tpu.vector_load %arg17[%get3A_1857, %get3A_1858] {strides = array<i32>} : memref<16x128xf32, #tpu.memory_space<vmem>>, vector<16xf32>,
        %mul3A_1860 = arith.mulf %add3A_1828, %get3A_1859 : vector<16xf32>
        %add3A_1861 = arith.constant 48 : i32
        %add3A_1862 = arith.addi %mul3A_1842, %add3A_1861 : i32
        %get3A_1863 = arith.index_cast %scan3A_880 : i32 to index
        %get3A_1864 = arith.index_cast %add3A_1862 : i32 to index
        %get3A_1865 = tpu.vector_load %arg17[%get3A_1863, %get3A_1864] {strides = array<i32>} : memref<16x128xf32, #tpu.memory_space<vmem>>, vector<16xf32>,
        %mul3A_1866 = arith.mulf %add3A_1829, %get3A_1865 : vector<16xf32>
        %add3A_1867 = arith.addf %mul3A_1848, %mul3A_1854 : vector<16xf32>
        %add3A_1868 = arith.addf %mul3A_1860, %mul3A_1866 : vector<16xf32>
        %add3A_1869 = arith.addf %add3A_1867, %add3A_1868 : vector<16xf32>
        %reduce_sum3A_1870 = arith.constant true
        %reduce_sum3A_1871 = vector.broadcast %reduce_sum3A_1870 : i1 to vector<16xi1>
        %reduce_sum3A_1872 = tpu.scan <sum>, %add3A_1869 masked %reduce_sum3A_1871 : vector<16xf32>, vector<16xi1> -> vector<16xf32>
        %reduce_sum3A_1873 = vector.extract %reduce_sum3A_1872[15] : f32 from vector<16xf32>
        %broadcast_in_dim3A_1874 = vector.broadcast %reduce_sum3A_1873 : f32 to vector<16xf32>
        %select_n3A_1875 = arith.select %eq3A_902, %broadcast_in_dim3A_1874, %scan3A_881 : vector<16xi1>, vector<16xf32>
        %mul3A_1876 = arith.constant 16 : i32
        %mul3A_1877 = arith.muli %scan3A_18, %mul3A_1876 : i32
        %get3A_1878 = arith.constant 0 : i32
        %get3A_1879 = arith.index_cast %get3A_1878 : i32 to index
        %get3A_1880 = arith.index_cast %mul3A_1877 : i32 to index
        %get3A_1881 = tpu.vector_load %arg11[%get3A_1879, %get3A_1880] {strides = array<i32>} : memref<20x512xi32, #tpu.memory_space<vmem>>, vector<16xi32>,
        %select_n3A_1882 = arith.select %eq3A_902, %get3A_1881, %broadcast_in_dim3A_904 : vector<16xi1>, vector<16xi32>
        %reduce_sum3A_1883 = arith.constant true
        %reduce_sum3A_1884 = vector.broadcast %reduce_sum3A_1883 : i1 to vector<16xi1>
        %reduce_sum3A_1885 = tpu.scan <sum>, %select_n3A_1882 masked %reduce_sum3A_1884 : vector<16xi32>, vector<16xi1> -> vector<16xi32>
        %reduce_sum3A_1886 = vector.extract %reduce_sum3A_1885[15] : i32 from vector<16xi32>
        %and3A_1887 = arith.constant 1 : i32
        %and3A_1888 = arith.andi %reduce_sum3A_1886, %and3A_1887 : i32
        %mul3A_1889 = arith.constant 64 : i32
        %mul3A_1890 = arith.muli %and3A_1888, %mul3A_1889 : i32
        %add3A_1891 = arith.constant 0 : i32
        %add3A_1892 = arith.addi %add3A_1891, %scan3A_880 : i32
        %add3A_1893 = arith.constant 0 : i32
        %add3A_1894 = arith.addi %mul3A_1890, %add3A_1893 : i32
        %get3A_1895 = arith.index_cast %add3A_1892 : i32 to index
        %get3A_1896 = arith.index_cast %add3A_1894 : i32 to index
        %get3A_1897 = tpu.vector_load %arg16[%get3A_1895, %get3A_1896] {strides = array<i32>} : memref<320x128xf32, #tpu.memory_space<vmem>>, vector<16xf32>,
        %mul3A_1898 = arith.mulf %add3A_1826, %get3A_1897 : vector<16xf32>
        %add3A_1899 = arith.constant 0 : i32
        %add3A_1900 = arith.addi %add3A_1899, %scan3A_880 : i32
        %add3A_1901 = arith.constant 16 : i32
        %add3A_1902 = arith.addi %mul3A_1890, %add3A_1901 : i32
        %get3A_1903 = arith.index_cast %add3A_1900 : i32 to index
        %get3A_1904 = arith.index_cast %add3A_1902 : i32 to index
        %get3A_1905 = tpu.vector_load %arg16[%get3A_1903, %get3A_1904] {strides = array<i32>} : memref<320x128xf32, #tpu.memory_space<vmem>>, vector<16xf32>,
        %mul3A_1906 = arith.mulf %add3A_1827, %get3A_1905 : vector<16xf32>
        %add3A_1907 = arith.constant 0 : i32
        %add3A_1908 = arith.addi %add3A_1907, %scan3A_880 : i32
        %add3A_1909 = arith.constant 32 : i32
        %add3A_1910 = arith.addi %mul3A_1890, %add3A_1909 : i32
        %get3A_1911 = arith.index_cast %add3A_1908 : i32 to index
        %get3A_1912 = arith.index_cast %add3A_1910 : i32 to index
        %get3A_1913 = tpu.vector_load %arg16[%get3A_1911, %get3A_1912] {strides = array<i32>} : memref<320x128xf32, #tpu.memory_space<vmem>>, vector<16xf32>,
        %mul3A_1914 = arith.mulf %add3A_1828, %get3A_1913 : vector<16xf32>
        %add3A_1915 = arith.constant 0 : i32
        %add3A_1916 = arith.addi %add3A_1915, %scan3A_880 : i32
        %add3A_1917 = arith.constant 48 : i32
        %add3A_1918 = arith.addi %mul3A_1890, %add3A_1917 : i32
        %get3A_1919 = arith.index_cast %add3A_1916 : i32 to index
        %get3A_1920 = arith.index_cast %add3A_1918 : i32 to index
        %get3A_1921 = tpu.vector_load %arg16[%get3A_1919, %get3A_1920] {strides = array<i32>} : memref<320x128xf32, #tpu.memory_space<vmem>>, vector<16xf32>,
        %mul3A_1922 = arith.mulf %add3A_1829, %get3A_1921 : vector<16xf32>
        %add3A_1923 = arith.addf %mul3A_1898, %mul3A_1906 : vector<16xf32>
        %add3A_1924 = arith.addf %mul3A_1914, %mul3A_1922 : vector<16xf32>
        %add3A_1925 = arith.addf %add3A_1923, %add3A_1924 : vector<16xf32>
        %reduce_sum3A_1926 = arith.constant true
        %reduce_sum3A_1927 = vector.broadcast %reduce_sum3A_1926 : i1 to vector<16xi1>
        %reduce_sum3A_1928 = tpu.scan <sum>, %add3A_1925 masked %reduce_sum3A_1927 : vector<16xf32>, vector<16xi1> -> vector<16xf32>
        %reduce_sum3A_1929 = vector.extract %reduce_sum3A_1928[15] : f32 from vector<16xf32>
        %broadcast_in_dim3A_1930 = vector.broadcast %reduce_sum3A_1929 : f32 to vector<16xf32>
        %select_n3A_1931 = arith.select %eq3A_902, %broadcast_in_dim3A_1930, %scan3A_882 : vector<16xi1>, vector<16xf32>
        %mul3A_1932 = arith.constant 16 : i32
        %mul3A_1933 = arith.muli %scan3A_18, %mul3A_1932 : i32
        %get3A_1934 = arith.constant 1 : i32
        %get3A_1935 = arith.index_cast %get3A_1934 : i32 to index
        %get3A_1936 = arith.index_cast %mul3A_1933 : i32 to index
        %get3A_1937 = tpu.vector_load %arg11[%get3A_1935, %get3A_1936] {strides = array<i32>} : memref<20x512xi32, #tpu.memory_space<vmem>>, vector<16xi32>,
        %select_n3A_1938 = arith.select %eq3A_902, %get3A_1937, %broadcast_in_dim3A_904 : vector<16xi1>, vector<16xi32>
        %reduce_sum3A_1939 = arith.constant true
        %reduce_sum3A_1940 = vector.broadcast %reduce_sum3A_1939 : i1 to vector<16xi1>
        %reduce_sum3A_1941 = tpu.scan <sum>, %select_n3A_1938 masked %reduce_sum3A_1940 : vector<16xi32>, vector<16xi1> -> vector<16xi32>
        %reduce_sum3A_1942 = vector.extract %reduce_sum3A_1941[15] : i32 from vector<16xi32>
        %and3A_1943 = arith.constant 1 : i32
        %and3A_1944 = arith.andi %reduce_sum3A_1942, %and3A_1943 : i32
        %mul3A_1945 = arith.constant 64 : i32
        %mul3A_1946 = arith.muli %and3A_1944, %mul3A_1945 : i32
        %add3A_1947 = arith.constant 16 : i32
        %add3A_1948 = arith.addi %add3A_1947, %scan3A_880 : i32
        %add3A_1949 = arith.constant 0 : i32
        %add3A_1950 = arith.addi %mul3A_1946, %add3A_1949 : i32
        %get3A_1951 = arith.index_cast %add3A_1948 : i32 to index
        %get3A_1952 = arith.index_cast %add3A_1950 : i32 to index
        %get3A_1953 = tpu.vector_load %arg16[%get3A_1951, %get3A_1952] {strides = array<i32>} : memref<320x128xf32, #tpu.memory_space<vmem>>, vector<16xf32>,
        %mul3A_1954 = arith.mulf %add3A_1826, %get3A_1953 : vector<16xf32>
        %add3A_1955 = arith.constant 16 : i32
        %add3A_1956 = arith.addi %add3A_1955, %scan3A_880 : i32
        %add3A_1957 = arith.constant 16 : i32
        %add3A_1958 = arith.addi %mul3A_1946, %add3A_1957 : i32
        %get3A_1959 = arith.index_cast %add3A_1956 : i32 to index
        %get3A_1960 = arith.index_cast %add3A_1958 : i32 to index
        %get3A_1961 = tpu.vector_load %arg16[%get3A_1959, %get3A_1960] {strides = array<i32>} : memref<320x128xf32, #tpu.memory_space<vmem>>, vector<16xf32>,
        %mul3A_1962 = arith.mulf %add3A_1827, %get3A_1961 : vector<16xf32>
        %add3A_1963 = arith.constant 16 : i32
        %add3A_1964 = arith.addi %add3A_1963, %scan3A_880 : i32
        %add3A_1965 = arith.constant 32 : i32
        %add3A_1966 = arith.addi %mul3A_1946, %add3A_1965 : i32
        %get3A_1967 = arith.index_cast %add3A_1964 : i32 to index
        %get3A_1968 = arith.index_cast %add3A_1966 : i32 to index
        %get3A_1969 = tpu.vector_load %arg16[%get3A_1967, %get3A_1968] {strides = array<i32>} : memref<320x128xf32, #tpu.memory_space<vmem>>, vector<16xf32>,
        %mul3A_1970 = arith.mulf %add3A_1828, %get3A_1969 : vector<16xf32>
        %add3A_1971 = arith.constant 16 : i32
        %add3A_1972 = arith.addi %add3A_1971, %scan3A_880 : i32
        %add3A_1973 = arith.constant 48 : i32
        %add3A_1974 = arith.addi %mul3A_1946, %add3A_1973 : i32
        %get3A_1975 = arith.index_cast %add3A_1972 : i32 to index
        %get3A_1976 = arith.index_cast %add3A_1974 : i32 to index
        %get3A_1977 = tpu.vector_load %arg16[%get3A_1975, %get3A_1976] {strides = array<i32>} : memref<320x128xf32, #tpu.memory_space<vmem>>, vector<16xf32>,
        %mul3A_1978 = arith.mulf %add3A_1829, %get3A_1977 : vector<16xf32>
        %add3A_1979 = arith.addf %mul3A_1954, %mul3A_1962 : vector<16xf32>
        %add3A_1980 = arith.addf %mul3A_1970, %mul3A_1978 : vector<16xf32>
        %add3A_1981 = arith.addf %add3A_1979, %add3A_1980 : vector<16xf32>
        %reduce_sum3A_1982 = arith.constant true
        %reduce_sum3A_1983 = vector.broadcast %reduce_sum3A_1982 : i1 to vector<16xi1>
        %reduce_sum3A_1984 = tpu.scan <sum>, %add3A_1981 masked %reduce_sum3A_1983 : vector<16xf32>, vector<16xi1> -> vector<16xf32>
        %reduce_sum3A_1985 = vector.extract %reduce_sum3A_1984[15] : f32 from vector<16xf32>
        %broadcast_in_dim3A_1986 = vector.broadcast %reduce_sum3A_1985 : f32 to vector<16xf32>
        %select_n3A_1987 = arith.select %eq3A_902, %broadcast_in_dim3A_1986, %scan3A_883 : vector<16xi1>, vector<16xf32>
        %mul3A_1988 = arith.constant 16 : i32
        %mul3A_1989 = arith.muli %scan3A_18, %mul3A_1988 : i32
        %get3A_1990 = arith.constant 2 : i32
        %get3A_1991 = arith.index_cast %get3A_1990 : i32 to index
        %get3A_1992 = arith.index_cast %mul3A_1989 : i32 to index
        %get3A_1993 = tpu.vector_load %arg11[%get3A_1991, %get3A_1992] {strides = array<i32>} : memref<20x512xi32, #tpu.memory_space<vmem>>, vector<16xi32>,
        %select_n3A_1994 = arith.select %eq3A_902, %get3A_1993, %broadcast_in_dim3A_904 : vector<16xi1>, vector<16xi32>
        %reduce_sum3A_1995 = arith.constant true
        %reduce_sum3A_1996 = vector.broadcast %reduce_sum3A_1995 : i1 to vector<16xi1>
        %reduce_sum3A_1997 = tpu.scan <sum>, %select_n3A_1994 masked %reduce_sum3A_1996 : vector<16xi32>, vector<16xi1> -> vector<16xi32>
        %reduce_sum3A_1998 = vector.extract %reduce_sum3A_1997[15] : i32 from vector<16xi32>
        %and3A_1999 = arith.constant 1 : i32
        %and3A_2000 = arith.andi %reduce_sum3A_1998, %and3A_1999 : i32
        %mul3A_2001 = arith.constant 64 : i32
        %mul3A_2002 = arith.muli %and3A_2000, %mul3A_2001 : i32
        %add3A_2003 = arith.constant 32 : i32
        %add3A_2004 = arith.addi %add3A_2003, %scan3A_880 : i32
        %add3A_2005 = arith.constant 0 : i32
        %add3A_2006 = arith.addi %mul3A_2002, %add3A_2005 : i32
        %get3A_2007 = arith.index_cast %add3A_2004 : i32 to index
        %get3A_2008 = arith.index_cast %add3A_2006 : i32 to index
        %get3A_2009 = tpu.vector_load %arg16[%get3A_2007, %get3A_2008] {strides = array<i32>} : memref<320x128xf32, #tpu.memory_space<vmem>>, vector<16xf32>,
        %mul3A_2010 = arith.mulf %add3A_1826, %get3A_2009 : vector<16xf32>
        %add3A_2011 = arith.constant 32 : i32
        %add3A_2012 = arith.addi %add3A_2011, %scan3A_880 : i32
        %add3A_2013 = arith.constant 16 : i32
        %add3A_2014 = arith.addi %mul3A_2002, %add3A_2013 : i32
        %get3A_2015 = arith.index_cast %add3A_2012 : i32 to index
        %get3A_2016 = arith.index_cast %add3A_2014 : i32 to index
        %get3A_2017 = tpu.vector_load %arg16[%get3A_2015, %get3A_2016] {strides = array<i32>} : memref<320x128xf32, #tpu.memory_space<vmem>>, vector<16xf32>,
        %mul3A_2018 = arith.mulf %add3A_1827, %get3A_2017 : vector<16xf32>
        %add3A_2019 = arith.constant 32 : i32
        %add3A_2020 = arith.addi %add3A_2019, %scan3A_880 : i32
        %add3A_2021 = arith.constant 32 : i32
        %add3A_2022 = arith.addi %mul3A_2002, %add3A_2021 : i32
        %get3A_2023 = arith.index_cast %add3A_2020 : i32 to index
        %get3A_2024 = arith.index_cast %add3A_2022 : i32 to index
        %get3A_2025 = tpu.vector_load %arg16[%get3A_2023, %get3A_2024] {strides = array<i32>} : memref<320x128xf32, #tpu.memory_space<vmem>>, vector<16xf32>,
        %mul3A_2026 = arith.mulf %add3A_1828, %get3A_2025 : vector<16xf32>
        %add3A_2027 = arith.constant 32 : i32
        %add3A_2028 = arith.addi %add3A_2027, %scan3A_880 : i32
        %add3A_2029 = arith.constant 48 : i32
        %add3A_2030 = arith.addi %mul3A_2002, %add3A_2029 : i32
        %get3A_2031 = arith.index_cast %add3A_2028 : i32 to index
        %get3A_2032 = arith.index_cast %add3A_2030 : i32 to index
        %get3A_2033 = tpu.vector_load %arg16[%get3A_2031, %get3A_2032] {strides = array<i32>} : memref<320x128xf32, #tpu.memory_space<vmem>>, vector<16xf32>,
        %mul3A_2034 = arith.mulf %add3A_1829, %get3A_2033 : vector<16xf32>
        %add3A_2035 = arith.addf %mul3A_2010, %mul3A_2018 : vector<16xf32>
        %add3A_2036 = arith.addf %mul3A_2026, %mul3A_2034 : vector<16xf32>
        %add3A_2037 = arith.addf %add3A_2035, %add3A_2036 : vector<16xf32>
        %reduce_sum3A_2038 = arith.constant true
        %reduce_sum3A_2039 = vector.broadcast %reduce_sum3A_2038 : i1 to vector<16xi1>
        %reduce_sum3A_2040 = tpu.scan <sum>, %add3A_2037 masked %reduce_sum3A_2039 : vector<16xf32>, vector<16xi1> -> vector<16xf32>
        %reduce_sum3A_2041 = vector.extract %reduce_sum3A_2040[15] : f32 from vector<16xf32>
        %broadcast_in_dim3A_2042 = vector.broadcast %reduce_sum3A_2041 : f32 to vector<16xf32>
        %select_n3A_2043 = arith.select %eq3A_902, %broadcast_in_dim3A_2042, %scan3A_884 : vector<16xi1>, vector<16xf32>
        %mul3A_2044 = arith.constant 16 : i32
        %mul3A_2045 = arith.muli %scan3A_18, %mul3A_2044 : i32
        %get3A_2046 = arith.constant 3 : i32
        %get3A_2047 = arith.index_cast %get3A_2046 : i32 to index
        %get3A_2048 = arith.index_cast %mul3A_2045 : i32 to index
        %get3A_2049 = tpu.vector_load %arg11[%get3A_2047, %get3A_2048] {strides = array<i32>} : memref<20x512xi32, #tpu.memory_space<vmem>>, vector<16xi32>,
        %select_n3A_2050 = arith.select %eq3A_902, %get3A_2049, %broadcast_in_dim3A_904 : vector<16xi1>, vector<16xi32>
        %reduce_sum3A_2051 = arith.constant true
        %reduce_sum3A_2052 = vector.broadcast %reduce_sum3A_2051 : i1 to vector<16xi1>
        %reduce_sum3A_2053 = tpu.scan <sum>, %select_n3A_2050 masked %reduce_sum3A_2052 : vector<16xi32>, vector<16xi1> -> vector<16xi32>
        %reduce_sum3A_2054 = vector.extract %reduce_sum3A_2053[15] : i32 from vector<16xi32>
        %and3A_2055 = arith.constant 1 : i32
        %and3A_2056 = arith.andi %reduce_sum3A_2054, %and3A_2055 : i32
        %mul3A_2057 = arith.constant 64 : i32
        %mul3A_2058 = arith.muli %and3A_2056, %mul3A_2057 : i32
        %add3A_2059 = arith.constant 48 : i32
        %add3A_2060 = arith.addi %add3A_2059, %scan3A_880 : i32
        %add3A_2061 = arith.constant 0 : i32
        %add3A_2062 = arith.addi %mul3A_2058, %add3A_2061 : i32
        %get3A_2063 = arith.index_cast %add3A_2060 : i32 to index
        %get3A_2064 = arith.index_cast %add3A_2062 : i32 to index
        %get3A_2065 = tpu.vector_load %arg16[%get3A_2063, %get3A_2064] {strides = array<i32>} : memref<320x128xf32, #tpu.memory_space<vmem>>, vector<16xf32>,
        %mul3A_2066 = arith.mulf %add3A_1826, %get3A_2065 : vector<16xf32>
        %add3A_2067 = arith.constant 48 : i32
        %add3A_2068 = arith.addi %add3A_2067, %scan3A_880 : i32
        %add3A_2069 = arith.constant 16 : i32
        %add3A_2070 = arith.addi %mul3A_2058, %add3A_2069 : i32
        %get3A_2071 = arith.index_cast %add3A_2068 : i32 to index
        %get3A_2072 = arith.index_cast %add3A_2070 : i32 to index
        %get3A_2073 = tpu.vector_load %arg16[%get3A_2071, %get3A_2072] {strides = array<i32>} : memref<320x128xf32, #tpu.memory_space<vmem>>, vector<16xf32>,
        %mul3A_2074 = arith.mulf %add3A_1827, %get3A_2073 : vector<16xf32>
        %add3A_2075 = arith.constant 48 : i32
        %add3A_2076 = arith.addi %add3A_2075, %scan3A_880 : i32
        %add3A_2077 = arith.constant 32 : i32
        %add3A_2078 = arith.addi %mul3A_2058, %add3A_2077 : i32
        %get3A_2079 = arith.index_cast %add3A_2076 : i32 to index
        %get3A_2080 = arith.index_cast %add3A_2078 : i32 to index
        %get3A_2081 = tpu.vector_load %arg16[%get3A_2079, %get3A_2080] {strides = array<i32>} : memref<320x128xf32, #tpu.memory_space<vmem>>, vector<16xf32>,
        %mul3A_2082 = arith.mulf %add3A_1828, %get3A_2081 : vector<16xf32>
        %add3A_2083 = arith.constant 48 : i32
        %add3A_2084 = arith.addi %add3A_2083, %scan3A_880 : i32
        %add3A_2085 = arith.constant 48 : i32
        %add3A_2086 = arith.addi %mul3A_2058, %add3A_2085 : i32
        %get3A_2087 = arith.index_cast %add3A_2084 : i32 to index
        %get3A_2088 = arith.index_cast %add3A_2086 : i32 to index
        %get3A_2089 = tpu.vector_load %arg16[%get3A_2087, %get3A_2088] {strides = array<i32>} : memref<320x128xf32, #tpu.memory_space<vmem>>, vector<16xf32>,
        %mul3A_2090 = arith.mulf %add3A_1829, %get3A_2089 : vector<16xf32>
        %add3A_2091 = arith.addf %mul3A_2066, %mul3A_2074 : vector<16xf32>
        %add3A_2092 = arith.addf %mul3A_2082, %mul3A_2090 : vector<16xf32>
        %add3A_2093 = arith.addf %add3A_2091, %add3A_2092 : vector<16xf32>
        %reduce_sum3A_2094 = arith.constant true
        %reduce_sum3A_2095 = vector.broadcast %reduce_sum3A_2094 : i1 to vector<16xi1>
        %reduce_sum3A_2096 = tpu.scan <sum>, %add3A_2093 masked %reduce_sum3A_2095 : vector<16xf32>, vector<16xi1> -> vector<16xf32>
        %reduce_sum3A_2097 = vector.extract %reduce_sum3A_2096[15] : f32 from vector<16xf32>
        %broadcast_in_dim3A_2098 = vector.broadcast %reduce_sum3A_2097 : f32 to vector<16xf32>
        %select_n3A_2099 = arith.select %eq3A_902, %broadcast_in_dim3A_2098, %scan3A_885 : vector<16xi1>, vector<16xf32>
        %mul3A_2100 = arith.constant 16 : i32
        %mul3A_2101 = arith.muli %scan3A_18, %mul3A_2100 : i32
        %get3A_2102 = arith.constant 4 : i32
        %get3A_2103 = arith.index_cast %get3A_2102 : i32 to index
        %get3A_2104 = arith.index_cast %mul3A_2101 : i32 to index
        %get3A_2105 = tpu.vector_load %arg11[%get3A_2103, %get3A_2104] {strides = array<i32>} : memref<20x512xi32, #tpu.memory_space<vmem>>, vector<16xi32>,
        %select_n3A_2106 = arith.select %eq3A_902, %get3A_2105, %broadcast_in_dim3A_904 : vector<16xi1>, vector<16xi32>
        %reduce_sum3A_2107 = arith.constant true
        %reduce_sum3A_2108 = vector.broadcast %reduce_sum3A_2107 : i1 to vector<16xi1>
        %reduce_sum3A_2109 = tpu.scan <sum>, %select_n3A_2106 masked %reduce_sum3A_2108 : vector<16xi32>, vector<16xi1> -> vector<16xi32>
        %reduce_sum3A_2110 = vector.extract %reduce_sum3A_2109[15] : i32 from vector<16xi32>
        %and3A_2111 = arith.constant 1 : i32
        %and3A_2112 = arith.andi %reduce_sum3A_2110, %and3A_2111 : i32
        %mul3A_2113 = arith.constant 64 : i32
        %mul3A_2114 = arith.muli %and3A_2112, %mul3A_2113 : i32
        %add3A_2115 = arith.constant 64 : i32
        %add3A_2116 = arith.addi %add3A_2115, %scan3A_880 : i32
        %add3A_2117 = arith.constant 0 : i32
        %add3A_2118 = arith.addi %mul3A_2114, %add3A_2117 : i32
        %get3A_2119 = arith.index_cast %add3A_2116 : i32 to index
        %get3A_2120 = arith.index_cast %add3A_2118 : i32 to index
        %get3A_2121 = tpu.vector_load %arg16[%get3A_2119, %get3A_2120] {strides = array<i32>} : memref<320x128xf32, #tpu.memory_space<vmem>>, vector<16xf32>,
        %mul3A_2122 = arith.mulf %add3A_1826, %get3A_2121 : vector<16xf32>
        %add3A_2123 = arith.constant 64 : i32
        %add3A_2124 = arith.addi %add3A_2123, %scan3A_880 : i32
        %add3A_2125 = arith.constant 16 : i32
        %add3A_2126 = arith.addi %mul3A_2114, %add3A_2125 : i32
        %get3A_2127 = arith.index_cast %add3A_2124 : i32 to index
        %get3A_2128 = arith.index_cast %add3A_2126 : i32 to index
        %get3A_2129 = tpu.vector_load %arg16[%get3A_2127, %get3A_2128] {strides = array<i32>} : memref<320x128xf32, #tpu.memory_space<vmem>>, vector<16xf32>,
        %mul3A_2130 = arith.mulf %add3A_1827, %get3A_2129 : vector<16xf32>
        %add3A_2131 = arith.constant 64 : i32
        %add3A_2132 = arith.addi %add3A_2131, %scan3A_880 : i32
        %add3A_2133 = arith.constant 32 : i32
        %add3A_2134 = arith.addi %mul3A_2114, %add3A_2133 : i32
        %get3A_2135 = arith.index_cast %add3A_2132 : i32 to index
        %get3A_2136 = arith.index_cast %add3A_2134 : i32 to index
        %get3A_2137 = tpu.vector_load %arg16[%get3A_2135, %get3A_2136] {strides = array<i32>} : memref<320x128xf32, #tpu.memory_space<vmem>>, vector<16xf32>,
        %mul3A_2138 = arith.mulf %add3A_1828, %get3A_2137 : vector<16xf32>
        %add3A_2139 = arith.constant 64 : i32
        %add3A_2140 = arith.addi %add3A_2139, %scan3A_880 : i32
        %add3A_2141 = arith.constant 48 : i32
        %add3A_2142 = arith.addi %mul3A_2114, %add3A_2141 : i32
        %get3A_2143 = arith.index_cast %add3A_2140 : i32 to index
        %get3A_2144 = arith.index_cast %add3A_2142 : i32 to index
        %get3A_2145 = tpu.vector_load %arg16[%get3A_2143, %get3A_2144] {strides = array<i32>} : memref<320x128xf32, #tpu.memory_space<vmem>>, vector<16xf32>,
        %mul3A_2146 = arith.mulf %add3A_1829, %get3A_2145 : vector<16xf32>
        %add3A_2147 = arith.addf %mul3A_2122, %mul3A_2130 : vector<16xf32>
        %add3A_2148 = arith.addf %mul3A_2138, %mul3A_2146 : vector<16xf32>
        %add3A_2149 = arith.addf %add3A_2147, %add3A_2148 : vector<16xf32>
        %reduce_sum3A_2150 = arith.constant true
        %reduce_sum3A_2151 = vector.broadcast %reduce_sum3A_2150 : i1 to vector<16xi1>
        %reduce_sum3A_2152 = tpu.scan <sum>, %add3A_2149 masked %reduce_sum3A_2151 : vector<16xf32>, vector<16xi1> -> vector<16xf32>
        %reduce_sum3A_2153 = vector.extract %reduce_sum3A_2152[15] : f32 from vector<16xf32>
        %broadcast_in_dim3A_2154 = vector.broadcast %reduce_sum3A_2153 : f32 to vector<16xf32>
        %select_n3A_2155 = arith.select %eq3A_902, %broadcast_in_dim3A_2154, %scan3A_886 : vector<16xi1>, vector<16xf32>
        %mul3A_2156 = arith.constant 16 : i32
        %mul3A_2157 = arith.muli %scan3A_18, %mul3A_2156 : i32
        %get3A_2158 = arith.constant 5 : i32
        %get3A_2159 = arith.index_cast %get3A_2158 : i32 to index
        %get3A_2160 = arith.index_cast %mul3A_2157 : i32 to index
        %get3A_2161 = tpu.vector_load %arg11[%get3A_2159, %get3A_2160] {strides = array<i32>} : memref<20x512xi32, #tpu.memory_space<vmem>>, vector<16xi32>,
        %select_n3A_2162 = arith.select %eq3A_902, %get3A_2161, %broadcast_in_dim3A_904 : vector<16xi1>, vector<16xi32>
        %reduce_sum3A_2163 = arith.constant true
        %reduce_sum3A_2164 = vector.broadcast %reduce_sum3A_2163 : i1 to vector<16xi1>
        %reduce_sum3A_2165 = tpu.scan <sum>, %select_n3A_2162 masked %reduce_sum3A_2164 : vector<16xi32>, vector<16xi1> -> vector<16xi32>
        %reduce_sum3A_2166 = vector.extract %reduce_sum3A_2165[15] : i32 from vector<16xi32>
        %and3A_2167 = arith.constant 1 : i32
        %and3A_2168 = arith.andi %reduce_sum3A_2166, %and3A_2167 : i32
        %mul3A_2169 = arith.constant 64 : i32
        %mul3A_2170 = arith.muli %and3A_2168, %mul3A_2169 : i32
        %add3A_2171 = arith.constant 80 : i32
        %add3A_2172 = arith.addi %add3A_2171, %scan3A_880 : i32
        %add3A_2173 = arith.constant 0 : i32
        %add3A_2174 = arith.addi %mul3A_2170, %add3A_2173 : i32
        %get3A_2175 = arith.index_cast %add3A_2172 : i32 to index
        %get3A_2176 = arith.index_cast %add3A_2174 : i32 to index
        %get3A_2177 = tpu.vector_load %arg16[%get3A_2175, %get3A_2176] {strides = array<i32>} : memref<320x128xf32, #tpu.memory_space<vmem>>, vector<16xf32>,
        %mul3A_2178 = arith.mulf %add3A_1826, %get3A_2177 : vector<16xf32>
        %add3A_2179 = arith.constant 80 : i32
        %add3A_2180 = arith.addi %add3A_2179, %scan3A_880 : i32
        %add3A_2181 = arith.constant 16 : i32
        %add3A_2182 = arith.addi %mul3A_2170, %add3A_2181 : i32
        %get3A_2183 = arith.index_cast %add3A_2180 : i32 to index
        %get3A_2184 = arith.index_cast %add3A_2182 : i32 to index
        %get3A_2185 = tpu.vector_load %arg16[%get3A_2183, %get3A_2184] {strides = array<i32>} : memref<320x128xf32, #tpu.memory_space<vmem>>, vector<16xf32>,
        %mul3A_2186 = arith.mulf %add3A_1827, %get3A_2185 : vector<16xf32>
        %add3A_2187 = arith.constant 80 : i32
        %add3A_2188 = arith.addi %add3A_2187, %scan3A_880 : i32
        %add3A_2189 = arith.constant 32 : i32
        %add3A_2190 = arith.addi %mul3A_2170, %add3A_2189 : i32
        %get3A_2191 = arith.index_cast %add3A_2188 : i32 to index
        %get3A_2192 = arith.index_cast %add3A_2190 : i32 to index
        %get3A_2193 = tpu.vector_load %arg16[%get3A_2191, %get3A_2192] {strides = array<i32>} : memref<320x128xf32, #tpu.memory_space<vmem>>, vector<16xf32>,
        %mul3A_2194 = arith.mulf %add3A_1828, %get3A_2193 : vector<16xf32>
        %add3A_2195 = arith.constant 80 : i32
        %add3A_2196 = arith.addi %add3A_2195, %scan3A_880 : i32
        %add3A_2197 = arith.constant 48 : i32
        %add3A_2198 = arith.addi %mul3A_2170, %add3A_2197 : i32
        %get3A_2199 = arith.index_cast %add3A_2196 : i32 to index
        %get3A_2200 = arith.index_cast %add3A_2198 : i32 to index
        %get3A_2201 = tpu.vector_load %arg16[%get3A_2199, %get3A_2200] {strides = array<i32>} : memref<320x128xf32, #tpu.memory_space<vmem>>, vector<16xf32>,
        %mul3A_2202 = arith.mulf %add3A_1829, %get3A_2201 : vector<16xf32>
        %add3A_2203 = arith.addf %mul3A_2178, %mul3A_2186 : vector<16xf32>
        %add3A_2204 = arith.addf %mul3A_2194, %mul3A_2202 : vector<16xf32>
        %add3A_2205 = arith.addf %add3A_2203, %add3A_2204 : vector<16xf32>
        %reduce_sum3A_2206 = arith.constant true
        %reduce_sum3A_2207 = vector.broadcast %reduce_sum3A_2206 : i1 to vector<16xi1>
        %reduce_sum3A_2208 = tpu.scan <sum>, %add3A_2205 masked %reduce_sum3A_2207 : vector<16xf32>, vector<16xi1> -> vector<16xf32>
        %reduce_sum3A_2209 = vector.extract %reduce_sum3A_2208[15] : f32 from vector<16xf32>
        %broadcast_in_dim3A_2210 = vector.broadcast %reduce_sum3A_2209 : f32 to vector<16xf32>
        %select_n3A_2211 = arith.select %eq3A_902, %broadcast_in_dim3A_2210, %scan3A_887 : vector<16xi1>, vector<16xf32>
        %mul3A_2212 = arith.constant 16 : i32
        %mul3A_2213 = arith.muli %scan3A_18, %mul3A_2212 : i32
        %get3A_2214 = arith.constant 6 : i32
        %get3A_2215 = arith.index_cast %get3A_2214 : i32 to index
        %get3A_2216 = arith.index_cast %mul3A_2213 : i32 to index
        %get3A_2217 = tpu.vector_load %arg11[%get3A_2215, %get3A_2216] {strides = array<i32>} : memref<20x512xi32, #tpu.memory_space<vmem>>, vector<16xi32>,
        %select_n3A_2218 = arith.select %eq3A_902, %get3A_2217, %broadcast_in_dim3A_904 : vector<16xi1>, vector<16xi32>
        %reduce_sum3A_2219 = arith.constant true
        %reduce_sum3A_2220 = vector.broadcast %reduce_sum3A_2219 : i1 to vector<16xi1>
        %reduce_sum3A_2221 = tpu.scan <sum>, %select_n3A_2218 masked %reduce_sum3A_2220 : vector<16xi32>, vector<16xi1> -> vector<16xi32>
        %reduce_sum3A_2222 = vector.extract %reduce_sum3A_2221[15] : i32 from vector<16xi32>
        %and3A_2223 = arith.constant 1 : i32
        %and3A_2224 = arith.andi %reduce_sum3A_2222, %and3A_2223 : i32
        %mul3A_2225 = arith.constant 64 : i32
        %mul3A_2226 = arith.muli %and3A_2224, %mul3A_2225 : i32
        %add3A_2227 = arith.constant 96 : i32
        %add3A_2228 = arith.addi %add3A_2227, %scan3A_880 : i32
        %add3A_2229 = arith.constant 0 : i32
        %add3A_2230 = arith.addi %mul3A_2226, %add3A_2229 : i32
        %get3A_2231 = arith.index_cast %add3A_2228 : i32 to index
        %get3A_2232 = arith.index_cast %add3A_2230 : i32 to index
        %get3A_2233 = tpu.vector_load %arg16[%get3A_2231, %get3A_2232] {strides = array<i32>} : memref<320x128xf32, #tpu.memory_space<vmem>>, vector<16xf32>,
        %mul3A_2234 = arith.mulf %add3A_1826, %get3A_2233 : vector<16xf32>
        %add3A_2235 = arith.constant 96 : i32
        %add3A_2236 = arith.addi %add3A_2235, %scan3A_880 : i32
        %add3A_2237 = arith.constant 16 : i32
        %add3A_2238 = arith.addi %mul3A_2226, %add3A_2237 : i32
        %get3A_2239 = arith.index_cast %add3A_2236 : i32 to index
        %get3A_2240 = arith.index_cast %add3A_2238 : i32 to index
        %get3A_2241 = tpu.vector_load %arg16[%get3A_2239, %get3A_2240] {strides = array<i32>} : memref<320x128xf32, #tpu.memory_space<vmem>>, vector<16xf32>,
        %mul3A_2242 = arith.mulf %add3A_1827, %get3A_2241 : vector<16xf32>
        %add3A_2243 = arith.constant 96 : i32
        %add3A_2244 = arith.addi %add3A_2243, %scan3A_880 : i32
        %add3A_2245 = arith.constant 32 : i32
        %add3A_2246 = arith.addi %mul3A_2226, %add3A_2245 : i32
        %get3A_2247 = arith.index_cast %add3A_2244 : i32 to index
        %get3A_2248 = arith.index_cast %add3A_2246 : i32 to index
        %get3A_2249 = tpu.vector_load %arg16[%get3A_2247, %get3A_2248] {strides = array<i32>} : memref<320x128xf32, #tpu.memory_space<vmem>>, vector<16xf32>,
        %mul3A_2250 = arith.mulf %add3A_1828, %get3A_2249 : vector<16xf32>
        %add3A_2251 = arith.constant 96 : i32
        %add3A_2252 = arith.addi %add3A_2251, %scan3A_880 : i32
        %add3A_2253 = arith.constant 48 : i32
        %add3A_2254 = arith.addi %mul3A_2226, %add3A_2253 : i32
        %get3A_2255 = arith.index_cast %add3A_2252 : i32 to index
        %get3A_2256 = arith.index_cast %add3A_2254 : i32 to index
        %get3A_2257 = tpu.vector_load %arg16[%get3A_2255, %get3A_2256] {strides = array<i32>} : memref<320x128xf32, #tpu.memory_space<vmem>>, vector<16xf32>,
        %mul3A_2258 = arith.mulf %add3A_1829, %get3A_2257 : vector<16xf32>
        %add3A_2259 = arith.addf %mul3A_2234, %mul3A_2242 : vector<16xf32>
        %add3A_2260 = arith.addf %mul3A_2250, %mul3A_2258 : vector<16xf32>
        %add3A_2261 = arith.addf %add3A_2259, %add3A_2260 : vector<16xf32>
        %reduce_sum3A_2262 = arith.constant true
        %reduce_sum3A_2263 = vector.broadcast %reduce_sum3A_2262 : i1 to vector<16xi1>
        %reduce_sum3A_2264 = tpu.scan <sum>, %add3A_2261 masked %reduce_sum3A_2263 : vector<16xf32>, vector<16xi1> -> vector<16xf32>
        %reduce_sum3A_2265 = vector.extract %reduce_sum3A_2264[15] : f32 from vector<16xf32>
        %broadcast_in_dim3A_2266 = vector.broadcast %reduce_sum3A_2265 : f32 to vector<16xf32>
        %select_n3A_2267 = arith.select %eq3A_902, %broadcast_in_dim3A_2266, %scan3A_888 : vector<16xi1>, vector<16xf32>
        %mul3A_2268 = arith.constant 16 : i32
        %mul3A_2269 = arith.muli %scan3A_18, %mul3A_2268 : i32
        %get3A_2270 = arith.constant 7 : i32
        %get3A_2271 = arith.index_cast %get3A_2270 : i32 to index
        %get3A_2272 = arith.index_cast %mul3A_2269 : i32 to index
        %get3A_2273 = tpu.vector_load %arg11[%get3A_2271, %get3A_2272] {strides = array<i32>} : memref<20x512xi32, #tpu.memory_space<vmem>>, vector<16xi32>,
        %select_n3A_2274 = arith.select %eq3A_902, %get3A_2273, %broadcast_in_dim3A_904 : vector<16xi1>, vector<16xi32>
        %reduce_sum3A_2275 = arith.constant true
        %reduce_sum3A_2276 = vector.broadcast %reduce_sum3A_2275 : i1 to vector<16xi1>
        %reduce_sum3A_2277 = tpu.scan <sum>, %select_n3A_2274 masked %reduce_sum3A_2276 : vector<16xi32>, vector<16xi1> -> vector<16xi32>
        %reduce_sum3A_2278 = vector.extract %reduce_sum3A_2277[15] : i32 from vector<16xi32>
        %and3A_2279 = arith.constant 1 : i32
        %and3A_2280 = arith.andi %reduce_sum3A_2278, %and3A_2279 : i32
        %mul3A_2281 = arith.constant 64 : i32
        %mul3A_2282 = arith.muli %and3A_2280, %mul3A_2281 : i32
        %add3A_2283 = arith.constant 112 : i32
        %add3A_2284 = arith.addi %add3A_2283, %scan3A_880 : i32
        %add3A_2285 = arith.constant 0 : i32
        %add3A_2286 = arith.addi %mul3A_2282, %add3A_2285 : i32
        %get3A_2287 = arith.index_cast %add3A_2284 : i32 to index
        %get3A_2288 = arith.index_cast %add3A_2286 : i32 to index
        %get3A_2289 = tpu.vector_load %arg16[%get3A_2287, %get3A_2288] {strides = array<i32>} : memref<320x128xf32, #tpu.memory_space<vmem>>, vector<16xf32>,
        %mul3A_2290 = arith.mulf %add3A_1826, %get3A_2289 : vector<16xf32>
        %add3A_2291 = arith.constant 112 : i32
        %add3A_2292 = arith.addi %add3A_2291, %scan3A_880 : i32
        %add3A_2293 = arith.constant 16 : i32
        %add3A_2294 = arith.addi %mul3A_2282, %add3A_2293 : i32
        %get3A_2295 = arith.index_cast %add3A_2292 : i32 to index
        %get3A_2296 = arith.index_cast %add3A_2294 : i32 to index
        %get3A_2297 = tpu.vector_load %arg16[%get3A_2295, %get3A_2296] {strides = array<i32>} : memref<320x128xf32, #tpu.memory_space<vmem>>, vector<16xf32>,
        %mul3A_2298 = arith.mulf %add3A_1827, %get3A_2297 : vector<16xf32>
        %add3A_2299 = arith.constant 112 : i32
        %add3A_2300 = arith.addi %add3A_2299, %scan3A_880 : i32
        %add3A_2301 = arith.constant 32 : i32
        %add3A_2302 = arith.addi %mul3A_2282, %add3A_2301 : i32
        %get3A_2303 = arith.index_cast %add3A_2300 : i32 to index
        %get3A_2304 = arith.index_cast %add3A_2302 : i32 to index
        %get3A_2305 = tpu.vector_load %arg16[%get3A_2303, %get3A_2304] {strides = array<i32>} : memref<320x128xf32, #tpu.memory_space<vmem>>, vector<16xf32>,
        %mul3A_2306 = arith.mulf %add3A_1828, %get3A_2305 : vector<16xf32>
        %add3A_2307 = arith.constant 112 : i32
        %add3A_2308 = arith.addi %add3A_2307, %scan3A_880 : i32
        %add3A_2309 = arith.constant 48 : i32
        %add3A_2310 = arith.addi %mul3A_2282, %add3A_2309 : i32
        %get3A_2311 = arith.index_cast %add3A_2308 : i32 to index
        %get3A_2312 = arith.index_cast %add3A_2310 : i32 to index
        %get3A_2313 = tpu.vector_load %arg16[%get3A_2311, %get3A_2312] {strides = array<i32>} : memref<320x128xf32, #tpu.memory_space<vmem>>, vector<16xf32>,
        %mul3A_2314 = arith.mulf %add3A_1829, %get3A_2313 : vector<16xf32>
        %add3A_2315 = arith.addf %mul3A_2290, %mul3A_2298 : vector<16xf32>
        %add3A_2316 = arith.addf %mul3A_2306, %mul3A_2314 : vector<16xf32>
        %add3A_2317 = arith.addf %add3A_2315, %add3A_2316 : vector<16xf32>
        %reduce_sum3A_2318 = arith.constant true
        %reduce_sum3A_2319 = vector.broadcast %reduce_sum3A_2318 : i1 to vector<16xi1>
        %reduce_sum3A_2320 = tpu.scan <sum>, %add3A_2317 masked %reduce_sum3A_2319 : vector<16xf32>, vector<16xi1> -> vector<16xf32>
        %reduce_sum3A_2321 = vector.extract %reduce_sum3A_2320[15] : f32 from vector<16xf32>
        %broadcast_in_dim3A_2322 = vector.broadcast %reduce_sum3A_2321 : f32 to vector<16xf32>
        %select_n3A_2323 = arith.select %eq3A_902, %broadcast_in_dim3A_2322, %scan3A_889 : vector<16xi1>, vector<16xf32>
        %mul3A_2324 = arith.constant 16 : i32
        %mul3A_2325 = arith.muli %scan3A_18, %mul3A_2324 : i32
        %get3A_2326 = arith.constant 8 : i32
        %get3A_2327 = arith.index_cast %get3A_2326 : i32 to index
        %get3A_2328 = arith.index_cast %mul3A_2325 : i32 to index
        %get3A_2329 = tpu.vector_load %arg11[%get3A_2327, %get3A_2328] {strides = array<i32>} : memref<20x512xi32, #tpu.memory_space<vmem>>, vector<16xi32>,
        %select_n3A_2330 = arith.select %eq3A_902, %get3A_2329, %broadcast_in_dim3A_904 : vector<16xi1>, vector<16xi32>
        %reduce_sum3A_2331 = arith.constant true
        %reduce_sum3A_2332 = vector.broadcast %reduce_sum3A_2331 : i1 to vector<16xi1>
        %reduce_sum3A_2333 = tpu.scan <sum>, %select_n3A_2330 masked %reduce_sum3A_2332 : vector<16xi32>, vector<16xi1> -> vector<16xi32>
        %reduce_sum3A_2334 = vector.extract %reduce_sum3A_2333[15] : i32 from vector<16xi32>
        %and3A_2335 = arith.constant 1 : i32
        %and3A_2336 = arith.andi %reduce_sum3A_2334, %and3A_2335 : i32
        %mul3A_2337 = arith.constant 64 : i32
        %mul3A_2338 = arith.muli %and3A_2336, %mul3A_2337 : i32
        %add3A_2339 = arith.constant 128 : i32
        %add3A_2340 = arith.addi %add3A_2339, %scan3A_880 : i32
        %add3A_2341 = arith.constant 0 : i32
        %add3A_2342 = arith.addi %mul3A_2338, %add3A_2341 : i32
        %get3A_2343 = arith.index_cast %add3A_2340 : i32 to index
        %get3A_2344 = arith.index_cast %add3A_2342 : i32 to index
        %get3A_2345 = tpu.vector_load %arg16[%get3A_2343, %get3A_2344] {strides = array<i32>} : memref<320x128xf32, #tpu.memory_space<vmem>>, vector<16xf32>,
        %mul3A_2346 = arith.mulf %add3A_1826, %get3A_2345 : vector<16xf32>
        %add3A_2347 = arith.constant 128 : i32
        %add3A_2348 = arith.addi %add3A_2347, %scan3A_880 : i32
        %add3A_2349 = arith.constant 16 : i32
        %add3A_2350 = arith.addi %mul3A_2338, %add3A_2349 : i32
        %get3A_2351 = arith.index_cast %add3A_2348 : i32 to index
        %get3A_2352 = arith.index_cast %add3A_2350 : i32 to index
        %get3A_2353 = tpu.vector_load %arg16[%get3A_2351, %get3A_2352] {strides = array<i32>} : memref<320x128xf32, #tpu.memory_space<vmem>>, vector<16xf32>,
        %mul3A_2354 = arith.mulf %add3A_1827, %get3A_2353 : vector<16xf32>
        %add3A_2355 = arith.constant 128 : i32
        %add3A_2356 = arith.addi %add3A_2355, %scan3A_880 : i32
        %add3A_2357 = arith.constant 32 : i32
        %add3A_2358 = arith.addi %mul3A_2338, %add3A_2357 : i32
        %get3A_2359 = arith.index_cast %add3A_2356 : i32 to index
        %get3A_2360 = arith.index_cast %add3A_2358 : i32 to index
        %get3A_2361 = tpu.vector_load %arg16[%get3A_2359, %get3A_2360] {strides = array<i32>} : memref<320x128xf32, #tpu.memory_space<vmem>>, vector<16xf32>,
        %mul3A_2362 = arith.mulf %add3A_1828, %get3A_2361 : vector<16xf32>
        %add3A_2363 = arith.constant 128 : i32
        %add3A_2364 = arith.addi %add3A_2363, %scan3A_880 : i32
        %add3A_2365 = arith.constant 48 : i32
        %add3A_2366 = arith.addi %mul3A_2338, %add3A_2365 : i32
        %get3A_2367 = arith.index_cast %add3A_2364 : i32 to index
        %get3A_2368 = arith.index_cast %add3A_2366 : i32 to index
        %get3A_2369 = tpu.vector_load %arg16[%get3A_2367, %get3A_2368] {strides = array<i32>} : memref<320x128xf32, #tpu.memory_space<vmem>>, vector<16xf32>,
        %mul3A_2370 = arith.mulf %add3A_1829, %get3A_2369 : vector<16xf32>
        %add3A_2371 = arith.addf %mul3A_2346, %mul3A_2354 : vector<16xf32>
        %add3A_2372 = arith.addf %mul3A_2362, %mul3A_2370 : vector<16xf32>
        %add3A_2373 = arith.addf %add3A_2371, %add3A_2372 : vector<16xf32>
        %reduce_sum3A_2374 = arith.constant true
        %reduce_sum3A_2375 = vector.broadcast %reduce_sum3A_2374 : i1 to vector<16xi1>
        %reduce_sum3A_2376 = tpu.scan <sum>, %add3A_2373 masked %reduce_sum3A_2375 : vector<16xf32>, vector<16xi1> -> vector<16xf32>
        %reduce_sum3A_2377 = vector.extract %reduce_sum3A_2376[15] : f32 from vector<16xf32>
        %broadcast_in_dim3A_2378 = vector.broadcast %reduce_sum3A_2377 : f32 to vector<16xf32>
        %select_n3A_2379 = arith.select %eq3A_902, %broadcast_in_dim3A_2378, %scan3A_890 : vector<16xi1>, vector<16xf32>
        %mul3A_2380 = arith.constant 16 : i32
        %mul3A_2381 = arith.muli %scan3A_18, %mul3A_2380 : i32
        %get3A_2382 = arith.constant 9 : i32
        %get3A_2383 = arith.index_cast %get3A_2382 : i32 to index
        %get3A_2384 = arith.index_cast %mul3A_2381 : i32 to index
        %get3A_2385 = tpu.vector_load %arg11[%get3A_2383, %get3A_2384] {strides = array<i32>} : memref<20x512xi32, #tpu.memory_space<vmem>>, vector<16xi32>,
        %select_n3A_2386 = arith.select %eq3A_902, %get3A_2385, %broadcast_in_dim3A_904 : vector<16xi1>, vector<16xi32>
        %reduce_sum3A_2387 = arith.constant true
        %reduce_sum3A_2388 = vector.broadcast %reduce_sum3A_2387 : i1 to vector<16xi1>
        %reduce_sum3A_2389 = tpu.scan <sum>, %select_n3A_2386 masked %reduce_sum3A_2388 : vector<16xi32>, vector<16xi1> -> vector<16xi32>
        %reduce_sum3A_2390 = vector.extract %reduce_sum3A_2389[15] : i32 from vector<16xi32>
        %and3A_2391 = arith.constant 1 : i32
        %and3A_2392 = arith.andi %reduce_sum3A_2390, %and3A_2391 : i32
        %mul3A_2393 = arith.constant 64 : i32
        %mul3A_2394 = arith.muli %and3A_2392, %mul3A_2393 : i32
        %add3A_2395 = arith.constant 144 : i32
        %add3A_2396 = arith.addi %add3A_2395, %scan3A_880 : i32
        %add3A_2397 = arith.constant 0 : i32
        %add3A_2398 = arith.addi %mul3A_2394, %add3A_2397 : i32
        %get3A_2399 = arith.index_cast %add3A_2396 : i32 to index
        %get3A_2400 = arith.index_cast %add3A_2398 : i32 to index
        %get3A_2401 = tpu.vector_load %arg16[%get3A_2399, %get3A_2400] {strides = array<i32>} : memref<320x128xf32, #tpu.memory_space<vmem>>, vector<16xf32>,
        %mul3A_2402 = arith.mulf %add3A_1826, %get3A_2401 : vector<16xf32>
        %add3A_2403 = arith.constant 144 : i32
        %add3A_2404 = arith.addi %add3A_2403, %scan3A_880 : i32
        %add3A_2405 = arith.constant 16 : i32
        %add3A_2406 = arith.addi %mul3A_2394, %add3A_2405 : i32
        %get3A_2407 = arith.index_cast %add3A_2404 : i32 to index
        %get3A_2408 = arith.index_cast %add3A_2406 : i32 to index
        %get3A_2409 = tpu.vector_load %arg16[%get3A_2407, %get3A_2408] {strides = array<i32>} : memref<320x128xf32, #tpu.memory_space<vmem>>, vector<16xf32>,
        %mul3A_2410 = arith.mulf %add3A_1827, %get3A_2409 : vector<16xf32>
        %add3A_2411 = arith.constant 144 : i32
        %add3A_2412 = arith.addi %add3A_2411, %scan3A_880 : i32
        %add3A_2413 = arith.constant 32 : i32
        %add3A_2414 = arith.addi %mul3A_2394, %add3A_2413 : i32
        %get3A_2415 = arith.index_cast %add3A_2412 : i32 to index
        %get3A_2416 = arith.index_cast %add3A_2414 : i32 to index
        %get3A_2417 = tpu.vector_load %arg16[%get3A_2415, %get3A_2416] {strides = array<i32>} : memref<320x128xf32, #tpu.memory_space<vmem>>, vector<16xf32>,
        %mul3A_2418 = arith.mulf %add3A_1828, %get3A_2417 : vector<16xf32>
        %add3A_2419 = arith.constant 144 : i32
        %add3A_2420 = arith.addi %add3A_2419, %scan3A_880 : i32
        %add3A_2421 = arith.constant 48 : i32
        %add3A_2422 = arith.addi %mul3A_2394, %add3A_2421 : i32
        %get3A_2423 = arith.index_cast %add3A_2420 : i32 to index
        %get3A_2424 = arith.index_cast %add3A_2422 : i32 to index
        %get3A_2425 = tpu.vector_load %arg16[%get3A_2423, %get3A_2424] {strides = array<i32>} : memref<320x128xf32, #tpu.memory_space<vmem>>, vector<16xf32>,
        %mul3A_2426 = arith.mulf %add3A_1829, %get3A_2425 : vector<16xf32>
        %add3A_2427 = arith.addf %mul3A_2402, %mul3A_2410 : vector<16xf32>
        %add3A_2428 = arith.addf %mul3A_2418, %mul3A_2426 : vector<16xf32>
        %add3A_2429 = arith.addf %add3A_2427, %add3A_2428 : vector<16xf32>
        %reduce_sum3A_2430 = arith.constant true
        %reduce_sum3A_2431 = vector.broadcast %reduce_sum3A_2430 : i1 to vector<16xi1>
        %reduce_sum3A_2432 = tpu.scan <sum>, %add3A_2429 masked %reduce_sum3A_2431 : vector<16xf32>, vector<16xi1> -> vector<16xf32>
        %reduce_sum3A_2433 = vector.extract %reduce_sum3A_2432[15] : f32 from vector<16xf32>
        %broadcast_in_dim3A_2434 = vector.broadcast %reduce_sum3A_2433 : f32 to vector<16xf32>
        %select_n3A_2435 = arith.select %eq3A_902, %broadcast_in_dim3A_2434, %scan3A_891 : vector<16xi1>, vector<16xf32>
        %mul3A_2436 = arith.constant 16 : i32
        %mul3A_2437 = arith.muli %scan3A_18, %mul3A_2436 : i32
        %get3A_2438 = arith.constant 10 : i32
        %get3A_2439 = arith.index_cast %get3A_2438 : i32 to index
        %get3A_2440 = arith.index_cast %mul3A_2437 : i32 to index
        %get3A_2441 = tpu.vector_load %arg11[%get3A_2439, %get3A_2440] {strides = array<i32>} : memref<20x512xi32, #tpu.memory_space<vmem>>, vector<16xi32>,
        %select_n3A_2442 = arith.select %eq3A_902, %get3A_2441, %broadcast_in_dim3A_904 : vector<16xi1>, vector<16xi32>
        %reduce_sum3A_2443 = arith.constant true
        %reduce_sum3A_2444 = vector.broadcast %reduce_sum3A_2443 : i1 to vector<16xi1>
        %reduce_sum3A_2445 = tpu.scan <sum>, %select_n3A_2442 masked %reduce_sum3A_2444 : vector<16xi32>, vector<16xi1> -> vector<16xi32>
        %reduce_sum3A_2446 = vector.extract %reduce_sum3A_2445[15] : i32 from vector<16xi32>
        %and3A_2447 = arith.constant 1 : i32
        %and3A_2448 = arith.andi %reduce_sum3A_2446, %and3A_2447 : i32
        %mul3A_2449 = arith.constant 64 : i32
        %mul3A_2450 = arith.muli %and3A_2448, %mul3A_2449 : i32
        %add3A_2451 = arith.constant 160 : i32
        %add3A_2452 = arith.addi %add3A_2451, %scan3A_880 : i32
        %add3A_2453 = arith.constant 0 : i32
        %add3A_2454 = arith.addi %mul3A_2450, %add3A_2453 : i32
        %get3A_2455 = arith.index_cast %add3A_2452 : i32 to index
        %get3A_2456 = arith.index_cast %add3A_2454 : i32 to index
        %get3A_2457 = tpu.vector_load %arg16[%get3A_2455, %get3A_2456] {strides = array<i32>} : memref<320x128xf32, #tpu.memory_space<vmem>>, vector<16xf32>,
        %mul3A_2458 = arith.mulf %add3A_1826, %get3A_2457 : vector<16xf32>
        %add3A_2459 = arith.constant 160 : i32
        %add3A_2460 = arith.addi %add3A_2459, %scan3A_880 : i32
        %add3A_2461 = arith.constant 16 : i32
        %add3A_2462 = arith.addi %mul3A_2450, %add3A_2461 : i32
        %get3A_2463 = arith.index_cast %add3A_2460 : i32 to index
        %get3A_2464 = arith.index_cast %add3A_2462 : i32 to index
        %get3A_2465 = tpu.vector_load %arg16[%get3A_2463, %get3A_2464] {strides = array<i32>} : memref<320x128xf32, #tpu.memory_space<vmem>>, vector<16xf32>,
        %mul3A_2466 = arith.mulf %add3A_1827, %get3A_2465 : vector<16xf32>
        %add3A_2467 = arith.constant 160 : i32
        %add3A_2468 = arith.addi %add3A_2467, %scan3A_880 : i32
        %add3A_2469 = arith.constant 32 : i32
        %add3A_2470 = arith.addi %mul3A_2450, %add3A_2469 : i32
        %get3A_2471 = arith.index_cast %add3A_2468 : i32 to index
        %get3A_2472 = arith.index_cast %add3A_2470 : i32 to index
        %get3A_2473 = tpu.vector_load %arg16[%get3A_2471, %get3A_2472] {strides = array<i32>} : memref<320x128xf32, #tpu.memory_space<vmem>>, vector<16xf32>,
        %mul3A_2474 = arith.mulf %add3A_1828, %get3A_2473 : vector<16xf32>
        %add3A_2475 = arith.constant 160 : i32
        %add3A_2476 = arith.addi %add3A_2475, %scan3A_880 : i32
        %add3A_2477 = arith.constant 48 : i32
        %add3A_2478 = arith.addi %mul3A_2450, %add3A_2477 : i32
        %get3A_2479 = arith.index_cast %add3A_2476 : i32 to index
        %get3A_2480 = arith.index_cast %add3A_2478 : i32 to index
        %get3A_2481 = tpu.vector_load %arg16[%get3A_2479, %get3A_2480] {strides = array<i32>} : memref<320x128xf32, #tpu.memory_space<vmem>>, vector<16xf32>,
        %mul3A_2482 = arith.mulf %add3A_1829, %get3A_2481 : vector<16xf32>
        %add3A_2483 = arith.addf %mul3A_2458, %mul3A_2466 : vector<16xf32>
        %add3A_2484 = arith.addf %mul3A_2474, %mul3A_2482 : vector<16xf32>
        %add3A_2485 = arith.addf %add3A_2483, %add3A_2484 : vector<16xf32>
        %reduce_sum3A_2486 = arith.constant true
        %reduce_sum3A_2487 = vector.broadcast %reduce_sum3A_2486 : i1 to vector<16xi1>
        %reduce_sum3A_2488 = tpu.scan <sum>, %add3A_2485 masked %reduce_sum3A_2487 : vector<16xf32>, vector<16xi1> -> vector<16xf32>
        %reduce_sum3A_2489 = vector.extract %reduce_sum3A_2488[15] : f32 from vector<16xf32>
        %broadcast_in_dim3A_2490 = vector.broadcast %reduce_sum3A_2489 : f32 to vector<16xf32>
        %select_n3A_2491 = arith.select %eq3A_902, %broadcast_in_dim3A_2490, %scan3A_892 : vector<16xi1>, vector<16xf32>
        %mul3A_2492 = arith.constant 16 : i32
        %mul3A_2493 = arith.muli %scan3A_18, %mul3A_2492 : i32
        %get3A_2494 = arith.constant 11 : i32
        %get3A_2495 = arith.index_cast %get3A_2494 : i32 to index
        %get3A_2496 = arith.index_cast %mul3A_2493 : i32 to index
        %get3A_2497 = tpu.vector_load %arg11[%get3A_2495, %get3A_2496] {strides = array<i32>} : memref<20x512xi32, #tpu.memory_space<vmem>>, vector<16xi32>,
        %select_n3A_2498 = arith.select %eq3A_902, %get3A_2497, %broadcast_in_dim3A_904 : vector<16xi1>, vector<16xi32>
        %reduce_sum3A_2499 = arith.constant true
        %reduce_sum3A_2500 = vector.broadcast %reduce_sum3A_2499 : i1 to vector<16xi1>
        %reduce_sum3A_2501 = tpu.scan <sum>, %select_n3A_2498 masked %reduce_sum3A_2500 : vector<16xi32>, vector<16xi1> -> vector<16xi32>
        %reduce_sum3A_2502 = vector.extract %reduce_sum3A_2501[15] : i32 from vector<16xi32>
        %and3A_2503 = arith.constant 1 : i32
        %and3A_2504 = arith.andi %reduce_sum3A_2502, %and3A_2503 : i32
        %mul3A_2505 = arith.constant 64 : i32
        %mul3A_2506 = arith.muli %and3A_2504, %mul3A_2505 : i32
        %add3A_2507 = arith.constant 176 : i32
        %add3A_2508 = arith.addi %add3A_2507, %scan3A_880 : i32
        %add3A_2509 = arith.constant 0 : i32
        %add3A_2510 = arith.addi %mul3A_2506, %add3A_2509 : i32
        %get3A_2511 = arith.index_cast %add3A_2508 : i32 to index
        %get3A_2512 = arith.index_cast %add3A_2510 : i32 to index
        %get3A_2513 = tpu.vector_load %arg16[%get3A_2511, %get3A_2512] {strides = array<i32>} : memref<320x128xf32, #tpu.memory_space<vmem>>, vector<16xf32>,
        %mul3A_2514 = arith.mulf %add3A_1826, %get3A_2513 : vector<16xf32>
        %add3A_2515 = arith.constant 176 : i32
        %add3A_2516 = arith.addi %add3A_2515, %scan3A_880 : i32
        %add3A_2517 = arith.constant 16 : i32
        %add3A_2518 = arith.addi %mul3A_2506, %add3A_2517 : i32
        %get3A_2519 = arith.index_cast %add3A_2516 : i32 to index
        %get3A_2520 = arith.index_cast %add3A_2518 : i32 to index
        %get3A_2521 = tpu.vector_load %arg16[%get3A_2519, %get3A_2520] {strides = array<i32>} : memref<320x128xf32, #tpu.memory_space<vmem>>, vector<16xf32>,
        %mul3A_2522 = arith.mulf %add3A_1827, %get3A_2521 : vector<16xf32>
        %add3A_2523 = arith.constant 176 : i32
        %add3A_2524 = arith.addi %add3A_2523, %scan3A_880 : i32
        %add3A_2525 = arith.constant 32 : i32
        %add3A_2526 = arith.addi %mul3A_2506, %add3A_2525 : i32
        %get3A_2527 = arith.index_cast %add3A_2524 : i32 to index
        %get3A_2528 = arith.index_cast %add3A_2526 : i32 to index
        %get3A_2529 = tpu.vector_load %arg16[%get3A_2527, %get3A_2528] {strides = array<i32>} : memref<320x128xf32, #tpu.memory_space<vmem>>, vector<16xf32>,
        %mul3A_2530 = arith.mulf %add3A_1828, %get3A_2529 : vector<16xf32>
        %add3A_2531 = arith.constant 176 : i32
        %add3A_2532 = arith.addi %add3A_2531, %scan3A_880 : i32
        %add3A_2533 = arith.constant 48 : i32
        %add3A_2534 = arith.addi %mul3A_2506, %add3A_2533 : i32
        %get3A_2535 = arith.index_cast %add3A_2532 : i32 to index
        %get3A_2536 = arith.index_cast %add3A_2534 : i32 to index
        %get3A_2537 = tpu.vector_load %arg16[%get3A_2535, %get3A_2536] {strides = array<i32>} : memref<320x128xf32, #tpu.memory_space<vmem>>, vector<16xf32>,
        %mul3A_2538 = arith.mulf %add3A_1829, %get3A_2537 : vector<16xf32>
        %add3A_2539 = arith.addf %mul3A_2514, %mul3A_2522 : vector<16xf32>
        %add3A_2540 = arith.addf %mul3A_2530, %mul3A_2538 : vector<16xf32>
        %add3A_2541 = arith.addf %add3A_2539, %add3A_2540 : vector<16xf32>
        %reduce_sum3A_2542 = arith.constant true
        %reduce_sum3A_2543 = vector.broadcast %reduce_sum3A_2542 : i1 to vector<16xi1>
        %reduce_sum3A_2544 = tpu.scan <sum>, %add3A_2541 masked %reduce_sum3A_2543 : vector<16xf32>, vector<16xi1> -> vector<16xf32>
        %reduce_sum3A_2545 = vector.extract %reduce_sum3A_2544[15] : f32 from vector<16xf32>
        %broadcast_in_dim3A_2546 = vector.broadcast %reduce_sum3A_2545 : f32 to vector<16xf32>
        %select_n3A_2547 = arith.select %eq3A_902, %broadcast_in_dim3A_2546, %scan3A_893 : vector<16xi1>, vector<16xf32>
        %mul3A_2548 = arith.constant 16 : i32
        %mul3A_2549 = arith.muli %scan3A_18, %mul3A_2548 : i32
        %get3A_2550 = arith.constant 12 : i32
        %get3A_2551 = arith.index_cast %get3A_2550 : i32 to index
        %get3A_2552 = arith.index_cast %mul3A_2549 : i32 to index
        %get3A_2553 = tpu.vector_load %arg11[%get3A_2551, %get3A_2552] {strides = array<i32>} : memref<20x512xi32, #tpu.memory_space<vmem>>, vector<16xi32>,
        %select_n3A_2554 = arith.select %eq3A_902, %get3A_2553, %broadcast_in_dim3A_904 : vector<16xi1>, vector<16xi32>
        %reduce_sum3A_2555 = arith.constant true
        %reduce_sum3A_2556 = vector.broadcast %reduce_sum3A_2555 : i1 to vector<16xi1>
        %reduce_sum3A_2557 = tpu.scan <sum>, %select_n3A_2554 masked %reduce_sum3A_2556 : vector<16xi32>, vector<16xi1> -> vector<16xi32>
        %reduce_sum3A_2558 = vector.extract %reduce_sum3A_2557[15] : i32 from vector<16xi32>
        %and3A_2559 = arith.constant 1 : i32
        %and3A_2560 = arith.andi %reduce_sum3A_2558, %and3A_2559 : i32
        %mul3A_2561 = arith.constant 64 : i32
        %mul3A_2562 = arith.muli %and3A_2560, %mul3A_2561 : i32
        %add3A_2563 = arith.constant 192 : i32
        %add3A_2564 = arith.addi %add3A_2563, %scan3A_880 : i32
        %add3A_2565 = arith.constant 0 : i32
        %add3A_2566 = arith.addi %mul3A_2562, %add3A_2565 : i32
        %get3A_2567 = arith.index_cast %add3A_2564 : i32 to index
        %get3A_2568 = arith.index_cast %add3A_2566 : i32 to index
        %get3A_2569 = tpu.vector_load %arg16[%get3A_2567, %get3A_2568] {strides = array<i32>} : memref<320x128xf32, #tpu.memory_space<vmem>>, vector<16xf32>,
        %mul3A_2570 = arith.mulf %add3A_1826, %get3A_2569 : vector<16xf32>
        %add3A_2571 = arith.constant 192 : i32
        %add3A_2572 = arith.addi %add3A_2571, %scan3A_880 : i32
        %add3A_2573 = arith.constant 16 : i32
        %add3A_2574 = arith.addi %mul3A_2562, %add3A_2573 : i32
        %get3A_2575 = arith.index_cast %add3A_2572 : i32 to index
        %get3A_2576 = arith.index_cast %add3A_2574 : i32 to index
        %get3A_2577 = tpu.vector_load %arg16[%get3A_2575, %get3A_2576] {strides = array<i32>} : memref<320x128xf32, #tpu.memory_space<vmem>>, vector<16xf32>,
        %mul3A_2578 = arith.mulf %add3A_1827, %get3A_2577 : vector<16xf32>
        %add3A_2579 = arith.constant 192 : i32
        %add3A_2580 = arith.addi %add3A_2579, %scan3A_880 : i32
        %add3A_2581 = arith.constant 32 : i32
        %add3A_2582 = arith.addi %mul3A_2562, %add3A_2581 : i32
        %get3A_2583 = arith.index_cast %add3A_2580 : i32 to index
        %get3A_2584 = arith.index_cast %add3A_2582 : i32 to index
        %get3A_2585 = tpu.vector_load %arg16[%get3A_2583, %get3A_2584] {strides = array<i32>} : memref<320x128xf32, #tpu.memory_space<vmem>>, vector<16xf32>,
        %mul3A_2586 = arith.mulf %add3A_1828, %get3A_2585 : vector<16xf32>
        %add3A_2587 = arith.constant 192 : i32
        %add3A_2588 = arith.addi %add3A_2587, %scan3A_880 : i32
        %add3A_2589 = arith.constant 48 : i32
        %add3A_2590 = arith.addi %mul3A_2562, %add3A_2589 : i32
        %get3A_2591 = arith.index_cast %add3A_2588 : i32 to index
        %get3A_2592 = arith.index_cast %add3A_2590 : i32 to index
        %get3A_2593 = tpu.vector_load %arg16[%get3A_2591, %get3A_2592] {strides = array<i32>} : memref<320x128xf32, #tpu.memory_space<vmem>>, vector<16xf32>,
        %mul3A_2594 = arith.mulf %add3A_1829, %get3A_2593 : vector<16xf32>
        %add3A_2595 = arith.addf %mul3A_2570, %mul3A_2578 : vector<16xf32>
        %add3A_2596 = arith.addf %mul3A_2586, %mul3A_2594 : vector<16xf32>
        %add3A_2597 = arith.addf %add3A_2595, %add3A_2596 : vector<16xf32>
        %reduce_sum3A_2598 = arith.constant true
        %reduce_sum3A_2599 = vector.broadcast %reduce_sum3A_2598 : i1 to vector<16xi1>
        %reduce_sum3A_2600 = tpu.scan <sum>, %add3A_2597 masked %reduce_sum3A_2599 : vector<16xf32>, vector<16xi1> -> vector<16xf32>
        %reduce_sum3A_2601 = vector.extract %reduce_sum3A_2600[15] : f32 from vector<16xf32>
        %broadcast_in_dim3A_2602 = vector.broadcast %reduce_sum3A_2601 : f32 to vector<16xf32>
        %select_n3A_2603 = arith.select %eq3A_902, %broadcast_in_dim3A_2602, %scan3A_894 : vector<16xi1>, vector<16xf32>
        %mul3A_2604 = arith.constant 16 : i32
        %mul3A_2605 = arith.muli %scan3A_18, %mul3A_2604 : i32
        %get3A_2606 = arith.constant 13 : i32
        %get3A_2607 = arith.index_cast %get3A_2606 : i32 to index
        %get3A_2608 = arith.index_cast %mul3A_2605 : i32 to index
        %get3A_2609 = tpu.vector_load %arg11[%get3A_2607, %get3A_2608] {strides = array<i32>} : memref<20x512xi32, #tpu.memory_space<vmem>>, vector<16xi32>,
        %select_n3A_2610 = arith.select %eq3A_902, %get3A_2609, %broadcast_in_dim3A_904 : vector<16xi1>, vector<16xi32>
        %reduce_sum3A_2611 = arith.constant true
        %reduce_sum3A_2612 = vector.broadcast %reduce_sum3A_2611 : i1 to vector<16xi1>
        %reduce_sum3A_2613 = tpu.scan <sum>, %select_n3A_2610 masked %reduce_sum3A_2612 : vector<16xi32>, vector<16xi1> -> vector<16xi32>
        %reduce_sum3A_2614 = vector.extract %reduce_sum3A_2613[15] : i32 from vector<16xi32>
        %and3A_2615 = arith.constant 1 : i32
        %and3A_2616 = arith.andi %reduce_sum3A_2614, %and3A_2615 : i32
        %mul3A_2617 = arith.constant 64 : i32
        %mul3A_2618 = arith.muli %and3A_2616, %mul3A_2617 : i32
        %add3A_2619 = arith.constant 208 : i32
        %add3A_2620 = arith.addi %add3A_2619, %scan3A_880 : i32
        %add3A_2621 = arith.constant 0 : i32
        %add3A_2622 = arith.addi %mul3A_2618, %add3A_2621 : i32
        %get3A_2623 = arith.index_cast %add3A_2620 : i32 to index
        %get3A_2624 = arith.index_cast %add3A_2622 : i32 to index
        %get3A_2625 = tpu.vector_load %arg16[%get3A_2623, %get3A_2624] {strides = array<i32>} : memref<320x128xf32, #tpu.memory_space<vmem>>, vector<16xf32>,
        %mul3A_2626 = arith.mulf %add3A_1826, %get3A_2625 : vector<16xf32>
        %add3A_2627 = arith.constant 208 : i32
        %add3A_2628 = arith.addi %add3A_2627, %scan3A_880 : i32
        %add3A_2629 = arith.constant 16 : i32
        %add3A_2630 = arith.addi %mul3A_2618, %add3A_2629 : i32
        %get3A_2631 = arith.index_cast %add3A_2628 : i32 to index
        %get3A_2632 = arith.index_cast %add3A_2630 : i32 to index
        %get3A_2633 = tpu.vector_load %arg16[%get3A_2631, %get3A_2632] {strides = array<i32>} : memref<320x128xf32, #tpu.memory_space<vmem>>, vector<16xf32>,
        %mul3A_2634 = arith.mulf %add3A_1827, %get3A_2633 : vector<16xf32>
        %add3A_2635 = arith.constant 208 : i32
        %add3A_2636 = arith.addi %add3A_2635, %scan3A_880 : i32
        %add3A_2637 = arith.constant 32 : i32
        %add3A_2638 = arith.addi %mul3A_2618, %add3A_2637 : i32
        %get3A_2639 = arith.index_cast %add3A_2636 : i32 to index
        %get3A_2640 = arith.index_cast %add3A_2638 : i32 to index
        %get3A_2641 = tpu.vector_load %arg16[%get3A_2639, %get3A_2640] {strides = array<i32>} : memref<320x128xf32, #tpu.memory_space<vmem>>, vector<16xf32>,
        %mul3A_2642 = arith.mulf %add3A_1828, %get3A_2641 : vector<16xf32>
        %add3A_2643 = arith.constant 208 : i32
        %add3A_2644 = arith.addi %add3A_2643, %scan3A_880 : i32
        %add3A_2645 = arith.constant 48 : i32
        %add3A_2646 = arith.addi %mul3A_2618, %add3A_2645 : i32
        %get3A_2647 = arith.index_cast %add3A_2644 : i32 to index
        %get3A_2648 = arith.index_cast %add3A_2646 : i32 to index
        %get3A_2649 = tpu.vector_load %arg16[%get3A_2647, %get3A_2648] {strides = array<i32>} : memref<320x128xf32, #tpu.memory_space<vmem>>, vector<16xf32>,
        %mul3A_2650 = arith.mulf %add3A_1829, %get3A_2649 : vector<16xf32>
        %add3A_2651 = arith.addf %mul3A_2626, %mul3A_2634 : vector<16xf32>
        %add3A_2652 = arith.addf %mul3A_2642, %mul3A_2650 : vector<16xf32>
        %add3A_2653 = arith.addf %add3A_2651, %add3A_2652 : vector<16xf32>
        %reduce_sum3A_2654 = arith.constant true
        %reduce_sum3A_2655 = vector.broadcast %reduce_sum3A_2654 : i1 to vector<16xi1>
        %reduce_sum3A_2656 = tpu.scan <sum>, %add3A_2653 masked %reduce_sum3A_2655 : vector<16xf32>, vector<16xi1> -> vector<16xf32>
        %reduce_sum3A_2657 = vector.extract %reduce_sum3A_2656[15] : f32 from vector<16xf32>
        %broadcast_in_dim3A_2658 = vector.broadcast %reduce_sum3A_2657 : f32 to vector<16xf32>
        %select_n3A_2659 = arith.select %eq3A_902, %broadcast_in_dim3A_2658, %scan3A_895 : vector<16xi1>, vector<16xf32>
        %mul3A_2660 = arith.constant 16 : i32
        %mul3A_2661 = arith.muli %scan3A_18, %mul3A_2660 : i32
        %get3A_2662 = arith.constant 14 : i32
        %get3A_2663 = arith.index_cast %get3A_2662 : i32 to index
        %get3A_2664 = arith.index_cast %mul3A_2661 : i32 to index
        %get3A_2665 = tpu.vector_load %arg11[%get3A_2663, %get3A_2664] {strides = array<i32>} : memref<20x512xi32, #tpu.memory_space<vmem>>, vector<16xi32>,
        %select_n3A_2666 = arith.select %eq3A_902, %get3A_2665, %broadcast_in_dim3A_904 : vector<16xi1>, vector<16xi32>
        %reduce_sum3A_2667 = arith.constant true
        %reduce_sum3A_2668 = vector.broadcast %reduce_sum3A_2667 : i1 to vector<16xi1>
        %reduce_sum3A_2669 = tpu.scan <sum>, %select_n3A_2666 masked %reduce_sum3A_2668 : vector<16xi32>, vector<16xi1> -> vector<16xi32>
        %reduce_sum3A_2670 = vector.extract %reduce_sum3A_2669[15] : i32 from vector<16xi32>
        %and3A_2671 = arith.constant 1 : i32
        %and3A_2672 = arith.andi %reduce_sum3A_2670, %and3A_2671 : i32
        %mul3A_2673 = arith.constant 64 : i32
        %mul3A_2674 = arith.muli %and3A_2672, %mul3A_2673 : i32
        %add3A_2675 = arith.constant 224 : i32
        %add3A_2676 = arith.addi %add3A_2675, %scan3A_880 : i32
        %add3A_2677 = arith.constant 0 : i32
        %add3A_2678 = arith.addi %mul3A_2674, %add3A_2677 : i32
        %get3A_2679 = arith.index_cast %add3A_2676 : i32 to index
        %get3A_2680 = arith.index_cast %add3A_2678 : i32 to index
        %get3A_2681 = tpu.vector_load %arg16[%get3A_2679, %get3A_2680] {strides = array<i32>} : memref<320x128xf32, #tpu.memory_space<vmem>>, vector<16xf32>,
        %mul3A_2682 = arith.mulf %add3A_1826, %get3A_2681 : vector<16xf32>
        %add3A_2683 = arith.constant 224 : i32
        %add3A_2684 = arith.addi %add3A_2683, %scan3A_880 : i32
        %add3A_2685 = arith.constant 16 : i32
        %add3A_2686 = arith.addi %mul3A_2674, %add3A_2685 : i32
        %get3A_2687 = arith.index_cast %add3A_2684 : i32 to index
        %get3A_2688 = arith.index_cast %add3A_2686 : i32 to index
        %get3A_2689 = tpu.vector_load %arg16[%get3A_2687, %get3A_2688] {strides = array<i32>} : memref<320x128xf32, #tpu.memory_space<vmem>>, vector<16xf32>,
        %mul3A_2690 = arith.mulf %add3A_1827, %get3A_2689 : vector<16xf32>
        %add3A_2691 = arith.constant 224 : i32
        %add3A_2692 = arith.addi %add3A_2691, %scan3A_880 : i32
        %add3A_2693 = arith.constant 32 : i32
        %add3A_2694 = arith.addi %mul3A_2674, %add3A_2693 : i32
        %get3A_2695 = arith.index_cast %add3A_2692 : i32 to index
        %get3A_2696 = arith.index_cast %add3A_2694 : i32 to index
        %get3A_2697 = tpu.vector_load %arg16[%get3A_2695, %get3A_2696] {strides = array<i32>} : memref<320x128xf32, #tpu.memory_space<vmem>>, vector<16xf32>,
        %mul3A_2698 = arith.mulf %add3A_1828, %get3A_2697 : vector<16xf32>
        %add3A_2699 = arith.constant 224 : i32
        %add3A_2700 = arith.addi %add3A_2699, %scan3A_880 : i32
        %add3A_2701 = arith.constant 48 : i32
        %add3A_2702 = arith.addi %mul3A_2674, %add3A_2701 : i32
        %get3A_2703 = arith.index_cast %add3A_2700 : i32 to index
        %get3A_2704 = arith.index_cast %add3A_2702 : i32 to index
        %get3A_2705 = tpu.vector_load %arg16[%get3A_2703, %get3A_2704] {strides = array<i32>} : memref<320x128xf32, #tpu.memory_space<vmem>>, vector<16xf32>,
        %mul3A_2706 = arith.mulf %add3A_1829, %get3A_2705 : vector<16xf32>
        %add3A_2707 = arith.addf %mul3A_2682, %mul3A_2690 : vector<16xf32>
        %add3A_2708 = arith.addf %mul3A_2698, %mul3A_2706 : vector<16xf32>
        %add3A_2709 = arith.addf %add3A_2707, %add3A_2708 : vector<16xf32>
        %reduce_sum3A_2710 = arith.constant true
        %reduce_sum3A_2711 = vector.broadcast %reduce_sum3A_2710 : i1 to vector<16xi1>
        %reduce_sum3A_2712 = tpu.scan <sum>, %add3A_2709 masked %reduce_sum3A_2711 : vector<16xf32>, vector<16xi1> -> vector<16xf32>
        %reduce_sum3A_2713 = vector.extract %reduce_sum3A_2712[15] : f32 from vector<16xf32>
        %broadcast_in_dim3A_2714 = vector.broadcast %reduce_sum3A_2713 : f32 to vector<16xf32>
        %select_n3A_2715 = arith.select %eq3A_902, %broadcast_in_dim3A_2714, %scan3A_896 : vector<16xi1>, vector<16xf32>
        %mul3A_2716 = arith.constant 16 : i32
        %mul3A_2717 = arith.muli %scan3A_18, %mul3A_2716 : i32
        %get3A_2718 = arith.constant 15 : i32
        %get3A_2719 = arith.index_cast %get3A_2718 : i32 to index
        %get3A_2720 = arith.index_cast %mul3A_2717 : i32 to index
        %get3A_2721 = tpu.vector_load %arg11[%get3A_2719, %get3A_2720] {strides = array<i32>} : memref<20x512xi32, #tpu.memory_space<vmem>>, vector<16xi32>,
        %select_n3A_2722 = arith.select %eq3A_902, %get3A_2721, %broadcast_in_dim3A_904 : vector<16xi1>, vector<16xi32>
        %reduce_sum3A_2723 = arith.constant true
        %reduce_sum3A_2724 = vector.broadcast %reduce_sum3A_2723 : i1 to vector<16xi1>
        %reduce_sum3A_2725 = tpu.scan <sum>, %select_n3A_2722 masked %reduce_sum3A_2724 : vector<16xi32>, vector<16xi1> -> vector<16xi32>
        %reduce_sum3A_2726 = vector.extract %reduce_sum3A_2725[15] : i32 from vector<16xi32>
        %and3A_2727 = arith.constant 1 : i32
        %and3A_2728 = arith.andi %reduce_sum3A_2726, %and3A_2727 : i32
        %mul3A_2729 = arith.constant 64 : i32
        %mul3A_2730 = arith.muli %and3A_2728, %mul3A_2729 : i32
        %add3A_2731 = arith.constant 240 : i32
        %add3A_2732 = arith.addi %add3A_2731, %scan3A_880 : i32
        %add3A_2733 = arith.constant 0 : i32
        %add3A_2734 = arith.addi %mul3A_2730, %add3A_2733 : i32
        %get3A_2735 = arith.index_cast %add3A_2732 : i32 to index
        %get3A_2736 = arith.index_cast %add3A_2734 : i32 to index
        %get3A_2737 = tpu.vector_load %arg16[%get3A_2735, %get3A_2736] {strides = array<i32>} : memref<320x128xf32, #tpu.memory_space<vmem>>, vector<16xf32>,
        %mul3A_2738 = arith.mulf %add3A_1826, %get3A_2737 : vector<16xf32>
        %add3A_2739 = arith.constant 240 : i32
        %add3A_2740 = arith.addi %add3A_2739, %scan3A_880 : i32
        %add3A_2741 = arith.constant 16 : i32
        %add3A_2742 = arith.addi %mul3A_2730, %add3A_2741 : i32
        %get3A_2743 = arith.index_cast %add3A_2740 : i32 to index
        %get3A_2744 = arith.index_cast %add3A_2742 : i32 to index
        %get3A_2745 = tpu.vector_load %arg16[%get3A_2743, %get3A_2744] {strides = array<i32>} : memref<320x128xf32, #tpu.memory_space<vmem>>, vector<16xf32>,
        %mul3A_2746 = arith.mulf %add3A_1827, %get3A_2745 : vector<16xf32>
        %add3A_2747 = arith.constant 240 : i32
        %add3A_2748 = arith.addi %add3A_2747, %scan3A_880 : i32
        %add3A_2749 = arith.constant 32 : i32
        %add3A_2750 = arith.addi %mul3A_2730, %add3A_2749 : i32
        %get3A_2751 = arith.index_cast %add3A_2748 : i32 to index
        %get3A_2752 = arith.index_cast %add3A_2750 : i32 to index
        %get3A_2753 = tpu.vector_load %arg16[%get3A_2751, %get3A_2752] {strides = array<i32>} : memref<320x128xf32, #tpu.memory_space<vmem>>, vector<16xf32>,
        %mul3A_2754 = arith.mulf %add3A_1828, %get3A_2753 : vector<16xf32>
        %add3A_2755 = arith.constant 240 : i32
        %add3A_2756 = arith.addi %add3A_2755, %scan3A_880 : i32
        %add3A_2757 = arith.constant 48 : i32
        %add3A_2758 = arith.addi %mul3A_2730, %add3A_2757 : i32
        %get3A_2759 = arith.index_cast %add3A_2756 : i32 to index
        %get3A_2760 = arith.index_cast %add3A_2758 : i32 to index
        %get3A_2761 = tpu.vector_load %arg16[%get3A_2759, %get3A_2760] {strides = array<i32>} : memref<320x128xf32, #tpu.memory_space<vmem>>, vector<16xf32>,
        %mul3A_2762 = arith.mulf %add3A_1829, %get3A_2761 : vector<16xf32>
        %add3A_2763 = arith.addf %mul3A_2738, %mul3A_2746 : vector<16xf32>
        %add3A_2764 = arith.addf %mul3A_2754, %mul3A_2762 : vector<16xf32>
        %add3A_2765 = arith.addf %add3A_2763, %add3A_2764 : vector<16xf32>
        %reduce_sum3A_2766 = arith.constant true
        %reduce_sum3A_2767 = vector.broadcast %reduce_sum3A_2766 : i1 to vector<16xi1>
        %reduce_sum3A_2768 = tpu.scan <sum>, %add3A_2765 masked %reduce_sum3A_2767 : vector<16xf32>, vector<16xi1> -> vector<16xf32>
        %reduce_sum3A_2769 = vector.extract %reduce_sum3A_2768[15] : f32 from vector<16xf32>
        %broadcast_in_dim3A_2770 = vector.broadcast %reduce_sum3A_2769 : f32 to vector<16xf32>
        %select_n3A_2771 = arith.select %eq3A_902, %broadcast_in_dim3A_2770, %scan3A_897 : vector<16xi1>, vector<16xf32>
        %mul3A_2772 = arith.constant 16 : i32
        %mul3A_2773 = arith.muli %scan3A_18, %mul3A_2772 : i32
        %get3A_2774 = arith.constant 16 : i32
        %get3A_2775 = arith.index_cast %get3A_2774 : i32 to index
        %get3A_2776 = arith.index_cast %mul3A_2773 : i32 to index
        %get3A_2777 = tpu.vector_load %arg11[%get3A_2775, %get3A_2776] {strides = array<i32>} : memref<20x512xi32, #tpu.memory_space<vmem>>, vector<16xi32>,
        %select_n3A_2778 = arith.select %eq3A_902, %get3A_2777, %broadcast_in_dim3A_904 : vector<16xi1>, vector<16xi32>
        %reduce_sum3A_2779 = arith.constant true
        %reduce_sum3A_2780 = vector.broadcast %reduce_sum3A_2779 : i1 to vector<16xi1>
        %reduce_sum3A_2781 = tpu.scan <sum>, %select_n3A_2778 masked %reduce_sum3A_2780 : vector<16xi32>, vector<16xi1> -> vector<16xi32>
        %reduce_sum3A_2782 = vector.extract %reduce_sum3A_2781[15] : i32 from vector<16xi32>
        %and3A_2783 = arith.constant 1 : i32
        %and3A_2784 = arith.andi %reduce_sum3A_2782, %and3A_2783 : i32
        %mul3A_2785 = arith.constant 64 : i32
        %mul3A_2786 = arith.muli %and3A_2784, %mul3A_2785 : i32
        %add3A_2787 = arith.constant 256 : i32
        %add3A_2788 = arith.addi %add3A_2787, %scan3A_880 : i32
        %add3A_2789 = arith.constant 0 : i32
        %add3A_2790 = arith.addi %mul3A_2786, %add3A_2789 : i32
        %get3A_2791 = arith.index_cast %add3A_2788 : i32 to index
        %get3A_2792 = arith.index_cast %add3A_2790 : i32 to index
        %get3A_2793 = tpu.vector_load %arg16[%get3A_2791, %get3A_2792] {strides = array<i32>} : memref<320x128xf32, #tpu.memory_space<vmem>>, vector<16xf32>,
        %mul3A_2794 = arith.mulf %add3A_1826, %get3A_2793 : vector<16xf32>
        %add3A_2795 = arith.constant 256 : i32
        %add3A_2796 = arith.addi %add3A_2795, %scan3A_880 : i32
        %add3A_2797 = arith.constant 16 : i32
        %add3A_2798 = arith.addi %mul3A_2786, %add3A_2797 : i32
        %get3A_2799 = arith.index_cast %add3A_2796 : i32 to index
        %get3A_2800 = arith.index_cast %add3A_2798 : i32 to index
        %get3A_2801 = tpu.vector_load %arg16[%get3A_2799, %get3A_2800] {strides = array<i32>} : memref<320x128xf32, #tpu.memory_space<vmem>>, vector<16xf32>,
        %mul3A_2802 = arith.mulf %add3A_1827, %get3A_2801 : vector<16xf32>
        %add3A_2803 = arith.constant 256 : i32
        %add3A_2804 = arith.addi %add3A_2803, %scan3A_880 : i32
        %add3A_2805 = arith.constant 32 : i32
        %add3A_2806 = arith.addi %mul3A_2786, %add3A_2805 : i32
        %get3A_2807 = arith.index_cast %add3A_2804 : i32 to index
        %get3A_2808 = arith.index_cast %add3A_2806 : i32 to index
        %get3A_2809 = tpu.vector_load %arg16[%get3A_2807, %get3A_2808] {strides = array<i32>} : memref<320x128xf32, #tpu.memory_space<vmem>>, vector<16xf32>,
        %mul3A_2810 = arith.mulf %add3A_1828, %get3A_2809 : vector<16xf32>
        %add3A_2811 = arith.constant 256 : i32
        %add3A_2812 = arith.addi %add3A_2811, %scan3A_880 : i32
        %add3A_2813 = arith.constant 48 : i32
        %add3A_2814 = arith.addi %mul3A_2786, %add3A_2813 : i32
        %get3A_2815 = arith.index_cast %add3A_2812 : i32 to index
        %get3A_2816 = arith.index_cast %add3A_2814 : i32 to index
        %get3A_2817 = tpu.vector_load %arg16[%get3A_2815, %get3A_2816] {strides = array<i32>} : memref<320x128xf32, #tpu.memory_space<vmem>>, vector<16xf32>,
        %mul3A_2818 = arith.mulf %add3A_1829, %get3A_2817 : vector<16xf32>
        %add3A_2819 = arith.addf %mul3A_2794, %mul3A_2802 : vector<16xf32>
        %add3A_2820 = arith.addf %mul3A_2810, %mul3A_2818 : vector<16xf32>
        %add3A_2821 = arith.addf %add3A_2819, %add3A_2820 : vector<16xf32>
        %reduce_sum3A_2822 = arith.constant true
        %reduce_sum3A_2823 = vector.broadcast %reduce_sum3A_2822 : i1 to vector<16xi1>
        %reduce_sum3A_2824 = tpu.scan <sum>, %add3A_2821 masked %reduce_sum3A_2823 : vector<16xf32>, vector<16xi1> -> vector<16xf32>
        %reduce_sum3A_2825 = vector.extract %reduce_sum3A_2824[15] : f32 from vector<16xf32>
        %broadcast_in_dim3A_2826 = vector.broadcast %reduce_sum3A_2825 : f32 to vector<16xf32>
        %select_n3A_2827 = arith.select %eq3A_902, %broadcast_in_dim3A_2826, %scan3A_898 : vector<16xi1>, vector<16xf32>
        %mul3A_2828 = arith.constant 16 : i32
        %mul3A_2829 = arith.muli %scan3A_18, %mul3A_2828 : i32
        %get3A_2830 = arith.constant 17 : i32
        %get3A_2831 = arith.index_cast %get3A_2830 : i32 to index
        %get3A_2832 = arith.index_cast %mul3A_2829 : i32 to index
        %get3A_2833 = tpu.vector_load %arg11[%get3A_2831, %get3A_2832] {strides = array<i32>} : memref<20x512xi32, #tpu.memory_space<vmem>>, vector<16xi32>,
        %select_n3A_2834 = arith.select %eq3A_902, %get3A_2833, %broadcast_in_dim3A_904 : vector<16xi1>, vector<16xi32>
        %reduce_sum3A_2835 = arith.constant true
        %reduce_sum3A_2836 = vector.broadcast %reduce_sum3A_2835 : i1 to vector<16xi1>
        %reduce_sum3A_2837 = tpu.scan <sum>, %select_n3A_2834 masked %reduce_sum3A_2836 : vector<16xi32>, vector<16xi1> -> vector<16xi32>
        %reduce_sum3A_2838 = vector.extract %reduce_sum3A_2837[15] : i32 from vector<16xi32>
        %and3A_2839 = arith.constant 1 : i32
        %and3A_2840 = arith.andi %reduce_sum3A_2838, %and3A_2839 : i32
        %mul3A_2841 = arith.constant 64 : i32
        %mul3A_2842 = arith.muli %and3A_2840, %mul3A_2841 : i32
        %add3A_2843 = arith.constant 272 : i32
        %add3A_2844 = arith.addi %add3A_2843, %scan3A_880 : i32
        %add3A_2845 = arith.constant 0 : i32
        %add3A_2846 = arith.addi %mul3A_2842, %add3A_2845 : i32
        %get3A_2847 = arith.index_cast %add3A_2844 : i32 to index
        %get3A_2848 = arith.index_cast %add3A_2846 : i32 to index
        %get3A_2849 = tpu.vector_load %arg16[%get3A_2847, %get3A_2848] {strides = array<i32>} : memref<320x128xf32, #tpu.memory_space<vmem>>, vector<16xf32>,
        %mul3A_2850 = arith.mulf %add3A_1826, %get3A_2849 : vector<16xf32>
        %add3A_2851 = arith.constant 272 : i32
        %add3A_2852 = arith.addi %add3A_2851, %scan3A_880 : i32
        %add3A_2853 = arith.constant 16 : i32
        %add3A_2854 = arith.addi %mul3A_2842, %add3A_2853 : i32
        %get3A_2855 = arith.index_cast %add3A_2852 : i32 to index
        %get3A_2856 = arith.index_cast %add3A_2854 : i32 to index
        %get3A_2857 = tpu.vector_load %arg16[%get3A_2855, %get3A_2856] {strides = array<i32>} : memref<320x128xf32, #tpu.memory_space<vmem>>, vector<16xf32>,
        %mul3A_2858 = arith.mulf %add3A_1827, %get3A_2857 : vector<16xf32>
        %add3A_2859 = arith.constant 272 : i32
        %add3A_2860 = arith.addi %add3A_2859, %scan3A_880 : i32
        %add3A_2861 = arith.constant 32 : i32
        %add3A_2862 = arith.addi %mul3A_2842, %add3A_2861 : i32
        %get3A_2863 = arith.index_cast %add3A_2860 : i32 to index
        %get3A_2864 = arith.index_cast %add3A_2862 : i32 to index
        %get3A_2865 = tpu.vector_load %arg16[%get3A_2863, %get3A_2864] {strides = array<i32>} : memref<320x128xf32, #tpu.memory_space<vmem>>, vector<16xf32>,
        %mul3A_2866 = arith.mulf %add3A_1828, %get3A_2865 : vector<16xf32>
        %add3A_2867 = arith.constant 272 : i32
        %add3A_2868 = arith.addi %add3A_2867, %scan3A_880 : i32
        %add3A_2869 = arith.constant 48 : i32
        %add3A_2870 = arith.addi %mul3A_2842, %add3A_2869 : i32
        %get3A_2871 = arith.index_cast %add3A_2868 : i32 to index
        %get3A_2872 = arith.index_cast %add3A_2870 : i32 to index
        %get3A_2873 = tpu.vector_load %arg16[%get3A_2871, %get3A_2872] {strides = array<i32>} : memref<320x128xf32, #tpu.memory_space<vmem>>, vector<16xf32>,
        %mul3A_2874 = arith.mulf %add3A_1829, %get3A_2873 : vector<16xf32>
        %add3A_2875 = arith.addf %mul3A_2850, %mul3A_2858 : vector<16xf32>
        %add3A_2876 = arith.addf %mul3A_2866, %mul3A_2874 : vector<16xf32>
        %add3A_2877 = arith.addf %add3A_2875, %add3A_2876 : vector<16xf32>
        %reduce_sum3A_2878 = arith.constant true
        %reduce_sum3A_2879 = vector.broadcast %reduce_sum3A_2878 : i1 to vector<16xi1>
        %reduce_sum3A_2880 = tpu.scan <sum>, %add3A_2877 masked %reduce_sum3A_2879 : vector<16xf32>, vector<16xi1> -> vector<16xf32>
        %reduce_sum3A_2881 = vector.extract %reduce_sum3A_2880[15] : f32 from vector<16xf32>
        %broadcast_in_dim3A_2882 = vector.broadcast %reduce_sum3A_2881 : f32 to vector<16xf32>
        %select_n3A_2883 = arith.select %eq3A_902, %broadcast_in_dim3A_2882, %scan3A_899 : vector<16xi1>, vector<16xf32>
        %mul3A_2884 = arith.constant 16 : i32
        %mul3A_2885 = arith.muli %scan3A_18, %mul3A_2884 : i32
        %get3A_2886 = arith.constant 18 : i32
        %get3A_2887 = arith.index_cast %get3A_2886 : i32 to index
        %get3A_2888 = arith.index_cast %mul3A_2885 : i32 to index
        %get3A_2889 = tpu.vector_load %arg11[%get3A_2887, %get3A_2888] {strides = array<i32>} : memref<20x512xi32, #tpu.memory_space<vmem>>, vector<16xi32>,
        %select_n3A_2890 = arith.select %eq3A_902, %get3A_2889, %broadcast_in_dim3A_904 : vector<16xi1>, vector<16xi32>
        %reduce_sum3A_2891 = arith.constant true
        %reduce_sum3A_2892 = vector.broadcast %reduce_sum3A_2891 : i1 to vector<16xi1>
        %reduce_sum3A_2893 = tpu.scan <sum>, %select_n3A_2890 masked %reduce_sum3A_2892 : vector<16xi32>, vector<16xi1> -> vector<16xi32>
        %reduce_sum3A_2894 = vector.extract %reduce_sum3A_2893[15] : i32 from vector<16xi32>
        %and3A_2895 = arith.constant 1 : i32
        %and3A_2896 = arith.andi %reduce_sum3A_2894, %and3A_2895 : i32
        %mul3A_2897 = arith.constant 64 : i32
        %mul3A_2898 = arith.muli %and3A_2896, %mul3A_2897 : i32
        %add3A_2899 = arith.constant 288 : i32
        %add3A_2900 = arith.addi %add3A_2899, %scan3A_880 : i32
        %add3A_2901 = arith.constant 0 : i32
        %add3A_2902 = arith.addi %mul3A_2898, %add3A_2901 : i32
        %get3A_2903 = arith.index_cast %add3A_2900 : i32 to index
        %get3A_2904 = arith.index_cast %add3A_2902 : i32 to index
        %get3A_2905 = tpu.vector_load %arg16[%get3A_2903, %get3A_2904] {strides = array<i32>} : memref<320x128xf32, #tpu.memory_space<vmem>>, vector<16xf32>,
        %mul3A_2906 = arith.mulf %add3A_1826, %get3A_2905 : vector<16xf32>
        %add3A_2907 = arith.constant 288 : i32
        %add3A_2908 = arith.addi %add3A_2907, %scan3A_880 : i32
        %add3A_2909 = arith.constant 16 : i32
        %add3A_2910 = arith.addi %mul3A_2898, %add3A_2909 : i32
        %get3A_2911 = arith.index_cast %add3A_2908 : i32 to index
        %get3A_2912 = arith.index_cast %add3A_2910 : i32 to index
        %get3A_2913 = tpu.vector_load %arg16[%get3A_2911, %get3A_2912] {strides = array<i32>} : memref<320x128xf32, #tpu.memory_space<vmem>>, vector<16xf32>,
        %mul3A_2914 = arith.mulf %add3A_1827, %get3A_2913 : vector<16xf32>
        %add3A_2915 = arith.constant 288 : i32
        %add3A_2916 = arith.addi %add3A_2915, %scan3A_880 : i32
        %add3A_2917 = arith.constant 32 : i32
        %add3A_2918 = arith.addi %mul3A_2898, %add3A_2917 : i32
        %get3A_2919 = arith.index_cast %add3A_2916 : i32 to index
        %get3A_2920 = arith.index_cast %add3A_2918 : i32 to index
        %get3A_2921 = tpu.vector_load %arg16[%get3A_2919, %get3A_2920] {strides = array<i32>} : memref<320x128xf32, #tpu.memory_space<vmem>>, vector<16xf32>,
        %mul3A_2922 = arith.mulf %add3A_1828, %get3A_2921 : vector<16xf32>
        %add3A_2923 = arith.constant 288 : i32
        %add3A_2924 = arith.addi %add3A_2923, %scan3A_880 : i32
        %add3A_2925 = arith.constant 48 : i32
        %add3A_2926 = arith.addi %mul3A_2898, %add3A_2925 : i32
        %get3A_2927 = arith.index_cast %add3A_2924 : i32 to index
        %get3A_2928 = arith.index_cast %add3A_2926 : i32 to index
        %get3A_2929 = tpu.vector_load %arg16[%get3A_2927, %get3A_2928] {strides = array<i32>} : memref<320x128xf32, #tpu.memory_space<vmem>>, vector<16xf32>,
        %mul3A_2930 = arith.mulf %add3A_1829, %get3A_2929 : vector<16xf32>
        %add3A_2931 = arith.addf %mul3A_2906, %mul3A_2914 : vector<16xf32>
        %add3A_2932 = arith.addf %mul3A_2922, %mul3A_2930 : vector<16xf32>
        %add3A_2933 = arith.addf %add3A_2931, %add3A_2932 : vector<16xf32>
        %reduce_sum3A_2934 = arith.constant true
        %reduce_sum3A_2935 = vector.broadcast %reduce_sum3A_2934 : i1 to vector<16xi1>
        %reduce_sum3A_2936 = tpu.scan <sum>, %add3A_2933 masked %reduce_sum3A_2935 : vector<16xf32>, vector<16xi1> -> vector<16xf32>
        %reduce_sum3A_2937 = vector.extract %reduce_sum3A_2936[15] : f32 from vector<16xf32>
        %broadcast_in_dim3A_2938 = vector.broadcast %reduce_sum3A_2937 : f32 to vector<16xf32>
        %select_n3A_2939 = arith.select %eq3A_902, %broadcast_in_dim3A_2938, %scan3A_900 : vector<16xi1>, vector<16xf32>
        %mul3A_2940 = arith.constant 16 : i32
        %mul3A_2941 = arith.muli %scan3A_18, %mul3A_2940 : i32
        %get3A_2942 = arith.constant 19 : i32
        %get3A_2943 = arith.index_cast %get3A_2942 : i32 to index
        %get3A_2944 = arith.index_cast %mul3A_2941 : i32 to index
        %get3A_2945 = tpu.vector_load %arg11[%get3A_2943, %get3A_2944] {strides = array<i32>} : memref<20x512xi32, #tpu.memory_space<vmem>>, vector<16xi32>,
        %select_n3A_2946 = arith.select %eq3A_902, %get3A_2945, %broadcast_in_dim3A_904 : vector<16xi1>, vector<16xi32>
        %reduce_sum3A_2947 = arith.constant true
        %reduce_sum3A_2948 = vector.broadcast %reduce_sum3A_2947 : i1 to vector<16xi1>
        %reduce_sum3A_2949 = tpu.scan <sum>, %select_n3A_2946 masked %reduce_sum3A_2948 : vector<16xi32>, vector<16xi1> -> vector<16xi32>
        %reduce_sum3A_2950 = vector.extract %reduce_sum3A_2949[15] : i32 from vector<16xi32>
        %and3A_2951 = arith.constant 1 : i32
        %and3A_2952 = arith.andi %reduce_sum3A_2950, %and3A_2951 : i32
        %mul3A_2953 = arith.constant 64 : i32
        %mul3A_2954 = arith.muli %and3A_2952, %mul3A_2953 : i32
        %add3A_2955 = arith.constant 304 : i32
        %add3A_2956 = arith.addi %add3A_2955, %scan3A_880 : i32
        %add3A_2957 = arith.constant 0 : i32
        %add3A_2958 = arith.addi %mul3A_2954, %add3A_2957 : i32
        %get3A_2959 = arith.index_cast %add3A_2956 : i32 to index
        %get3A_2960 = arith.index_cast %add3A_2958 : i32 to index
        %get3A_2961 = tpu.vector_load %arg16[%get3A_2959, %get3A_2960] {strides = array<i32>} : memref<320x128xf32, #tpu.memory_space<vmem>>, vector<16xf32>,
        %mul3A_2962 = arith.mulf %add3A_1826, %get3A_2961 : vector<16xf32>
        %add3A_2963 = arith.constant 304 : i32
        %add3A_2964 = arith.addi %add3A_2963, %scan3A_880 : i32
        %add3A_2965 = arith.constant 16 : i32
        %add3A_2966 = arith.addi %mul3A_2954, %add3A_2965 : i32
        %get3A_2967 = arith.index_cast %add3A_2964 : i32 to index
        %get3A_2968 = arith.index_cast %add3A_2966 : i32 to index
        %get3A_2969 = tpu.vector_load %arg16[%get3A_2967, %get3A_2968] {strides = array<i32>} : memref<320x128xf32, #tpu.memory_space<vmem>>, vector<16xf32>,
        %mul3A_2970 = arith.mulf %add3A_1827, %get3A_2969 : vector<16xf32>
        %add3A_2971 = arith.constant 304 : i32
        %add3A_2972 = arith.addi %add3A_2971, %scan3A_880 : i32
        %add3A_2973 = arith.constant 32 : i32
        %add3A_2974 = arith.addi %mul3A_2954, %add3A_2973 : i32
        %get3A_2975 = arith.index_cast %add3A_2972 : i32 to index
        %get3A_2976 = arith.index_cast %add3A_2974 : i32 to index
        %get3A_2977 = tpu.vector_load %arg16[%get3A_2975, %get3A_2976] {strides = array<i32>} : memref<320x128xf32, #tpu.memory_space<vmem>>, vector<16xf32>,
        %mul3A_2978 = arith.mulf %add3A_1828, %get3A_2977 : vector<16xf32>
        %add3A_2979 = arith.constant 304 : i32
        %add3A_2980 = arith.addi %add3A_2979, %scan3A_880 : i32
        %add3A_2981 = arith.constant 48 : i32
        %add3A_2982 = arith.addi %mul3A_2954, %add3A_2981 : i32
        %get3A_2983 = arith.index_cast %add3A_2980 : i32 to index
        %get3A_2984 = arith.index_cast %add3A_2982 : i32 to index
        %get3A_2985 = tpu.vector_load %arg16[%get3A_2983, %get3A_2984] {strides = array<i32>} : memref<320x128xf32, #tpu.memory_space<vmem>>, vector<16xf32>,
        %mul3A_2986 = arith.mulf %add3A_1829, %get3A_2985 : vector<16xf32>
        %add3A_2987 = arith.addf %mul3A_2962, %mul3A_2970 : vector<16xf32>
        %add3A_2988 = arith.addf %mul3A_2978, %mul3A_2986 : vector<16xf32>
        %add3A_2989 = arith.addf %add3A_2987, %add3A_2988 : vector<16xf32>
        %reduce_sum3A_2990 = arith.constant true
        %reduce_sum3A_2991 = vector.broadcast %reduce_sum3A_2990 : i1 to vector<16xi1>
        %reduce_sum3A_2992 = tpu.scan <sum>, %add3A_2989 masked %reduce_sum3A_2991 : vector<16xf32>, vector<16xi1> -> vector<16xf32>
        %reduce_sum3A_2993 = vector.extract %reduce_sum3A_2992[15] : f32 from vector<16xf32>
        %broadcast_in_dim3A_2994 = vector.broadcast %reduce_sum3A_2993 : f32 to vector<16xf32>
        %select_n3A_2995 = arith.select %eq3A_902, %broadcast_in_dim3A_2994, %scan3A_901 : vector<16xi1>, vector<16xf32>
        scf.yield %select_n3A_1875, %select_n3A_1931, %select_n3A_1987, %select_n3A_2043, %select_n3A_2099, %select_n3A_2155, %select_n3A_2211, %select_n3A_2267, %select_n3A_2323, %select_n3A_2379, %select_n3A_2435, %select_n3A_2491, %select_n3A_2547, %select_n3A_2603, %select_n3A_2659, %select_n3A_2715, %select_n3A_2771, %select_n3A_2827, %select_n3A_2883, %select_n3A_2939, %select_n3A_2995 : vector<16xf32>, vector<16xf32>, vector<16xf32>, vector<16xf32>, vector<16xf32>, vector<16xf32>, vector<16xf32>, vector<16xf32>, vector<16xf32>, vector<16xf32>, vector<16xf32>, vector<16xf32>, vector<16xf32>, vector<16xf32>, vector<16xf32>, vector<16xf32>, vector<16xf32>, vector<16xf32>, vector<16xf32>, vector<16xf32>, vector<16xf32>
      }
      %scan3A_755 = arith.constant 16 : i32
      %mul3A_756 = arith.constant 16 : i32
      %mul3A_757 = arith.muli %scan3A_18, %mul3A_756 : i32
      %swap3A_758 = arith.index_cast %mul3A_757 : i32 to index
      %swap3A_759 = tpu.vector_load %arg18[%swap3A_758] {strides = array<i32>} : memref<512xf32, #tpu.memory_space<vmem>>, vector<16xf32>,
      tpu.vector_store %arg18[%swap3A_758], %scan3A_754#0 {strides = array<i32>} : memref<512xf32, #tpu.memory_space<vmem>>, vector<16xf32>,
      %mul3A_760 = arith.constant 320 : i32
      %mul3A_761 = arith.muli %scan3A_18, %mul3A_760 : i32
      %add3A_762 = arith.constant 0 : i32
      %add3A_763 = arith.addi %mul3A_761, %add3A_762 : i32
      %swap3A_764 = arith.index_cast %add3A_763 : i32 to index
      %swap3A_765 = tpu.vector_load %arg19[%swap3A_764] {strides = array<i32>} : memref<10240xf32, #tpu.memory_space<vmem>>, vector<16xf32>,
      tpu.vector_store %arg19[%swap3A_764], %scan3A_754#1 {strides = array<i32>} : memref<10240xf32, #tpu.memory_space<vmem>>, vector<16xf32>,
      %mul3A_766 = arith.constant 320 : i32
      %mul3A_767 = arith.muli %scan3A_18, %mul3A_766 : i32
      %add3A_768 = arith.constant 16 : i32
      %add3A_769 = arith.addi %mul3A_767, %add3A_768 : i32
      %swap3A_770 = arith.index_cast %add3A_769 : i32 to index
      %swap3A_771 = tpu.vector_load %arg19[%swap3A_770] {strides = array<i32>} : memref<10240xf32, #tpu.memory_space<vmem>>, vector<16xf32>,
      tpu.vector_store %arg19[%swap3A_770], %scan3A_754#2 {strides = array<i32>} : memref<10240xf32, #tpu.memory_space<vmem>>, vector<16xf32>,
      %mul3A_772 = arith.constant 320 : i32
      %mul3A_773 = arith.muli %scan3A_18, %mul3A_772 : i32
      %add3A_774 = arith.constant 32 : i32
      %add3A_775 = arith.addi %mul3A_773, %add3A_774 : i32
      %swap3A_776 = arith.index_cast %add3A_775 : i32 to index
      %swap3A_777 = tpu.vector_load %arg19[%swap3A_776] {strides = array<i32>} : memref<10240xf32, #tpu.memory_space<vmem>>, vector<16xf32>,
      tpu.vector_store %arg19[%swap3A_776], %scan3A_754#3 {strides = array<i32>} : memref<10240xf32, #tpu.memory_space<vmem>>, vector<16xf32>,
      %mul3A_778 = arith.constant 320 : i32
      %mul3A_779 = arith.muli %scan3A_18, %mul3A_778 : i32
      %add3A_780 = arith.constant 48 : i32
      %add3A_781 = arith.addi %mul3A_779, %add3A_780 : i32
      %swap3A_782 = arith.index_cast %add3A_781 : i32 to index
      %swap3A_783 = tpu.vector_load %arg19[%swap3A_782] {strides = array<i32>} : memref<10240xf32, #tpu.memory_space<vmem>>, vector<16xf32>,
      tpu.vector_store %arg19[%swap3A_782], %scan3A_754#4 {strides = array<i32>} : memref<10240xf32, #tpu.memory_space<vmem>>, vector<16xf32>,
      %mul3A_784 = arith.constant 320 : i32
      %mul3A_785 = arith.muli %scan3A_18, %mul3A_784 : i32
      %add3A_786 = arith.constant 64 : i32
      %add3A_787 = arith.addi %mul3A_785, %add3A_786 : i32
      %swap3A_788 = arith.index_cast %add3A_787 : i32 to index
      %swap3A_789 = tpu.vector_load %arg19[%swap3A_788] {strides = array<i32>} : memref<10240xf32, #tpu.memory_space<vmem>>, vector<16xf32>,
      tpu.vector_store %arg19[%swap3A_788], %scan3A_754#5 {strides = array<i32>} : memref<10240xf32, #tpu.memory_space<vmem>>, vector<16xf32>,
      %mul3A_790 = arith.constant 320 : i32
      %mul3A_791 = arith.muli %scan3A_18, %mul3A_790 : i32
      %add3A_792 = arith.constant 80 : i32
      %add3A_793 = arith.addi %mul3A_791, %add3A_792 : i32
      %swap3A_794 = arith.index_cast %add3A_793 : i32 to index
      %swap3A_795 = tpu.vector_load %arg19[%swap3A_794] {strides = array<i32>} : memref<10240xf32, #tpu.memory_space<vmem>>, vector<16xf32>,
      tpu.vector_store %arg19[%swap3A_794], %scan3A_754#6 {strides = array<i32>} : memref<10240xf32, #tpu.memory_space<vmem>>, vector<16xf32>,
      %mul3A_796 = arith.constant 320 : i32
      %mul3A_797 = arith.muli %scan3A_18, %mul3A_796 : i32
      %add3A_798 = arith.constant 96 : i32
      %add3A_799 = arith.addi %mul3A_797, %add3A_798 : i32
      %swap3A_800 = arith.index_cast %add3A_799 : i32 to index
      %swap3A_801 = tpu.vector_load %arg19[%swap3A_800] {strides = array<i32>} : memref<10240xf32, #tpu.memory_space<vmem>>, vector<16xf32>,
      tpu.vector_store %arg19[%swap3A_800], %scan3A_754#7 {strides = array<i32>} : memref<10240xf32, #tpu.memory_space<vmem>>, vector<16xf32>,
      %mul3A_802 = arith.constant 320 : i32
      %mul3A_803 = arith.muli %scan3A_18, %mul3A_802 : i32
      %add3A_804 = arith.constant 112 : i32
      %add3A_805 = arith.addi %mul3A_803, %add3A_804 : i32
      %swap3A_806 = arith.index_cast %add3A_805 : i32 to index
      %swap3A_807 = tpu.vector_load %arg19[%swap3A_806] {strides = array<i32>} : memref<10240xf32, #tpu.memory_space<vmem>>, vector<16xf32>,
      tpu.vector_store %arg19[%swap3A_806], %scan3A_754#8 {strides = array<i32>} : memref<10240xf32, #tpu.memory_space<vmem>>, vector<16xf32>,
      %mul3A_808 = arith.constant 320 : i32
      %mul3A_809 = arith.muli %scan3A_18, %mul3A_808 : i32
      %add3A_810 = arith.constant 128 : i32
      %add3A_811 = arith.addi %mul3A_809, %add3A_810 : i32
      %swap3A_812 = arith.index_cast %add3A_811 : i32 to index
      %swap3A_813 = tpu.vector_load %arg19[%swap3A_812] {strides = array<i32>} : memref<10240xf32, #tpu.memory_space<vmem>>, vector<16xf32>,
      tpu.vector_store %arg19[%swap3A_812], %scan3A_754#9 {strides = array<i32>} : memref<10240xf32, #tpu.memory_space<vmem>>, vector<16xf32>,
      %mul3A_814 = arith.constant 320 : i32
      %mul3A_815 = arith.muli %scan3A_18, %mul3A_814 : i32
      %add3A_816 = arith.constant 144 : i32
      %add3A_817 = arith.addi %mul3A_815, %add3A_816 : i32
      %swap3A_818 = arith.index_cast %add3A_817 : i32 to index
      %swap3A_819 = tpu.vector_load %arg19[%swap3A_818] {strides = array<i32>} : memref<10240xf32, #tpu.memory_space<vmem>>, vector<16xf32>,
      tpu.vector_store %arg19[%swap3A_818], %scan3A_754#10 {strides = array<i32>} : memref<10240xf32, #tpu.memory_space<vmem>>, vector<16xf32>,
      %mul3A_820 = arith.constant 320 : i32
      %mul3A_821 = arith.muli %scan3A_18, %mul3A_820 : i32
      %add3A_822 = arith.constant 160 : i32
      %add3A_823 = arith.addi %mul3A_821, %add3A_822 : i32
      %swap3A_824 = arith.index_cast %add3A_823 : i32 to index
      %swap3A_825 = tpu.vector_load %arg19[%swap3A_824] {strides = array<i32>} : memref<10240xf32, #tpu.memory_space<vmem>>, vector<16xf32>,
      tpu.vector_store %arg19[%swap3A_824], %scan3A_754#11 {strides = array<i32>} : memref<10240xf32, #tpu.memory_space<vmem>>, vector<16xf32>,
      %mul3A_826 = arith.constant 320 : i32
      %mul3A_827 = arith.muli %scan3A_18, %mul3A_826 : i32
      %add3A_828 = arith.constant 176 : i32
      %add3A_829 = arith.addi %mul3A_827, %add3A_828 : i32
      %swap3A_830 = arith.index_cast %add3A_829 : i32 to index
      %swap3A_831 = tpu.vector_load %arg19[%swap3A_830] {strides = array<i32>} : memref<10240xf32, #tpu.memory_space<vmem>>, vector<16xf32>,
      tpu.vector_store %arg19[%swap3A_830], %scan3A_754#12 {strides = array<i32>} : memref<10240xf32, #tpu.memory_space<vmem>>, vector<16xf32>,
      %mul3A_832 = arith.constant 320 : i32
      %mul3A_833 = arith.muli %scan3A_18, %mul3A_832 : i32
      %add3A_834 = arith.constant 192 : i32
      %add3A_835 = arith.addi %mul3A_833, %add3A_834 : i32
      %swap3A_836 = arith.index_cast %add3A_835 : i32 to index
      %swap3A_837 = tpu.vector_load %arg19[%swap3A_836] {strides = array<i32>} : memref<10240xf32, #tpu.memory_space<vmem>>, vector<16xf32>,
      tpu.vector_store %arg19[%swap3A_836], %scan3A_754#13 {strides = array<i32>} : memref<10240xf32, #tpu.memory_space<vmem>>, vector<16xf32>,
      %mul3A_838 = arith.constant 320 : i32
      %mul3A_839 = arith.muli %scan3A_18, %mul3A_838 : i32
      %add3A_840 = arith.constant 208 : i32
      %add3A_841 = arith.addi %mul3A_839, %add3A_840 : i32
      %swap3A_842 = arith.index_cast %add3A_841 : i32 to index
      %swap3A_843 = tpu.vector_load %arg19[%swap3A_842] {strides = array<i32>} : memref<10240xf32, #tpu.memory_space<vmem>>, vector<16xf32>,
      tpu.vector_store %arg19[%swap3A_842], %scan3A_754#14 {strides = array<i32>} : memref<10240xf32, #tpu.memory_space<vmem>>, vector<16xf32>,
      %mul3A_844 = arith.constant 320 : i32
      %mul3A_845 = arith.muli %scan3A_18, %mul3A_844 : i32
      %add3A_846 = arith.constant 224 : i32
      %add3A_847 = arith.addi %mul3A_845, %add3A_846 : i32
      %swap3A_848 = arith.index_cast %add3A_847 : i32 to index
      %swap3A_849 = tpu.vector_load %arg19[%swap3A_848] {strides = array<i32>} : memref<10240xf32, #tpu.memory_space<vmem>>, vector<16xf32>,
      tpu.vector_store %arg19[%swap3A_848], %scan3A_754#15 {strides = array<i32>} : memref<10240xf32, #tpu.memory_space<vmem>>, vector<16xf32>,
      %mul3A_850 = arith.constant 320 : i32
      %mul3A_851 = arith.muli %scan3A_18, %mul3A_850 : i32
      %add3A_852 = arith.constant 240 : i32
      %add3A_853 = arith.addi %mul3A_851, %add3A_852 : i32
      %swap3A_854 = arith.index_cast %add3A_853 : i32 to index
      %swap3A_855 = tpu.vector_load %arg19[%swap3A_854] {strides = array<i32>} : memref<10240xf32, #tpu.memory_space<vmem>>, vector<16xf32>,
      tpu.vector_store %arg19[%swap3A_854], %scan3A_754#16 {strides = array<i32>} : memref<10240xf32, #tpu.memory_space<vmem>>, vector<16xf32>,
      %mul3A_856 = arith.constant 320 : i32
      %mul3A_857 = arith.muli %scan3A_18, %mul3A_856 : i32
      %add3A_858 = arith.constant 256 : i32
      %add3A_859 = arith.addi %mul3A_857, %add3A_858 : i32
      %swap3A_860 = arith.index_cast %add3A_859 : i32 to index
      %swap3A_861 = tpu.vector_load %arg19[%swap3A_860] {strides = array<i32>} : memref<10240xf32, #tpu.memory_space<vmem>>, vector<16xf32>,
      tpu.vector_store %arg19[%swap3A_860], %scan3A_754#17 {strides = array<i32>} : memref<10240xf32, #tpu.memory_space<vmem>>, vector<16xf32>,
      %mul3A_862 = arith.constant 320 : i32
      %mul3A_863 = arith.muli %scan3A_18, %mul3A_862 : i32
      %add3A_864 = arith.constant 272 : i32
      %add3A_865 = arith.addi %mul3A_863, %add3A_864 : i32
      %swap3A_866 = arith.index_cast %add3A_865 : i32 to index
      %swap3A_867 = tpu.vector_load %arg19[%swap3A_866] {strides = array<i32>} : memref<10240xf32, #tpu.memory_space<vmem>>, vector<16xf32>,
      tpu.vector_store %arg19[%swap3A_866], %scan3A_754#18 {strides = array<i32>} : memref<10240xf32, #tpu.memory_space<vmem>>, vector<16xf32>,
      %mul3A_868 = arith.constant 320 : i32
      %mul3A_869 = arith.muli %scan3A_18, %mul3A_868 : i32
      %add3A_870 = arith.constant 288 : i32
      %add3A_871 = arith.addi %mul3A_869, %add3A_870 : i32
      %swap3A_872 = arith.index_cast %add3A_871 : i32 to index
      %swap3A_873 = tpu.vector_load %arg19[%swap3A_872] {strides = array<i32>} : memref<10240xf32, #tpu.memory_space<vmem>>, vector<16xf32>,
      tpu.vector_store %arg19[%swap3A_872], %scan3A_754#19 {strides = array<i32>} : memref<10240xf32, #tpu.memory_space<vmem>>, vector<16xf32>,
      %mul3A_874 = arith.constant 320 : i32
      %mul3A_875 = arith.muli %scan3A_18, %mul3A_874 : i32
      %add3A_876 = arith.constant 304 : i32
      %add3A_877 = arith.addi %mul3A_875, %add3A_876 : i32
      %swap3A_878 = arith.index_cast %add3A_877 : i32 to index
      %swap3A_879 = tpu.vector_load %arg19[%swap3A_878] {strides = array<i32>} : memref<10240xf32, #tpu.memory_space<vmem>>, vector<16xf32>,
      tpu.vector_store %arg19[%swap3A_878], %scan3A_754#20 {strides = array<i32>} : memref<10240xf32, #tpu.memory_space<vmem>>, vector<16xf32>,
    }
    %scan3A_11 = arith.constant 32 : i32
    %mul3A_12 = arith.constant 512 : i32
    %mul3A_13 = arith.muli %add3A, %mul3A_12 : i32
    "tpu.region"() ({
      %run_scoped3A = tpu.sem_alloc : memref<!tpu.dma_semaphore, #tpu.memory_space<semaphore_mem>>
      %dma_start3A = tpu.memref_slice %arg7[%mul3A_13] : memref<16384xf32, #tpu.memory_space<hbm>> -> memref<512xf32, #tpu.memory_space<hbm>>
      %dma_start3A_18 = tpu.memref_slice %arg7[%mul3A_13] : memref<16384xf32, #tpu.memory_space<hbm>> -> memref<512xf32, #tpu.memory_space<hbm>>
      tpu.enqueue_dma source(%arg18 : memref<512xf32, #tpu.memory_space<vmem>>) target(%dma_start3A_18 : memref<512xf32, #tpu.memory_space<hbm>>) target_semaphore(%run_scoped3A : memref<!tpu.dma_semaphore, #tpu.memory_space<semaphore_mem>>)
      %dma_wait3A = tpu.memref_slice %arg7[%mul3A_13] : memref<16384xf32, #tpu.memory_space<hbm>> -> memref<512xf32, #tpu.memory_space<hbm>>
      %dma_wait3A_19 = tpu.memref_slice %arg7[%mul3A_13] : memref<16384xf32, #tpu.memory_space<hbm>> -> memref<512xf32, #tpu.memory_space<hbm>>
      tpu.wait_dma2 semaphore(%run_scoped3A : memref<!tpu.dma_semaphore, #tpu.memory_space<semaphore_mem>>) src(%arg18 : memref<512xf32, #tpu.memory_space<vmem>>) dst(%dma_wait3A_19 : memref<512xf32, #tpu.memory_space<hbm>>)
      tpu.yield
    }) : () -> ()
    %mul3A_14 = arith.constant 512 : i32
    %mul3A_15 = arith.muli %add3A, %mul3A_14 : i32
    %mul3A_16 = arith.constant 20 : i32
    %mul3A_17 = arith.muli %mul3A_15, %mul3A_16 : i32
    "tpu.region"() ({
      %run_scoped3A = tpu.sem_alloc : memref<!tpu.dma_semaphore, #tpu.memory_space<semaphore_mem>>
      %dma_start3A = tpu.memref_slice %arg8[%mul3A_17] : memref<327680xf32, #tpu.memory_space<hbm>> -> memref<10240xf32, #tpu.memory_space<hbm>>
      %dma_start3A_18 = tpu.memref_slice %arg8[%mul3A_17] : memref<327680xf32, #tpu.memory_space<hbm>> -> memref<10240xf32, #tpu.memory_space<hbm>>
      tpu.enqueue_dma source(%arg19 : memref<10240xf32, #tpu.memory_space<vmem>>) target(%dma_start3A_18 : memref<10240xf32, #tpu.memory_space<hbm>>) target_semaphore(%run_scoped3A : memref<!tpu.dma_semaphore, #tpu.memory_space<semaphore_mem>>)
      %dma_wait3A = tpu.memref_slice %arg8[%mul3A_17] : memref<327680xf32, #tpu.memory_space<hbm>> -> memref<10240xf32, #tpu.memory_space<hbm>>
      %dma_wait3A_19 = tpu.memref_slice %arg8[%mul3A_17] : memref<327680xf32, #tpu.memory_space<hbm>> -> memref<10240xf32, #tpu.memory_space<hbm>>
      tpu.wait_dma2 semaphore(%run_scoped3A : memref<!tpu.dma_semaphore, #tpu.memory_space<semaphore_mem>>) src(%arg19 : memref<10240xf32, #tpu.memory_space<vmem>>) dst(%dma_wait3A_19 : memref<10240xf32, #tpu.memory_space<hbm>>)
      tpu.yield
    }) : () -> ()
    return
  }
}

module attributes {stable_mosaic.version = 14 : i64} {
  func.func @_loss_body(%arg0: memref<128x128xf32, #tpu.memory_space<vmem>>, %arg1: memref<2560x128xf32, #tpu.memory_space<vmem>>, %arg2: memref<1x1xf32, #tpu.memory_space<vmem>>) attributes {dimension_semantics = [], scalar_prefetch = 0 : i64, scratch_operands = 0 : i64, tpu.core_type = #tpu.core_type<tc>} {
    %get3A = arith.constant 0 : index
    %get3A_0 = arith.constant 0 : index
    %get3A_1 = vector.load %arg0[%get3A, %get3A_0] : memref<128x128xf32, #tpu.memory_space<vmem>>, vector<128x128xf32>
    %mul3A = arith.constant 5.000000e-02 : f32
    %mul3A_2 = vector.broadcast %mul3A : f32 to vector<128x128xf32>
    %mul3A_3 = arith.mulf %get3A_1, %mul3A_2 : vector<128x128xf32>
    %jit3A = arith.constant -1.000000e+01 : f32
    %jit3A_4 = arith.constant 1.000000e+01 : f32
    %max3A = vector.broadcast %jit3A : f32 to vector<128x128xf32>
    %max3A_5 = arith.maximumf %max3A, %mul3A_3 : vector<128x128xf32>
    %min3A = vector.broadcast %jit3A_4 : f32 to vector<128x128xf32>
    %min3A_6 = arith.minimumf %min3A, %max3A_5 : vector<128x128xf32>
    %get3A_7 = arith.constant 0 : index
    %get3A_8 = arith.constant 0 : index
    %get3A_9 = vector.load %arg1[%get3A_7, %get3A_8] : memref<2560x128xf32, #tpu.memory_space<vmem>>, vector<2560x128xf32>
    %mul3A_10 = arith.constant 5.000000e-02 : f32
    %mul3A_11 = vector.broadcast %mul3A_10 : f32 to vector<2560x128xf32>
    %mul3A_12 = arith.mulf %get3A_9, %mul3A_11 : vector<2560x128xf32>
    %jit3A_13 = arith.constant -1.000000e+01 : f32
    %jit3A_14 = arith.constant 1.000000e+01 : f32
    %max3A_15 = vector.broadcast %jit3A_13 : f32 to vector<2560x128xf32>
    %max3A_16 = arith.maximumf %max3A_15, %mul3A_12 : vector<2560x128xf32>
    %min3A_17 = vector.broadcast %jit3A_14 : f32 to vector<2560x128xf32>
    %min3A_18 = arith.minimumf %min3A_17, %max3A_16 : vector<2560x128xf32>
    %neg3A = arith.constant 0.000000e+00 : f32
    %neg3A_19 = vector.broadcast %neg3A : f32 to vector<128x128xf32>
    %neg3A_20 = arith.subf %neg3A_19, %min3A_6 : vector<128x128xf32>
    %exp3A = math.exp %neg3A_20 : vector<128x128xf32>
    %log1p3A = math.log1p %exp3A : vector<128x128xf32>
    %reduce_sum3A = vector.shape_cast %log1p3A : vector<128x128xf32> to vector<1x128x128xf32>
    %reduce_sum3A_21 = arith.constant dense<0.000000e+00> : vector<1xf32>
    %reduce_sum3A_22 = vector.multi_reduction <add>, %reduce_sum3A, %reduce_sum3A_21 [1, 2] : vector<1x128x128xf32> to vector<1xf32>
    %reduce_sum3A_23 = vector.shape_cast %reduce_sum3A_22 : vector<1xf32> to vector<1x1x1xf32>
    %reduce_sum3A_24 = vector.extract %reduce_sum3A_23[0, 0, 0] : f32 from vector<1x1x1xf32>
    %exp3A_25 = math.exp %min3A_18 : vector<2560x128xf32>
    %log1p3A_26 = math.log1p %exp3A_25 : vector<2560x128xf32>
    %reduce_sum3A_27 = vector.shape_cast %log1p3A_26 : vector<2560x128xf32> to vector<1x2560x128xf32>
    %reduce_sum3A_28 = arith.constant dense<0.000000e+00> : vector<1xf32>
    %reduce_sum3A_29 = vector.multi_reduction <add>, %reduce_sum3A_27, %reduce_sum3A_28 [1, 2] : vector<1x2560x128xf32> to vector<1xf32>
    %reduce_sum3A_30 = vector.shape_cast %reduce_sum3A_29 : vector<1xf32> to vector<1x1x1xf32>
    %reduce_sum3A_31 = vector.extract %reduce_sum3A_30[0, 0, 0] : f32 from vector<1x1x1xf32>
    %add3A = arith.addf %reduce_sum3A_24, %reduce_sum3A_31 : f32
    %mul3A_32 = arith.constant 6.10351563E-5 : f32
    %mul3A_33 = arith.mulf %add3A, %mul3A_32 : f32
    %reshape3A = vector.broadcast %mul3A_33 : f32 to vector<1x1xf32>
    %swap3A = arith.constant 0 : index
    %swap3A_34 = arith.constant 0 : index
    %swap3A_35 = vector.load %arg2[%swap3A, %swap3A_34] : memref<1x1xf32, #tpu.memory_space<vmem>>, vector<1x1xf32>
    tpu.vector_store %arg2[%swap3A, %swap3A_34], %reshape3A {strides = array<i32>} : memref<1x1xf32, #tpu.memory_space<vmem>>, vector<1x1xf32>,
    return
  }
}

</mosaic_0001>

<sc_bundles>
// kernel: cbow_scores.3.cloned.1.call-start
scs
__scs_entry_jumppad:
0x0: {  	(pc) =	sbr.rel $0x88, $3  }
0x1: {  	(tag) =	ssettag $0x0;
	lr =	simm.s32 $0x1  }
0x2: {  	[smem:$0x3F9C] =	sst lr;
	_ =	strace $0xD0000000  }
0x3: {  	_ = 	snop  }
0x4: {  	_ = 	snop  }
0x5: {  	_ = 	snop  }
0x6: {  	_ = 	snop  }
0x7: {  	_ = 	snop  }
__scs_overlays_trampoline_lowered:
0x8: {  	[smem:$0x3FAB] =	sst s0  }
0x9: {  	[smem:$0x3FAC] =	sst s1  }
0xa: {  	[smem:$0x3FAD] =	sst s2  }
0xb: {  	[smem:$0x3FAE] =	sst s3  }
0xc: {  	[smem:$0x3FAF] =	sst s4  }
0xd: {  	[smem:$0x3FB0] =	sst s5  }
0xe: {  	[smem:$0x3FB1] =	sst s6  }
0xf: {  	[smem:$0x3FB2] =	sst s7  }
0x10: {  	[smem:$0x3FB3] =	sst s8  }
0x11: {  	[smem:$0x3FB4] =	sst s9;
	s0 =	simm.s32 @!p0 $0x0  }
0x12: {  	s1 =	sld [smem:$0x3F9A];
	s0 =	simm.s32 @p0 $0x1  }
0x13: {  	[smem:$0x3FB5] =	sst s0;
	s0 =	simm.s32 @!p1 $0x0  }
0x14: {  	s2 =	sld [smem:$0x3F99];
	s0 =	simm.s32 @p1 $0x1  }
0x15: {  	[smem:$0x3FB6] =	sst s0;
	s0 =	simm.s32 @!p2 $0x0  }
0x16: {  	s3 =	sld [smem:$0x3FDB];
	s0 =	simm.s32 @p2 $0x1  }
0x17: {  	s4 =	simm.s32 $0x1BF5;
	[smem:$0x3FB8] =	sst s0  }
0x18: {  	s0 =	sld [smem:$0x3F9B];
	_ =	swait.ge [sflag:s4], $0x0  }
0x19: {  	s7 =	sld [smem:$0x3F9C]  }
0x1a: {  	s8 =	sadd.s32 $0xFFFFE003, lr  }
0x1b: {  	s9 =	sadd.s32 $0xFFFFFEF7, lr;
	s5 =	simm.s32 $0xFFFFFFFF;
	p2 =	slt.u32 s8, $0xFFFFF086  }
0x1c: {  	p1 =	slt.u32 s9, $0xF7A;
	s5 =	simm.s32 @!p2 $0x0  }
0x1d: {  	s5 =	simm.s32 @p1 $0x1;
	p0 =	seq.s32 s7, s2  }
0x1e: {  	s7 =	smul.u32 @!p0 $0xF7A, s2;
	p2 =	seq.s32 @!p0 s5, $0x0  }
0x1f: {  	s9 =	smul.u32 $0xF7A, s1;
	s8 =	simm.s32 @!p0 $0x1BF5;
	p2 =	por !p2, p0  }
0x20: {  	[sflag:s8] =	ssyncset.s32 @!p0 $0xFFFFF086;
	s6 =	sadd.s32 @!p0 s3, s7;
	s7 =	simm.s32 @!p0 $0x108  }
0x21: {  	s3 =	sadd.s32 s3, s9;
	s6 =	sadd.s32 @!p0 $0x88, s6;
	s7 =	simm.s32 @p2 $0x1082  }
0x22: {  	[simem:s7], [sflag:s8] =	dma.local @!p0 [hbm:s6], $0xF7A  }
0x23: {  	s9 =	sor.u32 $0xD0000000, s2;
	s6 =	simm.s32 $0x108;
	_ =	swait.ge @!p0 [sflag:s8], $0x0  }
0x24: {  	s3 =	sadd.s32 $0x88, s3;
	s6 =	simm.s32 @!p1 $0x1082;
	[sflag:s4] =	ssyncset.s32 $0xFFFFF086  }
0x25: {  	[simem:s6], [sflag:s4] =	dma.local [hbm:s3], $0xF7A  }
0x26: {  	[smem:$0x3F9C] =	sst s1;
	(tag) =	ssettag s2;
	_ =	strace s9  }
0x27: {  	s1 =	sld [smem:$0x3FAC]  }
0x28: {  	s2 =	sld [smem:$0x3FAD]  }
0x29: {  	s4 =	sld [smem:$0x3FAF]  }
0x2a: {  	p0 =	seq.s32 s5, $0x0;
	s5 =	sld [smem:$0x3FB0]  }
0x2b: {  	s6 =	sld [smem:$0x3FB1]  }
0x2c: {  	s7 =	sld [smem:$0x3FB2]  }
0x2d: {  	s3 =	simm.s32 $0x108;
	s8 =	sld [smem:$0x3FB3]  }
0x2e: {  	s3 =	simm.s32 @!p0 $0x1082;
	s9 =	sld [smem:$0x3FB4]  }
0x2f: {  	lr =	sadd.s32 s0, s3;
	s0 =	sld [smem:$0x3FAB]  }
0x30: {  	s3 =	sld [smem:$0x3FAE]  }
0x31: {  	[smem:$0x3FB7] =	sst s10  }
0x32: {  	s10 =	sld [smem:$0x3FB5];
	_ =	sdelay $0x3  }
0x33: {  	p0 =	seq.s32 s10, $0x1;
	s10 =	sld [smem:$0x3FB7];
	_ =	sdelay $0x3  }
0x34: {  	[smem:$0x3FB7] =	sst s10  }
0x35: {  	s10 =	sld [smem:$0x3FB6];
	_ =	sdelay $0x3  }
0x36: {  	p1 =	seq.s32 s10, $0x1;
	s10 =	sld [smem:$0x3FB7];
	_ =	sdelay $0x3  }
0x37: {  	[smem:$0x3FB7] =	sst s10  }
0x38: {  	s10 =	sld [smem:$0x3FB8]  }
0x39: {  	_ = 	snop;
	(pc) =	sbr.ind lr, $3  }
0x3a: {  	_ = 	snop  }
0x3b: {  	_ = 	snop  }
0x3c: {  	p2 =	seq.s32 s10, $0x1;
	s10 =	sld [smem:$0x3FB7]  }
0x3d: {  	_ =	shalt  }
0x3e: {  	_ =	shalt  }
0x3f: {  	_ =	shalt  }
0x40: {  	_ =	shalt  }
0x41: {  	_ =	shalt  }
0x42: {  	_ =	shalt  }
0x43: {  	_ =	shalt  }
0x44: {  	_ =	shalt  }
0x45: {  	_ =	shalt  }
0x46: {  	_ =	shalt  }
0x47: {  	_ =	shalt  }
0x48: {  	_ =	shalt  }
0x49: {  	_ =	shalt  }
0x4a: {  	_ =	shalt  }
0x4b: {  	_ =	shalt  }
0x4c: {  	_ =	shalt  }
0x4d: {  	_ =	shalt  }
0x4e: {  	_ =	shalt  }
0x4f: {  	_ =	shalt  }
0x50: {  	_ =	shalt  }
0x51: {  	_ =	shalt  }
0x52: {  	_ =	shalt  }
0x53: {  	_ =	shalt  }
0x54: {  	_ =	shalt  }
0x55: {  	_ =	shalt  }
0x56: {  	_ =	shalt  }
0x57: {  	_ =	shalt  }
0x58: {  	_ =	shalt  }
0x59: {  	_ =	shalt  }
0x5a: {  	_ =	shalt  }
0x5b: {  	_ =	shalt  }
0x5c: {  	_ =	shalt  }
0x5d: {  	_ =	shalt  }
0x5e: {  	_ =	shalt  }
0x5f: {  	_ =	shalt  }
0x60: {  	_ =	shalt  }
0x61: {  	_ =	shalt  }
0x62: {  	_ =	shalt  }
0x63: {  	_ =	shalt  }
0x64: {  	_ =	shalt  }
0x65: {  	_ =	shalt  }
0x66: {  	_ =	shalt  }
0x67: {  	_ =	shalt  }
0x68: {  	_ =	shalt  }
0x69: {  	_ =	shalt  }
0x6a: {  	_ =	shalt  }
0x6b: {  	_ =	shalt  }
0x6c: {  	_ =	shalt  }
0x6d: {  	_ =	shalt  }
0x6e: {  	_ =	shalt  }
0x6f: {  	_ =	shalt  }
0x70: {  	_ =	shalt  }
0x71: {  	_ =	shalt  }
0x72: {  	_ =	shalt  }
0x73: {  	_ =	shalt  }
0x74: {  	_ =	shalt  }
0x75: {  	_ =	shalt  }
0x76: {  	_ =	shalt  }
0x77: {  	_ =	shalt  }
0x78: {  	_ =	shalt  }
0x79: {  	_ =	shalt  }
0x7a: {  	_ =	shalt  }
0x7b: {  	_ =	shalt  }
0x7c: {  	_ =	shalt  }
0x7d: {  	_ =	shalt  }
0x7e: {  	_ =	shalt  }
0x7f: {  	_ =	shalt  }
0x80: {  	_ =	shalt  }
0x81: {  	_ =	shalt  }
0x82: {  	_ =	shalt  }
0x83: {  	_ =	shalt  }
0x84: {  	_ =	shalt  }
0x85: {  	_ =	shalt  }
0x86: {  	_ =	shalt  }
0x87: {  	_ =	shalt  }
.Lfunc_end0:
.L_simem_size_0:
called_computation_lowered:
.L_overlay_start_0:
0x88: {  	s2 =	sld [smem:$0x3FD9]  }
0x89: {  	s3 =	sld [smem:$0x3FFE];
	_ =	sdelay $0x1  }
0x8a: {  	s1 =	srdreg.scid  }
0x8b: {  	s0 =	sand.u32 $0x1, s1  }
0x8c: {  	s17 =	sshll.u32 s0, $0xA;
	s2 =	sadd.s32 s3, s2  }
0x8d: {  	s2 =	sadd.s32 s2, s17  }
0x8e: {  	[smem:$0x3FC3] =	sst s2  }
0x8f: {  	_ = 	snop  }
0x90: {  	s2 =	sld [smem:$0x3FC9]  }
0x91: {  	s18 =	sld [smem:$0x3FC8]  }
0x92: {  	s4 =	sld [smem:$0x3FC7];
	(tm) =	ssettm $0x1  }
0x93: {  	s5 =	sld [smem:$0x3FFB];
	_ =	sdelay $0x3  }
0x94: {  	_ =	strace s5  }
0x95: {  	s5 =	sld [smem:$0x3FFC];
	_ =	sdelay $0x3  }
0x96: {  	_ =	strace s5  }
0x97: {  	s5 =	sld [smem:$0x3FFD];
	_ =	sdelay $0x3  }
0x98: {  	_ =	strace s5  }
0x99: {  	_ =	strace $0x8FFFFFFF  }
0x9a: {  	s19 =	sld [smem:$0x3FDB];
	_ =	sdelay $0x1  }
0x9b: {  	s6 =	simm.s32 $_scs_section_size  }
0x9c: {  	s7 =	simm.s32 $_size__tile_overlayer_lowered;
	s8 =	simm.s32 $_tile_overlayer_lowered  }
0x9d: {  	s22 =	simm.s32 $0x1BFF;
	s21 =	sshll.u32 s8, $0x1;
	s5 =	sadd.s32 s6, s19  }
0x9e: {  	s9 =	simm.s32 $0x0;
	s20 =	sshll.u32 s7, $0x1;
	s7 =	sadd.s32 s21, s5  }
0x9f: {  	[timem:s9], [sflag:s22] =	dma.local [hbm:s7], s20  }
0xa0: {  	_ =	swait.ge [sflag:s22], s20  }
0xa1: {  	s6 =	ssub.s32 $0x0, s20;
	[sflag:s22] =	ssyncset.done $0x0  }
0xa2: {  	[sflag:s22] =	ssyncadd.s32 s6;
	_ =	sdelay $0x1  }
0xa3: {  	s23 =	simm.s32 $0x1B8B  }
0xa4: {  	_ =	swait.ge [sflag:s23], $0x1  }
0xa5: {  	[sflag:s23] =	ssyncset.done $0x0  }
0xa6: {  	s25 =	simm.s32 $0x1B8E;
	s24 =	sld [smem:$0x3FFE];
	[sflag:s23] =	ssyncadd.s32 $0xFFFFFFFF  }
0xa7: {  	s26 =	simm.s32 $execute0_lowered;
	[smem:$0x3FD2] =	sst s25  }
0xa8: {  	s7 =	sshll.u32 s26, $0x1;
	_ =	strace $0x80000046;
	[dreg:$0x1] =	wrdreg $0xFFFFFFFF  }
0xa9: {  	s28 =	simm.s32 $_size_execute0_lowered;
	s5 =	sadd.s32 s5, s7;
	[dreg:$0x0] =	wrdreg $0x0  }
0xaa: {  	s7 =	sshll.u32 s28, $0x1;
	[dreg:$0x2] =	wrdreg s5  }
0xab: {  	[dreg:$0x3] =	wrdreg s7  }
0xac: {  	[dreg:$0x4] =	wrdreg $0xC0  }
0xad: {  	_ =	task [dreg:s9], $0x5FFFF  }
0xae: {  	[dreg:$0x1] =	wrdreg $0xFFFFFFFF  }
0xaf: {  	[dreg:$0x0] =	wrdreg $0x60  }
0xb0: {  	[dreg:$0x2] =	wrdreg s2  }
0xb1: {  	[dreg:$0x3] =	wrdreg s18  }
0xb2: {  	[dreg:$0x4] =	wrdreg s4  }
0xb3: {  	[dreg:$0x5] =	wrdreg s24  }
0xb4: {  	[dreg:$0x6] =	wrdreg $0x9  }
0xb5: {  	_ =	task.clear_ibuf [dreg:s9], $0x7FFFF;
	_ =	strace $0x90000046  }
0xb6: {  	s29 =	simm.s32 $0x9;
	_ =	strace $0x80000048  }
0xb7: {  	_ =	swait.ge [sflag:s29], $0x1  }
0xb8: {  	[sflag:s29] =	ssyncadd.s32 $0xFFFFFFFF  }
0xb9: {  	_ =	strace $0x90000048  }
0xba: {  	_ =	sfence  }
0xbb: {  	s30 =	sld [smem:$0x0];
	_ =	sdelay $0x2  }
0xbc: {  	s31 =	sshll.u32 s1, $0xD;
	s1 =	sshrl.u32 s1, $0x2  }
0xbd: {  	s3 =	sand.u32 $0x4000, s31;
	s1 =	sadd.s32 s1, s30  }
0xbe: {  	s0 =	sor.u32 s3, s0;
	s1 =	sshll.u32 s1, $0x11  }
0xbf: {  	s0 =	sor.u32 s1, s0  }
0xc0: {  	s0 =	sadd.s32 $0x8F2B, s0  }
0xc1: {  	[sflag:s0] =	ssyncadd.remote.s32 $0x1  }
0xc2: {  	_ =	sfence.sel $0xFFFF  }
0xc3: {  	[dreg:$0x0] =	wrdreg $0xFFFFFFFF;
	(pc) =	sbr.abs _section_cstart, $3  }
0xc4: {  	[dreg:$0x1] =	wrdreg $0xFFFFFFFF  }
0xc5: {  	_ =	task.clear_ibuf [dreg:s9], $0x2FFFF;
	_ =	strace $0x9FFFFFFF  }
0xc6: {  	(tm) =	ssettm $0x7FFFFFFF  }
0xc7: {  	_ =	shalt  }
tec
execute0_lowered:
.L_overlay_start_1:
0x0: {  	(tag) =	ssettag $0x1  }
0x1: {  	s0 =	rddreg [dreg:$0x0]  }
0x2: {  	s1 =	rddreg [dreg:$0x1]  }
0x3: {  	s2 =	rddreg [dreg:$0x2]  }
0x4: {  	s3 =	rddreg [dreg:$0x3];
	s10 =	simm.s32 $0x0;
	s4 =	srdreg.scid  }
0x5: {  	s5 =	stileid.u32;
	[smem:$0x7FF] =	sst s10;
	s4 =	sand.u32 $0x1, s4  }
0x6: {  	s5 =	sshll.u32 s5, $0x1;
	s6 =	sadd.s32 $0xF43000, s3;
	s8 =	sadd.s32 $0x16E4200, s3  }
0x7: {  	_ =	strace $0x80000047;
	[dreg:$0x16] =	wrdreg s6;
	s5 =	sor.u32 s4, s5  }
0x8: {  	s4 =	ssub.s32 $0x2, s4;
	[dreg:$0x17] =	wrdreg s8;
	s24 =	sshll.u32 s5, $0x6  }
0x9: {  	s7 =	smul.u32 $0x500, s5;
	s5 =	sshll.u32 s5, $0x9;
	s0 =	sadd.s32 s0, s24  }
0xa: {  	s9 =	sshrl.u32 s4, $0x1;
	s26 =	sadd.s32 s1, s5;
	[dreg:$0x18] =	wrdreg s0  }
0xb: {  	s25 =	sadd.s32 s24, s3;
	s28 =	sadd.s32 s2, s5;
	[dreg:$0x19] =	wrdreg s26  }
0xc: {  	s4 =	ssub.s32 s4, s9;
	[dreg:$0x1a] =	wrdreg s28;
	s29 =	sadd.s32 $0xAC00, s25  }
0xd: {  	s3 =	sadd.s32 s7, s3;
	s31 =	smax.u32 s4, $0x1;
	[dreg:$0x1b] =	wrdreg s29  }
0xe: {  	s30 =	sadd.s32 $0xC00, s3;
	[dreg:$0x1d] =	wrdreg s31  }
0xf: {  	v1 =	vlaneseq.u32;
	s1 =	simm.s32 $0x2;
	s2 =	simm.s32 $0x0;
	[dreg:$0x1c] =	wrdreg s30  }
.LBB2_1:
0x10: {  	[dreg:$0x1e] =	wrdreg s2  }
0x11: {  	s0 =	rddreg [dreg:$0x18]  }
0x12: {  	[tilespmem:s10], [sflag:$0x2] =	stream.linear.gather [hbm4b:s0+s10], $0x200, $0x38;
	[tilespmem:$0x1DC80] =	vst v63  }
0x13: {  	_ =	swait.ge [sflag:s1], $0x200  }
0x14: {  	s29 =	simm.s32 $0x1000;
	s3 =	simm.s32 $0x20000;
	[sflag:s1] =	ssyncset.done $0x0  }
0x15: {  	s4 =	simm.s32 $0x200;
	s28 =	rddreg [dreg:$0x19];
	[sflag:s1] =	ssyncadd.s32 $0xFFFFFE00  }
0x16: {  	[tilespmem:s4], [sflag:$0x2] =	stream.strided.gather [hbm4b:s28+s29], $0x3000, s3, s29, $0x38;
	[tilespmem:$0x1DC80] =	vst v63  }
0x17: {  	_ =	swait.ge [sflag:s1], $0x3000  }
0x18: {  	[sflag:s1] =	ssyncset.done $0x0  }
0x19: {  	s31 =	simm.s32 $0x3200;
	s30 =	rddreg [dreg:$0x1a];
	[sflag:s1] =	ssyncadd.s32 $0xFFFFD000  }
0x1a: {  	[tilespmem:s31], [sflag:$0x2] =	stream.strided.gather [hbm4b:s30+s29], $0x3000, s3, s29, $0x38;
	[tilespmem:$0x1DC80] =	vst v63  }
0x1b: {  	_ =	swait.ge [sflag:s1], $0x3000  }
0x1c: {  	[sflag:s1] =	ssyncset.done $0x0  }
0x1d: {  	s2 =	simm.s32 $0x0;
	[sflag:s1] =	ssyncadd.s32 $0xFFFFD000  }
.LBB2_2:
0x1e: {  	s10 =	sshll.u32 s2, $0x4;
	s3 =	sshll.u32 s2, $0x7  }
0x1f: {  	s0 =	sand.u32 $0x70, s10;
	s1 =	sand.u32 $0xC00, s3  }
0x20: {  	s0 =	sor.u32 s0, s1  }
0x21: {  	v0 =	vld [tilespmem:s0+$0x200];
	_ =	sdelay $0x4  }
0x22: {  	v0 =	vshrl.u32 v0, $0x1  }
0x23: {  	[tilespmem:$0x6280] =	vst v0  }
0x24: {  	v0 =	vld [tilespmem:s0+$0x3200];
	_ =	sdelay $0x4  }
0x25: {  	v0 =	vshrl.u32 v0, $0x1  }
0x26: {  	[tilespmem:$0x6680] =	vst v0  }
0x27: {  	v0 =	vld [tilespmem:s0+$0x280];
	_ =	sdelay $0x4  }
0x28: {  	v0 =	vshrl.u32 v0, $0x1  }
0x29: {  	[tilespmem:$0x6290] =	vst v0  }
0x2a: {  	v0 =	vld [tilespmem:s0+$0x3280];
	_ =	sdelay $0x4  }
0x2b: {  	v0 =	vshrl.u32 v0, $0x1  }
0x2c: {  	[tilespmem:$0x6690] =	vst v0  }
0x2d: {  	v0 =	vld [tilespmem:s0+$0x300];
	_ =	sdelay $0x4  }
0x2e: {  	v0 =	vshrl.u32 v0, $0x1  }
0x2f: {  	[tilespmem:$0x62A0] =	vst v0  }
0x30: {  	v0 =	vld [tilespmem:s0+$0x3300];
	_ =	sdelay $0x4  }
0x31: {  	s23 =	sor.u32 s10, s1;
	v0 =	vshrl.u32 v0, $0x1  }
0x32: {  	s1 =	sor.u32 $0x180, s23;
	[tilespmem:$0x66A0] =	vst v0  }
0x33: {  	v0 =	vld [tilespmem:s1+$0x200];
	_ =	sdelay $0x4  }
0x34: {  	v0 =	vshrl.u32 v0, $0x1  }
0x35: {  	[tilespmem:$0x62B0] =	vst v0  }
0x36: {  	v0 =	vld [tilespmem:s1+$0x3200];
	_ =	sdelay $0x4  }
0x37: {  	v0 =	vshrl.u32 v0, $0x1  }
0x38: {  	[tilespmem:$0x66B0] =	vst v0  }
0x39: {  	v0 =	vld [tilespmem:s0+$0x400];
	_ =	sdelay $0x4  }
0x3a: {  	v0 =	vshrl.u32 v0, $0x1  }
0x3b: {  	[tilespmem:$0x6300] =	vst v0  }
0x3c: {  	v0 =	vld [tilespmem:s0+$0x3400];
	_ =	sdelay $0x4  }
0x3d: {  	v0 =	vshrl.u32 v0, $0x1  }
0x3e: {  	[tilespmem:$0x6700] =	vst v0  }
0x3f: {  	v0 =	vld [tilespmem:s0+$0x480];
	_ =	sdelay $0x4  }
0x40: {  	v0 =	vshrl.u32 v0, $0x1  }
0x41: {  	[tilespmem:$0x6310] =	vst v0  }
0x42: {  	v0 =	vld [tilespmem:s0+$0x3480];
	_ =	sdelay $0x4  }
0x43: {  	v0 =	vshrl.u32 v0, $0x1  }
0x44: {  	[tilespmem:$0x6710] =	vst v0  }
0x45: {  	v0 =	vld [tilespmem:s0+$0x500];
	_ =	sdelay $0x4  }
0x46: {  	v0 =	vshrl.u32 v0, $0x1  }
0x47: {  	[tilespmem:$0x6320] =	vst v0  }
0x48: {  	v0 =	vld [tilespmem:s0+$0x3500];
	_ =	sdelay $0x4  }
0x49: {  	s5 =	sor.u32 s10, s3;
	v0 =	vshrl.u32 v0, $0x1  }
0x4a: {  	s3 =	sor.u32 $0x380, s5;
	[tilespmem:$0x6720] =	vst v0  }
0x4b: {  	v0 =	vld [tilespmem:s3+$0x200];
	_ =	sdelay $0x4  }
0x4c: {  	v0 =	vshrl.u32 v0, $0x1  }
0x4d: {  	[tilespmem:$0x6330] =	vst v0  }
0x4e: {  	v0 =	vld [tilespmem:s3+$0x3200];
	_ =	sdelay $0x4  }
0x4f: {  	v0 =	vshrl.u32 v0, $0x1  }
0x50: {  	[tilespmem:$0x6730] =	vst v0  }
0x51: {  	v0 =	vld [tilespmem:s0+$0x1200];
	_ =	sdelay $0x4  }
0x52: {  	v0 =	vshrl.u32 v0, $0x1  }
0x53: {  	[tilespmem:$0x6380] =	vst v0  }
0x54: {  	v0 =	vld [tilespmem:s0+$0x4200];
	_ =	sdelay $0x4  }
0x55: {  	v0 =	vshrl.u32 v0, $0x1  }
0x56: {  	[tilespmem:$0x6780] =	vst v0  }
0x57: {  	v0 =	vld [tilespmem:s0+$0x1280];
	_ =	sdelay $0x4  }
0x58: {  	v0 =	vshrl.u32 v0, $0x1  }
0x59: {  	[tilespmem:$0x6390] =	vst v0  }
0x5a: {  	v0 =	vld [tilespmem:s0+$0x4280];
	_ =	sdelay $0x4  }
0x5b: {  	v0 =	vshrl.u32 v0, $0x1  }
0x5c: {  	[tilespmem:$0x6790] =	vst v0  }
0x5d: {  	v0 =	vld [tilespmem:s0+$0x1300];
	_ =	sdelay $0x4  }
0x5e: {  	v0 =	vshrl.u32 v0, $0x1  }
0x5f: {  	[tilespmem:$0x63A0] =	vst v0  }
0x60: {  	v0 =	vld [tilespmem:s0+$0x4300];
	_ =	sdelay $0x4  }
0x61: {  	v0 =	vshrl.u32 v0, $0x1  }
0x62: {  	s4 =	sor.u32 $0x1180, s23;
	[tilespmem:$0x67A0] =	vst v0  }
0x63: {  	v0 =	vld [tilespmem:s4+$0x200];
	_ =	sdelay $0x4  }
0x64: {  	v0 =	vshrl.u32 v0, $0x1  }
0x65: {  	[tilespmem:$0x63B0] =	vst v0  }
0x66: {  	v0 =	vld [tilespmem:s4+$0x3200];
	_ =	sdelay $0x4  }
0x67: {  	v0 =	vshrl.u32 v0, $0x1  }
0x68: {  	[tilespmem:$0x67B0] =	vst v0  }
0x69: {  	v0 =	vld [tilespmem:s0+$0x1400];
	_ =	sdelay $0x4  }
0x6a: {  	v0 =	vshrl.u32 v0, $0x1  }
0x6b: {  	[tilespmem:$0x6400] =	vst v0  }
0x6c: {  	v0 =	vld [tilespmem:s0+$0x4400];
	_ =	sdelay $0x4  }
0x6d: {  	v0 =	vshrl.u32 v0, $0x1  }
0x6e: {  	[tilespmem:$0x6800] =	vst v0  }
0x6f: {  	v0 =	vld [tilespmem:s0+$0x1480];
	_ =	sdelay $0x4  }
0x70: {  	v0 =	vshrl.u32 v0, $0x1  }
0x71: {  	[tilespmem:$0x6410] =	vst v0  }
0x72: {  	v0 =	vld [tilespmem:s0+$0x4480];
	_ =	sdelay $0x4  }
0x73: {  	v0 =	vshrl.u32 v0, $0x1  }
0x74: {  	[tilespmem:$0x6810] =	vst v0  }
0x75: {  	v0 =	vld [tilespmem:s0+$0x1500];
	_ =	sdelay $0x4  }
0x76: {  	v0 =	vshrl.u32 v0, $0x1  }
0x77: {  	[tilespmem:$0x6420] =	vst v0  }
0x78: {  	v0 =	vld [tilespmem:s0+$0x4500];
	_ =	sdelay $0x4  }
0x79: {  	v0 =	vshrl.u32 v0, $0x1  }
0x7a: {  	s5 =	sor.u32 $0x1380, s5;
	[tilespmem:$0x6820] =	vst v0  }
0x7b: {  	v0 =	vld [tilespmem:s5+$0x200];
	_ =	sdelay $0x4  }
0x7c: {  	v0 =	vshrl.u32 v0, $0x1  }
0x7d: {  	[tilespmem:$0x6430] =	vst v0  }
0x7e: {  	v0 =	vld [tilespmem:s5+$0x3200];
	_ =	sdelay $0x4  }
0x7f: {  	v0 =	vshrl.u32 v0, $0x1  }
0x80: {  	[tilespmem:$0x6830] =	vst v0  }
0x81: {  	v0 =	vld [tilespmem:s0+$0x2200];
	_ =	sdelay $0x4  }
0x82: {  	v0 =	vshrl.u32 v0, $0x1  }
0x83: {  	[tilespmem:$0x6480] =	vst v0  }
0x84: {  	v0 =	vld [tilespmem:s0+$0x5200];
	_ =	sdelay $0x4  }
0x85: {  	v0 =	vshrl.u32 v0, $0x1  }
0x86: {  	[tilespmem:$0x6880] =	vst v0  }
0x87: {  	v0 =	vld [tilespmem:s0+$0x2280];
	_ =	sdelay $0x4  }
0x88: {  	v0 =	vshrl.u32 v0, $0x1  }
0x89: {  	[tilespmem:$0x6490] =	vst v0  }
0x8a: {  	v0 =	vld [tilespmem:s0+$0x5280];
	_ =	sdelay $0x4  }
0x8b: {  	v0 =	vshrl.u32 v0, $0x1  }
0x8c: {  	[tilespmem:$0x6890] =	vst v0  }
0x8d: {  	v0 =	vld [tilespmem:s0+$0x2300];
	_ =	sdelay $0x4  }
0x8e: {  	v0 =	vshrl.u32 v0, $0x1  }
0x8f: {  	[tilespmem:$0x64A0] =	vst v0  }
0x90: {  	v0 =	vld [tilespmem:s0+$0x5300];
	_ =	sdelay $0x4  }
0x91: {  	v0 =	vshrl.u32 v0, $0x1  }
0x92: {  	s19 =	sor.u32 $0x2180, s23;
	[tilespmem:$0x68A0] =	vst v0  }
0x93: {  	v0 =	vld [tilespmem:s19+$0x200];
	_ =	sdelay $0x4  }
0x94: {  	v0 =	vshrl.u32 v0, $0x1  }
0x95: {  	[tilespmem:$0x64B0] =	vst v0  }
0x96: {  	v0 =	vld [tilespmem:s19+$0x3200];
	_ =	sdelay $0x4  }
0x97: {  	v0 =	vshrl.u32 v0, $0x1  }
0x98: {  	[tilespmem:$0x68B0] =	vst v0  }
0x99: {  	v0 =	vld [tilespmem:s10+$0x0];
	_ =	sdelay $0x4  }
0x9a: {  	s24 =	rddreg [dreg:$0x16];
	v0 =	vshrl.u32 v0, $0x1  }
0x9b: {  	s7 =	simm.s32 $0x40;
	s6 =	simm.s32 $0x6280;
	s8 =	simm.s32 $0x6A80;
	[tilespmem:$0x6200] =	vst v0  }
0x9c: {  	[tilespmem:s8], [sflag:$0x1] =	stream.indirect.gather [hbm4b:s24+s7], $0x80, s6, s7, $0xb8;
	[tilespmem:$0x1DC80] =	vst v63  }
0x9d: {  	s25 =	simm.s32 $0x6680;
	s9 =	simm.s32 $0x10A80;
	s6 =	rddreg [dreg:$0x17]  }
0x9e: {  	[tilespmem:s9], [sflag:$0x1] =	stream.indirect.gather [hbm4b:s6+s7], $0x80, s25, s7, $0xb8;
	[tilespmem:$0x1DC80] =	vst v63  }
0x9f: {  	s26 =	simm.s32 $0x6300;
	s28 =	simm.s32 $0x8A80  }
0xa0: {  	[tilespmem:s28], [sflag:$0x1] =	stream.indirect.gather [hbm4b:s24+s7], $0x80, s26, s7, $0xb8;
	[tilespmem:$0x1DC80] =	vst v63  }
0xa1: {  	s29 =	simm.s32 $0x6700;
	s31 =	simm.s32 $0x12A80  }
0xa2: {  	[tilespmem:s31], [sflag:$0x1] =	stream.indirect.gather [hbm4b:s6+s7], $0x80, s29, s7, $0xb8;
	[tilespmem:$0x1DC80] =	vst v63  }
0xa3: {  	s11 =	simm.s32 $0xAA80;
	s9 =	simm.s32 $0x6380  }
0xa4: {  	[tilespmem:s11], [sflag:$0x1] =	stream.indirect.gather [hbm4b:s24+s7], $0x80, s9, s7, $0xb8;
	[tilespmem:$0x1DC80] =	vst v63  }
0xa5: {  	s12 =	simm.s32 $0x6780;
	s13 =	simm.s32 $0x14A80  }
0xa6: {  	[tilespmem:s13], [sflag:$0x1] =	stream.indirect.gather [hbm4b:s6+s7], $0x80, s12, s7, $0xb8;
	[tilespmem:$0x1DC80] =	vst v63  }
0xa7: {  	s14 =	simm.s32 $0x6400;
	s15 =	simm.s32 $0xCA80  }
0xa8: {  	[tilespmem:s15], [sflag:$0x1] =	stream.indirect.gather [hbm4b:s24+s7], $0x80, s14, s7, $0xb8;
	[tilespmem:$0x1DC80] =	vst v63  }
0xa9: {  	s16 =	simm.s32 $0x6800;
	s17 =	simm.s32 $0x16A80  }
0xaa: {  	[tilespmem:s17], [sflag:$0x1] =	stream.indirect.gather [hbm4b:s6+s7], $0x80, s16, s7, $0xb8;
	[tilespmem:$0x1DC80] =	vst v63  }
0xab: {  	[dreg:$0x1f] =	wrdreg s2;
	s18 =	simm.s32 $0x6480;
	s20 =	simm.s32 $0xEA80  }
0xac: {  	[tilespmem:s20], [sflag:$0x1] =	stream.indirect.gather [hbm4b:s24+s7], $0x80, s18, s7, $0xb8;
	[tilespmem:$0x1DC80] =	vst v63  }
0xad: {  	s21 =	simm.s32 $0x6880;
	s22 =	simm.s32 $0x18A80;
	s23 =	simm.s32 $0x10  }
0xae: {  	[tilespmem:s22], [sflag:$0x1] =	stream.indirect.gather [hbm4b:s6+s7], $0x80, s21, s7, $0xb8;
	[tilespmem:$0x1DC80] =	vst v63  }
0xaf: {  	s25 =	simm.s32 $0x1AA80;
	s26 =	simm.s32 $0x1;
	s24 =	simm.s32 $0x6200  }
0xb0: {  	[tilespmem:s25], [sflag:$0x1] =	stream.indirect.gather [hbm4b:s6+s23], $0x80, s24, s23, $0xb8;
	[tilespmem:$0x1DC80] =	vst v63  }
0xb1: {  	_ =	swait.ge [sflag:s26], $0x2000  }
0xb2: {  	[sflag:s26] =	ssyncset.done $0x0  }
0xb3: {  	[sflag:s26] =	ssyncadd.s32 $0xFFFFE000  }
0xb4: {  	_ =	swait.ge [sflag:s26], $0x2000  }
0xb5: {  	[sflag:s26] =	ssyncset.done $0x0  }
0xb6: {  	[sflag:s26] =	ssyncadd.s32 $0xFFFFE000  }
0xb7: {  	_ =	swait.ge [sflag:s26], $0x2000  }
0xb8: {  	[sflag:s26] =	ssyncset.done $0x0  }
0xb9: {  	[sflag:s26] =	ssyncadd.s32 $0xFFFFE000  }
0xba: {  	_ =	swait.ge [sflag:s26], $0x2000  }
0xbb: {  	[sflag:s26] =	ssyncset.done $0x0  }
0xbc: {  	[sflag:s26] =	ssyncadd.s32 $0xFFFFE000  }
0xbd: {  	_ =	swait.ge [sflag:s26], $0x2000  }
0xbe: {  	[sflag:s26] =	ssyncset.done $0x0  }
0xbf: {  	[sflag:s26] =	ssyncadd.s32 $0xFFFFE000  }
0xc0: {  	_ =	swait.ge [sflag:s26], $0x2000  }
0xc1: {  	[sflag:s26] =	ssyncset.done $0x0  }
0xc2: {  	[sflag:s26] =	ssyncadd.s32 $0xFFFFE000  }
0xc3: {  	_ =	swait.ge [sflag:s26], $0x2000  }
0xc4: {  	[sflag:s26] =	ssyncset.done $0x0  }
0xc5: {  	[sflag:s26] =	ssyncadd.s32 $0xFFFFE000  }
0xc6: {  	_ =	swait.ge [sflag:s26], $0x2000  }
0xc7: {  	[sflag:s26] =	ssyncset.done $0x0  }
0xc8: {  	[sflag:s26] =	ssyncadd.s32 $0xFFFFE000  }
0xc9: {  	_ =	swait.ge [sflag:s26], $0x2000  }
0xca: {  	[sflag:s26] =	ssyncset.done $0x0  }
0xcb: {  	[sflag:s26] =	ssyncadd.s32 $0xFFFFE000  }
0xcc: {  	_ =	swait.ge [sflag:s26], $0x2000  }
0xcd: {  	[sflag:s26] =	ssyncset.done $0x0  }
0xce: {  	[sflag:s26] =	ssyncadd.s32 $0xFFFFE000  }
0xcf: {  	_ =	swait.ge [sflag:s26], $0x800  }
0xd0: {  	[sflag:s26] =	ssyncset.done $0x0  }
0xd1: {  	[sflag:s26] =	ssyncadd.s32 $0xFFFFF800  }
0xd2: {  	v5 =	vld [tilespmem:s0+$0x200]  }
0xd3: {  	v4 =	vld [tilespmem:s0+$0x280]  }
0xd4: {  	v6 =	vld [tilespmem:s0+$0x300]  }
0xd5: {  	v8 =	vld [tilespmem:s1+$0x200]  }
0xd6: {  	v9 =	vld [tilespmem:s0+$0x400]  }
0xd7: {  	v10 =	vld [tilespmem:s0+$0x480]  }
0xd8: {  	v12 =	vld [tilespmem:s0+$0x500]  }
0xd9: {  	v14 =	vld [tilespmem:s3+$0x200]  }
0xda: {  	v17 =	vld [tilespmem:s0+$0x1200]  }
0xdb: {  	v20 =	vld [tilespmem:s0+$0x1280]  }
0xdc: {  	v21 =	vld [tilespmem:s0+$0x1300]  }
0xdd: {  	v23 =	vld [tilespmem:s4+$0x200]  }
0xde: {  	v25 =	vld [tilespmem:s0+$0x1400]  }
0xdf: {  	v27 =	vld [tilespmem:s0+$0x1480];
	[tilespmem:$0x1FFA0] =	vst v5  }
0xe0: {  	v3 =	vld [tilespmem:s0+$0x2200];
	[tilespmem:$0x1FFB0] =	vst v4  }
0xe1: {  	v62 =	vld [tilespmem:s0+$0x2300];
	[tilespmem:$0x1FF50] =	vst v6  }
0xe2: {  	v61 =	vld [tilespmem:s10+$0x0];
	[tilespmem:$0x1FF20] =	vst v8  }
0xe3: {  	s28 =	simm.s32 $0x0;
	v60 =	vld [tilespmem:s0+$0x3200];
	[tilespmem:$0x1FF00] =	vst v9  }
0xe4: {  	v0 =	vmov s28;
	v59 =	vld [tilespmem:s0+$0x3280];
	[tilespmem:$0x1FEE0] =	vst v10  }
0xe5: {  	vm0 =	veq.s32 v0, v1;
	v63 =	vld [tilespmem:s0+$0x2280];
	[tilespmem:$0x1FEC0] =	vst v12  }
0xe6: {  	v35 =	vld [tilespmem:s0+$0x3300];
	[tilespmem:$0x1FEA0] =	vst v14;
	v0 =	vnsel vm0, $0x0, v62  }
0xe7: {  	v34 =	vld [tilespmem:s1+$0x3200];
	[tilespmem:$0x1FE80] =	vst v17;
	v1 =	vnsel vm0, $0x0, v61;
	(xrf0) =	vadd.scan.msk.s32 $0xffff, v0  }
0xe8: {  	v2 =	vld [tilespmem:s0+$0x3400];
	[tilespmem:$0x1FE60] =	vst v20;
	v0 =	vnsel vm0, $0x0, v60;
	(xrf0) =	vadd.scan.msk.s32 $0xffff, v1  }
0xe9: {  	v29 =	vld [tilespmem:s0+$0x1500];
	[tilespmem:$0x1FE40] =	vst v21;
	v1 =	vnsel vm0, $0x0, v59;
	(xrf0) =	vadd.scan.msk.s32 $0xffff, v0  }
0xea: {  	v31 =	vld [tilespmem:s5+$0x200];
	[tilespmem:$0x1FE20] =	vst v23;
	v0 =	vnsel vm0, $0x0, v63;
	(xrf0) =	vadd.scan.msk.s32 $0xffff, v1  }
0xeb: {  	v33 =	vld [tilespmem:s0+$0x3480];
	[tilespmem:$0x1FE00] =	vst v25;
	v1 =	vnsel vm0, $0x0, v35;
	(xrf0) =	vadd.scan.msk.s32 $0xffff, v0  }
0xec: {  	[tilespmem:$0x1FDE0] =	vst v27;
	v0 =	vnsel vm0, $0x0, v34;
	(xrf0) =	vadd.scan.msk.s32 $0xffff, v1  }
0xed: {  	v32 =	vld [tilespmem:s0+$0x3500];
	[tilespmem:$0x1FD70] =	vst v2;
	v1 =	vnsel vm0, $0x0, v2;
	v2, _, _ =	vpop (xrf0);
	(xrf0) =	vadd.scan.msk.s32 $0xffff, v0;
	v0 =	vnsel vm0, $0x0, v3  }
0xee: {  	[tilespmem:$0x1FDC0] =	vst v29  }
0xef: {  	v30 =	vld [tilespmem:s3+$0x3200];
	[tilespmem:$0x1FD80] =	vst v3;
	v3, _, _ =	vpop (xrf0);
	(xrf0) =	vadd.scan.msk.s32 $0xffff, v1;
	(v2sf) =	vpush v2, $0xF  }
0xf0: {  	[tilespmem:$0x1FDA0] =	vst v31;
	v1 =	vnsel vm0, $0x0, v33;
	(xrf0) =	vadd.scan.msk.s32 $0xffff, v0;
	(v2sf) =	vpush v3, $0xF;
	v0, _, _ =	vpop (xrf0)  }
0xf1: {  	v28 =	vld [tilespmem:s0+$0x4200];
	[tilespmem:$0x1FD50] =	vst v35;
	v2 =	vnsel vm0, $0x0, v31;
	(xrf0) =	vadd.scan.msk.s32 $0xffff, v1;
	v3, _, _ =	vpop (xrf0);
	(v2sf) =	vpush v0, $0xF  }
0xf2: {  	v26 =	vld [tilespmem:s0+$0x4280];
	[tilespmem:$0x1FD60] =	vst v34;
	v1 =	vnsel vm0, $0x0, v32;
	(xrf0) =	vadd.scan.msk.s32 $0xffff, v2;
	v0, _, _ =	vpop (xrf0);
	(v2sf) =	vpush v3, $0xF  }
0xf3: {  	v24 =	vld [tilespmem:s0+$0x4300];
	[tilespmem:$0x1FD90] =	vst v33;
	v2 =	vnsel vm0, $0x0, v29;
	(xrf0) =	vadd.scan.msk.s32 $0xffff, v1;
	v3, _, _ =	vpop (xrf0);
	(v2sf) =	vpush v0, $0xF  }
0xf4: {  	v22 =	vld [tilespmem:s4+$0x3200];
	[tilespmem:$0x1FDB0] =	vst v32;
	v1 =	vnsel vm0, $0x0, v30;
	(xrf0) =	vadd.scan.msk.s32 $0xffff, v2;
	v0, _, _ =	vpop (xrf0);
	(v2sf) =	vpush v3, $0xF  }
0xf5: {  	v19 =	vld [tilespmem:s0+$0x4400];
	[tilespmem:$0x1FDD0] =	vst v30;
	v2 =	vnsel vm0, $0x0, v27;
	(xrf0) =	vadd.scan.msk.s32 $0xffff, v1;
	v3, _, _ =	vpop (xrf0);
	(v2sf) =	vpush v0, $0xF  }
0xf6: {  	v18 =	vld [tilespmem:s0+$0x4480];
	[tilespmem:$0x1FDF0] =	vst v28;
	v1 =	vnsel vm0, $0x0, v28;
	(xrf0) =	vadd.scan.msk.s32 $0xffff, v2;
	v0, _, _ =	vpop (xrf0);
	(v2sf) =	vpush v3, $0xF  }
0xf7: {  	v16 =	vld [tilespmem:s0+$0x4500];
	[tilespmem:$0x1FE10] =	vst v26;
	v2 =	vnsel vm0, $0x0, v25;
	v3, _, _ =	vpop (xrf0);
	(xrf0) =	vadd.scan.msk.s32 $0xffff, v1;
	(v2sf) =	vpush v0, $0xF  }
0xf8: {  	v15 =	vld [tilespmem:s5+$0x3200];
	[tilespmem:$0x1FE30] =	vst v24;
	v1 =	vnsel vm0, $0x0, v26;
	(xrf0) =	vadd.scan.msk.s32 $0xffff, v2;
	v0, _, _ =	vpop (xrf0);
	(v2sf) =	vpush v3, $0xF  }
0xf9: {  	v13 =	vld [tilespmem:s0+$0x5200];
	[tilespmem:$0x1FE50] =	vst v22;
	v2 =	vnsel vm0, $0x0, v23;
	v3, _, _ =	vpop (xrf0);
	(xrf0) =	vadd.scan.msk.s32 $0xffff, v1;
	(v2sf) =	vpush v0, $0xF  }
0xfa: {  	v11 =	vld [tilespmem:s0+$0x5280];
	[tilespmem:$0x1FE70] =	vst v19;
	v1 =	vnsel vm0, $0x0, v24;
	(xrf0) =	vadd.scan.msk.s32 $0xffff, v2;
	v0, _, _ =	vpop (xrf0);
	(v2sf) =	vpush v3, $0xF  }
0xfb: {  	v7 =	vld [tilespmem:s0+$0x5300];
	[tilespmem:$0x1FE90] =	vst v18;
	v2 =	vnsel vm0, $0x0, v21;
	v3, _, _ =	vpop (xrf0);
	(xrf0) =	vadd.scan.msk.s32 $0xffff, v1;
	(v2sf) =	vpush v0, $0xF  }
0xfc: {  	[tilespmem:$0x1FEB0] =	vst v16;
	v1 =	vnsel vm0, $0x0, v22;
	(xrf0) =	vadd.scan.msk.s32 $0xffff, v2;
	v0, _, _ =	vpop (xrf0);
	(v2sf) =	vpush v3, $0xF  }
0xfd: {  	[tilespmem:$0x1FED0] =	vst v15;
	v2 =	vnsel vm0, $0x0, v20;
	v3, _, _ =	vpop (xrf0);
	(xrf0) =	vadd.scan.msk.s32 $0xffff, v1;
	(v2sf) =	vpush v0, $0xF  }
0xfe: {  	[tilespmem:$0x1FEF0] =	vst v13;
	v1 =	vnsel vm0, $0x0, v19;
	s11 =	spop (v2sf);
	(xrf0) =	vadd.scan.msk.s32 $0xffff, v2;
	v0, _, _ =	vpop (xrf0);
	(v2sf) =	vpush v3, $0xF  }
0xff: {  	[tilespmem:$0x1FF10] =	vst v11;
	v2 =	vnsel vm0, $0x0, v17;
	s22 =	spop (v2sf);
	v3, _, _ =	vpop (xrf0);
	(xrf0) =	vadd.scan.msk.s32 $0xffff, v1;
	(v2sf) =	vpush v0, $0xF  }
0x100: {  	[smem:$0x7F7] =	sst s10;
	[tilespmem:$0x1FF40] =	vst v7;
	(xrf0) =	vadd.scan.msk.s32 $0xffff, v2;
	v0, _, _ =	vpop (xrf0);
	s15 =	spop (v2sf);
	(v2sf) =	vpush v3, $0xF  }
0x101: {  	v50 =	vld [tilespmem:s19+$0x200];
	v1 =	vnsel vm0, $0x0, v18;
	v3, _, _ =	vpop (xrf0)  }
0x102: {  	v2 =	vnsel vm0, $0x0, v14;
	(xrf0) =	vadd.scan.msk.s32 $0xffff, v1  }
0x103: {  	v1 =	vnsel vm0, $0x0, v16;
	(v2sf) =	vpush v0, $0xF;
	v0, _, _ =	vpop (xrf0);
	(xrf0) =	vadd.scan.msk.s32 $0xffff, v2  }
0x104: {  	s21 =	spop (v2sf);
	(v2sf) =	vpush v3, $0xF;
	v2 =	vnsel vm0, $0x0, v12;
	v3, _, _ =	vpop (xrf0);
	(xrf0) =	vadd.scan.msk.s32 $0xffff, v1  }
0x105: {  	s17 =	spop (v2sf);
	(v2sf) =	vpush v0, $0xF;
	v0, _, _ =	vpop (xrf0);
	(xrf0) =	vadd.scan.msk.s32 $0xffff, v2;
	v2 =	vnsel vm0, $0x0, v10  }
0x106: {  	v1 =	vnsel vm0, $0x0, v15;
	s20 =	spop (v2sf);
	(v2sf) =	vpush v0, $0xF  }
0x107: {  	s7 =	spop (v2sf);
	v0, _, _ =	vpop (xrf0);
	(xrf0) =	vadd.scan.msk.s32 $0xffff, v1;
	(v2sf) =	vpush v3, $0xF;
	v3 =	vnsel vm0, $0x0, v9  }
0x108: {  	v1 =	vnsel vm0, $0x0, v13;
	(xrf0) =	vadd.scan.msk.s32 $0xffff, v2;
	v2, _, _ =	vpop (xrf0)  }
0x109: {  	s16 =	spop (v2sf);
	(v2sf) =	vpush v2, $0xF;
	v2, _, _ =	vpop (xrf0);
	(xrf0) =	vadd.scan.msk.s32 $0xffff, v1  }
0x10a: {  	s8 =	spop (v2sf);
	v1 =	vnsel vm0, $0x0, v11;
	(xrf0) =	vadd.scan.msk.s32 $0xffff, v3;
	v3, _, _ =	vpop (xrf0);
	(v2sf) =	vpush v0, $0xF;
	v0 =	vnsel vm0, $0x0, v8  }
0x10b: {  	s9 =	spop (v2sf);
	(v2sf) =	vpush v3, $0xF;
	v3, _, _ =	vpop (xrf0);
	(xrf0) =	vadd.scan.msk.s32 $0xffff, v1  }
0x10c: {  	s10 =	spop (v2sf);
	v1 =	vnsel vm0, $0x0, v7;
	(xrf0) =	vadd.scan.msk.s32 $0xffff, v0  }
0x10d: {  	s12 =	spop (v2sf);
	(v2sf) =	vpush v2, $0xF;
	v2 =	vnsel vm0, $0x0, v6;
	v0, _, _ =	vpop (xrf0);
	(xrf0) =	vadd.scan.msk.s32 $0xffff, v1  }
0x10e: {  	s23 =	spop (v2sf);
	(v2sf) =	vpush v0, $0xF;
	v0, _, _ =	vpop (xrf0);
	(xrf0) =	vadd.scan.msk.s32 $0xffff, v2;
	v2 =	vnsel vm0, $0x0, v5  }
0x10f: {  	s13 =	spop (v2sf);
	v1, _, _ =	vpop (xrf0);
	(v2sf) =	vpush v3, $0xF  }
0x110: {  	s24 =	spop (v2sf);
	(v2sf) =	vpush v1, $0xF;
	v1, _, _ =	vpop (xrf0)  }
0x111: {  	s14 =	spop (v2sf);
	(xrf0) =	vadd.scan.msk.s32 $0xffff, v2;
	v2, _, _ =	vpop (xrf0);
	(v2sf) =	vpush v0, $0xF  }
0x112: {  	(v2sf) =	vpush v2, $0xF  }
0x113: {  	s25 =	spop (v2sf);
	v0, _, _ =	vpop (xrf0);
	(v2sf) =	vpush v1, $0xF;
	v1 =	vnsel vm0, $0x0, v4  }
0x114: {  	s18 =	spop (v2sf);
	v2, _, _ =	vpop (xrf0)  }
0x115: {  	s26 =	spop (v2sf);
	(v2sf) =	vpush v2, $0xF;
	v2, _, _ =	vpop (xrf0)  }
0x116: {  	s29 =	spop (v2sf);
	(xrf0) =	vadd.scan.msk.s32 $0xffff, v1;
	(v2sf) =	vpush v0, $0xF;
	v1, _, _ =	vpop (xrf0)  }
0x117: {  	s28 =	spop (v2sf);
	(v2sf) =	vpush v1, $0xF  }
0x118: {  	[smem:$0x7F8] =	sst s29;
	s29 =	spop (v2sf);
	v0, _, _ =	vpop (xrf0);
	(v2sf) =	vpush v2, $0xF  }
0x119: {  	s31 =	spop (v2sf);
	(v2sf) =	vpush v0, $0xF  }
0x11a: {  	s30 =	spop (v2sf)  }
0x11b: {  	s1 =	spop (v2sf)  }
0x11c: {  	[smem:$0x7F9] =	sst s31;
	v0, _, _ =	vpop (xrf0);
	s31 =	spop (v2sf)  }
0x11d: {  	(v2sf) =	vpush v0, $0xF;
	s2 =	spop (v2sf)  }
0x11e: {  	s6 =	spop (v2sf)  }
0x11f: {  	s3 =	spop (v2sf)  }
0x120: {  	s5 =	spop (v2sf)  }
0x121: {  	s4 =	sand.u32 $0x1, s11;
	s11 =	spop (v2sf)  }
0x122: {  	s0 =	sshll.u32 s4, $0x6;
	s4 =	spop (v2sf)  }
0x123: {  	s0 =	sadd.s32 $0x0, s0;
	v49 =	vld [tilespmem:s19+$0x3200];
	s19 =	spop (v2sf)  }
0x124: {  	v4 =	vld [tilespmem:s0+$0xFAB0];
	[smem:$0x7FC] =	sst s3;
	s3 =	spop (v2sf)  }
0x125: {  	s17 =	sand.u32 $0x1, s17;
	v1 =	vld [tilespmem:s0+$0xFA90];
	[smem:$0x7FD] =	sst s19;
	s19 =	spop (v2sf)  }
0x126: {  	s17 =	sshll.u32 s17, $0x6;
	v2 =	vld [tilespmem:s0+$0xFAA0];
	[smem:$0x7FB] =	sst s2;
	s2 =	spop (v2sf)  }
0x127: {  	v0 =	vld [tilespmem:s0+$0xFA80];
	s0 =	sadd.s32 $0x0, s17;
	s17 =	spop (v2sf)  }
0x128: {  	[smem:$0x7FA] =	sst s1;
	v5 =	vld [tilespmem:s0+$0xF280];
	s1 =	spop (v2sf)  }
0x129: {  	v7 =	vld [tilespmem:s0+$0xF290];
	s1 =	sand.u32 $0x1, s1  }
0x12a: {  	v6 =	vld [tilespmem:s0+$0xF2A0];
	s1 =	sshll.u32 s1, $0x6  }
0x12b: {  	v8 =	vld [tilespmem:s0+$0xF2B0];
	s0 =	sadd.s32 $0x0, s1  }
0x12c: {  	s1 =	spop (v2sf);
	v3 =	vld [tilespmem:s0+$0x6A80]  }
0x12d: {  	v9 =	vld [tilespmem:s0+$0x6A90];
	s1 =	sand.u32 $0x1, s1  }
0x12e: {  	v10 =	vld [tilespmem:s0+$0x6AA0];
	s1 =	sshll.u32 s1, $0x6  }
0x12f: {  	v11 =	vld [tilespmem:s0+$0x6AB0];
	s0 =	sadd.s32 $0x0, s1  }
0x130: {  	v12 =	vld [tilespmem:s0+$0x7280]  }
0x131: {  	s2 =	sand.u32 $0x1, s2;
	v13 =	vld [tilespmem:s0+$0x7290]  }
0x132: {  	s1 =	sshll.u32 s2, $0x6;
	v14 =	vld [tilespmem:s0+$0x72A0]  }
0x133: {  	v15 =	vld [tilespmem:s0+$0x72B0];
	s0 =	sadd.s32 $0x0, s1  }
0x134: {  	v16 =	vld [tilespmem:s0+$0x7A80]  }
0x135: {  	s2 =	sand.u32 $0x1, s3;
	v17 =	vld [tilespmem:s0+$0x7A90]  }
0x136: {  	s1 =	sshll.u32 s2, $0x6;
	v18 =	vld [tilespmem:s0+$0x7AA0]  }
0x137: {  	v19 =	vld [tilespmem:s0+$0x7AB0];
	s3 =	sadd.s32 $0x0, s1  }
0x138: {  	v20 =	vld [tilespmem:s3+$0x8280]  }
0x139: {  	s4 =	sand.u32 $0x1, s4;
	v21 =	vld [tilespmem:s3+$0x8290]  }
0x13a: {  	s1 =	sshll.u32 s4, $0x6;
	v22 =	vld [tilespmem:s3+$0x82A0]  }
0x13b: {  	v23 =	vld [tilespmem:s3+$0x82B0];
	s2 =	sadd.s32 $0x0, s1  }
0x13c: {  	v24 =	vld [tilespmem:s2+$0x8A80]  }
0x13d: {  	s3 =	sand.u32 $0x1, s5;
	v25 =	vld [tilespmem:s2+$0x8A90]  }
0x13e: {  	s1 =	sshll.u32 s3, $0x6;
	v26 =	vld [tilespmem:s2+$0x8AA0]  }
0x13f: {  	v27 =	vld [tilespmem:s2+$0x8AB0];
	s4 =	sadd.s32 $0x0, s1  }
0x140: {  	v28 =	vld [tilespmem:s4+$0x9280]  }
0x141: {  	s5 =	sand.u32 $0x1, s6;
	v29 =	vld [tilespmem:s4+$0x9290]  }
0x142: {  	s1 =	sshll.u32 s5, $0x6;
	v30 =	vld [tilespmem:s4+$0x92A0]  }
0x143: {  	v31 =	vld [tilespmem:s4+$0x92B0];
	s6 =	sadd.s32 $0x0, s1  }
0x144: {  	v32 =	vld [tilespmem:s6+$0x9A80]  }
0x145: {  	s2 =	sand.u32 $0x1, s31;
	v33 =	vld [tilespmem:s6+$0x9A90]  }
0x146: {  	s1 =	sshll.u32 s2, $0x6;
	v34 =	vld [tilespmem:s6+$0x9AA0]  }
0x147: {  	v35 =	vld [tilespmem:s6+$0x9AB0];
	s3 =	sadd.s32 $0x0, s1  }
0x148: {  	v36 =	vld [tilespmem:s3+$0xA280]  }
0x149: {  	s4 =	sand.u32 $0x1, s30;
	v37 =	vld [tilespmem:s3+$0xA290]  }
0x14a: {  	s1 =	sshll.u32 s4, $0x6;
	v38 =	vld [tilespmem:s3+$0xA2A0]  }
0x14b: {  	v39 =	vld [tilespmem:s3+$0xA2B0];
	s5 =	sadd.s32 $0x0, s1  }
0x14c: {  	v40 =	vld [tilespmem:s5+$0xAA80]  }
0x14d: {  	s6 =	sand.u32 $0x1, s29;
	v41 =	vld [tilespmem:s5+$0xAA90]  }
0x14e: {  	s1 =	sshll.u32 s6, $0x6;
	v42 =	vld [tilespmem:s5+$0xAAA0]  }
0x14f: {  	v43 =	vld [tilespmem:s5+$0xAAB0];
	s29 =	sadd.s32 $0x0, s1  }
0x150: {  	v44 =	vld [tilespmem:s29+$0xB280]  }
0x151: {  	s31 =	sand.u32 $0x1, s28;
	v45 =	vld [tilespmem:s29+$0xB290]  }
0x152: {  	s1 =	sshll.u32 s31, $0x6;
	v46 =	vld [tilespmem:s29+$0xB2A0]  }
0x153: {  	v47 =	vld [tilespmem:s29+$0xB2B0];
	s2 =	sadd.s32 $0x0, s1  }
0x154: {  	[tilespmem:$0x1FCE0] =	vst v49;
	v49 =	vnsel vm0, $0x0, v49;
	v48 =	vld [tilespmem:s2+$0xBA80]  }
0x155: {  	[tilespmem:$0x1FCF0] =	vst v50;
	v50 =	vnsel vm0, $0x0, v50;
	(xrf0) =	vadd.scan.msk.s32 $0xffff, v49;
	s6 =	sand.u32 $0x1, s8;
	v49 =	vld [tilespmem:s2+$0xBA90]  }
0x156: {  	(xrf0) =	vadd.scan.msk.s32 $0xffff, v50;
	s0 =	sshll.u32 s6, $0x6;
	v51 =	vld [tilespmem:s2+$0xBAA0]  }
0x157: {  	s3 =	sand.u32 $0x1, s26;
	s0 =	sadd.s32 $0x0, s0;
	v52 =	vld [tilespmem:s2+$0xBAB0]  }
0x158: {  	v9 =	vadd.f32 v13, v9;
	s1 =	sshll.u32 s3, $0x6;
	v13 =	vld [tilespmem:s0+$0xEA80]  }
0x159: {  	v10 =	vadd.f32 v14, v10;
	s4 =	sadd.s32 $0x0, s1;
	v14 =	vld [tilespmem:s0+$0xEA90]  }
0x15a: {  	v50 =	vld [tilespmem:s4+$0xC280]  }
0x15b: {  	v56, _, _ =	vpop (xrf0);
	v3 =	vadd.f32 v12, v3;
	s5 =	sand.u32 $0x1, s25;
	s25 =	sand.u32 $0x1, s24;
	v53 =	vld [tilespmem:s4+$0xC290]  }
0x15c: {  	v58, _, _ =	vpop (xrf0);
	(v2sf) =	vpush v56, $0xF;
	v11 =	vadd.f32 v15, v11;
	s3 =	sshll.u32 s25, $0x6;
	v54 =	vld [tilespmem:s4+$0xC2A0]  }
0x15d: {  	(v2sf) =	vpush v58, $0xF;
	v3 =	vadd.f32 v16, v3;
	s3 =	sadd.s32 $0x0, s3;
	v55 =	vld [tilespmem:s4+$0xC2B0]  }
0x15e: {  	v9 =	vadd.f32 v17, v9;
	v11 =	vadd.f32 v19, v11;
	v19 =	vld [tilespmem:s3+$0xD280]  }
0x15f: {  	v10 =	vadd.f32 v18, v10;
	v3 =	vadd.f32 v20, v3;
	v20 =	vld [tilespmem:s3+$0xD290]  }
0x160: {  	v9 =	vadd.f32 v21, v9;
	v11 =	vadd.f32 v23, v11;
	v21 =	vld [tilespmem:s3+$0xD2A0]  }
0x161: {  	v10 =	vadd.f32 v22, v10;
	s1 =	sshll.u32 s5, $0x6;
	v22 =	vld [tilespmem:s3+$0xD2B0]  }
0x162: {  	s1 =	sadd.s32 $0x0, s1;
	v11 =	vadd.f32 v27, v11;
	v27 =	vld [tilespmem:s0+$0xEAA0]  }
0x163: {  	v3 =	vadd.f32 v24, v3;
	v9 =	vadd.f32 v25, v9;
	v56 =	vld [tilespmem:s1+$0xCA80]  }
0x164: {  	s23 =	sand.u32 $0x1, s23;
	v10 =	vadd.f32 v26, v10;
	v57 =	vld [tilespmem:s1+$0xCA90]  }
0x165: {  	s2 =	sshll.u32 s23, $0x6;
	v58 =	vld [tilespmem:s1+$0xCAA0];
	v3 =	vadd.f32 v28, v3;
	v9 =	vadd.f32 v29, v9  }
0x166: {  	s2 =	sadd.s32 $0x0, s2;
	v12 =	vld [tilespmem:s1+$0xCAB0];
	v10 =	vadd.f32 v30, v10;
	v11 =	vadd.f32 v31, v11  }
0x167: {  	v17 =	vld [tilespmem:s2+$0xDA80];
	v3 =	vadd.f32 v32, v3;
	v9 =	vadd.f32 v33, v9  }
0x168: {  	s8 =	sand.u32 $0x1, s10;
	v18 =	vld [tilespmem:s2+$0xDA90];
	v10 =	vadd.f32 v34, v10;
	v11 =	vadd.f32 v35, v11  }
0x169: {  	s10 =	sshll.u32 s8, $0x6;
	v23 =	vld [tilespmem:s2+$0xDAA0];
	v3 =	vadd.f32 v36, v3;
	v9 =	vadd.f32 v37, v9  }
0x16a: {  	s1 =	sadd.s32 $0x0, s10;
	v24 =	vld [tilespmem:s2+$0xDAB0];
	v10 =	vadd.f32 v38, v10;
	v11 =	vadd.f32 v39, v11  }
0x16b: {  	s26 =	spop (v2sf);
	v15 =	vld [tilespmem:s1+$0xE280];
	v3 =	vadd.f32 v40, v3;
	v9 =	vadd.f32 v41, v9  }
0x16c: {  	s28 =	sand.u32 $0x1, s26;
	v16 =	vld [tilespmem:s1+$0xE290];
	v10 =	vadd.f32 v42, v10;
	v11 =	vadd.f32 v43, v11  }
0x16d: {  	s29 =	spop (v2sf);
	s2 =	sshll.u32 s28, $0x6;
	v25 =	vld [tilespmem:s1+$0xE2A0];
	v3 =	vadd.f32 v44, v3;
	v9 =	vadd.f32 v45, v9  }
0x16e: {  	s31 =	sand.u32 $0x1, s29;
	v26 =	vld [tilespmem:s1+$0xE2B0];
	s2 =	sadd.s32 $0x0, s2;
	v10 =	vadd.f32 v46, v10;
	v11 =	vadd.f32 v47, v11  }
0x16f: {  	s1 =	sshll.u32 s31, $0x6;
	v28 =	vld [tilespmem:s0+$0xEAB0];
	s2 =	sadd.s32 $0x10A80, s2;
	v3 =	vadd.f32 v48, v3;
	v9 =	vadd.f32 v49, v9  }
0x170: {  	s1 =	sadd.s32 $0x0, s1;
	v29 =	vld [tilespmem:s2+$0x9800];
	v10 =	vadd.f32 v51, v10;
	v11 =	vadd.f32 v52, v11  }
0x171: {  	s0 =	sadd.s32 $0x6A80, s1;
	v30 =	vld [tilespmem:s2+$0x9810];
	v3 =	vadd.f32 v50, v3;
	v9 =	vadd.f32 v53, v9  }
0x172: {  	v31 =	vld [tilespmem:s0+$0x9800];
	v10 =	vadd.f32 v54, v10;
	v11 =	vadd.f32 v55, v11  }
0x173: {  	s3 =	sand.u32 $0x1, s22;
	v44 =	vld [tilespmem:s0+$0x9810];
	v3 =	vadd.f32 v56, v3;
	v9 =	vadd.f32 v57, v9  }
0x174: {  	s1 =	sshll.u32 s3, $0x8;
	v45 =	vld [tilespmem:s0+$0x9820];
	v10 =	vadd.f32 v58, v10;
	v11 =	vadd.f32 v12, v11  }
0x175: {  	s4 =	sshrl.u32 s1, $0x2;
	v46 =	vld [tilespmem:s0+$0x9830];
	v3 =	vadd.f32 v19, v3;
	v9 =	vadd.f32 v20, v9  }
0x176: {  	s5 =	sadd.s32 $0x0, s4;
	v12 =	vld [tilespmem:s2+$0x9820];
	v10 =	vadd.f32 v21, v10;
	v11 =	vadd.f32 v22, v11  }
0x177: {  	s1 =	sadd.s32 $0x0, s1;
	s0 =	sadd.s32 $0x1AA80, s5;
	v19 =	vld [tilespmem:s2+$0x9830];
	v3 =	vadd.f32 v17, v3;
	v9 =	vadd.f32 v18, v9  }
0x178: {  	s6 =	sand.u32 $0x1, s15;
	s1 =	sshra.s32 s1, $0x2;
	v20 =	vld [tilespmem:s0+$0x10];
	v10 =	vadd.f32 v23, v10;
	v11 =	vadd.f32 v24, v11  }
0x179: {  	s10 =	sand.u32 $0x1, s20;
	s2 =	sshll.u32 s6, $0x6;
	v18 =	vld [tilespmem:s1+$0x1AA80];
	v15 =	vadd.f32 v15, v3;
	v9 =	vadd.f32 v16, v9  }
0x17a: {  	s15 =	sadd.s32 $0x0, s2;
	v16 =	vld [tilespmem:s1+$0x1AAB0];
	v10 =	vadd.f32 v25, v10;
	v11 =	vadd.f32 v26, v11;
	s1 =	sshll.u32 s10, $0x6  }
0x17b: {  	s8 =	sand.u32 $0x1, s21;
	v17 =	vld [tilespmem:s0+$0x20];
	s2 =	sadd.s32 $0x10A80, s15;
	s1 =	sadd.s32 $0x0, s1;
	v13 =	vadd.f32 v13, v15;
	v9 =	vadd.f32 v14, v9  }
0x17c: {  	s0 =	sshll.u32 s8, $0x6;
	v14 =	vld [tilespmem:s2+$0x20];
	v10 =	vadd.f32 v27, v10;
	v11 =	vadd.f32 v28, v11;
	s1 =	sadd.s32 $0x10A80, s1  }
0x17d: {  	s0 =	sadd.s32 $0x0, s0;
	v21 =	vld [tilespmem:s1+$0x1020];
	v5 =	vadd.f32 v5, v13;
	v7 =	vadd.f32 v7, v9  }
0x17e: {  	s0 =	sadd.s32 $0x10A80, s0;
	v22 =	vld [tilespmem:s1+$0x1030];
	v6 =	vadd.f32 v6, v10;
	v8 =	vadd.f32 v8, v11  }
0x17f: {  	v9 =	vld [tilespmem:s0+$0x800];
	v0 =	vadd.f32 v0, v5;
	v1 =	vadd.f32 v1, v7  }
0x180: {  	v10 =	vld [tilespmem:s0+$0x810];
	v6 =	vadd.f32 v2, v6;
	v7 =	vadd.f32 v4, v8  }
0x181: {  	v11 =	vld [tilespmem:s1+$0x1000];
	v4 =	vadd.f32 v31, v0;
	v2 =	vadd.f32 v44, v1  }
0x182: {  	s20 =	sand.u32 $0x1, s7;
	v5 =	vld [tilespmem:s0+$0x820];
	v0 =	vadd.f32 v45, v6;
	v1 =	vadd.f32 v46, v7  }
0x183: {  	s21 =	sand.u32 $0x1, s16;
	v8 =	vld [tilespmem:s0+$0x830];
	s0 =	sshll.u32 s20, $0x6;
	v7 =	vmul.f32 v29, v4;
	v13 =	vmul.f32 v30, v2  }
0x184: {  	s0 =	sadd.s32 $0x0, s0;
	v6 =	vld [tilespmem:s1+$0x1010];
	s1 =	sshll.u32 s21, $0x6;
	v12 =	vmul.f32 v12, v0;
	v19 =	vmul.f32 v19, v1  }
0x185: {  	v15 =	vld [tilespmem:s2+$0x30];
	s0 =	sadd.s32 $0x10A80, s0;
	s1 =	sadd.s32 $0x0, s1;
	v20 =	vmul.f32 v20, v2;
	v18 =	vmul.f32 v18, v4  }
0x186: {  	v23 =	vld [tilespmem:s0+$0x1800];
	v16 =	vmul.f32 v16, v1;
	s1 =	sadd.s32 $0x10A80, s1;
	v7 =	vadd.f32 v13, v7;
	v13 =	vmul.f32 v17, v0  }
0x187: {  	v14 =	vmul.f32 v14, v0;
	v10 =	vmul.f32 v10, v2;
	v24 =	vld [tilespmem:s1+$0x2000];
	v12 =	vadd.f32 v19, v12  }
0x188: {  	v5 =	vmul.f32 v5, v0;
	v17 =	vld [tilespmem:s0+$0x1810];
	v18 =	vadd.f32 v20, v18;
	v13 =	vadd.f32 v16, v13  }
0x189: {  	v19 =	vld [tilespmem:s0+$0x1820];
	v16 =	vmul.f32 v9, v4;
	v9 =	vadd.f32 v12, v7;
	v7 =	vmul.f32 v8, v1  }
0x18a: {  	s22 =	sand.u32 $0x1, s9;
	v11 =	vmul.f32 v11, v4;
	v20 =	vld [tilespmem:s0+$0x1830];
	v12 =	vmul.f32 v15, v1;
	v8 =	vadd.f32 v13, v18  }
0x18b: {  	s0 =	sshll.u32 s22, $0x6;
	v6 =	vmul.f32 v6, v2;
	v15 =	vld [tilespmem:s1+$0x2020];
	v10 =	vadd.f32 v10, v16;
	v7 =	vadd.f32 v7, v5  }
0x18c: {  	s0 =	sadd.s32 $0x0, s0;
	v13 =	vld [tilespmem:s1+$0x2010];
	v5 =	vadd.f32 v12, v14;
	v14 =	vmul.f32 v21, v0;
	v16 =	vmul.f32 v22, v1  }
0x18d: {  	s0 =	sadd.s32 $0x10A80, s0;
	v6 =	vadd.f32 v6, v11;
	v18 =	vld [tilespmem:s1+$0x2030];
	v12 =	vadd.f32 v7, v10  }
0x18e: {  	s20 =	simm.s32 $0x1;
	v7 =	vmul.f32 v23, v4;
	v10 =	vmul.f32 v17, v2;
	v17 =	vld [tilespmem:s0+$0x2800];
	v11 =	vadd.f32 v16, v14  }
0x18f: {  	v21 =	vmov s20;
	v14 =	vld [tilespmem:s0+$0x2810];
	v16 =	vmul.f32 v19, v0;
	v19 =	vmul.f32 v20, v1  }
0x190: {  	v15 =	vmul.f32 v15, v0;
	v6 =	vadd.f32 v11, v6;
	v11 =	vmul.f32 v24, v4  }
0x191: {  	v16 =	vadd.f32 v19, v16;
	v19 =	vlaneseq.u32;
	v13 =	vmul.f32 v13, v2  }
0x192: {  	v20 =	vld [tilespmem:s0+$0x2830];
	v7 =	vadd.f32 v10, v7;
	vm1 =	veq.s32 v21, v19;
	v18 =	vmul.f32 v18, v1  }
0x193: {  	v10 =	vld [tilespmem:s0+$0x2820];
	v19 =	vnsel vm1, $0x0, v62;
	v11 =	vadd.f32 v13, v11;
	v13 =	vmul.f32 v17, v4  }
0x194: {  	(xrf0) =	vadd.scan.msk.s32 $0xffff, v19;
	v17 =	vnsel vm1, $0x0, v61;
	v15 =	vadd.f32 v18, v15;
	v14 =	vmul.f32 v14, v2  }
0x195: {  	(xrf0) =	vadd.scan.msk.s32 $0xffff, v17;
	v17 =	vnsel vm1, $0x0, v60  }
0x196: {  	(xrf0) =	vadd.scan.msk.s32 $0xffff, v17;
	v17 =	vadd.f32 v15, v11;
	v11 =	vadd.f32 v14, v13;
	v13 =	vnsel vm1, $0x0, v59  }
0x197: {  	(xrf0) =	vadd.scan.msk.s32 $0xffff, v13;
	v13 =	vld [tilespmem:$0x1FD50]  }
0x198: {  	v19 =	vadd.f32 v16, v7;
	v7 =	vmul.f32 v10, v0;
	v10 =	vmul.f32 v20, v1;
	_ =	sdelay $0x1  }
0x199: {  	v7 =	vadd.f32 v10, v7  }
0x19a: {  	v20 =	vnsel vm1, $0x0, v63  }
0x19b: {  	(xrf0) =	vadd.scan.msk.s32 $0xffff, v20;
	v20 =	vnsel vm1, $0x0, v13;
	v13 =	vadd.f32 v7, v11;
	v11 =	vld [tilespmem:$0x1FD60];
	_ =	sdelay $0x3  }
0x19c: {  	s23 =	sand.u32 $0x1, s12  }
0x19d: {  	s1 =	sshll.u32 s23, $0x6;
	(xrf0) =	vadd.scan.msk.s32 $0xffff, v20;
	v11 =	vnsel vm1, $0x0, v11  }
0x19e: {  	s1 =	sadd.s32 $0x0, s1;
	(xrf0) =	vadd.scan.msk.s32 $0xffff, v11;
	v11 =	vld [tilespmem:$0x1FD70]  }
0x19f: {  	s1 =	sadd.s32 $0x10A80, s1  }
0x1a0: {  	v22 =	vld [tilespmem:s1+$0x3000]  }
0x1a1: {  	v23 =	vld [tilespmem:s1+$0x3020]  }
0x1a2: {  	s24 =	sand.u32 $0x1, s13  }
0x1a3: {  	s0 =	sshll.u32 s24, $0x6;
	v11 =	vnsel vm1, $0x0, v11  }
0x1a4: {  	s0 =	sadd.s32 $0x0, s0;
	v20, _, _ =	vpop (xrf0)  }
0x1a5: {  	s0 =	sadd.s32 $0x10A80, s0;
	(v2sf) =	vpush v20, $0xF;
	v20, _, _ =	vpop (xrf0)  }
0x1a6: {  	v15 =	vmul.f32 v22, v4;
	v22 =	vmul.f32 v23, v0;
	v23 =	vld [tilespmem:s0+$0x3830];
	(v2sf) =	vpush v20, $0xF;
	(xrf0) =	vadd.scan.msk.s32 $0xffff, v11;
	v11, _, _ =	vpop (xrf0)  }
0x1a7: {  	(v2sf) =	vpush v11, $0xF;
	v11 =	vld [tilespmem:$0x1FD80]  }
0x1a8: {  	v10 =	vld [tilespmem:s0+$0x3820];
	_ =	sdelay $0x1  }
0x1a9: {  	v21 =	vld [tilespmem:s1+$0x3010]  }
0x1aa: {  	v18 =	vld [tilespmem:s1+$0x3030]  }
0x1ab: {  	v24 =	vld [tilespmem:$0x1FD90];
	v11 =	vnsel vm1, $0x0, v11  }
0x1ac: {  	v10 =	vmul.f32 v10, v0;
	(xrf0) =	vadd.scan.msk.s32 $0xffff, v11;
	v11 =	vmul.f32 v23, v1;
	_ =	sdelay $0x1  }
0x1ad: {  	s25 =	sand.u32 $0x1, s14;
	v10 =	vadd.f32 v11, v10;
	v11 =	vld [tilespmem:$0x1FDA0]  }
0x1ae: {  	s1 =	sshll.u32 s25, $0x6;
	v21 =	vmul.f32 v21, v2;
	v7 =	vmul.f32 v18, v1  }
0x1af: {  	s1 =	sadd.s32 $0x0, s1;
	v24 =	vnsel vm1, $0x0, v24  }
0x1b0: {  	s1 =	sadd.s32 $0x10A80, s1;
	v15 =	vadd.f32 v21, v15;
	v7 =	vadd.f32 v7, v22  }
0x1b1: {  	v22 =	vld [tilespmem:s1+$0x4020];
	v25, _, _ =	vpop (xrf0)  }
0x1b2: {  	(v2sf) =	vpush v25, $0xF;
	(xrf0) =	vadd.scan.msk.s32 $0xffff, v24;
	v24, _, _ =	vpop (xrf0);
	v25 =	vnsel vm1, $0x0, v11;
	v11 =	vadd.f32 v7, v15;
	v15 =	vld [tilespmem:$0x1FDB0]  }
0x1b3: {  	v20 =	vld [tilespmem:s1+$0x4030];
	(v2sf) =	vpush v24, $0xF;
	v26, _, _ =	vpop (xrf0)  }
0x1b4: {  	(v2sf) =	vpush v26, $0xF;
	v26 =	vld [tilespmem:$0x1FDC0];
	_ =	sdelay $0x2  }
0x1b5: {  	v15 =	vnsel vm1, $0x0, v15  }
0x1b6: {  	v16 =	vld [tilespmem:s0+$0x3800];
	(xrf0) =	vadd.scan.msk.s32 $0xffff, v25  }
0x1b7: {  	v14 =	vld [tilespmem:s0+$0x3810];
	v22 =	vmul.f32 v22, v0;
	v20 =	vmul.f32 v20, v1;
	v26 =	vnsel vm1, $0x0, v26;
	v25, _, _ =	vpop (xrf0);
	(xrf0) =	vadd.scan.msk.s32 $0xffff, v15  }
0x1b8: {  	v15, _, _ =	vpop (xrf0);
	(xrf0) =	vadd.scan.msk.s32 $0xffff, v26;
	v26 =	vld [tilespmem:$0x1FDD0]  }
0x1b9: {  	v20 =	vadd.f32 v20, v22;
	v22 =	vld [tilespmem:$0x1FDE0]  }
0x1ba: {  	v21 =	vld [tilespmem:s1+$0x4010]  }
0x1bb: {  	v18 =	vld [tilespmem:s1+$0x4000];
	_ =	sdelay $0x1  }
0x1bc: {  	s26 =	sand.u32 $0x1, s18;
	(v2sf) =	vpush v25, $0xF;
	v26 =	vnsel vm1, $0x0, v26  }
0x1bd: {  	s0 =	sshll.u32 s26, $0x6;
	v22 =	vnsel vm1, $0x0, v22;
	(v2sf) =	vpush v15, $0xF;
	v27, _, _ =	vpop (xrf0);
	(xrf0) =	vadd.scan.msk.s32 $0xffff, v26  }
0x1be: {  	s0 =	sadd.s32 $0x0, s0;
	v16 =	vmul.f32 v16, v4;
	v14 =	vmul.f32 v14, v2;
	(v2sf) =	vpush v27, $0xF;
	v27, _, _ =	vpop (xrf0);
	(xrf0) =	vadd.scan.msk.s32 $0xffff, v22;
	v22 =	vld [tilespmem:$0x1FDF0]  }
0x1bf: {  	s0 =	sadd.s32 $0x10A80, s0;
	v15 =	vmul.f32 v18, v4;
	v18 =	vmul.f32 v21, v2  }
0x1c0: {  	s28 =	sld [smem:$0x7F8];
	v14 =	vadd.f32 v14, v16;
	v16 =	vld [tilespmem:s0+$0x4810]  }
0x1c1: {  	v23 =	vld [tilespmem:s0+$0x4800];
	v15 =	vadd.f32 v18, v15  }
0x1c2: {  	v24 =	vld [tilespmem:s0+$0x4820]  }
0x1c3: {  	s1 =	sand.u32 $0x1, s28;
	v28 =	vnsel vm1, $0x0, v22;
	v22 =	vadd.f32 v20, v15;
	v15 =	vld [tilespmem:$0x1FE00]  }
0x1c4: {  	s1 =	sshll.u32 s1, $0x6;
	v7 =	vld [tilespmem:s0+$0x4830]  }
0x1c5: {  	s1 =	sadd.s32 $0x0, s1  }
0x1c6: {  	s1 =	sadd.s32 $0x10A80, s1  }
0x1c7: {  	v16 =	vmul.f32 v16, v2;
	v10 =	vadd.f32 v10, v14;
	v14 =	vld [tilespmem:s1+$0x5000]  }
0x1c8: {  	s29 =	sld [smem:$0x7F9];
	v23 =	vmul.f32 v23, v4;
	v25 =	vld [tilespmem:s1+$0x5020];
	(v2sf) =	vpush v27, $0xF;
	v29, _, _ =	vpop (xrf0);
	(xrf0) =	vadd.scan.msk.s32 $0xffff, v28;
	v15 =	vnsel vm1, $0x0, v15  }
0x1c9: {  	v7 =	vmul.f32 v7, v1;
	v21 =	vld [tilespmem:s1+$0x5010];
	(v2sf) =	vpush v29, $0xF;
	v28, _, _ =	vpop (xrf0);
	(xrf0) =	vadd.scan.msk.s32 $0xffff, v15;
	v15 =	vmul.f32 v24, v0  }
0x1ca: {  	(v2sf) =	vpush v28, $0xF;
	v28 =	vld [tilespmem:$0x1FE10]  }
0x1cb: {  	s31 =	sld [smem:$0x7FA];
	s0 =	sand.u32 $0x1, s29;
	v16 =	vadd.f32 v16, v23;
	v29 =	vld [tilespmem:$0x1FE20];
	v15 =	vadd.f32 v7, v15  }
0x1cc: {  	s0 =	sshll.u32 s0, $0x6;
	v7 =	vld [tilespmem:$0x1FE30]  }
0x1cd: {  	s0 =	sadd.s32 $0x0, s0;
	v15 =	vadd.f32 v15, v16;
	v16 =	vld [tilespmem:$0x1FE40]  }
0x1ce: {  	s0 =	sadd.s32 $0x10A80, s0;
	v18 =	vld [tilespmem:s1+$0x5030];
	s1 =	sand.u32 $0x1, s31  }
0x1cf: {  	v23 =	vld [tilespmem:s0+$0x5830];
	s1 =	sshll.u32 s1, $0x6;
	v28 =	vnsel vm1, $0x0, v28  }
0x1d0: {  	v27 =	vld [tilespmem:s0+$0x5810];
	s1 =	sadd.s32 $0x0, s1;
	v29 =	vnsel vm1, $0x0, v29;
	v30, _, _ =	vpop (xrf0);
	(xrf0) =	vadd.scan.msk.s32 $0xffff, v28  }
0x1d1: {  	s1 =	sadd.s32 $0x10A80, s1;
	v20 =	vld [tilespmem:s0+$0x5820];
	(v2sf) =	vpush v30, $0xF;
	(xrf0) =	vadd.scan.msk.s32 $0xffff, v29;
	v30 =	vnsel vm1, $0x0, v7  }
0x1d2: {  	v14 =	vmul.f32 v14, v4;
	v24 =	vld [tilespmem:s1+$0x6000];
	(xrf0) =	vadd.scan.msk.s32 $0xffff, v30;
	v16 =	vnsel vm1, $0x0, v16  }
0x1d3: {  	(xrf0) =	vadd.scan.msk.s32 $0xffff, v16;
	v16 =	vld [tilespmem:$0x1FE50]  }
0x1d4: {  	v26 =	vld [tilespmem:s0+$0x5800];
	v21 =	vmul.f32 v21, v2  }
0x1d5: {  	v3 =	vld [tilespmem:s2+$0x10];
	s2 =	sld [smem:$0x7FB];
	v31, _, _ =	vpop (xrf0)  }
0x1d6: {  	(xrf2) =	vadd.scan.msk.f32 $0xffff, v9;
	v23 =	vmul.f32 v23, v1;
	(v2sf) =	vpush v31, $0xF;
	v28 =	vld [tilespmem:s1+$0x6010];
	v7 =	vadd.f32 v21, v14;
	v14, _, _ =	vpop (xrf0)  }
0x1d7: {  	(xrf2) =	vadd.scan.msk.f32 $0xffff, v8;
	v18 =	vmul.f32 v18, v1;
	v29 =	vld [tilespmem:s1+$0x6020];
	(v2sf) =	vpush v14, $0xF;
	v14 =	vmul.f32 v25, v0  }
0x1d8: {  	(xrf2) =	vadd.scan.msk.f32 $0xffff, v12;
	s0 =	sand.u32 $0x1, s2;
	v20 =	vmul.f32 v20, v0;
	v12 =	vmul.f32 v24, v4;
	v24 =	vld [tilespmem:$0x1FE80];
	v16 =	vnsel vm1, $0x0, v16  }
0x1d9: {  	s0 =	sshll.u32 s0, $0x6;
	v21 =	vld [tilespmem:s1+$0x6030];
	v14 =	vadd.f32 v18, v14;
	v18 =	vmul.f32 v27, v2;
	(xrf0) =	vadd.scan.msk.s32 $0xffff, v16;
	v16 =	vmul.f32 v26, v4  }
0x1da: {  	s0 =	sadd.s32 $0x0, s0;
	v27 =	vld [tilespmem:$0x1FE60]  }
0x1db: {  	s3 =	sld [smem:$0x7FC];
	s0 =	sadd.s32 $0x10A80, s0;
	v16 =	vadd.f32 v18, v16;
	v18 =	vadd.f32 v23, v20;
	v23 =	vld [tilespmem:$0x1FE70]  }
0x1dc: {  	s6 =	sld [smem:$0x7FD];
	v25 =	vld [tilespmem:s0+$0x6800];
	v30, _, _ =	vpop (xrf0)  }
0x1dd: {  	(v2sf) =	vpush v30, $0xF;
	v30 =	vld [tilespmem:s0+$0x6810];
	v31, _, _ =	vpop (xrf0)  }
0x1de: {  	s4 =	sand.u32 $0x1, s11;
	(v2sf) =	vpush v31, $0xF;
	v31 =	vld [tilespmem:s0+$0x6820]  }
0x1df: {  	s1 =	sand.u32 $0x1, s3;
	s3 =	sshll.u32 s4, $0x6;
	v47, _, _ =	vpop (xrf0);
	v27 =	vnsel vm1, $0x0, v27;
	v26 =	vld [tilespmem:s0+$0x6830];
	s0 =	sand.u32 $0x1, s6  }
0x1e0: {  	s3 =	sadd.s32 $0x0, s3;
	v48, _, _ =	vpop (xrf0);
	(xrf0) =	vadd.scan.msk.s32 $0xffff, v27;
	s0 =	sshll.u32 s0, $0x6;
	v20 =	vmul.f32 v28, v2;
	v23 =	vnsel vm1, $0x0, v23  }
0x1e1: {  	s9 =	sadd.s32 $0x10A80, s3;
	v24 =	vnsel vm1, $0x0, v24;
	v49, _, _ =	vpop (xrf0);
	s0 =	sadd.s32 $0x0, s0;
	(xrf0) =	vadd.scan.msk.s32 $0xffff, v23  }
0x1e2: {  	v50, _, _ =	vpop (xrf0);
	v28 =	vld [tilespmem:s9+$0x7800];
	s10 =	sadd.s32 $0x10A80, s0;
	v20 =	vadd.f32 v20, v12;
	v12 =	vmul.f32 v25, v4;
	(xrf0) =	vadd.scan.msk.s32 $0xffff, v24;
	v24 =	vmul.f32 v30, v2  }
0x1e3: {  	s8 =	sand.u32 $0x1, s17;
	(xrf2) =	vadd.scan.msk.f32 $0xffff, v6;
	v21 =	vmul.f32 v21, v1;
	v23 =	vmul.f32 v29, v0;
	v29 =	vld [tilespmem:s10+$0x8000]  }
0x1e4: {  	(xrf2) =	vadd.scan.msk.f32 $0xffff, v19;
	s4 =	sshll.u32 s8, $0x6;
	(v2sf) =	vpush v47, $0xF;
	v24 =	vadd.f32 v24, v12;
	v12 =	vld [tilespmem:$0x1FE90]  }
0x1e5: {  	v19 =	vld [tilespmem:s15+$0x10A80];
	(xrf2) =	vadd.scan.msk.f32 $0xffff, v17;
	s11 =	sadd.s32 $0x0, s4;
	(v2sf) =	vpush v48, $0xF  }
0x1e6: {  	(xrf2) =	vadd.scan.msk.f32 $0xffff, v13;
	v13 =	vld [tilespmem:$0x1FED0];
	s13 =	sadd.s32 $0x10A80, s11;
	(v2sf) =	vpush v49, $0xF;
	v51, _, _ =	vpop (xrf0)  }
0x1e7: {  	s16 =	spop (v2sf);
	v6 =	vld [tilespmem:s13+$0x9000];
	(v2sf) =	vpush v50, $0xF;
	v25 =	vadd.f32 v21, v23;
	v21, _, _ =	vpop (xrf0)  }
0x1e8: {  	s17 =	spop (v2sf);
	(v2sf) =	vpush v21, $0xF;
	v21 =	vmul.f32 v26, v1;
	v26 =	vld [tilespmem:$0x1FEA0]  }
0x1e9: {  	s1 =	sshll.u32 s1, $0x6;
	v17 =	vmul.f32 v28, v4;
	v28 =	vmul.f32 v29, v4;
	v29 =	vld [tilespmem:$0x1FEB0];
	v12 =	vnsel vm1, $0x0, v12  }
0x1ea: {  	s1 =	sadd.s32 $0x0, s1;
	(xrf0) =	vadd.scan.msk.s32 $0xffff, v12;
	v12 =	vmul.f32 v31, v0;
	v31 =	vld [tilespmem:$0x1FEC0]  }
0x1eb: {  	s7 =	sand.u32 $0x1, s19;
	s5 =	sadd.s32 $0x10A80, s1;
	v52 =	vld [tilespmem:s9+$0x7820]  }
0x1ec: {  	s1 =	sshll.u32 s7, $0x6;
	v9 =	vld [tilespmem:s5+$0x7010]  }
0x1ed: {  	v8 =	vld [tilespmem:s5+$0x7020];
	s1 =	sadd.s32 $0x0, s1;
	v26 =	vnsel vm1, $0x0, v26  }
0x1ee: {  	s12 =	sadd.s32 $0x10A80, s1;
	v27 =	vld [tilespmem:s5+$0x7000];
	(xrf0) =	vadd.scan.msk.s32 $0xffff, v26;
	v29 =	vnsel vm1, $0x0, v29  }
0x1ef: {  	v30 =	vld [tilespmem:s12+$0x8800];
	v53, _, _ =	vpop (xrf0);
	(xrf0) =	vadd.scan.msk.s32 $0xffff, v29;
	v31 =	vnsel vm1, $0x0, v31  }
0x1f0: {  	v54, _, _ =	vpop (xrf0);
	(xrf0) =	vadd.scan.msk.s32 $0xffff, v31;
	v31 =	vadd.f32 v21, v12;
	v21 =	vld [tilespmem:$0x1FEE0]  }
0x1f1: {  	v23 =	vld [tilespmem:s5+$0x7030]  }
0x1f2: {  	v3 =	vmul.f32 v3, v2;
	v41 =	vld [tilespmem:s12+$0x8830];
	v9 =	vmul.f32 v9, v2  }
0x1f3: {  	v6 =	vmul.f32 v6, v4;
	v26 =	vmul.f32 v27, v4;
	v27 =	vld [tilespmem:s9+$0x7810]  }
0x1f4: {  	v13 =	vnsel vm1, $0x0, v13;
	v29 =	vmul.f32 v30, v4;
	v30 =	vld [tilespmem:s9+$0x7830];
	v4 =	vmul.f32 v19, v4  }
0x1f5: {  	s18 =	spop (v2sf);
	v8 =	vmul.f32 v8, v0;
	(v2sf) =	vpush v51, $0xF;
	v19 =	vld [tilespmem:s10+$0x8020];
	v21 =	vnsel vm1, $0x0, v21  }
0x1f6: {  	v33 =	vadd.f32 v9, v26;
	v9, _, _ =	vpop (xrf2);
	v55 =	vadd.f32 v3, v4;
	v3 =	vld [tilespmem:$0x1FEF0];
	(xrf0) =	vadd.scan.msk.s32 $0xffff, v13;
	v13 =	vmul.f32 v23, v1  }
0x1f7: {  	s2 =	spop (v2sf);
	(v2sf) =	vpush v54, $0xF;
	v12 =	vld [tilespmem:s10+$0x8010];
	v23, _, _ =	vpop (xrf0)  }
0x1f8: {  	s5 =	spop (v2sf);
	(v2sf) =	vpush v53, $0xF;
	v34 =	vadd.f32 v13, v8;
	v13 =	vld [tilespmem:$0x1FF00];
	(xrf0) =	vadd.scan.msk.s32 $0xffff, v21;
	v21, _, _ =	vpop (xrf0)  }
0x1f9: {  	s6 =	spop (v2sf);
	v8, _, _ =	vpop (xrf2);
	(v2sf) =	vpush v21, $0xF;
	v21 =	vld [tilespmem:$0x1FF10]  }
0x1fa: {  	v26 =	vld [tilespmem:s10+$0x8030];
	v8 =	vbroadcast v8, $0xF  }
0x1fb: {  	vm0 =	vmmov vm0;
	v58 =	vimm.f32 $0.0e+00;
	v4 =	vld [tilespmem:s12+$0x8810]  }
0x1fc: {  	v3 =	vnsel vm1, $0x0, v3;
	(xrf2) =	vadd.scan.msk.f32 $0xffff, v11;
	v56 =	vsel vm0, v8, v58;
	v8 =	vld [tilespmem:$0x1FF40]  }
0x1fd: {  	v30 =	vmul.f32 v30, v1;
	v11 =	vmul.f32 v19, v0;
	(xrf0) =	vadd.scan.msk.s32 $0xffff, v3;
	v3 =	vld [tilespmem:s12+$0x8820];
	v13 =	vnsel vm1, $0x0, v13  }
0x1fe: {  	s14 =	spop (v2sf);
	v12 =	vmul.f32 v12, v2;
	(xrf0) =	vadd.scan.msk.s32 $0xffff, v13;
	v13 =	vmul.f32 v27, v2;
	v27 =	vld [tilespmem:s13+$0x9010];
	v40, _, _ =	vpop (xrf0);
	v21 =	vnsel vm1, $0x0, v21  }
0x1ff: {  	s3 =	spop (v2sf);
	v19 =	vmul.f32 v26, v1;
	(v2sf) =	vpush v23, $0xF;
	v23 =	vmul.f32 v52, v0;
	v42, _, _ =	vpop (xrf0);
	(xrf0) =	vadd.scan.msk.s32 $0xffff, v21;
	v21 =	vld [tilespmem:$0x1FF20]  }
0x200: {  	s8 =	sand.u32 $0x1, s16;
	s23 =	spop (v2sf);
	v4 =	vmul.f32 v4, v2;
	v26 =	vadd.f32 v12, v28;
	(v2sf) =	vpush v42, $0xF;
	v43, _, _ =	vpop (xrf0)  }
0x201: {  	s8 =	sshll.u32 s8, $0x6;
	s4 =	spop (v2sf);
	s28 =	sand.u32 $0x1, s23;
	(xrf2) =	vadd.scan.msk.f32 $0xffff, v10;
	v23 =	vadd.f32 v30, v23;
	v30 =	vld [tilespmem:s13+$0x9030];
	(v2sf) =	vpush v40, $0xF;
	v10, _, _ =	vpop (xrf0)  }
0x202: {  	s8 =	sadd.s32 $0x80, s8;
	s24 =	spop (v2sf);
	s31 =	sshll.u32 s28, $0x6;
	v28 =	vadd.f32 v4, v29;
	(v2sf) =	vpush v10, $0xF;
	v3 =	vmul.f32 v3, v0  }
0x203: {  	[tilespmem:$0x1FD40] =	vst v63;
	v63 =	vld [tilespmem:s8+$0xFA80];
	s7 =	spop (v2sf);
	s23 =	sadd.s32 $0x80, s31;
	v2 =	vmul.f32 v27, v2;
	v27 =	vadd.f32 v19, v11;
	v10, _, _ =	vpop (xrf0);
	(v2sf) =	vpush v43, $0xF  }
0x204: {  	v11 =	vmul.f32 v41, v1;
	v19 =	vnsel vm1, $0x0, v8;
	v8 =	vld [tilespmem:s23+$0xEA80];
	v12, _, _ =	vpop (xrf0);
	v21 =	vnsel vm1, $0x0, v21  }
0x205: {  	s9 =	sand.u32 $0x1, s5;
	v9 =	vbroadcast v9, $0xF;
	(v2sf) =	vpush v12, $0xF;
	(xrf0) =	vadd.scan.msk.s32 $0xffff, v21;
	v21 =	vadd.f32 v13, v17;
	v17 =	vld [tilespmem:s13+$0x9020]  }
0x206: {  	s9 =	sshll.u32 s9, $0x6;
	s12 =	spop (v2sf);
	v29 =	vadd.f32 v2, v6;
	v2 =	vld [tilespmem:s8+$0xFAB0];
	v4 =	vmul.f32 v30, v1;
	v30 =	vadd.f32 v11, v3;
	v13, _, _ =	vpop (xrf2)  }
0x207: {  	s26 =	sadd.s32 $0x80, s9;
	v1 =	vld [tilespmem:s8+$0xFAA0];
	(xrf2) =	vadd.scan.msk.f32 $0xffff, v22;
	s13 =	spop (v2sf);
	v22 =	vadd.f32 v5, v55;
	v5 =	vsel vm0, v9, v58;
	v6, _, _ =	vpop (xrf2);
	v11 =	vbroadcast v13, $0xF  }
0x208: {  	s0 =	sand.u32 $0x1, s18;
	s21 =	spop (v2sf);
	(v2sf) =	vpush v10, $0xF;
	[tilespmem:$0x1FF30] =	vst v5;
	v5 =	vld [tilespmem:s26+$0xF2A0];
	v10, _, _ =	vpop (xrf2)  }
0x209: {  	s0 =	sshll.u32 s0, $0x6;
	s21 =	sand.u32 $0x1, s21;
	v13, _, _ =	vpop (xrf2);
	v54 =	vsel vm0, v11, v58;
	v11 =	vbroadcast v6, $0xF;
	v6 =	vld [tilespmem:s26+$0xF2B0]  }
0x20a: {  	[dreg:$0x9] =	wrdreg s0;
	s0 =	sshll.u32 s21, $0x6;
	v9, _, _ =	vpop (xrf2);
	v17 =	vmul.f32 v17, v0;
	v0 =	vld [tilespmem:s8+$0xFA90]  }
0x20b: {  	[tilespmem:$0x1FD00] =	vst v62;
	(xrf0) =	vadd.scan.msk.s32 $0xffff, v19;
	v13 =	vbroadcast v13, $0xF;
	s0 =	sadd.s32 $0x80, s0;
	v19 =	vbroadcast v9, $0xF;
	v9 =	vld [tilespmem:$0x1FF50]  }
0x20c: {  	[tilespmem:$0x1FD10] =	vst v61;
	s22 =	simm.s32 $0x200;
	s19 =	sand.u32 $0x1, s2;
	s1 =	sand.u32 $0x1, s17;
	v12, _, _ =	vpop (xrf0);
	(xrf2) =	vadd.scan.msk.f32 $0xffff, v15;
	v15 =	vld [tilespmem:s0+$0xD280]  }
0x20d: {  	[tilespmem:$0x1FD20] =	vst v60;
	s17 =	simm.s32 $0x80;
	s29 =	sshll.u32 s1, $0x8;
	s15 =	sand.u32 $0x1, s24;
	v57 =	vsel vm0, v11, v58;
	v3, _, _ =	vpop (xrf0);
	v11 =	vsel vm0, v13, v58;
	v13 =	vld [tilespmem:$0x1FFA0]  }
0x20e: {  	[tilespmem:$0x1FD30] =	vst v59;
	v47 =	vimm.f32 $0.0e+00;
	s30 =	sand.u32 $0x1, s6;
	s2 =	sshll.u32 s15, $0x6;
	s10 =	spop (v2sf);
	(v2sf) =	vpush v3, $0xF;
	v3 =	vld [tilespmem:s26+$0xF280]  }
0x20f: {  	[tilespmem:$0x1FFC0] =	vst v47;
	s15 =	sshrl.u32 s29, $0x2;
	s7 =	sand.u32 $0x1, s7;
	s5 =	sand.u32 $0x1, s14;
	v32 =	vadd.f32 v4, v17;
	v4 =	vld [tilespmem:s26+$0xF290]  }
0x210: {  	v62 =	vimm.f32 $0.0e+00;
	s24 =	sadd.s32 $0x80, s2;
	[dreg:$0xb] =	wrdreg s15;
	s14 =	sand.u32 $0x1, s12;
	[tilespmem:$0x1FF60] =	vst v11;
	v11 =	vsel vm0, v19, v58;
	v19 =	vld [tilespmem:$0x1FFB0];
	v45 =	vnsel vm1, $0x0, v9  }
0x211: {  	v48 =	vimm.f32 $0.0e+00;
	s15 =	sand.u32 $0x1, s3;
	s12 =	sand.u32 $0x1, s4;
	s18 =	sshll.u32 s14, $0x6;
	(v2sf) =	vpush v12, $0xF;
	v12, _, _ =	vpop (xrf2);
	[tilespmem:$0x1FF70] =	vst v11;
	v11 =	vld [tilespmem:s24+$0xE290];
	(xrf0) =	vadd.scan.msk.s32 $0xffff, v45  }
0x212: {  	v61 =	vimm.f32 $0.0e+00;
	[tilespmem:$0x1FFD0] =	vst v48;
	v49 =	vimm.f32 $0.0e+00;
	s25 =	spop (v2sf);
	s21 =	sand.u32 $0x1, s13;
	s13 =	sand.u32 $0x1, s10;
	v17 =	vbroadcast v10, $0xF;
	v10, _, _ =	vpop (xrf2);
	v9 =	vld [tilespmem:s23+$0xEA90]  }
0x213: {  	[tilespmem:$0x1FFE0] =	vst v49;
	v50 =	vimm.f32 $0.0e+00;
	s11 =	spop (v2sf);
	s25 =	sand.u32 $0x1, s25;
	s26 =	sadd.s32 $0x80, s18;
	v12 =	vbroadcast v12, $0xF;
	v44, _, _ =	vpop (xrf2);
	v46 =	vbroadcast v10, $0xF;
	v10 =	vld [tilespmem:s24+$0xE280]  }
0x214: {  	[tilespmem:$0x1FFF0] =	vst v50;
	s16 =	spop (v2sf);
	s8 =	smov.u32 s29;
	s28 =	sshll.u32 s25, $0x6;
	v55 =	vsel vm0, v17, v58;
	v35 =	vbroadcast v44, $0xF;
	v17 =	vnsel vm1, $0x0, v13;
	v13 =	vld [tilespmem:s26+$0xDA90]  }
0x215: {  	s29 =	sand.u32 $0x1, s11;
	[dreg:$0x8] =	wrdreg s0;
	s6 =	sadd.s32 $0x80, s28;
	v51 =	vsel vm0, v12, v58;
	v12 =	vsel vm0, v46, v58;
	v19 =	vnsel vm1, $0x0, v19;
	(xrf0) =	vadd.scan.msk.s32 $0xffff, v17;
	v17 =	vld [tilespmem:s0+$0xD290]  }
0x216: {  	v60 =	vimm.f32 $0.0e+00;
	[dreg:$0xa] =	wrdreg s29;
	s31 =	sand.u32 $0x1, s16;
	s3 =	spop (v2sf);
	v36, _, _ =	vpop (xrf0);
	[tilespmem:$0x1FF80] =	vst v12;
	v12 =	vsel vm0, v35, v58;
	(xrf0) =	vadd.scan.msk.s32 $0xffff, v19;
	v19 =	vld [tilespmem:s6+$0xCA80]  }
0x217: {  	v59 =	vimm.f32 $0.0e+00;
	v53 =	vimm.f32 $0.0e+00;
	v52 =	vimm.f32 $0.0e+00;
	s2 =	sshll.u32 s31, $0x6;
	s10 =	spop (v2sf);
	s0 =	simm.s32 $0x400;
	[tilespmem:$0x1FF90] =	vst v12;
	v12 =	vld [tilespmem:s26+$0xDA80];
	v37, _, _ =	vpop (xrf0)  }
.LBB2_3:
0x218: {  	[dreg:$0x11] =	wrdreg s26  }
0x219: {  	[dreg:$0x10] =	wrdreg s6  }
0x21a: {  	[dreg:$0xf] =	wrdreg s24  }
0x21b: {  	[dreg:$0xd] =	wrdreg s23  }
0x21c: {  	[dreg:$0x6] =	wrdreg s0  }
0x21d: {  	[dreg:$0x5] =	wrdreg s20;
	s23 =	spop (v2sf)  }
0x21e: {  	s4 =	sand.u32 $0x1, s10;
	s18 =	sadd.s32 s17, s2;
	v35 =	vld [tilespmem:s6+$0xCA90];
	(v2sf) =	vpush v37, $0xF;
	s24 =	spop (v2sf)  }
0x21f: {  	v46 =	vadd.f32 v14, v7;
	s10 =	sand.u32 $0x1, s3;
	s20 =	sshll.u32 s4, $0x6;
	v7 =	vld [tilespmem:s18+$0xC280];
	s26 =	spop (v2sf)  }
0x220: {  	(xrf2) =	vadd.scan.msk.f32 $0xffff, v22;
	s3 =	sand.u32 $0x1, s23;
	v14 =	vld [tilespmem:s18+$0xC290];
	s1 =	sadd.s32 s17, s20;
	s29 =	spop (v2sf)  }
0x221: {  	v47 =	vadd.f32 v18, v16;
	s3 =	sshll.u32 s3, $0x6;
	v16 =	vld [tilespmem:s1+$0xBA80];
	s4 =	sand.u32 $0x1, s26;
	s2 =	spop (v2sf)  }
0x222: {  	(v2sf) =	vpush v36, $0xF;
	s28 =	sadd.s32 s17, s3;
	v18 =	vld [tilespmem:s1+$0xBA90];
	v38, _, _ =	vpop (xrf0);
	s4 =	sshll.u32 s4, $0x6;
	s3 =	sand.u32 $0x1, s2  }
0x223: {  	v48 =	vadd.f32 v25, v20;
	v20 =	vld [tilespmem:s28+$0xB280];
	(v2sf) =	vpush v38, $0xF;
	v22, _, _ =	vpop (xrf0);
	s6 =	sadd.s32 s17, s4;
	s9 =	spop (v2sf);
	s3 =	sshll.u32 s3, $0x6  }
0x224: {  	p0 =	sne.s32 s0, $0x1E00;
	(v2sf) =	vpush v22, $0xF;
	v22 =	vld [tilespmem:s6+$0xAA80];
	s11 =	spop (v2sf);
	s16 =	sadd.s32 s17, s3  }
0x225: {  	v31 =	vadd.f32 v31, v24;
	[dreg:$0xc] =	wrdreg s18;
	s25 =	sand.u32 $0x1, s24;
	s4 =	sand.u32 $0x1, s11;
	v24 =	vld [tilespmem:s16+$0xA280]  }
0x226: {  	v40 =	vadd.f32 v23, v21;
	[dreg:$0x14] =	wrdreg s25;
	s14 =	spop (v2sf);
	s4 =	sshll.u32 s4, $0x6;
	v25 =	vld [tilespmem:s16+$0xA290];
	v21, _, _ =	vpop (xrf2);
	(xrf2) =	vadd.scan.msk.f32 $0xffff, v46  }
0x227: {  	[dreg:$0x12] =	wrdreg s28;
	s18 =	spop (v2sf);
	s11 =	sadd.s32 s17, s4;
	v23 =	vbroadcast v21, $0xF;
	v21 =	vld [tilespmem:s28+$0xB290]  }
0x228: {  	v49 =	vadd.f32 v27, v26;
	s31 =	sand.u32 $0x1, s29;
	s24 =	sand.u32 $0x1, s18;
	s25 =	spop (v2sf);
	v26 =	vld [tilespmem:s11+$0x9A80]  }
0x229: {  	[dreg:$0x13] =	wrdreg s6;
	(xrf2) =	vadd.scan.msk.f32 $0xffff, v47;
	s26 =	spop (v2sf);
	v58 =	vsel vm0, v23, v58;
	v23 =	vld [tilespmem:s6+$0xAA90];
	s6 =	sshll.u32 s24, $0x6  }
0x22a: {  	v50 =	vadd.f32 v30, v28;
	v27 =	vld [tilespmem:s11+$0x9A90];
	v28, _, _ =	vpop (xrf2);
	s18 =	sand.u32 $0x1, s26;
	s28 =	spop (v2sf);
	s4 =	sadd.s32 s17, s6  }
0x22b: {  	[dreg:$0x15] =	wrdreg s31;
	v42 =	vbroadcast v28, $0xF;
	s18 =	sshll.u32 s18, $0x6;
	s29 =	spop (v2sf);
	v28 =	vld [tilespmem:s4+$0x9280]  }
0x22c: {  	v30 =	vadd.f32 v32, v29;
	(xrf2) =	vadd.scan.msk.f32 $0xffff, v48;
	s6 =	sadd.s32 s17, s18;
	s31 =	sand.u32 $0x1, s29;
	v29 =	vld [tilespmem:s4+$0x9290];
	s0 =	spop (v2sf)  }
0x22d: {  	[dreg:$0xe] =	wrdreg s1;
	(xrf2) =	vadd.scan.msk.f32 $0xffff, v31;
	v31 =	vld [tilespmem:s6+$0x8A80];
	s26 =	sshll.u32 s31, $0x6;
	s1 =	spop (v2sf)  }
0x22e: {  	v32 =	vld [tilespmem:s6+$0x8A90];
	s29 =	sand.u32 $0x1, s1;
	s18 =	sadd.s32 s17, s26  }
0x22f: {  	v39 =	vadd.f32 v34, v33;
	s29 =	sshll.u32 s29, $0x6;
	v36 =	vld [tilespmem:s18+$0x8280]  }
0x230: {  	v38 =	vld [tilespmem:s18+$0x8290];
	s26 =	sadd.s32 s17, s29;
	v43, _, _ =	vpop (xrf2)  }
0x231: {  	s2 =	spop (v2sf);
	(xrf2) =	vadd.scan.msk.f32 $0xffff, v39;
	v39 =	vld [tilespmem:s26+$0x7A80];
	v44 =	vbroadcast v43, $0xF  }
0x232: {  	s3 =	spop (v2sf);
	v43 =	vld [tilespmem:$0x1FCE0]  }
0x233: {  	s20 =	sand.u32 $0x1, s9;
	s24 =	sand.u32 $0x1, s25;
	v45, _, _ =	vpop (xrf2);
	s9 =	sand.u32 $0x1, s3;
	v61 =	vsel vm0, v44, v61;
	v44 =	vld [tilespmem:$0x1FCF0]  }
0x234: {  	s25 =	sand.u32 $0x1, s28;
	v62 =	vsel vm0, v42, v62;
	s28 =	sand.u32 $0x1, s0;
	v41 =	vld [tilespmem:s26+$0x7A90];
	v42 =	vbroadcast v45, $0xF;
	s0 =	sshll.u32 s9, $0x6  }
0x235: {  	v33 =	vld [tilespmem:s26+$0x7AA0];
	s0 =	sadd.s32 s17, s0  }
0x236: {  	v46, _, _ =	vpop (xrf2);
	(xrf2) =	vadd.scan.msk.f32 $0xffff, v40;
	s9 =	sshll.u32 s12, $0x6;
	s12 =	spop (v2sf);
	v60 =	vsel vm0, v42, v60;
	v42 =	vld [tilespmem:s0+$0x6A80]  }
0x237: {  	s1 =	smov.u32 s22;
	s22 =	sand.u32 $0x1, s12;
	v40 =	vld [tilespmem:s0+$0x6A90];
	v43 =	vnsel vm1, $0x0, v43  }
0x238: {  	v45 =	vld [tilespmem:s0+$0x6AA0];
	s22 =	sshll.u32 s22, $0x6;
	(xrf0) =	vadd.scan.msk.s32 $0xffff, v43;
	v44 =	vnsel vm1, $0x0, v44  }
0x239: {  	v47, _, _ =	vpop (xrf2);
	v43 =	vld [tilespmem:s0+$0x6AB0];
	s0 =	sadd.s32 s17, s22;
	(xrf0) =	vadd.scan.msk.s32 $0xffff, v44  }
0x23a: {  	v48 =	vbroadcast v47, $0xF;
	v34 =	vld [tilespmem:s0+$0x7290]  }
0x23b: {  	v46 =	vbroadcast v46, $0xF;
	v44 =	vld [tilespmem:s0+$0x7280]  }
0x23c: {  	(xrf2) =	vadd.scan.msk.f32 $0xffff, v49;
	v47 =	vld [tilespmem:s0+$0x72B0];
	v49, _, _ =	vpop (xrf2)  }
0x23d: {  	v59 =	vsel vm0, v46, v59;
	v46 =	vld [tilespmem:s0+$0x72A0];
	v37 =	vbroadcast v49, $0xF  }
0x23e: {  	v53 =	vsel vm0, v48, v53;
	(xrf2) =	vadd.scan.msk.f32 $0xffff, v50;
	v50 =	vld [tilespmem:$0x1FFC0];
	v48, _, _ =	vpop (xrf0)  }
0x23f: {  	v52 =	vsel vm0, v37, v52;
	v37 =	vld [tilespmem:s26+$0x7AB0];
	v34 =	vadd.f32 v34, v40;
	(v2sf) =	vpush v48, $0xF;
	v49, _, _ =	vpop (xrf0)  }
0x240: {  	v40 =	vld [tilespmem:s18+$0x82B0];
	(v2sf) =	vpush v49, $0xF;
	v49, _, _ =	vpop (xrf2);
	(xrf2) =	vadd.scan.msk.f32 $0xffff, v30;
	v30 =	vadd.f32 v44, v42  }
0x241: {  	s15 =	sshll.u32 s15, $0x6;
	v43 =	vadd.f32 v47, v43;
	v47 =	vld [tilespmem:s4+$0x92B0]  }
0x242: {  	s23 =	sand.u32 $0x1, s14;
	s14 =	sshll.u32 s5, $0x6;
	s5 =	sshll.u32 s13, $0x6;
	v48 =	vld [tilespmem:s18+$0x82A0];
	v34 =	vadd.f32 v41, v34;
	v30 =	vadd.f32 v39, v30  }
0x243: {  	s13 =	rddreg [dreg:$0xa];
	s23 =	sshll.u32 s23, $0x6;
	s24 =	sshll.u32 s24, $0x6;
	v44 =	vadd.f32 v46, v45;
	v45 =	vld [tilespmem:s6+$0x8AA0]  }
0x244: {  	s25 =	sshll.u32 s25, $0x6;
	s24 =	sadd.s32 s17, s24;
	s28 =	sshll.u32 s28, $0x6;
	v42 =	vld [tilespmem:$0x1FFD0];
	v34 =	vadd.f32 v38, v34;
	v30 =	vadd.f32 v36, v30  }
0x245: {  	s31 =	sand.u32 $0x1, s2;
	s2 =	sadd.s32 s8, s1;
	s8 =	sadd.s32 s17, s25;
	v49 =	vbroadcast v49, $0xF;
	v39 =	vld [tilespmem:s6+$0x8AB0];
	v33 =	vadd.f32 v33, v44  }
0x246: {  	s29 =	sshll.u32 s19, $0x6;
	s19 =	sshll.u32 s7, $0x6;
	s7 =	rddreg [dreg:$0x14];
	v44 =	vld [tilespmem:s16+$0xA2A0];
	v30 =	vadd.f32 v31, v30;
	v31 =	vadd.f32 v32, v34  }
0x247: {  	s31 =	sshll.u32 s31, $0x6;
	s7 =	sshll.u32 s7, $0x6;
	s19 =	sadd.s32 s17, s19;
	v37 =	vadd.f32 v37, v43;
	v41 =	vsel vm0, v49, v50;
	v50 =	vld [tilespmem:s11+$0x9AB0]  }
0x248: {  	s25 =	sadd.s32 $0x10A80, s19;
	s3 =	sshll.u32 s30, $0x6;
	s30 =	sshll.u32 s13, $0x6;
	[tilespmem:$0x1FFC0] =	vst v41;
	v41 =	vld [tilespmem:s4+$0x92A0];
	v29 =	vadd.f32 v29, v31  }
0x249: {  	s30 =	sadd.s32 s17, s30;
	s12 =	sshll.u32 s10, $0x6;
	s10 =	rddreg [dreg:$0x15];
	v46, _, _ =	vpop (xrf2);
	v37 =	vadd.f32 v40, v37;
	v40 =	vld [tilespmem:s11+$0x9AA0];
	v28 =	vadd.f32 v28, v30  }
0x24a: {  	s12 =	sadd.s32 s17, s12;
	s22 =	sshll.u32 s10, $0x6;
	s10 =	rddreg [dreg:$0x9];
	v49 =	vbroadcast v46, $0xF;
	v33 =	vadd.f32 v48, v33;
	v48 =	vld [tilespmem:$0x1FFE0];
	v27 =	vadd.f32 v27, v29  }
0x24b: {  	s1 =	sadd.s32 s17, s10;
	s10 =	sadd.s32 s17, s5;
	s26 =	sadd.s32 s17, s23;
	v37 =	vadd.f32 v39, v37;
	v30 =	vld [tilespmem:s16+$0xA2B0];
	v26 =	vadd.f32 v26, v28  }
0x24c: {  	s5 =	sadd.s32 s17, s31;
	s19 =	sadd.s32 $0x10A80, s26;
	s26 =	rddreg [dreg:$0x13];
	v33 =	vadd.f32 v45, v33;
	v25 =	vadd.f32 v25, v27;
	v27 =	vld [tilespmem:$0x1FFF0]  }
0x24d: {  	s0 =	sadd.s32 s17, s3;
	s3 =	sadd.s32 s17, s14;
	s14 =	sadd.s32 s17, s15;
	v43, _, _ =	vpop (xrf2);
	v46 =	vadd.f32 v47, v37;
	v47 =	vld [tilespmem:s26+$0xAAA0];
	v24 =	vadd.f32 v24, v26  }
0x24e: {  	s15 =	sadd.s32 s17, s9;
	s11 =	sadd.s32 $0x10A80, s5;
	s5 =	rddreg [dreg:$0x12];
	v38 =	vsel vm0, v49, v42;
	v31 =	vadd.f32 v41, v33;
	v49, _, _ =	vpop (xrf2);
	v28 =	vld [tilespmem:s26+$0xAAB0]  }
0x24f: {  	s9 =	sadd.s32 s17, s7;
	s7 =	sadd.s32 s17, s28;
	s31 =	sadd.s32 $0x10A80, s0;
	v29 =	vbroadcast v49, $0xF;
	v32 =	vadd.f32 v50, v46;
	v50 =	vld [tilespmem:s5+$0xB2A0];
	v22 =	vadd.f32 v22, v24  }
0x250: {  	s0 =	sadd.s32 $0x10A80, s7;
	s7 =	rddreg [dreg:$0xe];
	s4 =	sadd.s32 $0x10A80, s12;
	v31 =	vadd.f32 v40, v31;
	v26 =	vld [tilespmem:s5+$0xB2B0];
	v23 =	vadd.f32 v23, v25  }
0x251: {  	s12 =	sadd.s32 $0x10A80, s9;
	s9 =	sadd.s32 $0x10A80, s8;
	s8 =	rddreg [dreg:$0xc];
	v24 =	vld [tilespmem:s7+$0xBAB0];
	v20 =	vadd.f32 v20, v22;
	v27 =	vsel vm0, v29, v27  }
0x252: {  	s22 =	sadd.s32 s17, s22;
	s28 =	sadd.s32 $0x10A80, s14;
	s14 =	sadd.s32 $0x10A80, s30;
	v21 =	vadd.f32 v21, v23;
	v22 =	vld [tilespmem:s8+$0xC2B0];
	[tilespmem:$0x1FFF0] =	vst v27;
	v27 =	vadd.f32 v44, v31  }
0x253: {  	s23 =	sshra.s32 s2, $0x2;
	s2 =	sadd.s32 $0x10A80, s15;
	s16 =	rddreg [dreg:$0x10];
	v29 =	vadd.f32 v30, v32;
	v30 =	vld [tilespmem:s7+$0xBAA0];
	v16 =	vadd.f32 v16, v20  }
0x254: {  	s15 =	sadd.s32 $0x10A80, s10;
	s10 =	sadd.s32 $0x10A80, s24;
	s24 =	rddreg [dreg:$0x6];
	v18 =	vadd.f32 v18, v21;
	v20 =	vld [tilespmem:s16+$0xCAB0];
	v25 =	vadd.f32 v47, v27  }
0x255: {  	s30 =	sadd.s32 $0x10A80, s22;
	s22 =	smov.u32 s24;
	s24 =	rddreg [dreg:$0x8];
	v27 =	vadd.f32 v28, v29;
	v28 =	vld [tilespmem:s8+$0xC2A0];
	v7 =	vadd.f32 v7, v16  }
0x256: {  	v14 =	vadd.f32 v14, v18;
	v16 =	vld [tilespmem:s24+$0xD2B0];
	v23 =	vadd.f32 v50, v25  }
0x257: {  	s29 =	sadd.s32 s17, s29;
	s26 =	rddreg [dreg:$0x11];
	v25 =	vadd.f32 v26, v27;
	v26 =	vld [tilespmem:s16+$0xCAA0];
	v7 =	vadd.f32 v19, v7  }
0x258: {  	[dreg:$0x7] =	wrdreg s1;
	s18 =	sadd.s32 $0x10A80, s1;
	s1 =	sadd.s32 $0x10A80, s29;
	v14 =	vadd.f32 v35, v14;
	v19 =	vld [tilespmem:s26+$0xDAB0];
	v21 =	vadd.f32 v30, v23  }
0x259: {  	s29 =	sadd.s32 $0x10A80, s3;
	s3 =	spop (v2sf);
	s8 =	rddreg [dreg:$0xf];
	v23 =	vadd.f32 v24, v25;
	v24 =	vld [tilespmem:s24+$0xD2A0];
	v7 =	vadd.f32 v15, v7  }
0x25a: {  	s3 =	sand.u32 $0x1, s3;
	v14 =	vadd.f32 v17, v14;
	v15 =	vld [tilespmem:s8+$0xE2B0];
	v18 =	vadd.f32 v28, v21  }
0x25b: {  	s5 =	spop (v2sf);
	s3 =	sshll.u32 s3, $0x6;
	s16 =	rddreg [dreg:$0xd];
	v21 =	vadd.f32 v22, v23;
	v22 =	vld [tilespmem:s26+$0xDAA0];
	v7 =	vadd.f32 v12, v7  }
0x25c: {  	s5 =	sand.u32 $0x1, s5;
	s3 =	sadd.s32 s17, s3;
	v12 =	vadd.f32 v13, v14;
	v13 =	vld [tilespmem:s16+$0xEAB0];
	v18 =	vadd.f32 v26, v18  }
0x25d: {  	s5 =	sshll.u32 s5, $0x6;
	s3 =	sadd.s32 $0x10A80, s3;
	v20 =	vadd.f32 v20, v21;
	v21 =	vld [tilespmem:s8+$0xE2A0];
	v7 =	vadd.f32 v10, v7  }
0x25e: {  	s5 =	sadd.s32 s17, s5;
	v10 =	vadd.f32 v11, v12;
	v11 =	vld [tilespmem:s3+$0x9810];
	v17 =	vadd.f32 v24, v18  }
0x25f: {  	s5 =	sadd.s32 $0x6A80, s5;
	v16 =	vadd.f32 v16, v20;
	v18 =	vld [tilespmem:s16+$0xEAA0];
	v7 =	vadd.f32 v8, v7  }
0x260: {  	v8 =	vadd.f32 v9, v10;
	v9 =	vld [tilespmem:s5+$0x9810];
	v14 =	vadd.f32 v22, v17  }
0x261: {  	v16 =	vadd.f32 v19, v16;
	v17 =	vld [tilespmem:s3+$0x9800]  }
0x262: {  	v3 =	vadd.f32 v3, v7;
	v7 =	vld [tilespmem:s5+$0x9830];
	v12 =	vadd.f32 v21, v14  }
0x263: {  	v4 =	vadd.f32 v4, v8;
	v8 =	vld [tilespmem:s3+$0x9820];
	v14 =	vadd.f32 v15, v16  }
0x264: {  	v15 =	vld [tilespmem:s5+$0x9800];
	v10 =	vadd.f32 v18, v12  }
0x265: {  	s13 =	rddreg [dreg:$0xb];
	v12 =	vadd.f32 v13, v14;
	v13 =	vld [tilespmem:s5+$0x9820]  }
0x266: {  	s13 =	sadd.s32 s17, s13;
	v16 =	vld [tilespmem:$0x1FF30];
	v5 =	vadd.f32 v5, v10  }
0x267: {  	s13 =	sadd.s32 $0x1AA80, s13;
	v0 =	vadd.f32 v0, v4;
	v6 =	vadd.f32 v6, v12;
	v10 =	vld [tilespmem:s3+$0x9830]  }
0x268: {  	v3 =	vadd.f32 v63, v3;
	v12 =	vld [tilespmem:s13+$0x10];
	v5 =	vadd.f32 v1, v5  }
0x269: {  	v6 =	vadd.f32 v2, v6;
	v1 =	vadd.f32 v9, v0;
	v0 =	vld [tilespmem:s13+$0x20]  }
0x26a: {  	v4 =	vadd.f32 v15, v3;
	v2 =	vadd.f32 v13, v5;
	v5 =	vld [tilespmem:s23+$0x1AA80]  }
0x26b: {  	v3 =	vadd.f32 v7, v6;
	v6 =	vld [tilespmem:s23+$0x1AAB0]  }
0x26c: {  	v7 =	vmul.f32 v17, v4;
	v9 =	vmul.f32 v11, v1;
	v11 =	vld [tilespmem:s18+$0x10]  }
0x26d: {  	v14 =	vld [tilespmem:s18+$0x30];
	v8 =	vmul.f32 v8, v2;
	v10 =	vmul.f32 v10, v3  }
0x26e: {  	v13 =	vld [tilespmem:s18+$0x20];
	v12 =	vmul.f32 v12, v1  }
0x26f: {  	v7 =	vadd.f32 v9, v7;
	v9 =	vld [tilespmem:s1+$0x800];
	v0 =	vmul.f32 v0, v2;
	v8 =	vadd.f32 v10, v8  }
0x270: {  	v15 =	vld [tilespmem:s1+$0x810];
	v5 =	vmul.f32 v5, v4;
	v10 =	vmul.f32 v6, v3  }
0x271: {  	v6 =	vmul.f32 v11, v1;
	v11 =	vld [tilespmem:s1+$0x830];
	v7 =	vadd.f32 v8, v7  }
0x272: {  	v8 =	vld [tilespmem:s1+$0x820];
	v5 =	vadd.f32 v12, v5;
	v0 =	vadd.f32 v10, v0  }
0x273: {  	v10 =	vmul.f32 v13, v2;
	v12 =	vld [tilespmem:s31+$0x1000];
	(xrf2) =	vadd.scan.msk.f32 $0xffff, v7;
	v7 =	vmul.f32 v14, v3  }
0x274: {  	v0 =	vadd.f32 v0, v5;
	v5 =	vmul.f32 v9, v4;
	v9 =	vld [tilespmem:s31+$0x1010]  }
0x275: {  	v22 =	vadd.f32 v7, v10;
	v7 =	vmul.f32 v15, v1;
	v10 =	vld [tilespmem:s31+$0x1020]  }
0x276: {  	v13 =	vld [tilespmem:s31+$0x1030]  }
0x277: {  	v8 =	vmul.f32 v8, v2;
	(xrf2) =	vadd.scan.msk.f32 $0xffff, v0;
	v0 =	vmul.f32 v11, v3;
	v5 =	vadd.f32 v7, v5;
	v7 =	vld [tilespmem:s29+$0x1800]  }
0x278: {  	v11 =	vmul.f32 v12, v4;
	v12 =	vld [tilespmem:s29+$0x1810]  }
0x279: {  	v0 =	vadd.f32 v0, v8;
	v8 =	vmul.f32 v9, v1;
	v9 =	vld [tilespmem:s29+$0x1820]  }
0x27a: {  	v14 =	vld [tilespmem:s29+$0x1830];
	v10 =	vmul.f32 v10, v2  }
0x27b: {  	v0 =	vadd.f32 v0, v5;
	v5 =	vmul.f32 v13, v3;
	v8 =	vadd.f32 v8, v11;
	v11 =	vld [tilespmem:s28+$0x2000]  }
0x27c: {  	v45 =	vbroadcast v43, $0xF;
	v13 =	vld [tilespmem:s28+$0x2010]  }
0x27d: {  	v7 =	vmul.f32 v7, v4;
	v5 =	vadd.f32 v5, v10;
	v10 =	vmul.f32 v12, v1;
	v12 =	vld [tilespmem:s28+$0x2020]  }
0x27e: {  	v37 =	vsel vm0, v45, v48;
	v15, _, _ =	vpop (xrf2);
	(xrf2) =	vadd.scan.msk.f32 $0xffff, v0;
	v0 =	vmul.f32 v9, v2;
	v9 =	vld [tilespmem:s28+$0x2030]  }
0x27f: {  	v14 =	vmul.f32 v14, v3;
	v17 =	vbroadcast v15, $0xF;
	v7 =	vadd.f32 v10, v7;
	v10 =	vld [tilespmem:s2+$0x2800]  }
0x280: {  	vm0 =	vmmov vm1;
	v5 =	vadd.f32 v5, v8;
	v8 =	vmul.f32 v11, v4;
	v11 =	vld [tilespmem:s2+$0x2810]  }
0x281: {  	v13 =	vmul.f32 v13, v1;
	v16 =	vsel vm0, v17, v16;
	v0 =	vadd.f32 v14, v0;
	v14 =	vld [tilespmem:s2+$0x2820]  }
0x282: {  	[tilespmem:$0x1FF30] =	vst v16;
	v12 =	vmul.f32 v12, v2;
	v16 =	vld [tilespmem:s2+$0x2830]  }
0x283: {  	v15, _, _ =	vpop (xrf2);
	(xrf2) =	vadd.scan.msk.f32 $0xffff, v5;
	v0 =	vadd.f32 v0, v7;
	v7 =	vadd.f32 v13, v8;
	v8 =	vld [tilespmem:s25+$0x3000];
	v5 =	vmul.f32 v9, v3  }
0x284: {  	s21 =	sshll.u32 s21, $0x6;
	v15 =	vbroadcast v15, $0xF;
	v9 =	vmul.f32 v10, v4;
	v10 =	vld [tilespmem:s25+$0x3010]  }
0x285: {  	s21 =	sadd.s32 s17, s21;
	v5 =	vadd.f32 v5, v12;
	v12 =	vld [tilespmem:s25+$0x3020]  }
0x286: {  	s21 =	sadd.s32 $0x10A80, s21;
	v13 =	vld [tilespmem:s25+$0x3030];
	v56 =	vsel vm0, v15, v56;
	(xrf2) =	vadd.scan.msk.f32 $0xffff, v0;
	v11 =	vmul.f32 v11, v1  }
0x287: {  	v15 =	vld [tilespmem:s21+$0x3810];
	v0 =	vmul.f32 v14, v2;
	v5 =	vadd.f32 v5, v7;
	v7 =	vmul.f32 v16, v3  }
0x288: {  	v9 =	vadd.f32 v11, v9;
	v11 =	vld [tilespmem:s21+$0x3800]  }
0x289: {  	v14, _, _ =	vpop (xrf2);
	v8 =	vmul.f32 v8, v4;
	v0 =	vadd.f32 v7, v0;
	v7 =	vmul.f32 v10, v1;
	v10 =	vld [tilespmem:s21+$0x3820]  }
0x28a: {  	v14 =	vbroadcast v14, $0xF;
	(xrf2) =	vadd.scan.msk.f32 $0xffff, v5;
	v5 =	vmul.f32 v12, v2;
	v12 =	vld [tilespmem:s21+$0x3830]  }
0x28b: {  	v0 =	vadd.f32 v0, v9;
	v9 =	vmul.f32 v13, v3;
	v7 =	vadd.f32 v7, v8;
	v8 =	vld [tilespmem:s15+$0x4000]  }
0x28c: {  	v13 =	vld [tilespmem:s15+$0x4010]  }
0x28d: {  	v5 =	vadd.f32 v9, v5;
	v9 =	vmul.f32 v15, v1;
	v15 =	vld [tilespmem:s15+$0x4020]  }
0x28e: {  	v54 =	vsel vm0, v14, v54;
	v14, _, _ =	vpop (xrf2);
	(xrf2) =	vadd.scan.msk.f32 $0xffff, v0;
	v0 =	vmul.f32 v10, v2;
	v10 =	vld [tilespmem:s15+$0x4030]  }
0x28f: {  	v11 =	vmul.f32 v11, v4;
	v5 =	vadd.f32 v5, v7;
	v7 =	vmul.f32 v12, v3  }
0x290: {  	v12, _, _ =	vpop (xrf2)  }
0x291: {  	v9 =	vadd.f32 v9, v11;
	v12 =	vbroadcast v12, $0xF;
	v0 =	vadd.f32 v7, v0  }
0x292: {  	v8 =	vmul.f32 v8, v4;
	v7 =	vmul.f32 v13, v1  }
0x293: {  	(xrf2) =	vadd.scan.msk.f32 $0xffff, v5;
	v5 =	vmul.f32 v15, v2;
	v0 =	vadd.f32 v0, v9;
	v9 =	vmul.f32 v10, v3  }
0x294: {  	v55 =	vsel vm0, v12, v55;
	v12 =	vld [tilespmem:s14+$0x4830]  }
0x295: {  	v7 =	vadd.f32 v7, v8;
	v10, _, _ =	vpop (xrf2);
	v5 =	vadd.f32 v9, v5;
	(xrf2) =	vadd.scan.msk.f32 $0xffff, v0;
	v0 =	vld [tilespmem:$0x1FF60];
	_ =	sdelay $0x1  }
0x296: {  	v5 =	vadd.f32 v5, v7  }
0x297: {  	v10 =	vbroadcast v10, $0xF  }
0x298: {  	v7 =	vmul.f32 v12, v3;
	v12, _, _ =	vpop (xrf2);
	(xrf2) =	vadd.scan.msk.f32 $0xffff, v5;
	v5 =	vld [tilespmem:$0x1FF70]  }
0x299: {  	v0 =	vsel vm0, v10, v0;
	v10 =	vld [tilespmem:s4+$0x5030]  }
0x29a: {  	s20 =	sshll.u32 s20, $0x6  }
0x29b: {  	s20 =	sadd.s32 s17, s20;
	v12 =	vbroadcast v12, $0xF  }
0x29c: {  	s6 =	sadd.s32 $0x10A80, s20;
	s20 =	rddreg [dreg:$0x5]  }
0x29d: {  	s20 =	sadd.s32 $0x1, s20;
	v5 =	vsel vm0, v12, v5  }
0x29e: {  	[tilespmem:$0x1FF70] =	vst v5;
	v5 =	vmov s20;
	v16 =	vmul.f32 v10, v3;
	v10 =	vlaneseq.u32  }
0x29f: {  	vm1 =	veq.s32 v5, v10;
	v5 =	vld [tilespmem:$0x1FD00];
	_ =	sdelay $0x4  }
0x2a0: {  	v5 =	vnsel vm1, $0x0, v5  }
0x2a1: {  	(xrf0) =	vadd.scan.msk.s32 $0xffff, v5;
	v5 =	vld [tilespmem:$0x1FD70];
	_ =	sdelay $0x4  }
0x2a2: {  	v30 =	vnsel vm1, $0x0, v5;
	v5 =	vld [tilespmem:$0x1FD90];
	_ =	sdelay $0x4  }
0x2a3: {  	v31 =	vnsel vm1, $0x0, v5;
	v5 =	vld [tilespmem:$0x1FDB0]  }
0x2a4: {  	v14 =	vbroadcast v14, $0xF  }
0x2a5: {  	v11 =	vld [tilespmem:s14+$0x4800]  }
0x2a6: {  	v57 =	vsel vm0, v14, v57;
	v14 =	vld [tilespmem:s14+$0x4810]  }
0x2a7: {  	v13 =	vld [tilespmem:s14+$0x4820]  }
0x2a8: {  	v32 =	vnsel vm1, $0x0, v5;
	v5 =	vld [tilespmem:$0x1FDD0]  }
0x2a9: {  	v15 =	vld [tilespmem:s4+$0x5010]  }
0x2aa: {  	v8 =	vld [tilespmem:s4+$0x5000]  }
0x2ab: {  	v34 =	vld [tilespmem:s6+$0x6810]  }
0x2ac: {  	v39 =	vld [tilespmem:s6+$0x6820]  }
0x2ad: {  	[tilespmem:$0x1FF60] =	vst v0;
	v0 =	vmul.f32 v13, v2;
	v35 =	vnsel vm1, $0x0, v5;
	v5 =	vld [tilespmem:$0x1FDF0]  }
0x2ae: {  	v33 =	vld [tilespmem:s6+$0x6800];
	v11 =	vmul.f32 v11, v4;
	v9 =	vmul.f32 v14, v1  }
0x2af: {  	v21 =	vld [tilespmem:s12+$0x5820];
	v13 =	vmul.f32 v8, v4;
	v0 =	vadd.f32 v7, v0;
	v7 =	vmul.f32 v15, v1  }
0x2b0: {  	v9 =	vadd.f32 v9, v11;
	v11 =	vld [tilespmem:s12+$0x5800]  }
0x2b1: {  	v7 =	vadd.f32 v7, v13;
	v13 =	vld [tilespmem:$0x1FD50]  }
0x2b2: {  	v36 =	vnsel vm1, $0x0, v5;
	v5 =	vld [tilespmem:$0x1FE10]  }
0x2b3: {  	v12 =	vadd.f32 v0, v9;
	v9 =	vld [tilespmem:$0x1FD10]  }
0x2b4: {  	v10 =	vld [tilespmem:$0x1FD20]  }
0x2b5: {  	v0 =	vmul.f32 v11, v4;
	v11 =	vld [tilespmem:$0x1FD30]  }
0x2b6: {  	v27 =	vnsel vm1, $0x0, v13;
	v13 =	vld [tilespmem:$0x1FD60]  }
0x2b7: {  	[tilespmem:$0x1FFE0] =	vst v37;
	v37 =	vnsel vm1, $0x0, v5;
	v5 =	vld [tilespmem:$0x1FD40]  }
0x2b8: {  	v46 =	vld [tilespmem:s6+$0x6830];
	v15 =	vnsel vm1, $0x0, v9  }
0x2b9: {  	v49 =	vld [tilespmem:s9+$0x8030];
	v10 =	vnsel vm1, $0x0, v10;
	(xrf0) =	vadd.scan.msk.s32 $0xffff, v15  }
0x2ba: {  	v24 =	vld [tilespmem:s30+$0x6000];
	v11 =	vnsel vm1, $0x0, v11;
	(xrf0) =	vadd.scan.msk.s32 $0xffff, v10  }
0x2bb: {  	[tilespmem:$0x1FFD0] =	vst v38;
	v38 =	vmul.f32 v21, v2;
	v21 =	vld [tilespmem:$0x1FD80];
	(xrf0) =	vadd.scan.msk.s32 $0xffff, v11  }
0x2bc: {  	v29 =	vld [tilespmem:s30+$0x6030];
	v28 =	vnsel vm1, $0x0, v13;
	v5 =	vnsel vm1, $0x0, v5  }
0x2bd: {  	v25 =	vld [tilespmem:s30+$0x6010];
	(xrf0) =	vadd.scan.msk.s32 $0xffff, v5  }
0x2be: {  	v19 =	vld [tilespmem:s12+$0x5810];
	v63, _, _ =	vpop (xrf0);
	(xrf0) =	vadd.scan.msk.s32 $0xffff, v27  }
0x2bf: {  	v10 =	vld [tilespmem:$0x1FE30];
	(v2sf) =	vpush v63, $0xF;
	(xrf0) =	vadd.scan.msk.s32 $0xffff, v28;
	v28, _, _ =	vpop (xrf0)  }
0x2c0: {  	v41 =	vmul.f32 v24, v4;
	v24 =	vld [tilespmem:$0x1FDA0];
	v44 =	vnsel vm1, $0x0, v21;
	(v2sf) =	vpush v28, $0xF;
	v21, _, _ =	vpop (xrf0)  }
0x2c1: {  	v23 =	vld [tilespmem:s12+$0x5830];
	(v2sf) =	vpush v21, $0xF;
	v21, _, _ =	vpop (xrf0)  }
0x2c2: {  	(v2sf) =	vpush v21, $0xF;
	v21 =	vld [tilespmem:$0x1FDC0]  }
0x2c3: {  	v47 =	vmul.f32 v19, v1;
	v19 =	vld [tilespmem:s19+$0x7010];
	(xrf0) =	vadd.scan.msk.s32 $0xffff, v30  }
0x2c4: {  	v42 =	vnsel vm1, $0x0, v10;
	v10 =	vld [tilespmem:$0x1FE50];
	(xrf0) =	vadd.scan.msk.s32 $0xffff, v44;
	v30, _, _ =	vpop (xrf0)  }
0x2c5: {  	v43 =	vmul.f32 v25, v1;
	v25 =	vnsel vm1, $0x0, v24;
	v27 =	vld [tilespmem:s19+$0x7000];
	(xrf0) =	vadd.scan.msk.s32 $0xffff, v31;
	(v2sf) =	vpush v30, $0xF;
	v30, _, _ =	vpop (xrf0)  }
0x2c6: {  	(xrf0) =	vadd.scan.msk.s32 $0xffff, v25;
	(v2sf) =	vpush v30, $0xF;
	v30 =	vld [tilespmem:$0x1FDE0]  }
0x2c7: {  	v48 =	vmul.f32 v23, v3;
	v23 =	vld [tilespmem:s19+$0x7020];
	(xrf0) =	vadd.scan.msk.s32 $0xffff, v32;
	v31 =	vnsel vm1, $0x0, v21  }
0x2c8: {  	(xrf0) =	vadd.scan.msk.s32 $0xffff, v31;
	v31 =	vmul.f32 v39, v2;
	v39 =	vmul.f32 v19, v1;
	v19 =	vld [tilespmem:$0x1FE00]  }
0x2c9: {  	v14 =	vld [tilespmem:s4+$0x5020];
	v21, _, _ =	vpop (xrf0)  }
0x2ca: {  	v40 =	vmul.f32 v33, v4;
	v33 =	vmul.f32 v27, v4;
	v27 =	vld [tilespmem:s9+$0x8000];
	(v2sf) =	vpush v21, $0xF;
	v21, _, _ =	vpop (xrf0)  }
0x2cb: {  	v45 =	vnsel vm1, $0x0, v10;
	v10 =	vld [tilespmem:$0x1FE70];
	(v2sf) =	vpush v21, $0xF;
	v50 =	vnsel vm1, $0x0, v30;
	v30, _, _ =	vpop (xrf0)  }
0x2cc: {  	v28 =	vld [tilespmem:s19+$0x7030];
	v21 =	vmul.f32 v23, v2;
	(v2sf) =	vpush v30, $0xF;
	v23, _, _ =	vpop (xrf0)  }
0x2cd: {  	(v2sf) =	vpush v23, $0xF;
	v23 =	vld [tilespmem:$0x1FE20];
	v63 =	vnsel vm1, $0x0, v19;
	v19, _, _ =	vpop (xrf0)  }
0x2ce: {  	v14 =	vmul.f32 v14, v2;
	v25 =	vmul.f32 v29, v3;
	v29 =	vld [tilespmem:s10+$0x7810];
	(xrf0) =	vadd.scan.msk.s32 $0xffff, v35;
	(v2sf) =	vpush v19, $0xF;
	v19, _, _ =	vpop (xrf0)  }
0x2cf: {  	(xrf0) =	vadd.scan.msk.s32 $0xffff, v50;
	(v2sf) =	vpush v19, $0xF;
	v19 =	vmul.f32 v27, v4;
	v27 =	vld [tilespmem:$0x1FE40]  }
0x2d0: {  	v14 =	vadd.f32 v16, v14;
	v16 =	vld [tilespmem:$0x1FE60];
	(xrf0) =	vadd.scan.msk.s32 $0xffff, v36  }
0x2d1: {  	v35 =	vld [tilespmem:s9+$0x8010];
	(xrf0) =	vadd.scan.msk.s32 $0xffff, v63  }
0x2d2: {  	v26 =	vld [tilespmem:s30+$0x6020];
	(xrf0) =	vadd.scan.msk.s32 $0xffff, v37;
	v50 =	vnsel vm1, $0x0, v23  }
0x2d3: {  	v18 =	vnsel vm1, $0x0, v10;
	v10 =	vld [tilespmem:$0x1FE90];
	v30 =	vmul.f32 v28, v3;
	v28 =	vmul.f32 v29, v1;
	v29, _, _ =	vpop (xrf0);
	(xrf0) =	vadd.scan.msk.s32 $0xffff, v50  }
0x2d4: {  	v44 =	vmul.f32 v34, v1;
	v34 =	vmul.f32 v46, v3;
	v46 =	vld [tilespmem:s10+$0x7830];
	v63, _, _ =	vpop (xrf0);
	(xrf0) =	vadd.scan.msk.s32 $0xffff, v42;
	v27 =	vnsel vm1, $0x0, v27  }
0x2d5: {  	v32 =	vld [tilespmem:s10+$0x7820];
	v50, _, _ =	vpop (xrf0);
	(xrf0) =	vadd.scan.msk.s32 $0xffff, v27  }
0x2d6: {  	v16 =	vnsel vm1, $0x0, v16;
	v36 =	vld [tilespmem:s9+$0x8020];
	(v2sf) =	vpush v29, $0xF;
	v29 =	vmul.f32 v35, v1;
	v35, _, _ =	vpop (xrf0);
	(xrf0) =	vadd.scan.msk.s32 $0xffff, v45  }
0x2d7: {  	(xrf0) =	vadd.scan.msk.s32 $0xffff, v16;
	v16 =	vadd.f32 v47, v0;
	v0 =	vld [tilespmem:$0x1FE80]  }
0x2d8: {  	v24 =	vmul.f32 v26, v2;
	v26 =	vld [tilespmem:s10+$0x7800]  }
0x2d9: {  	v20 =	vnsel vm1, $0x0, v10;
	v10 =	vld [tilespmem:$0x1FEB0];
	(v2sf) =	vpush v63, $0xF  }
0x2da: {  	v5 =	vld [tilespmem:$0x1FED0];
	v23 =	vmul.f32 v32, v2;
	(v2sf) =	vpush v50, $0xF  }
0x2db: {  	s17 =	spop (v2sf);
	v37 =	vld [tilespmem:s0+$0x8800];
	v27 =	vmul.f32 v36, v2;
	v36 =	vmul.f32 v49, v3;
	v49, _, _ =	vpop (xrf0);
	(v2sf) =	vpush v35, $0xF  }
0x2dc: {  	s18 =	spop (v2sf);
	v32 =	vmul.f32 v46, v3;
	v46 =	vld [tilespmem:s0+$0x8810];
	(v2sf) =	vpush v49, $0xF;
	v49, _, _ =	vpop (xrf0);
	(xrf0) =	vadd.scan.msk.s32 $0xffff, v18;
	v50 =	vnsel vm1, $0x0, v0  }
0x2dd: {  	s21 =	spop (v2sf);
	(v2sf) =	vpush v49, $0xF;
	v0, _, _ =	vpop (xrf0);
	(xrf0) =	vadd.scan.msk.s32 $0xffff, v50;
	v50 =	vld [tilespmem:$0x1FEA0]  }
0x2de: {  	s23 =	spop (v2sf);
	v42 =	vld [tilespmem:s0+$0x8820];
	(v2sf) =	vpush v0, $0xF;
	v0, _, _ =	vpop (xrf0)  }
0x2df: {  	s26 =	spop (v2sf);
	(v2sf) =	vpush v0, $0xF;
	v0 =	vld [tilespmem:$0x1FEC0]  }
0x2e0: {  	v45 =	vld [tilespmem:s11+$0x9000]  }
0x2e1: {  	v35 =	vmul.f32 v37, v4;
	v37 =	vmul.f32 v46, v1;
	v46 =	vld [tilespmem:s11+$0x9020]  }
0x2e2: {  	s24 =	rddreg [dreg:$0x7];
	v18 =	vadd.f32 v48, v38;
	v48 =	vld [tilespmem:s11+$0x9030];
	v49 =	vnsel vm1, $0x0, v50  }
0x2e3: {  	v50 =	vld [tilespmem:s24+$0x10A80]  }
0x2e4: {  	v8, _, _ =	vpop (xrf2);
	v17 =	vnsel vm1, $0x0, v10;
	(xrf0) =	vadd.scan.msk.s32 $0xffff, v20;
	v20 =	vadd.f32 v43, v41;
	v43 =	vnsel vm1, $0x0, v0  }
0x2e5: {  	v10 =	vld [tilespmem:$0x1FF10];
	v15 =	vnsel vm1, $0x0, v5;
	v25 =	vadd.f32 v25, v24;
	v38 =	vmul.f32 v42, v2;
	(xrf0) =	vadd.scan.msk.s32 $0xffff, v49;
	v49, _, _ =	vpop (xrf0)  }
0x2e6: {  	v24 =	vadd.f32 v44, v40;
	s28 =	spop (v2sf);
	v40 =	vmul.f32 v46, v2;
	v2 =	vld [tilespmem:$0x1FEE0];
	v41 =	vmul.f32 v45, v4;
	v45, _, _ =	vpop (xrf0);
	(xrf0) =	vadd.scan.msk.s32 $0xffff, v17  }
0x2e7: {  	v26 =	vmul.f32 v26, v4;
	v5 =	vld [tilespmem:$0x1FEF0];
	s29 =	spop (v2sf);
	(v2sf) =	vpush v49, $0xF;
	(xrf0) =	vadd.scan.msk.s32 $0xffff, v43;
	v43, _, _ =	vpop (xrf0)  }
0x2e8: {  	s31 =	spop (v2sf);
	v46 =	vmul.f32 v48, v3;
	v48 =	vmul.f32 v50, v4;
	v4 =	vld [tilespmem:$0x1FF00];
	(v2sf) =	vpush v43, $0xF;
	v43, _, _ =	vpop (xrf0)  }
0x2e9: {  	v63 =	vld [tilespmem:s0+$0x8830];
	s6 =	spop (v2sf);
	(xrf0) =	vadd.scan.msk.s32 $0xffff, v15;
	v15, _, _ =	vpop (xrf0);
	(v2sf) =	vpush v45, $0xF  }
0x2ea: {  	v33 =	vadd.f32 v39, v33;
	v47 =	vld [tilespmem:s11+$0x9010];
	s7 =	spop (v2sf);
	(v2sf) =	vpush v15, $0xF;
	v15, _, _ =	vpop (xrf0)  }
0x2eb: {  	s19 =	rddreg [dreg:$0x6];
	s0 =	sand.u32 $0x1, s17;
	s9 =	spop (v2sf);
	v49 =	vnsel vm1, $0x0, v2;
	v39 =	vadd.f32 v6, v48;
	v6 =	vld [tilespmem:$0x1FF20];
	v50, _, _ =	vpop (xrf0);
	(v2sf) =	vpush v43, $0xF  }
0x2ec: {  	v9, _, _ =	vpop (xrf2);
	v13 =	vnsel vm1, $0x0, v10;
	v10 =	vld [tilespmem:$0x1FF40];
	v5 =	vnsel vm1, $0x0, v5;
	s17 =	sshra.s32 s19, $0x2;
	s0 =	sshll.u32 s0, $0x6;
	s10 =	spop (v2sf);
	(xrf0) =	vadd.scan.msk.s32 $0xffff, v49;
	(v2sf) =	vpush v50, $0xF  }
0x2ed: {  	s0 =	sadd.s32 s17, s0;
	s11 =	spop (v2sf);
	(xrf0) =	vadd.scan.msk.s32 $0xffff, v5;
	v49 =	vnsel vm1, $0x0, v4;
	(v2sf) =	vpush v15, $0xF;
	v15 =	vbroadcast v9, $0xF;
	v9 =	vld [tilespmem:$0x1FF50]  }
0x2ee: {  	v11, _, _ =	vpop (xrf2);
	s1 =	sand.u32 $0x1, s18;
	s25 =	sand.u32 $0x1, s21;
	v42 =	vmul.f32 v63, v3;
	v63 =	vld [tilespmem:s0+$0xFA80];
	(xrf0) =	vadd.scan.msk.s32 $0xffff, v49  }
0x2ef: {  	v31 =	vadd.f32 v34, v31;
	s8 =	sshll.u32 s1, $0x8;
	s1 =	sshll.u32 s25, $0x6;
	v0 =	vld [tilespmem:s0+$0xFA90];
	v50, _, _ =	vpop (xrf0)  }
0x2f0: {  	v34 =	vadd.f32 v30, v21;
	s19 =	sand.u32 $0x1, s23;
	[dreg:$0x9] =	wrdreg s1;
	s2 =	sand.u32 $0x1, s26;
	v17 =	vmul.f32 v47, v1;
	v1 =	vld [tilespmem:s0+$0xFAA0];
	v49 =	vnsel vm1, $0x0, v6;
	(xrf0) =	vadd.scan.msk.s32 $0xffff, v13;
	v13, _, _ =	vpop (xrf0)  }
0x2f1: {  	v10 =	vnsel vm1, $0x0, v10;
	v21 =	vadd.f32 v28, v26;
	s2 =	sshll.u32 s2, $0x6;
	s13 =	spop (v2sf);
	v2 =	vld [tilespmem:s0+$0xFAB0];
	s0 =	sand.u32 $0x1, s6;
	(xrf0) =	vadd.scan.msk.s32 $0xffff, v49;
	(v2sf) =	vpush v13, $0xF;
	v13, _, _ =	vpop (xrf0)  }
0x2f2: {  	s2 =	sadd.s32 s17, s2;
	s14 =	spop (v2sf);
	v47 =	vbroadcast v11, $0xF;
	v11 =	vld [tilespmem:$0x1FFA0];
	s0 =	sshll.u32 s0, $0x6;
	(xrf0) =	vadd.scan.msk.s32 $0xffff, v10;
	v28, _, _ =	vpop (xrf0);
	(v2sf) =	vpush v50, $0xF;
	v26 =	vnsel vm1, $0x0, v9  }
0x2f3: {  	s30 =	sand.u32 $0x1, s28;
	v3 =	vld [tilespmem:s2+$0xF280];
	s16 =	spop (v2sf);
	s23 =	sadd.s32 s17, s0;
	(v2sf) =	vpush v28, $0xF;
	(xrf0) =	vadd.scan.msk.s32 $0xffff, v26;
	v26 =	vadd.f32 v29, v19;
	v29, _, _ =	vpop (xrf0)  }
0x2f4: {  	s5 =	sand.u32 $0x1, s29;
	s1 =	sand.u32 $0x1, s9;
	s18 =	spop (v2sf);
	v48 =	vbroadcast v8, $0xF;
	v8 =	vld [tilespmem:s23+$0xEA80];
	(v2sf) =	vpush v13, $0xF;
	v19, _, _ =	vpop (xrf0)  }
0x2f5: {  	s1 =	sshll.u32 s1, $0x6;
	s28 =	spop (v2sf);
	s0 =	sand.u32 $0x1, s11;
	v5 =	vld [tilespmem:s2+$0xF2A0];
	(v2sf) =	vpush v19, $0xF  }
0x2f6: {  	s24 =	sadd.s32 s17, s1;
	s0 =	sshll.u32 s0, $0x6;
	s29 =	spop (v2sf);
	(v2sf) =	vpush v29, $0xF;
	v29 =	vld [tilespmem:$0x1FF90]  }
0x2f7: {  	s26 =	sadd.s32 s17, s0;
	v30 =	vnsel vm1, $0x0, v11;
	v11 =	vld [tilespmem:s24+$0xE290]  }
0x2f8: {  	(xrf2) =	vadd.scan.msk.f32 $0xffff, v12;
	v12 =	vld [tilespmem:s26+$0xDA80]  }
0x2f9: {  	v4 =	vld [tilespmem:s2+$0xF290]  }
0x2fa: {  	s4 =	sshrl.u32 s8, $0x2;
	v6 =	vld [tilespmem:s2+$0xF2B0]  }
0x2fb: {  	[dreg:$0xb] =	wrdreg s4;
	v19 =	vld [tilespmem:$0x1FF80];
	v29 =	vsel vm0, v47, v29  }
0x2fc: {  	s15 =	sand.u32 $0x1, s31;
	s31 =	rddreg [dreg:$0x6];
	s12 =	sand.u32 $0x1, s7;
	[tilespmem:$0x1FF90] =	vst v29;
	v29 =	vadd.f32 v17, v41;
	v17 =	vld [tilespmem:$0x1FFB0]  }
0x2fd: {  	s7 =	sand.u32 $0x1, s10;
	s21 =	sand.u32 $0x1, s13;
	s1 =	sand.u32 $0x1, s14;
	v10 =	vld [tilespmem:s24+$0xE280]  }
.Ltmp0:
0x2fe: {  	s1 =	sshll.u32 s1, $0x6;
	s0 =	sand.u32 $0x1, s18;
	v9 =	vld [tilespmem:s23+$0xEA90];
	(pc) =	sbr.rel @p0 .LBB2_3-.Ltmp0, $4  }
0x2ff: {  	v23 =	vadd.f32 v32, v23;
	v27 =	vadd.f32 v36, v27;
	s13 =	sand.u32 $0x1, s16;
	s25 =	sadd.s32 s17, s1;
	v51 =	vsel vm0, v48, v51;
	s0 =	sshll.u32 s0, $0x6;
	v13 =	vld [tilespmem:s26+$0xDA90];
	v48, _, _ =	vpop (xrf0)  }
0x300: {  	v32 =	vadd.f32 v46, v40;
	s1 =	sand.u32 $0x1, s28;
	[dreg:$0x8] =	wrdreg s25;
	v22 =	vadd.f32 v22, v39;
	s6 =	sadd.s32 s17, s0;
	v49 =	vsel vm0, v15, v19;
	v15 =	vld [tilespmem:s25+$0xD280];
	v19, _, _ =	vpop (xrf0)  }
0x301: {  	[dreg:$0xa] =	wrdreg s1;
	s1 =	sand.u32 $0x1, s29;
	s3 =	spop (v2sf);
	v28 =	vadd.f32 v37, v35;
	(xrf0) =	vadd.scan.msk.s32 $0xffff, v30;
	(v2sf) =	vpush v19, $0xF;
	v36, _, _ =	vpop (xrf0);
	v19 =	vld [tilespmem:s6+$0xCA80];
	v50 =	vnsel vm1, $0x0, v17  }
0x302: {  	s0 =	sadd.s32 $0x200, s31;
	s2 =	sshll.u32 s1, $0x6;
	v30 =	vadd.f32 v42, v38;
	s10 =	spop (v2sf);
	[tilespmem:$0x1FF80] =	vst v49;
	v37, _, _ =	vpop (xrf0);
	(v2sf) =	vpush v48, $0xF;
	v17 =	vld [tilespmem:s25+$0xD290];
	(xrf0) =	vadd.scan.msk.s32 $0xffff, v50  }
0x303: {  	_ =	sdelay $0x2  }
0x304: {  	(v2sf) =	vpush v37, $0xF  }
0x305: {  	s11 =	spop (v2sf);
	(v2sf) =	vpush v36, $0xF;
	v35, _, _ =	vpop (xrf0)  }
0x306: {  	s18 =	spop (v2sf);
	(v2sf) =	vpush v35, $0xF  }
0x307: {  	s20 =	spop (v2sf)  }
0x308: {  	s0 =	spop (v2sf)  }
0x309: {  	s4 =	smov.u32 s7;
	s7 =	spop (v2sf)  }
0x30a: {  	s28 =	spop (v2sf)  }
0x30b: {  	s9 =	spop (v2sf)  }
0x30c: {  	s29 =	spop (v2sf)  }
0x30d: {  	[smem:$0x7F2] =	sst s0;
	s0 =	smov.u32 s12;
	v47, _, _ =	vpop (xrf0);
	s12 =	spop (v2sf)  }
0x30e: {  	(v2sf) =	vpush v47, $0xF;
	s1 =	spop (v2sf)  }
0x30f: {  	s16 =	smov.u32 s13;
	s13 =	spop (v2sf)  }
0x310: {  	[smem:$0x7F3] =	sst s28;
	s28 =	smov.u32 s5;
	s5 =	spop (v2sf)  }
0x311: {  	s25 =	smov.u32 s8;
	s14 =	spop (v2sf)  }
0x312: {  	[smem:$0x7F4] =	sst s29;
	s13 =	sand.u32 $0x1, s13;
	s31 =	spop (v2sf)  }
0x313: {  	s29 =	smov.u32 s15;
	s13 =	sshll.u32 s13, $0x6;
	s15 =	spop (v2sf)  }
0x314: {  	[smem:$0x7F5] =	sst s1;
	s13 =	sadd.s32 s17, s13;
	s8 =	spop (v2sf)  }
0x315: {  	s14 =	sand.u32 $0x1, s14;
	[smem:$0x7F6] =	sst s31;
	s1 =	spop (v2sf)  }
0x316: {  	s31 =	smov.u32 s19;
	s14 =	sshll.u32 s14, $0x6;
	s19 =	sand.u32 $0x1, s1  }
0x317: {  	v43 =	vld [tilespmem:s13+$0x8A80];
	s14 =	sadd.s32 s17, s14;
	s19 =	sshll.u32 s19, $0x6  }
0x318: {  	v38 =	vld [tilespmem:s14+$0x8280];
	s19 =	sadd.s32 s17, s19  }
0x319: {  	s12 =	sand.u32 $0x1, s12;
	v49 =	vld [tilespmem:s19+$0x6A90]  }
0x31a: {  	s12 =	sshll.u32 s12, $0x6  }
0x31b: {  	s12 =	sadd.s32 s17, s12  }
0x31c: {  	[tilespmem:$0x1FA60] =	vst v43;
	v43 =	vld [tilespmem:s12+$0x92B0]  }
0x31d: {  	s1 =	smov.u32 s21;
	s21 =	spop (v2sf);
	[tilespmem:$0x1FA30] =	vst v38;
	v38 =	vld [tilespmem:s12+$0x9280]  }
0x31e: {  	s21 =	sand.u32 $0x1, s21;
	[tilespmem:$0x1F9F0] =	vst v49;
	v49 =	vld [tilespmem:s13+$0x8A90]  }
0x31f: {  	s21 =	sshll.u32 s21, $0x6;
	v48 =	vld [tilespmem:s19+$0x6A80]  }
0x320: {  	s9 =	sand.u32 $0x1, s9;
	v36 =	vld [tilespmem:s19+$0x6AB0];
	s21 =	sadd.s32 s17, s21  }
0x321: {  	s9 =	sshll.u32 s9, $0x6;
	v37 =	vld [tilespmem:s21+$0x72A0]  }
0x322: {  	s9 =	sadd.s32 s17, s9;
	[tilespmem:$0x1FAD0] =	vst v43;
	v43 =	vld [tilespmem:$0x1FCE0]  }
0x323: {  	[tilespmem:$0x1FA70] =	vst v49;
	v49 =	vld [tilespmem:s9+$0x9A80]  }
0x324: {  	v50 =	vld [tilespmem:s19+$0x6AA0]  }
0x325: {  	s7 =	sand.u32 $0x1, s7;
	[tilespmem:$0x1FA20] =	vst v36;
	v36 =	vld [tilespmem:s13+$0x8AA0]  }
0x326: {  	s7 =	sshll.u32 s7, $0x6;
	[tilespmem:$0x1FA10] =	vst v37;
	v37 =	vld [tilespmem:s13+$0x8AB0]  }
0x327: {  	s7 =	sadd.s32 s17, s7;
	v35 =	vnsel vm1, $0x0, v43;
	v43 =	vld [tilespmem:$0x1FCF0]  }
0x328: {  	[tilespmem:$0x1FAE0] =	vst v49;
	v49 =	vld [tilespmem:s7+$0xA2A0]  }
0x329: {  	[tilespmem:$0x1FAA0] =	vst v38;
	v38 =	vld [tilespmem:s9+$0x9AB0]  }
0x32a: {  	s19 =	sand.u32 $0x1, s20;
	[tilespmem:$0x1FA80] =	vst v36;
	v36 =	vld [tilespmem:s9+$0x9A90]  }
0x32b: {  	[tilespmem:$0x1FA90] =	vst v37;
	v37 =	vld [tilespmem:s9+$0x9AA0];
	s9 =	sshll.u32 s19, $0x6  }
0x32c: {  	(xrf0) =	vadd.scan.msk.s32 $0xffff, v35;
	v35 =	vnsel vm1, $0x0, v43;
	s20 =	sadd.s32 s17, s9  }
0x32d: {  	(xrf0) =	vadd.scan.msk.s32 $0xffff, v35;
	[tilespmem:$0x1FB40] =	vst v49;
	v49 =	vld [tilespmem:s20+$0xAA80];
	_ =	sdelay $0x4  }
0x32e: {  	[tilespmem:$0x1FB60] =	vst v49;
	v49, _, _ =	vpop (xrf0)  }
0x32f: {  	s2 =	sadd.s32 s17, s2;
	(v2sf) =	vpush v49, $0xF;
	v43, _, _ =	vpop (xrf0)  }
0x330: {  	(v2sf) =	vpush v43, $0xF;
	v43 =	vld [tilespmem:s2+$0xC280];
	_ =	sdelay $0x4  }
0x331: {  	[tilespmem:$0x1FBB0] =	vst v43;
	v43 =	vld [tilespmem:s2+$0xC290];
	_ =	sdelay $0x4  }
0x332: {  	[tilespmem:$0x1FBC0] =	vst v43;
	v43 =	vld [tilespmem:s2+$0xC2A0];
	_ =	sdelay $0x4  }
0x333: {  	[tilespmem:$0x1FBD0] =	vst v43;
	v43 =	vld [tilespmem:s2+$0xC2B0];
	_ =	sdelay $0x4  }
0x334: {  	[tilespmem:$0x1FBE0] =	vst v43;
	v43 =	vld [tilespmem:s6+$0xCA90];
	_ =	sdelay $0x1  }
0x335: {  	v25 =	vadd.f32 v25, v20  }
0x336: {  	v20 =	vld [tilespmem:s24+$0xE2B0]  }
0x337: {  	v33 =	vadd.f32 v34, v33;
	[tilespmem:$0x1FCB0] =	vst v25;
	v25 =	vld [tilespmem:s24+$0xE2A0]  }
0x338: {  	[tilespmem:$0x1FBF0] =	vst v43;
	v43 =	vld [tilespmem:s6+$0xCAA0]  }
0x339: {  	[tilespmem:$0x1FCD0] =	vst v33;
	v33 =	vld [tilespmem:s23+$0xEAA0];
	s15 =	sand.u32 $0x1, s15  }
0x33a: {  	s15 =	sshll.u32 s15, $0x6;
	v39 =	vld [tilespmem:s14+$0x82A0]  }
0x33b: {  	v40 =	vld [tilespmem:s14+$0x82B0];
	s15 =	sadd.s32 s17, s15  }
0x33c: {  	v45 =	vld [tilespmem:s15+$0x7A80]  }
0x33d: {  	[tilespmem:$0x1FC00] =	vst v43;
	v43 =	vld [tilespmem:s6+$0xCAB0]  }
0x33e: {  	v46 =	vld [tilespmem:s15+$0x7A90]  }
0x33f: {  	v47 =	vld [tilespmem:s15+$0x7AA0]  }
0x340: {  	[tilespmem:$0x1FA40] =	vst v39;
	v39 =	vld [tilespmem:s12+$0x9290]  }
0x341: {  	[tilespmem:$0x1FA00] =	vst v50;
	v50 =	vld [tilespmem:s14+$0x8290];
	s14 =	rddreg [dreg:$0x8]  }
0x342: {  	[tilespmem:$0x1FC10] =	vst v43;
	v43 =	vld [tilespmem:s14+$0xD2A0]  }
0x343: {  	[tilespmem:$0x1FA50] =	vst v40;
	v40 =	vld [tilespmem:s12+$0x92A0]  }
0x344: {  	v41 =	vld [tilespmem:s21+$0x7280]  }
0x345: {  	v42 =	vld [tilespmem:s21+$0x7290]  }
0x346: {  	v44 =	vld [tilespmem:s21+$0x72B0];
	[tilespmem:$0x1FAB0] =	vst v39  }
0x347: {  	[tilespmem:$0x1FC20] =	vst v43;
	v43 =	vld [tilespmem:s14+$0xD2B0]  }
0x348: {  	[tilespmem:$0x1FAC0] =	vst v40;
	v39 =	vld [tilespmem:s7+$0xA280]  }
0x349: {  	v40 =	vld [tilespmem:s7+$0xA290];
	[tilespmem:$0x1F9E0] =	vst v48  }
0x34a: {  	v34 =	vld [tilespmem:$0x1F9E0]  }
0x34b: {  	v48 =	vld [tilespmem:s15+$0x7AB0]  }
0x34c: {  	[tilespmem:$0x1FC30] =	vst v43;
	v43 =	vld [tilespmem:s26+$0xDAA0]  }
0x34d: {  	v18 =	vadd.f32 v18, v16;
	v16 =	vld [tilespmem:$0x1FA20]  }
0x34e: {  	[tilespmem:$0x1FB30] =	vst v40;
	v40 =	vld [tilespmem:s7+$0xA2B0]  }
0x34f: {  	v31 =	vadd.f32 v31, v24;
	v24 =	vadd.f32 v41, v34;
	v41 =	vld [tilespmem:$0x1F9F0]  }
0x350: {  	v34 =	vld [tilespmem:s23+$0xEAB0]  }
0x351: {  	[tilespmem:$0x1FC40] =	vst v43;
	v43 =	vld [tilespmem:s26+$0xDAB0]  }
0x352: {  	[tilespmem:$0x1FCA0] =	vst v18;
	v18 =	vadd.f32 v44, v16;
	v16 =	vld [tilespmem:$0x1FA60]  }
0x353: {  	v44 =	vld [tilespmem:$0x1FA90]  }
0x354: {  	s21 =	sand.u32 $0x1, s11;
	[tilespmem:$0x1FB10] =	vst v38;
	v38 =	vld [tilespmem:s20+$0xAA90]  }
0x355: {  	[tilespmem:$0x1FCC0] =	vst v31;
	s9 =	sshll.u32 s21, $0x6;
	v31 =	vadd.f32 v42, v41;
	v42 =	vld [tilespmem:$0x1FA00]  }
0x356: {  	s11 =	sadd.s32 s17, s9;
	s15 =	spop (v2sf);
	[tilespmem:$0x1FC50] =	vst v43;
	v43 =	vld [tilespmem:$0x1FA10]  }
0x357: {  	s12 =	sand.u32 $0x1, s10;
	[tilespmem:$0x1FB20] =	vst v39;
	v39 =	vld [tilespmem:s11+$0xB280];
	s19 =	spop (v2sf)  }
0x358: {  	[tilespmem:$0x1FB50] =	vst v40;
	s9 =	sshll.u32 s12, $0x6;
	v40 =	vld [tilespmem:s11+$0xB290];
	s7 =	sand.u32 $0x1, s19  }
0x359: {  	s13 =	sadd.s32 s17, s9;
	[tilespmem:$0x1FAF0] =	vst v36;
	v36 =	vld [tilespmem:s20+$0xAAA0];
	v31 =	vadd.f32 v46, v31;
	s7 =	sshll.u32 s7, $0x6  }
0x35a: {  	v7 =	vadd.f32 v14, v7;
	v35 =	vld [tilespmem:s13+$0xBA90];
	s7 =	sadd.s32 s17, s7  }
0x35b: {  	v31 =	vadd.f32 v50, v31;
	v50 =	vld [tilespmem:$0x1FA40];
	s7 =	sadd.s32 $0x6A80, s7;
	v14 =	vadd.f32 v43, v42  }
0x35c: {  	v24 =	vadd.f32 v45, v24;
	v45 =	vld [tilespmem:s7+$0x9800]  }
0x35d: {  	v41 =	vadd.f32 v47, v14;
	v47 =	vld [tilespmem:$0x1FA30]  }
0x35e: {  	v14 =	vld [tilespmem:$0x1FA50]  }
0x35f: {  	v42 =	vadd.f32 v48, v18;
	v18 =	vld [tilespmem:$0x1FA70]  }
0x360: {  	[tilespmem:$0x1FB00] =	vst v37;
	v37 =	vld [tilespmem:s20+$0xAAB0]  }
0x361: {  	v43 =	vld [tilespmem:$0x1FA80]  }
0x362: {  	[tilespmem:$0x1FC60] =	vst v45;
	v45 =	vld [tilespmem:$0x1FAA0]  }
0x363: {  	v24 =	vadd.f32 v47, v24;
	v42 =	vadd.f32 v14, v42;
	v14 =	vld [tilespmem:$0x1FAC0]  }
0x364: {  	v41 =	vadd.f32 v50, v41;
	v31 =	vadd.f32 v18, v31;
	v18 =	vld [tilespmem:$0x1FAE0]  }
0x365: {  	v50 =	vld [tilespmem:$0x1FAB0];
	v24 =	vadd.f32 v16, v24  }
0x366: {  	v41 =	vadd.f32 v43, v41;
	v16 =	vld [tilespmem:$0x1FAD0]  }
0x367: {  	v42 =	vadd.f32 v44, v42;
	v44 =	vld [tilespmem:$0x1FAF0];
	v24 =	vadd.f32 v45, v24  }
0x368: {  	v41 =	vadd.f32 v14, v41;
	v14 =	vld [tilespmem:$0x1FB10]  }
0x369: {  	v24 =	vadd.f32 v18, v24;
	v18 =	vld [tilespmem:$0x1FB30]  }
0x36a: {  	[tilespmem:$0x1FB90] =	vst v39;
	v39 =	vld [tilespmem:s13+$0xBAA0];
	v31 =	vadd.f32 v50, v31  }
0x36b: {  	[tilespmem:$0x1FBA0] =	vst v40;
	v40 =	vld [tilespmem:s13+$0xBAB0]  }
0x36c: {  	v45 =	vld [tilespmem:$0x1FB00];
	v42 =	vadd.f32 v16, v42;
	v31 =	vadd.f32 v44, v31  }
0x36d: {  	[tilespmem:$0x1FB70] =	vst v36;
	v36 =	vld [tilespmem:s11+$0xB2B0]  }
0x36e: {  	v42 =	vadd.f32 v14, v42;
	v14 =	vld [tilespmem:$0x1FB40];
	v31 =	vadd.f32 v18, v31  }
0x36f: {  	[tilespmem:$0x1FB80] =	vst v37;
	v37 =	vld [tilespmem:s11+$0xB2A0]  }
0x370: {  	v31 =	vadd.f32 v38, v31;
	v38 =	vld [tilespmem:$0x1FB70]  }
0x371: {  	v49 =	vld [tilespmem:s13+$0xBA80];
	v41 =	vadd.f32 v45, v41  }
0x372: {  	v46 =	vld [tilespmem:s7+$0x9810]  }
0x373: {  	[tilespmem:$0x1FC90] =	vst v7;
	v18 =	vld [tilespmem:$0x1FB50];
	v7 =	vadd.f32 v14, v41  }
0x374: {  	v48 =	vld [tilespmem:s7+$0x9820]  }
0x375: {  	s2 =	sand.u32 $0x1, s15;
	v7 =	vadd.f32 v38, v7;
	v38 =	vld [tilespmem:$0x1FB80]  }
0x376: {  	s2 =	sshll.u32 s2, $0x6;
	v16 =	vld [tilespmem:$0x1FB20]  }
0x377: {  	s2 =	sadd.s32 s17, s2;
	[tilespmem:$0x1FC70] =	vst v46;
	v46 =	vld [tilespmem:s7+$0x9830]  }
0x378: {  	s2 =	sadd.s32 $0x10A80, s2;
	v41 =	vld [tilespmem:$0x1FB60];
	v42 =	vadd.f32 v18, v42  }
0x379: {  	[tilespmem:$0x1FC80] =	vst v48;
	v48 =	vld [tilespmem:s2+$0x9810]  }
0x37a: {  	v14 =	vadd.f32 v38, v42;
	v42 =	vld [tilespmem:$0x1FB90]  }
0x37b: {  	s20 =	rddreg [dreg:$0xb];
	v43 =	vld [tilespmem:s2+$0x9830];
	v24 =	vadd.f32 v16, v24  }
0x37c: {  	s7 =	sadd.s32 s17, s20;
	v47 =	vld [tilespmem:s2+$0x9800]  }
0x37d: {  	s7 =	sadd.s32 $0x1AA80, s7;
	v50 =	vld [tilespmem:s2+$0x9820];
	v24 =	vadd.f32 v41, v24  }
0x37e: {  	v44 =	vld [tilespmem:s7+$0x10]  }
0x37f: {  	s21 =	sadd.s32 s25, s22;
	v24 =	vadd.f32 v42, v24;
	v42 =	vld [tilespmem:$0x1FBA0]  }
0x380: {  	s22 =	sshra.s32 s21, $0x2;
	v45 =	vld [tilespmem:s7+$0x20];
	v14 =	vadd.f32 v36, v14  }
0x381: {  	v16 =	vld [tilespmem:s22+$0x1AA80]  }
0x382: {  	v14 =	vadd.f32 v40, v14;
	v40 =	vld [tilespmem:$0x1FBC0]  }
0x383: {  	s23 =	rddreg [dreg:$0x9];
	v24 =	vadd.f32 v49, v24;
	v49 =	vld [tilespmem:$0x1FBB0]  }
0x384: {  	s25 =	sshll.u32 s31, $0x6;
	s2 =	sadd.s32 s17, s23;
	v18 =	vld [tilespmem:s22+$0x1AAB0];
	v31 =	vadd.f32 v42, v31  }
0x385: {  	s9 =	sadd.s32 s17, s25;
	s24 =	sadd.s32 $0x10A80, s2;
	v7 =	vadd.f32 v37, v7;
	v37 =	vld [tilespmem:$0x1FBF0]  }
0x386: {  	s9 =	sadd.s32 $0x10A80, s9;
	v41 =	vld [tilespmem:s24+$0x10];
	v31 =	vadd.f32 v35, v31  }
0x387: {  	v7 =	vadd.f32 v39, v7;
	v39 =	vld [tilespmem:s9+$0x820]  }
0x388: {  	v24 =	vadd.f32 v49, v24;
	v49 =	vld [tilespmem:$0x1FBD0];
	v31 =	vadd.f32 v40, v31  }
0x389: {  	v38 =	vld [tilespmem:s24+$0x20]  }
0x38a: {  	v19 =	vadd.f32 v19, v24;
	v24 =	vadd.f32 v37, v31;
	v37 =	vld [tilespmem:$0x1FC00]  }
0x38b: {  	v36 =	vld [tilespmem:s9+$0x800]  }
0x38c: {  	v17 =	vadd.f32 v17, v24;
	v24 =	vld [tilespmem:$0x1FC20]  }
0x38d: {  	v7 =	vadd.f32 v49, v7;
	v49 =	vld [tilespmem:$0x1FBE0]  }
0x38e: {  	v13 =	vadd.f32 v13, v17;
	v17 =	vld [tilespmem:$0x1FC40]  }
0x38f: {  	v7 =	vadd.f32 v37, v7;
	v37 =	vld [tilespmem:$0x1FC10]  }
0x390: {  	v42 =	vld [tilespmem:s24+$0x30]  }
0x391: {  	v7 =	vadd.f32 v24, v7;
	v24 =	vld [tilespmem:$0x1FC30]  }
0x392: {  	s26 =	sshll.u32 s30, $0x6;
	v35 =	vld [tilespmem:s9+$0x810];
	v14 =	vadd.f32 v49, v14  }
0x393: {  	s7 =	sadd.s32 s17, s26;
	v7 =	vadd.f32 v17, v7;
	v17 =	vld [tilespmem:$0x1FC50]  }
0x394: {  	s28 =	sshll.u32 s28, $0x6;
	s7 =	sadd.s32 $0x10A80, s7;
	v40 =	vld [tilespmem:s9+$0x830];
	v14 =	vadd.f32 v37, v14  }
0x395: {  	s9 =	sadd.s32 s17, s28;
	v31 =	vld [tilespmem:s7+$0x1010];
	v15 =	vadd.f32 v15, v19  }
0x396: {  	s9 =	sadd.s32 $0x10A80, s9;
	v19 =	vld [tilespmem:s7+$0x1030];
	v14 =	vadd.f32 v24, v14  }
0x397: {  	v12 =	vadd.f32 v12, v15;
	v15 =	vld [tilespmem:s9+$0x1810]  }
0x398: {  	v49 =	vld [tilespmem:s7+$0x1000];
	v14 =	vadd.f32 v17, v14  }
0x399: {  	v11 =	vadd.f32 v11, v13;
	v13 =	vld [tilespmem:s9+$0x1830]  }
0x39a: {  	s30 =	sshll.u32 s29, $0x6;
	v37 =	vld [tilespmem:s7+$0x1020];
	v14 =	vadd.f32 v20, v14  }
0x39b: {  	s7 =	sadd.s32 s17, s30;
	v7 =	vadd.f32 v25, v7;
	v25 =	vld [tilespmem:$0x1FC90]  }
0x39c: {  	s7 =	sadd.s32 $0x10A80, s7;
	v24 =	vld [tilespmem:s9+$0x1800];
	v14 =	vadd.f32 v34, v14  }
0x39d: {  	v12 =	vadd.f32 v10, v12;
	v10 =	vld [tilespmem:s7+$0x2000]  }
0x39e: {  	v11 =	vadd.f32 v9, v11;
	v9 =	vld [tilespmem:s7+$0x2010];
	v6 =	vadd.f32 v6, v14  }
0x39f: {  	s31 =	sshll.u32 s0, $0x6;
	v12 =	vadd.f32 v8, v12;
	v17 =	vld [tilespmem:s9+$0x1820]  }
0x3a0: {  	s9 =	sadd.s32 s17, s31;
	v20 =	vadd.f32 v2, v6;
	v2 =	vld [tilespmem:$0x1FC60]  }
0x3a1: {  	v12 =	vadd.f32 v3, v12;
	v8 =	vld [tilespmem:s7+$0x2020];
	v7 =	vadd.f32 v33, v7;
	s9 =	sadd.s32 $0x10A80, s9  }
0x3a2: {  	v3 =	vld [tilespmem:s9+$0x2800]  }
0x3a3: {  	v5 =	vadd.f32 v5, v7;
	v7 =	vld [tilespmem:s9+$0x2810];
	v14 =	vadd.f32 v63, v12  }
0x3a4: {  	v33 =	vld [tilespmem:s9+$0x2830]  }
0x3a5: {  	s0 =	sshll.u32 s4, $0x6;
	v1 =	vadd.f32 v1, v5;
	v5 =	vadd.f32 v2, v14;
	v2 =	vld [tilespmem:$0x1FC70]  }
0x3a6: {  	v4 =	vadd.f32 v4, v11;
	v34 =	vld [tilespmem:s7+$0x2030];
	s7 =	sadd.s32 s17, s0  }
0x3a7: {  	s7 =	sadd.s32 $0x10A80, s7;
	v63 =	vld [tilespmem:s9+$0x2820]  }
0x3a8: {  	(xrf2) =	vadd.scan.msk.f32 $0xffff, v22;
	v0 =	vadd.f32 v0, v4;
	v22 =	vld [tilespmem:s7+$0x3000]  }
0x3a9: {  	v4 =	vadd.f32 v23, v21;
	v23 =	vld [tilespmem:s7+$0x3010]  }
0x3aa: {  	v2 =	vadd.f32 v2, v0;
	v0 =	vld [tilespmem:$0x1FC80]  }
0x3ab: {  	s4 =	sshll.u32 s1, $0x6;
	v12 =	vadd.f32 v27, v26;
	v27 =	vld [tilespmem:$0x1FCA0]  }
0x3ac: {  	s9 =	sadd.s32 s17, s4;
	v26 =	vld [tilespmem:s7+$0x3020]  }
0x3ad: {  	v28 =	vadd.f32 v30, v28;
	v30 =	vld [tilespmem:s7+$0x3030];
	s9 =	sadd.s32 $0x10A80, s9  }
0x3ae: {  	v29 =	vadd.f32 v32, v29;
	(xrf2) =	vadd.scan.msk.f32 $0xffff, v25;
	v25 =	vld [tilespmem:s9+$0x3810]  }
0x3af: {  	v6 =	vmul.f32 v47, v5;
	v11 =	vmul.f32 v48, v2;
	v48 =	vld [tilespmem:$0x1FCB0];
	v1 =	vadd.f32 v0, v1  }
0x3b0: {  	(xrf2) =	vadd.scan.msk.f32 $0xffff, v27;
	v27 =	vld [tilespmem:$0x1FCC0];
	v16 =	vmul.f32 v16, v5;
	v32 =	vmul.f32 v49, v5;
	v0 =	vadd.f32 v46, v20  }
0x3b1: {  	s15 =	sld [smem:$0x7F2];
	s6 =	sshll.u32 s16, $0x6;
	v21 =	vld [tilespmem:s9+$0x3830];
	v3 =	vmul.f32 v3, v5;
	v46 =	vmul.f32 v50, v1  }
0x3b2: {  	s13 =	sand.u32 $0x1, s18;
	s18 =	sld [smem:$0x7F3];
	s7 =	sadd.s32 s17, s6;
	v20 =	vld [tilespmem:s9+$0x3800];
	v47 =	vmul.f32 v43, v0;
	v50 =	vmul.f32 v44, v2  }
0x3b3: {  	s4 =	sshll.u32 s13, $0x6;
	s7 =	sadd.s32 $0x10A80, s7;
	v43 =	vmul.f32 v45, v1;
	v18 =	vmul.f32 v18, v0;
	v44 =	vld [tilespmem:$0x1FCD0]  }
0x3b4: {  	s16 =	sand.u32 $0x1, s15;
	s4 =	sadd.s32 s17, s4;
	(xrf2) =	vadd.scan.msk.f32 $0xffff, v48;
	v48 =	vmul.f32 v39, v1;
	v39 =	vld [tilespmem:s7+$0x4030];
	v17 =	vmul.f32 v17, v1  }
0x3b5: {  	s19 =	sand.u32 $0x1, s18;
	s14 =	sadd.s32 $0x10A80, s4;
	s4 =	sshll.u32 s16, $0x6;
	v38 =	vmul.f32 v38, v1;
	v42 =	vmul.f32 v42, v0;
	(xrf2) =	vadd.scan.msk.f32 $0xffff, v27;
	v27 =	vld [tilespmem:s9+$0x3820]  }
0x3b6: {  	s10 =	rddreg [dreg:$0xa];
	s1 =	sshll.u32 s19, $0x6;
	s4 =	sadd.s32 s17, s4;
	v26 =	vmul.f32 v26, v1;
	v14 =	vadd.f32 v47, v46;
	v47 =	vmul.f32 v35, v2;
	v35 =	vld [tilespmem:s7+$0x4010]  }
0x3b7: {  	s11 =	sshll.u32 s10, $0x6;
	s1 =	sadd.s32 s17, s1;
	s4 =	sadd.s32 $0x10A80, s4;
	v6 =	vadd.f32 v11, v6;
	v30 =	vmul.f32 v30, v0;
	v46 =	vmul.f32 v36, v5;
	v36 =	vld [tilespmem:s7+$0x4020]  }
0x3b8: {  	s3 =	sand.u32 $0x1, s3;
	s1 =	sadd.s32 $0x10A80, s1;
	v13 =	vmul.f32 v13, v0;
	s9 =	sadd.s32 s17, s11;
	v16 =	vadd.f32 v50, v16;
	v38 =	vadd.f32 v42, v38;
	v42 =	vld [tilespmem:s4+$0x6000];
	(xrf2) =	vadd.scan.msk.f32 $0xffff, v44  }
0x3b9: {  	s3 =	sshll.u32 s3, $0x6;
	v45 =	vadd.f32 v18, v43;
	v50 =	vmul.f32 v40, v0;
	s12 =	sadd.s32 $0x10A80, s9;
	v30 =	vadd.f32 v30, v26;
	v26 =	vld [tilespmem:s1+$0x6810];
	(xrf2) =	vadd.scan.msk.f32 $0xffff, v4  }
0x3ba: {  	s3 =	sadd.s32 s17, s3;
	v49 =	vmul.f32 v37, v1;
	v13 =	vadd.f32 v13, v17;
	v37 =	vld [tilespmem:s12+$0x4800];
	v6 =	vadd.f32 v14, v6;
	(xrf2) =	vadd.scan.msk.f32 $0xffff, v12  }
0x3bb: {  	s3 =	sadd.s32 $0x10A80, s3;
	v7 =	vmul.f32 v7, v2;
	v11 =	vadd.f32 v47, v46;
	v46 =	vld [tilespmem:s12+$0x4830];
	v12 =	vadd.f32 v50, v48;
	(xrf2) =	vadd.scan.msk.f32 $0xffff, v28  }
0x3bc: {  	v17 =	vmul.f32 v63, v1;
	v63 =	vmul.f32 v33, v0;
	v47 =	vld [tilespmem:s3+$0x5000];
	v4 =	vadd.f32 v45, v16;
	v16, _, _ =	vpop (xrf2);
	(xrf2) =	vadd.scan.msk.f32 $0xffff, v29  }
0x3bd: {  	v19 =	vmul.f32 v19, v0;
	v44 =	vld [tilespmem:s12+$0x4810];
	v29, _, _ =	vpop (xrf2);
	v11 =	vadd.f32 v12, v11;
	(xrf2) =	vadd.scan.msk.f32 $0xffff, v6  }
0x3be: {  	v24 =	vmul.f32 v24, v5;
	v3 =	vadd.f32 v7, v3;
	v63 =	vadd.f32 v63, v17;
	v45 =	vld [tilespmem:s12+$0x4820];
	v6, _, _ =	vpop (xrf2);
	(xrf2) =	vadd.scan.msk.f32 $0xffff, v4  }
0x3bf: {  	v14 =	vbroadcast v16, $0xF;
	v48 =	vmul.f32 v31, v2;
	v50 =	vadd.f32 v19, v49;
	v49 =	vld [tilespmem:s14+$0x5800];
	v40, _, _ =	vpop (xrf2);
	(xrf2) =	vadd.scan.msk.f32 $0xffff, v11  }
0x3c0: {  	v15 =	vmul.f32 v15, v2;
	v3 =	vadd.f32 v63, v3;
	v63 =	vmul.f32 v35, v2;
	v35 =	vld [tilespmem:s2+$0x10A80];
	v43, _, _ =	vpop (xrf2)  }
0x3c1: {  	s20 =	sld [smem:$0x7F4];
	v28 =	vld [tilespmem:s7+$0x4000];
	v31 =	vsel vm0, v14, v58;
	v4 =	vadd.f32 v48, v32;
	v11, _, _ =	vpop (xrf2)  }
0x3c2: {  	v58 =	vadd.f32 v15, v24;
	v16 =	vbroadcast v29, $0xF;
	v6 =	vbroadcast v6, $0xF;
	v48 =	vld [tilespmem:s3+$0x5010];
	v12, _, _ =	vpop (xrf2)  }
0x3c3: {  	v24 =	vadd.f32 v50, v4;
	v50 =	vbroadcast v40, $0xF;
	v40 =	vld [tilespmem:s3+$0x5020];
	v29, _, _ =	vpop (xrf2)  }
0x3c4: {  	s21 =	sand.u32 $0x1, s20;
	v58 =	vadd.f32 v13, v58;
	v16 =	vsel vm0, v16, v62;
	v62 =	vbroadcast v43, $0xF;
	v43 =	vld [tilespmem:s3+$0x5030];
	v32, _, _ =	vpop (xrf2)  }
0x3c5: {  	s3 =	sshll.u32 s21, $0x6;
	v14 =	vsel vm0, v50, v60;
	v60 =	vmul.f32 v34, v0;
	v34 =	vld [tilespmem:s14+$0x5810];
	(xrf2) =	vadd.scan.msk.f32 $0xffff, v24;
	v4, _, _ =	vpop (xrf2)  }
0x3c6: {  	v25 =	vmul.f32 v25, v2;
	v33 =	vmul.f32 v20, v5;
	v13 =	vsel vm0, v6, v61;
	s3 =	sadd.s32 s17, s3;
	v50 =	vld [tilespmem:s14+$0x5820];
	(xrf2) =	vadd.scan.msk.f32 $0xffff, v58;
	v6, _, _ =	vpop (xrf2)  }
0x3c7: {  	v10 =	vmul.f32 v10, v5;
	v9 =	vmul.f32 v9, v2;
	v15 =	vsel vm0, v62, v59;
	v59 =	vld [tilespmem:s4+$0x6020];
	s22 =	sadd.s32 $0x10A80, s3;
	v24, _, _ =	vpop (xrf2)  }
0x3c8: {  	s25 =	sld [smem:$0x7F6];
	v8 =	vmul.f32 v8, v1;
	v21 =	vmul.f32 v21, v0;
	v7 =	vadd.f32 v25, v33;
	v33 =	vld [tilespmem:s22+$0x7010];
	v61, _, _ =	vpop (xrf2)  }
0x3c9: {  	v9 =	vadd.f32 v9, v10;
	v58 =	vld [tilespmem:s14+$0x5830];
	v10 =	vbroadcast v61, $0xF;
	v62, _, _ =	vpop (xrf2);
	v61 =	vmul.f32 v22, v5  }
0x3ca: {  	v8 =	vadd.f32 v60, v8;
	v22 =	vld [tilespmem:s1+$0x6800];
	v60 =	vbroadcast v62, $0xF;
	v62 =	vmul.f32 v23, v2  }
0x3cb: {  	vm15 =	vmmov vm1;
	v39 =	vmul.f32 v39, v0;
	v36 =	vmul.f32 v36, v1;
	s2 =	sand.u32 $0x1, s25;
	v23 =	vld [tilespmem:s4+$0x6010]  }
0x3cc: {  	s23 =	sld [smem:$0x7F5];
	s2 =	sshll.u32 s2, $0x6;
	v8 =	vadd.f32 v8, v9;
	v18 =	vsel vm15, v10, v56;
	v10 =	vld [tilespmem:s4+$0x6030];
	v9 =	vadd.f32 v62, v61  }
0x3cd: {  	v37 =	vmul.f32 v37, v5;
	s2 =	sadd.s32 s17, s2;
	v17 =	vsel vm15, v60, v54;
	v60 =	vmul.f32 v27, v1;
	v27 =	vld [tilespmem:s1+$0x6830]  }
0x3ce: {  	s2 =	sadd.s32 $0x10A80, s2;
	v35 =	vmul.f32 v35, v5;
	v28 =	vmul.f32 v28, v5;
	v9 =	vadd.f32 v30, v9;
	v30 =	vld [tilespmem:s1+$0x6820]  }
0x3cf: {  	s0 =	sand.u32 $0x1, s23;
	v54, _, _ =	vpop (xrf2);
	v21 =	vadd.f32 v21, v60;
	v60 =	vmul.f32 v44, v2;
	v44 =	vmul.f32 v49, v5;
	v49 =	vld [tilespmem:s2+$0x8800]  }
0x3d0: {  	s24 =	sand.u32 $0x1, s5;
	s0 =	sshll.u32 s0, $0x6;
	v34 =	vmul.f32 v34, v2;
	v56 =	vbroadcast v54, $0xF;
	v61, _, _ =	vpop (xrf2);
	v54 =	vld [tilespmem:s22+$0x7000]  }
0x3d1: {  	s0 =	sadd.s32 s17, s0;
	v36 =	vadd.f32 v39, v36;
	s1 =	sshll.u32 s24, $0x6;
	v62 =	vbroadcast v61, $0xF;
	v61 =	vmul.f32 v45, v1;
	v45 =	vld [tilespmem:s22+$0x7030]  }
0x3d2: {  	s0 =	sadd.s32 $0x10A80, s0;
	s1 =	sadd.s32 s17, s1;
	v19 =	vsel vm15, v56, v57;
	v57 =	vadd.f32 v63, v28;
	v28 =	vmul.f32 v41, v2;
	v41 =	vld [tilespmem:s22+$0x7020]  }
0x3d3: {  	v37 =	vadd.f32 v60, v37;
	s1 =	sadd.s32 $0x10A80, s1;
	v60 =	vmul.f32 v50, v1;
	v63 =	vmul.f32 v47, v5;
	v47 =	vld [tilespmem:s0+$0x7800]  }
0x3d4: {  	v7 =	vadd.f32 v21, v7;
	v50 =	vmul.f32 v26, v2;
	v56 =	vmul.f32 v40, v1;
	v40 =	vld [tilespmem:s1+$0x8020]  }
0x3d5: {  	v20 =	vsel vm15, v62, v55;
	v62 =	vmul.f32 v46, v0;
	v55 =	vmul.f32 v48, v2;
	v48 =	vld [tilespmem:s0+$0x7820]  }
0x3d6: {  	v27 =	vmul.f32 v27, v0;
	v25 =	vadd.f32 v36, v57;
	v57 =	vmul.f32 v43, v0;
	v43 =	vld [tilespmem:s0+$0x7810]  }
0x3d7: {  	s26 =	sand.u32 $0x1, s8;
	v36 =	vld [tilespmem:s0+$0x7830];
	v28 =	vadd.f32 v28, v35;
	v39 =	vmul.f32 v49, v5;
	v21 =	vadd.f32 v62, v61  }
0x3d8: {  	(xrf2) =	vadd.scan.msk.f32 $0xffff, v8;
	s0 =	sshll.u32 s26, $0x6;
	v35 =	vld [tilespmem:s1+$0x8010];
	v8 =	vadd.f32 v55, v63;
	v62 =	vmul.f32 v23, v2;
	v63 =	vmul.f32 v10, v0  }
0x3d9: {  	s0 =	sadd.s32 s17, s0;
	v10 =	vmul.f32 v22, v5;
	v22 =	vadd.f32 v57, v56;
	v57 =	vmul.f32 v54, v5;
	v54 =	vld [tilespmem:s2+$0x8830]  }
0x3da: {  	(xrf2) =	vadd.scan.msk.f32 $0xffff, v3;
	v23 =	vmul.f32 v59, v1;
	s0 =	sadd.s32 $0x10A80, s0;
	v3 =	vadd.f32 v21, v37;
	v37 =	vmul.f32 v42, v5;
	v42 =	vld [tilespmem:s1+$0x8000]  }
0x3db: {  	(xrf2) =	vadd.scan.msk.f32 $0xffff, v9;
	v34 =	vadd.f32 v34, v44;
	v61 =	vmul.f32 v58, v0;
	v55 =	vmul.f32 v30, v1;
	v56 =	vld [tilespmem:s0+$0x9000]  }
0x3dc: {  	(xrf2) =	vadd.scan.msk.f32 $0xffff, v7;
	v58 =	vmul.f32 v33, v2;
	v28 =	vadd.f32 v38, v28;
	v7 =	vadd.f32 v63, v23;
	v63 =	vld [tilespmem:s2+$0x8820]  }
0x3dd: {  	(xrf2) =	vadd.scan.msk.f32 $0xffff, v25;
	v21 =	vadd.f32 v61, v60;
	v59 =	vmul.f32 v41, v1;
	v60 =	vmul.f32 v45, v0;
	v49 =	vld [tilespmem:s0+$0x9010]  }
0x3de: {  	v61 =	vmul.f32 v47, v5;
	v10 =	vadd.f32 v50, v10;
	v50 =	vadd.f32 v27, v55;
	(xrf2) =	vadd.scan.msk.f32 $0xffff, v3;
	v3 =	vld [tilespmem:s1+$0x8030]  }
0x3df: {  	v40 =	vmul.f32 v40, v1;
	v9 =	vadd.f32 v62, v37;
	v62 =	vld [tilespmem:s2+$0x8810];
	v43 =	vmul.f32 v43, v2  }
0x3e0: {  	v8 =	vadd.f32 v22, v8;
	v36 =	vmul.f32 v36, v0;
	(xrf2) =	vadd.scan.msk.f32 $0xffff, v28;
	v28 =	vadd.f32 v58, v57;
	v58 =	vld [tilespmem:s0+$0x9020]  }
0x3e1: {  	v35 =	vmul.f32 v35, v2;
	v33 =	vadd.f32 v60, v59;
	v43 =	vadd.f32 v43, v61;
	v61 =	vld [tilespmem:s0+$0x9030]  }
0x3e2: {  	v21 =	vadd.f32 v21, v34;
	v26 =	vmul.f32 v54, v0;
	v42 =	vmul.f32 v42, v5  }
0x3e3: {  	v10 =	vadd.f32 v50, v10;
	v5 =	vmul.f32 v56, v5;
	v56 =	vmul.f32 v48, v1  }
0x3e4: {  	v7 =	vadd.f32 v7, v9;
	v23 =	vmul.f32 v63, v1;
	v3 =	vmul.f32 v3, v0  }
0x3e5: {  	v47 =	vadd.f32 v33, v28;
	v37 =	vmul.f32 v62, v2;
	v2 =	vmul.f32 v49, v2  }
0x3e6: {  	v36 =	vadd.f32 v36, v56;
	v1 =	vmul.f32 v58, v1;
	v0 =	vmul.f32 v61, v0  }
0x3e7: {  	(xrf2) =	vadd.scan.msk.f32 $0xffff, v8;
	v35 =	vadd.f32 v35, v42;
	v46 =	vadd.f32 v26, v23  }
0x3e8: {  	(xrf2) =	vadd.scan.msk.f32 $0xffff, v21;
	v2 =	vadd.f32 v2, v5;
	v0 =	vadd.f32 v0, v1  }
0x3e9: {  	v55, _, _ =	vpop (xrf2);
	(xrf2) =	vadd.scan.msk.f32 $0xffff, v7;
	v3 =	vadd.f32 v3, v40;
	v40 =	vadd.f32 v37, v39  }
0x3ea: {  	v57, _, _ =	vpop (xrf2);
	(xrf2) =	vadd.scan.msk.f32 $0xffff, v10;
	v48 =	vadd.f32 v36, v43;
	v0 =	vadd.f32 v0, v2;
	v2 =	vld [tilespmem:$0x1FF60]  }
0x3eb: {  	v59, _, _ =	vpop (xrf2);
	(xrf2) =	vadd.scan.msk.f32 $0xffff, v47;
	v1 =	vadd.f32 v3, v35  }
0x3ec: {  	s30 =	sld [smem:$0x7F7];
	v60, _, _ =	vpop (xrf2);
	v3 =	vadd.f32 v46, v40;
	(xrf2) =	vadd.scan.msk.f32 $0xffff, v48  }
0x3ed: {  	s28 =	rddreg [dreg:$0x1f];
	v49 =	vbroadcast v55, $0xF;
	v62, _, _ =	vpop (xrf2);
	(xrf2) =	vadd.scan.msk.f32 $0xffff, v1  }
0x3ee: {  	s29 =	smul.u32 $0x140, s28;
	v63, _, _ =	vpop (xrf2);
	(xrf2) =	vadd.scan.msk.f32 $0xffff, v3;
	v3 =	vbroadcast v59, $0xF  }
0x3ef: {  	v50 =	vld [tilespmem:$0x1FF70];
	[tilespmem:s30+$0x1B280] =	vst v18;
	v2 =	vsel vm15, v49, v2  }
0x3f0: {  	[tilespmem:s29+$0x1B4C0] =	vst v2;
	v2 =	vsel vm15, v3, v51;
	v51 =	vld [tilespmem:$0x1FF80]  }
0x3f1: {  	v56 =	vld [tilespmem:$0x1FF90]  }
0x3f2: {  	[tilespmem:s29+$0x1B490] =	vst v17  }
0x3f3: {  	[tilespmem:s29+$0x1B4A0] =	vst v19;
	v41, _, _ =	vpop (xrf2);
	v1 =	vbroadcast v57, $0xF;
	(xrf2) =	vadd.scan.msk.f32 $0xffff, v0;
	v0 =	vbroadcast v60, $0xF  }
0x3f4: {  	[tilespmem:s29+$0x1B4B0] =	vst v20;
	v8 =	vbroadcast v41, $0xF;
	v3 =	vbroadcast v62, $0xF  }
0x3f5: {  	v1 =	vsel vm15, v1, v50;
	[tilespmem:s29+$0x1B4E0] =	vst v2;
	v2, _, _ =	vpop (xrf2);
	v0 =	vsel vm15, v0, v51  }
0x3f6: {  	v8 =	vsel vm15, v8, v16;
	[tilespmem:s29+$0x1B4D0] =	vst v1;
	v3 =	vsel vm15, v3, v56;
	v2 =	vbroadcast v2, $0xF  }
0x3f7: {  	v55 =	vbroadcast v63, $0xF;
	[tilespmem:s29+$0x1B480] =	vst v8  }
0x3f8: {  	s31 =	sand.u32 $0x3FC0, s29;
	[tilespmem:s29+$0x1B4F0] =	vst v0;
	v2 =	vsel vm15, v2, v13;
	v0, _, _ =	vpop (xrf2)  }
0x3f9: {  	v7 =	vsel vm15, v55, v31;
	[tilespmem:s31+$0x1B500] =	vst v3;
	v3, _, _ =	vpop (xrf2);
	v0 =	vbroadcast v0, $0xF  }
0x3fa: {  	v1 =	vbroadcast v11, $0xF;
	[tilespmem:s29+$0x1B510] =	vst v7;
	v57, _, _ =	vpop (xrf2);
	v3 =	vbroadcast v3, $0xF  }
0x3fb: {  	v54 =	vbroadcast v12, $0xF;
	v60 =	vld [tilespmem:$0x1FFC0];
	[tilespmem:s29+$0x1B520] =	vst v2;
	v0 =	vsel vm15, v0, v14;
	v2, _, _ =	vpop (xrf2);
	v7 =	vbroadcast v57, $0xF  }
0x3fc: {  	v61 =	vld [tilespmem:$0x1FFD0];
	v1 =	vsel vm0, v1, v53;
	v3 =	vsel vm15, v3, v15;
	v2 =	vbroadcast v2, $0xF  }
0x3fd: {  	v5 =	vsel vm0, v54, v52;
	v63 =	vld [tilespmem:$0x1FFE0];
	v1 =	vsel vm15, v7, v1  }
0x3fe: {  	v58 =	vbroadcast v29, $0xF;
	[tilespmem:s29+$0x1B530] =	vst v0;
	v0, _, _ =	vpop (xrf2);
	v2 =	vsel vm15, v2, v5  }
0x3ff: {  	v59 =	vbroadcast v32, $0xF;
	[tilespmem:s29+$0x1B540] =	vst v3;
	v0 =	vbroadcast v0, $0xF;
	v3, _, _ =	vpop (xrf2)  }
0x400: {  	v4 =	vbroadcast v4, $0xF;
	v8 =	vsel vm0, v58, v60;
	[tilespmem:s29+$0x1B550] =	vst v1;
	v3 =	vbroadcast v3, $0xF;
	v1, _, _ =	vpop (xrf2)  }
0x401: {  	v9 =	vsel vm0, v59, v61;
	[tilespmem:s29+$0x1B560] =	vst v2;
	v0 =	vsel vm15, v0, v8;
	v1 =	vbroadcast v1, $0xF;
	v2, _, _ =	vpop (xrf2)  }
0x402: {  	v4 =	vsel vm0, v4, v63;
	v3 =	vsel vm15, v3, v9;
	[tilespmem:s29+$0x1B570] =	vst v0;
	v0 =	vbroadcast v2, $0xF;
	v2 =	vld [tilespmem:$0x1FFF0]  }
0x403: {  	[tilespmem:s31+$0x1B580] =	vst v3;
	v1 =	vsel vm15, v1, v4  }
0x404: {  	s2 =	sadd.s32 $0x1, s28;
	[tilespmem:s29+$0x1B590] =	vst v1;
	v1 =	vld [tilespmem:$0x1FF30]  }
0x405: {  	p0 =	sne.s32 s2, $0x20;
	v62 =	vbroadcast v6, $0xF  }
.Ltmp1:
0x406: {  	_ = 	snop;
	(pc) =	sbr.rel @p0 .LBB2_2-.Ltmp1, $4  }
0x407: {  	v3 =	vbroadcast v24, $0xF;
	v2 =	vsel vm0, v62, v2  }
0x408: {  	v0 =	vsel vm15, v0, v2  }
0x409: {  	v1 =	vsel vm15, v3, v1;
	[tilespmem:s29+$0x1B5A0] =	vst v0  }
0x40a: {  	[tilespmem:s29+$0x1B5B0] =	vst v1;
	v1 =	vlaneseq.u32  }
0x40b: {  	s10 =	simm.s32 $0x0;
	s0 =	rddreg [dreg:$0x1b];
	s1 =	simm.s32 $0x1B280  }
0x40c: {  	[hbm4b:s0+s10] =	stream.linear.scatter [tilespmem:s1], [sflag:$0x2], $0x200, $0x38;
	[tilespmem:$0x1DC80] =	vst v63  }
0x40d: {  	s1 =	simm.s32 $0x2  }
0x40e: {  	_ =	swait.ge [sflag:s1], $0x200  }
0x40f: {  	[sflag:s1] =	ssyncset.done $0x0  }
0x410: {  	s2 =	simm.s32 $0x1B480;
	s29 =	rddreg [dreg:$0x1c];
	[sflag:s1] =	ssyncadd.s32 $0xFFFFFE00  }
0x411: {  	[hbm4b:s29+s10] =	stream.linear.scatter [tilespmem:s2], [sflag:$0x2], $0x2800, $0x38;
	[tilespmem:$0x1DC80] =	vst v63  }
0x412: {  	_ =	swait.ge [sflag:s1], $0x2800  }
0x413: {  	s30 =	rddreg [dreg:$0x1e]  }
0x414: {  	s31 =	rddreg [dreg:$0x1d];
	s2 =	sadd.s32 $0x1, s30  }
0x415: {  	p0 =	sne.s32 s2, s31  }
.Ltmp2:
0x416: {  	_ = 	snop;
	(pc) =	sbr.rel @p0 .LBB2_1-.Ltmp2, $3  }
0x417: {  	_ =	sdelay $0x1  }
0x418: {  	[sflag:s1] =	ssyncset.done $0x0  }
0x419: {  	[sflag:s1] =	ssyncadd.s32 $0xFFFFD800  }
0x41a: {  	_ =	sfence.sel $0x180000  }
0x41b: {  	[bflag:$0x0] =	sbarrier.arrive $0xFFFF  }
0x41c: {  	_ =	strace $0x90000047  }
0x41d: {  	s0 =	stileid.u32;
	[bflag:$0x2] =	sbarrier.arrive $0xFFFF  }
0x41e: {  	p0 =	sne.s32 s0, $0x0;
	s0 =	rddreg [dreg:$0x4]  }
0x41f: {  	s0 =	sadd.s32 @!p0 $0x100000, s0  }
0x420: {  	[sflag:s0] =	ssyncadd.tile.s32 @!p0 $0x1;
	_ =	shalt  }
.Lfunc_end2:
_tile_overlayer_lowered:
.L_overlay_start_2:
0x421: {  	(tag) =	ssettag $0x2  }
0x422: {  	s0 =	rddreg [dreg:$0x0];
	s2 =	stileid.u32  }
0x423: {  	s1 =	rddreg [dreg:$0x1];
	p0 =	sne.s32 s2, $0x0  }
0x424: {  	s3 =	rddreg [dreg:$0x2];
	[bflag:$0x3] =	sbarrier.arrive $0xFFFF;
	s2 =	simm.s32 @!p0 $0x1C02  }
0x425: {  	[timem:s3], [sflag:s2] =	dma.local @!p0 [hbm:s0], s1  }
0x426: {  	s0 =	simm.s32 @!p0 $0x2  }
0x427: {  	_ =	swait.ge @!p0 [sflag:s0], s1  }
0x428: {  	s1 =	ssub.s32 @!p0 $0x0, s1;
	[sflag:s0] =	ssyncset.done @!p0 $0x0  }
0x429: {  	[sflag:s0] =	ssyncadd.s32 @!p0 s1  }
0x42a: {  	[bflag:$0x3] =	sbarrier.arrive $0xFFFF  }
0x42b: {  	_ =	shalt  }

</sc_bundles>
